<compile_context>
chip_gen: v7x
topology: tpu7x:2x2x1
jax: 0.10.2.dev20260603
libtpu: 0.0.44.dev20260713+nightly
codegen_flags: <defaults>
</compile_context>

<pallas_src>
import jax
import jax.numpy as jnp
from jax import lax
from jax.experimental import pallas as pl
from jax.experimental.pallas import tpu as pltpu
from jax.experimental.pallas import tpu_sc as plsc

E = 3200000
N = 100000
NB = 4
NP = 100096
CHUNK = 512
NCHUNK = E // CHUNK
GROUPS = CHUNK // 16
ROWS_T = NP // 16

_f32 = jnp.float32
_i32 = jnp.int32


def _sc_body(evx, evy, evz, eidx, w2r, z8r, f_out, v_out,
             xb0, yb0, zb0, sidx0, didx0, fpos0, fneg0, vbuf0,
             xb1, yb1, zb1, sidx1, didx1, fpos1, fneg1, vbuf1,
             w2b, facc, vacc, in_sem0, in_sem1, sc_sem0, sc_sem1):
    cid = lax.axis_index("c")
    sid = lax.axis_index("s")
    wid = sid * 2 + cid

    r0 = sid * ROWS_T
    pltpu.sync_copy(z8r, facc.at[pl.ds(r0, ROWS_T)])
    pltpu.sync_copy(z8r, vacc.at[pl.ds(r0, ROWS_T)])
    pltpu.sync_copy(w2r, w2b)
    plsc.subcore_barrier()

    iota = lax.iota(_i32, 16)
    wx = w2b[pl.ds(0, 16)]
    wy = w2b[pl.ds(16, 16)]
    wz = w2b[pl.ds(32, 16)]
    w2x = wx * wx
    w2y = wy * wy
    w2z = wz * wz
    cols = [jnp.full((16,), c, _i32) for c in range(6)]

    base_pair = wid * 97 + jnp.minimum(wid, 21)
    npairs = 97 + (wid < 21).astype(_i32)

    sets = (
        (xb0, yb0, zb0, sidx0, didx0, fpos0, fneg0, vbuf0, in_sem0, sc_sem0),
        (xb1, yb1, zb1, sidx1, didx1, fpos1, fneg1, vbuf1, in_sem1, sc_sem1),
    )

    def issue_inputs(c, p):
        xb, yb, zb, sidx, didx, _, _, _, in_sem, _ = sets[p]
        e0 = c * CHUNK
        out = [
            pltpu.async_copy(evx.at[pl.ds(e0, CHUNK)], xb, in_sem),
            pltpu.async_copy(evy.at[pl.ds(e0, CHUNK)], yb, in_sem),
            pltpu.async_copy(evz.at[pl.ds(e0, CHUNK)], zb, in_sem),
        ]
        b0 = c * (CHUNK // 128)
        for j in range(4):
            out.append(pltpu.async_copy(
                eidx.at[b0 + j].at[0], sidx.at[j], in_sem))
            out.append(pltpu.async_copy(
                eidx.at[b0 + j].at[1], didx.at[j], in_sem))
        return out

    def compute(p):
        xb, yb, zb, _, _, fpos, fneg, vbuf, _, _ = sets[p]

        def gbody(g, carry):
          for dg in range(2):
            rows = iota + (g * 32 + dg * 16)
            x = xb[pl.ds(g * 32 + dg * 16, 16)]
            y = yb[pl.ds(g * 32 + dg * 16, 16)]
            z = zb[pl.ds(g * 32 + dg * 16, 16)]
            s = x * x * w2x + y * y * w2y + z * z * w2z
            m = jnp.exp(-s) * (-2.0)
            fx = m * w2x * x
            fy = m * w2y * y
            fz = m * w2z * z
            plsc.store_scatter(fpos, [rows, cols[0]], fx)
            plsc.store_scatter(fpos, [rows, cols[1]], fy)
            plsc.store_scatter(fpos, [rows, cols[2]], fz)
            plsc.store_scatter(fneg, [rows, cols[0]], -fx)
            plsc.store_scatter(fneg, [rows, cols[1]], -fy)
            plsc.store_scatter(fneg, [rows, cols[2]], -fz)
            plsc.store_scatter(vbuf, [rows, cols[0]], x * fx)
            plsc.store_scatter(vbuf, [rows, cols[1]], y * fy)
            plsc.store_scatter(vbuf, [rows, cols[2]], z * fz)
            plsc.store_scatter(vbuf, [rows, cols[3]], x * fy)
            plsc.store_scatter(vbuf, [rows, cols[4]], y * fz)
            plsc.store_scatter(vbuf, [rows, cols[5]], z * fx)
          return carry

        lax.fori_loop(0, GROUPS // 2, gbody, 0)

    def fire_scatters(p):
        _, _, _, sidx, didx, fpos, fneg, vbuf, _, sc_sem = sets[p]
        for j in range(4):
            rs = pl.ds(j * 128, 128)
            pltpu.async_copy(fpos.at[rs], facc.at[sidx.at[j]], sc_sem,
                             add=True)
            pltpu.async_copy(fneg.at[rs], facc.at[didx.at[j]], sc_sem,
                             add=True)
            pltpu.async_copy(vbuf.at[rs], vacc.at[didx.at[j]], sc_sem,
                             add=True)

    def drain_scatters(p):
        _, _, _, sidx, didx, fpos, fneg, vbuf, _, sc_sem = sets[p]
        for j in range(4):
            rs = pl.ds(j * 128, 128)
            pltpu.make_async_copy(
                fpos.at[rs], facc.at[sidx.at[j]], sc_sem).wait()
            pltpu.make_async_copy(
                fneg.at[rs], facc.at[didx.at[j]], sc_sem).wait()
            pltpu.make_async_copy(
                vbuf.at[rs], vacc.at[didx.at[j]], sc_sem).wait()

    def pair_body(q, carry):
        c0 = 2 * (base_pair + q)
        @pl.when(q > 0)
        def _():
            drain_scatters(0)
        in0 = issue_inputs(c0, 0)
        @pl.when(q > 0)
        def _():
            drain_scatters(1)
        in1 = issue_inputs(c0 + 1, 1)
        for d in in0:
            d.wait()
        compute(0)
        fire_scatters(0)
        for d in in1:
            d.wait()
        compute(1)
        fire_scatters(1)
        return carry

    lax.fori_loop(0, npairs, pair_body, 0)

    drain_scatters(0)
    drain_scatters(1)
    plsc.subcore_barrier()

    rows = pl.ds(r0, ROWS_T)
    pltpu.sync_copy(facc.at[rows], f_out.at[cid].at[rows])
    pltpu.sync_copy(vacc.at[rows], v_out.at[cid].at[rows])


@jax.jit
def _sc_scatter(evx, evy, evz, eidx, w2r, z8r):
    mesh = plsc.VectorSubcoreMesh(core_axis_name="c", subcore_axis_name="s")
    return pl.kernel(
        _sc_body,
        out_type=(
            jax.ShapeDtypeStruct((2, NP, 8), _f32),
            jax.ShapeDtypeStruct((2, NP, 8), _f32),
        ),
        mesh=mesh,
        scratch_types=(
            [pltpu.VMEM((CHUNK,), _f32)] * 3
            + [pltpu.VMEM((4, 128), _i32)] * 2
            + [pltpu.VMEM((CHUNK, 8), _f32)] * 3
            + [pltpu.VMEM((CHUNK,), _f32)] * 3
            + [pltpu.VMEM((4, 128), _i32)] * 2
            + [pltpu.VMEM((CHUNK, 8), _f32)] * 3
            + [
                pltpu.VMEM((48,), _f32),
                pltpu.VMEM_SHARED((NP, 8), _f32),
                pltpu.VMEM_SHARED((NP, 8), _f32),
                pltpu.SemaphoreType.DMA,
                pltpu.SemaphoreType.DMA,
                pltpu.SemaphoreType.DMA,
                pltpu.SemaphoreType.DMA,
            ]
        ),
        compiler_params=pltpu.CompilerParams(
            needs_layout_passes=False, use_tc_tiling_on_sc=False),
    )(evx, evy, evz, eidx, w2r, z8r)


BN = 4000
NSTEP = N // BN


def _tc_body(num_ref, vol_ref, batch_ref, f_ref, v_ref,
             force_ref, stress_ref, acc_ref):
    i = pl.program_id(0)
    one = (num_ref[0] - N + 1).astype(_f32)
    force_ref[...] = (f_ref[0, :, :3] + f_ref[1, :, :3]) * one
    v = v_ref[0, :, :6] + v_ref[1, :, :6]
    b = batch_ref[0]
    bid = lax.broadcasted_iota(_i32, (NB, 1), 0)
    onehot = (b == bid).astype(_f32)
    contrib = lax.dot_general(onehot, v, (((1,), (0,)), ((), ())),
                              preferred_element_type=_f32)

    @pl.when(i == 0)
    def _():
        acc_ref[...] = jnp.zeros((NB, 6), _f32)

    acc_ref[...] += contrib

    @pl.when(i == NSTEP - 1)
    def _():
        stress_ref[...] = -acc_ref[...] / vol_ref[...]


@jax.jit
def _tc_finalize(num_atoms, vol_r, batch_r, fpart, vpart):
    return pl.pallas_call(
        _tc_body,
        grid=(NSTEP,),
        in_specs=[
            pl.BlockSpec(memory_space=pltpu.SMEM),
            pl.BlockSpec((NB, 1), lambda i: (0, 0)),
            pl.BlockSpec((1, 1, BN), lambda i: (i, 0, 0)),
            pl.BlockSpec((2, BN, 8), lambda i: (0, i, 0)),
            pl.BlockSpec((2, BN, 8), lambda i: (0, i, 0)),
        ],
        out_specs=[
            pl.BlockSpec((BN, 3), lambda i: (i, 0)),
            pl.BlockSpec((NB, 6), lambda i: (0, 0)),
        ],
        out_shape=[
            jax.ShapeDtypeStruct((N, 3), _f32),
            jax.ShapeDtypeStruct((NB, 6), _f32),
        ],
        scratch_shapes=[pltpu.VMEM((NB, 6), _f32)],
        compiler_params=pltpu.CompilerParams(
            dimension_semantics=("arbitrary",)),
    )(num_atoms, vol_r, batch_r, fpart, vpart)


def kernel(edge_vec, edge_idx, num_atoms, batch, cell_volume, W):
    evx = edge_vec[:, 0]
    evy = edge_vec[:, 1]
    evz = edge_vec[:, 2]
    eidx_r = edge_idx.reshape(2, E // 128, 128).transpose(1, 0, 2)
    w2r = jnp.broadcast_to(W[:, None], (3, 16)).reshape(48)
    z8r = jnp.zeros((ROWS_T, 8), _f32)
    fpart, vpart = _sc_scatter(evx, evy, evz, eidx_r, w2r, z8r)
    batch_r = batch.reshape(NSTEP, 1, BN)
    vol_r = cell_volume.reshape(NB, 1)
    force, stress = _tc_finalize(num_atoms, vol_r, batch_r, fpart, vpart)
    return force, stress

# --- scband reference (transcript-rebuilt; emitter-appended) ---
"""Pipeline reference for scband-force-stress-output-from-edge-18382460027058 (READ-ONLY COPY).

The authoritative reference and input builder live on the scoring server;
editing this copy changes nothing except your own understanding.
"""

import jax, jax.numpy as jnp
import numpy as np

N_NODES = 100000
N_EDGES = 3200000
N_BATCH = 4


def _energy(edge_vec, W):
    # Surrogate differentiable per-edge energy standing in for the upstream
    # model's predicted energy (which depends on edge vectors rij).
    # E = sum_e exp(-|| r_e * W ||^2)
    return jnp.sum(jnp.exp(-jnp.sum((edge_vec * W) ** 2, axis=-1)))


def setup_inputs(seed: int = 0) -> dict:
    key = jax.random.key(seed)
    k1, k2, k3, k4, k5 = jax.random.split(key, 5)
    edge_vec = jax.random.normal(k1, (N_EDGES, 3), dtype=jnp.float32)
    edge_idx = jax.random.randint(k2, (2, N_EDGES), 0, N_NODES)
    batch = jnp.sort(jax.random.randint(k3, (N_NODES,), 0, N_BATCH))
    cell_volume = jax.random.uniform(k4, (N_BATCH,), dtype=jnp.float32) * 900.0 + 100.0
    W = jax.random.normal(k5, (3,), dtype=jnp.float32)
    num_atoms = jnp.array([N_NODES], dtype=jnp.int32)
    return {
        "edge_vec": edge_vec,
        "edge_idx": edge_idx,
        "num_atoms": num_atoms,
        "batch": batch,
        "cell_volume": cell_volume,
        "W": W,
    }


def reference(edge_vec, edge_idx, num_atoms, batch, cell_volume, W):
    tot_num = batch.shape[0]
    one = ((num_atoms.sum() - tot_num) + 1).astype(edge_vec.dtype)
    rij = edge_vec
    # fij = dE/drij (torch.autograd.grad equivalent)
    fij = jax.grad(_energy, argnums=0)(edge_vec, W)
    # scatter-add forces onto src and dst nodes
    pf = jnp.zeros((tot_num, 3), dtype=fij.dtype).at[edge_idx[0]].add(fij)
    nf = jnp.zeros((tot_num, 3), dtype=fij.dtype).at[edge_idx[1]].add(fij)
    force = (pf - nf) * one
    # per-edge virial (6 components)
    diag = rij * fij
    s12 = rij[..., 0] * fij[..., 1]
    s23 = rij[..., 1] * fij[..., 2]
    s31 = rij[..., 2] * fij[..., 0]
    virial = jnp.concatenate(
        [diag, s12[:, None], s23[:, None], s31[:, None]], axis=-1
    )
    s = jnp.zeros((tot_num, 6), dtype=virial.dtype).at[edge_idx[1]].add(virial)
    # batch reduce: per-structure stress
    nbatch = cell_volume.shape[0]
    sout = jnp.zeros((nbatch, 6), dtype=virial.dtype).at[batch].add(s)
    stress = -sout / cell_volume[:, None]
    return force, stress

if __name__ == "__main__":
    import jax
    _d = setup_inputs()
    print(jax.jit(kernel)(*tuple(_d.values())))

</pallas_src>

<mosaic_0001>
#map = affine_map<(d0, d1) -> (0)>
#map1 = affine_map<(d0, d1) -> (0, 0, 0)>
#map2 = affine_map<(d0, d1) -> (0, 0)>
module attributes {stable_mosaic.version = 14 : i64} {
  func.func @_sc_body(%arg0: i32, %arg1: i32, %arg2: memref<3200000xf32, #tpu.memory_space<hbm>>, %arg3: memref<3200000xf32, #tpu.memory_space<hbm>>, %arg4: memref<3200000xf32, #tpu.memory_space<hbm>>, %arg5: memref<25000x2x128xi32, #tpu.memory_space<hbm>>, %arg6: memref<48xf32, #tpu.memory_space<hbm>>, %arg7: memref<6256x8xf32, #tpu.memory_space<hbm>>, %arg8: memref<2x100096x8xf32, #tpu.memory_space<hbm>>, %arg9: memref<2x100096x8xf32, #tpu.memory_space<hbm>>, %arg10: memref<512xf32, #tpu.memory_space<vmem>>, %arg11: memref<512xf32, #tpu.memory_space<vmem>>, %arg12: memref<512xf32, #tpu.memory_space<vmem>>, %arg13: memref<4x128xi32, #tpu.memory_space<vmem>>, %arg14: memref<4x128xi32, #tpu.memory_space<vmem>>, %arg15: memref<512x8xf32, #tpu.memory_space<vmem>>, %arg16: memref<512x8xf32, #tpu.memory_space<vmem>>, %arg17: memref<512x8xf32, #tpu.memory_space<vmem>>, %arg18: memref<512xf32, #tpu.memory_space<vmem>>, %arg19: memref<512xf32, #tpu.memory_space<vmem>>, %arg20: memref<512xf32, #tpu.memory_space<vmem>>, %arg21: memref<4x128xi32, #tpu.memory_space<vmem>>, %arg22: memref<4x128xi32, #tpu.memory_space<vmem>>, %arg23: memref<512x8xf32, #tpu.memory_space<vmem>>, %arg24: memref<512x8xf32, #tpu.memory_space<vmem>>, %arg25: memref<512x8xf32, #tpu.memory_space<vmem>>, %arg26: memref<48xf32, #tpu.memory_space<vmem>>, %arg27: memref<100096x8xf32, #tpu.memory_space<vmem_shared>>, %arg28: memref<100096x8xf32, #tpu.memory_space<vmem_shared>>, %arg29: memref<!tpu.dma_semaphore, #tpu.memory_space<semaphore_mem>>, %arg30: memref<!tpu.dma_semaphore, #tpu.memory_space<semaphore_mem>>, %arg31: memref<!tpu.dma_semaphore, #tpu.memory_space<semaphore_mem>>, %arg32: memref<!tpu.dma_semaphore, #tpu.memory_space<semaphore_mem>>) attributes {dimension_semantics = [#tpu.dimension_semantics<core_parallel>, #tpu.dimension_semantics<subcore_parallel>], iteration_bounds = array<i64: 2, 16>, scalar_prefetch = 0 : i64, scratch_operands = 23 : i64, tpu.core_type = #tpu.core_type<sc_vector_subcore>, window_params = [{transform_indices = #map}, {transform_indices = #map}, {transform_indices = #map}, {transform_indices = #map1}, {transform_indices = #map}, {transform_indices = #map2}, {transform_indices = #map1}, {transform_indices = #map1}]} {
    %mul3A = arith.constant 2 : i32
    %mul3A_0 = arith.muli %arg1, %mul3A : i32
    %add3A = arith.addi %mul3A_0, %arg0 : i32
    %mul3A_1 = arith.constant 6256 : i32
    %mul3A_2 = arith.muli %arg1, %mul3A_1 : i32
    "tpu.region"() ({
      %run_scoped3A = tpu.sem_alloc : memref<!tpu.dma_semaphore, #tpu.memory_space<semaphore_mem>>
      %dma_start3A = arith.constant 0 : i32
      %dma_start3A_278 = tpu.memref_slice %arg27[%mul3A_2, %dma_start3A] : memref<100096x8xf32, #tpu.memory_space<vmem_shared>> -> memref<6256x8xf32, #tpu.memory_space<vmem_shared>>
      tpu.enqueue_dma source(%arg7 : memref<6256x8xf32, #tpu.memory_space<hbm>>) target(%dma_start3A_278 : memref<6256x8xf32, #tpu.memory_space<vmem_shared>>) target_semaphore(%run_scoped3A : memref<!tpu.dma_semaphore, #tpu.memory_space<semaphore_mem>>)
      %dma_wait3A_279 = arith.constant 0 : i32
      %dma_wait3A_280 = tpu.memref_slice %arg27[%mul3A_2, %dma_wait3A_279] : memref<100096x8xf32, #tpu.memory_space<vmem_shared>> -> memref<6256x8xf32, #tpu.memory_space<vmem_shared>>
      tpu.wait_dma2 semaphore(%run_scoped3A : memref<!tpu.dma_semaphore, #tpu.memory_space<semaphore_mem>>) src(%arg7 : memref<6256x8xf32, #tpu.memory_space<hbm>>) dst(%dma_wait3A_280 : memref<6256x8xf32, #tpu.memory_space<vmem_shared>>)
      tpu.yield
    }) : () -> ()
    "tpu.region"() ({
      %run_scoped3A = tpu.sem_alloc : memref<!tpu.dma_semaphore, #tpu.memory_space<semaphore_mem>>
      %dma_start3A = arith.constant 0 : i32
      %dma_start3A_278 = tpu.memref_slice %arg28[%mul3A_2, %dma_start3A] : memref<100096x8xf32, #tpu.memory_space<vmem_shared>> -> memref<6256x8xf32, #tpu.memory_space<vmem_shared>>
      tpu.enqueue_dma source(%arg7 : memref<6256x8xf32, #tpu.memory_space<hbm>>) target(%dma_start3A_278 : memref<6256x8xf32, #tpu.memory_space<vmem_shared>>) target_semaphore(%run_scoped3A : memref<!tpu.dma_semaphore, #tpu.memory_space<semaphore_mem>>)
      %dma_wait3A_279 = arith.constant 0 : i32
      %dma_wait3A_280 = tpu.memref_slice %arg28[%mul3A_2, %dma_wait3A_279] : memref<100096x8xf32, #tpu.memory_space<vmem_shared>> -> memref<6256x8xf32, #tpu.memory_space<vmem_shared>>
      tpu.wait_dma2 semaphore(%run_scoped3A : memref<!tpu.dma_semaphore, #tpu.memory_space<semaphore_mem>>) src(%arg7 : memref<6256x8xf32, #tpu.memory_space<hbm>>) dst(%dma_wait3A_280 : memref<6256x8xf32, #tpu.memory_space<vmem_shared>>)
      tpu.yield
    }) : () -> ()
    "tpu.region"() ({
      %run_scoped3A = tpu.sem_alloc : memref<!tpu.dma_semaphore, #tpu.memory_space<semaphore_mem>>
      tpu.enqueue_dma source(%arg6 : memref<48xf32, #tpu.memory_space<hbm>>) target(%arg26 : memref<48xf32, #tpu.memory_space<vmem>>) target_semaphore(%run_scoped3A : memref<!tpu.dma_semaphore, #tpu.memory_space<semaphore_mem>>)
      tpu.wait_dma2 semaphore(%run_scoped3A : memref<!tpu.dma_semaphore, #tpu.memory_space<semaphore_mem>>) src(%arg6 : memref<48xf32, #tpu.memory_space<hbm>>) dst(%arg26 : memref<48xf32, #tpu.memory_space<vmem>>)
      tpu.yield
    }) : () -> ()
    %barrier3A = arith.constant 0 : index
    tpu.barrier barrier_id(%barrier3A)
    %iota3A = tpu.iota {dimensions = array<i32: 0>} : vector<16xi32>
    %get3A = arith.constant 0 : index
    %get3A_3 = tpu.vector_load %arg26[%get3A] {strides = array<i32>} : memref<48xf32, #tpu.memory_space<vmem>>, vector<16xf32>,
    %get3A_4 = arith.constant 16 : index
    %get3A_5 = tpu.vector_load %arg26[%get3A_4] {strides = array<i32>} : memref<48xf32, #tpu.memory_space<vmem>>, vector<16xf32>,
    %get3A_6 = arith.constant 32 : index
    %get3A_7 = tpu.vector_load %arg26[%get3A_6] {strides = array<i32>} : memref<48xf32, #tpu.memory_space<vmem>>, vector<16xf32>,
    %mul3A_8 = arith.mulf %get3A_3, %get3A_3 : vector<16xf32>
    %mul3A_9 = arith.mulf %get3A_5, %get3A_5 : vector<16xf32>
    %mul3A_10 = arith.mulf %get3A_7, %get3A_7 : vector<16xf32>
    %broadcast_in_dim3A = arith.constant 0 : i32
    %broadcast_in_dim3A_11 = vector.broadcast %broadcast_in_dim3A : i32 to vector<16xi32>
    %broadcast_in_dim3A_12 = arith.constant 1 : i32
    %broadcast_in_dim3A_13 = vector.broadcast %broadcast_in_dim3A_12 : i32 to vector<16xi32>
    %broadcast_in_dim3A_14 = arith.constant 2 : i32
    %broadcast_in_dim3A_15 = vector.broadcast %broadcast_in_dim3A_14 : i32 to vector<16xi32>
    %broadcast_in_dim3A_16 = arith.constant 3 : i32
    %broadcast_in_dim3A_17 = vector.broadcast %broadcast_in_dim3A_16 : i32 to vector<16xi32>
    %broadcast_in_dim3A_18 = arith.constant 4 : i32
    %broadcast_in_dim3A_19 = vector.broadcast %broadcast_in_dim3A_18 : i32 to vector<16xi32>
    %broadcast_in_dim3A_20 = arith.constant 5 : i32
    %broadcast_in_dim3A_21 = vector.broadcast %broadcast_in_dim3A_20 : i32 to vector<16xi32>
    %mul3A_22 = arith.constant 97 : i32
    %mul3A_23 = arith.muli %add3A, %mul3A_22 : i32
    %min3A = arith.constant 21 : i32
    %min3A_24 = arith.minsi %add3A, %min3A : i32
    %add3A_25 = arith.addi %mul3A_23, %min3A_24 : i32
    %lt3A = arith.constant 21 : i32
    %lt3A_26 = arith.cmpi slt, %add3A, %lt3A : i32
    %convert_element_type3A = arith.extui %lt3A_26 : i1 to i32
    %add3A_27 = arith.constant 97 : i32
    %add3A_28 = arith.addi %add3A_27, %convert_element_type3A : i32
    %while3A = arith.constant 0 : i32
    %while3A_29 = arith.constant 0 : i32
    %while3A_30 = arith.subi %add3A_28, %while3A_29 : i32
    %while3A_31 = arith.addi %while3A_29, %while3A_30 : i32
    %while3A_32 = arith.constant 1 : i32
    %while3A_33 = arith.divsi %while3A_30, %while3A_32 : i32
    %while3A_34 = arith.muli %while3A_33, %while3A_32 : i32
    %while3A_35 = arith.addi %while3A_29, %while3A_34 : i32
    %while3A_36 = arith.constant 1 : i32
    scf.for %while3A_278 = %while3A_29 to %while3A_35 step %while3A_36  : i32 {
      %add3A_279 = arith.addi %add3A_25, %while3A_278 : i32
      %mul3A_280 = arith.constant 2 : i32
      %mul3A_281 = arith.muli %mul3A_280, %add3A_279 : i32
      %gt3A = arith.constant 0 : i32
      %gt3A_282 = arith.cmpi sgt, %while3A_278, %gt3A : i32
      %convert_element_type3A_283 = arith.extui %gt3A_282 : i1 to i32
      %cond3A = arith.constant 0 : i32
      %cond3A_284 = arith.cmpi ne, %convert_element_type3A_283, %cond3A : i32
      scf.if %cond3A_284 {
        %dma_wait3A_1310 = arith.constant 0 : i32
        %dma_wait3A_1311 = arith.constant 0 : i32
        %dma_wait3A_1312 = arith.constant 0 : i32
        %dma_wait3A_1313 = tpu.memref_slice %arg15[%dma_wait3A_1311, %dma_wait3A_1312] : memref<512x8xf32, #tpu.memory_space<vmem>> -> memref<128x8xf32, #tpu.memory_space<vmem>>
        %dma_wait3A_1314 = arith.constant 0 : i32
        %dma_wait3A_1315 = tpu.memref_slice %arg13[%dma_wait3A_1310, %dma_wait3A_1314] : memref<4x128xi32, #tpu.memory_space<vmem>> -> memref<1x128xi32, #tpu.memory_space<vmem>>
        %dma_wait3A_1316 = tpu.memref_squeeze %dma_wait3A_1315 : memref<1x128xi32, #tpu.memory_space<vmem>> -> memref<128xi32, #tpu.memory_space<vmem>>
        %dma_wait3A_1317 = arith.constant 0 : i32
        %dma_wait3A_1318 = arith.constant 0 : i32
        %dma_wait3A_1319 = tpu.memref_slice %arg27[%dma_wait3A_1317, %dma_wait3A_1318] : memref<100096x8xf32, #tpu.memory_space<vmem_shared>> -> memref<100096x8xf32, #tpu.memory_space<vmem_shared>>
        tpu.wait_indirect_dma semaphore(%arg31 : memref<!tpu.dma_semaphore, #tpu.memory_space<semaphore_mem>>) src(%dma_wait3A_1313 : memref<128x8xf32, #tpu.memory_space<vmem>>) dst(%dma_wait3A_1319 : memref<100096x8xf32, #tpu.memory_space<vmem_shared>>)
        %dma_wait3A_1320 = arith.constant 0 : i32
        %dma_wait3A_1321 = arith.constant 0 : i32
        %dma_wait3A_1322 = arith.constant 0 : i32
        %dma_wait3A_1323 = tpu.memref_slice %arg16[%dma_wait3A_1321, %dma_wait3A_1322] : memref<512x8xf32, #tpu.memory_space<vmem>> -> memref<128x8xf32, #tpu.memory_space<vmem>>
        %dma_wait3A_1324 = arith.constant 0 : i32
        %dma_wait3A_1325 = tpu.memref_slice %arg14[%dma_wait3A_1320, %dma_wait3A_1324] : memref<4x128xi32, #tpu.memory_space<vmem>> -> memref<1x128xi32, #tpu.memory_space<vmem>>
        %dma_wait3A_1326 = tpu.memref_squeeze %dma_wait3A_1325 : memref<1x128xi32, #tpu.memory_space<vmem>> -> memref<128xi32, #tpu.memory_space<vmem>>
        %dma_wait3A_1327 = arith.constant 0 : i32
        %dma_wait3A_1328 = arith.constant 0 : i32
        %dma_wait3A_1329 = tpu.memref_slice %arg27[%dma_wait3A_1327, %dma_wait3A_1328] : memref<100096x8xf32, #tpu.memory_space<vmem_shared>> -> memref<100096x8xf32, #tpu.memory_space<vmem_shared>>
        tpu.wait_indirect_dma semaphore(%arg31 : memref<!tpu.dma_semaphore, #tpu.memory_space<semaphore_mem>>) src(%dma_wait3A_1323 : memref<128x8xf32, #tpu.memory_space<vmem>>) dst(%dma_wait3A_1329 : memref<100096x8xf32, #tpu.memory_space<vmem_shared>>)
        %dma_wait3A_1330 = arith.constant 0 : i32
        %dma_wait3A_1331 = arith.constant 0 : i32
        %dma_wait3A_1332 = arith.constant 0 : i32
        %dma_wait3A_1333 = tpu.memref_slice %arg17[%dma_wait3A_1331, %dma_wait3A_1332] : memref<512x8xf32, #tpu.memory_space<vmem>> -> memref<128x8xf32, #tpu.memory_space<vmem>>
        %dma_wait3A_1334 = arith.constant 0 : i32
        %dma_wait3A_1335 = tpu.memref_slice %arg14[%dma_wait3A_1330, %dma_wait3A_1334] : memref<4x128xi32, #tpu.memory_space<vmem>> -> memref<1x128xi32, #tpu.memory_space<vmem>>
        %dma_wait3A_1336 = tpu.memref_squeeze %dma_wait3A_1335 : memref<1x128xi32, #tpu.memory_space<vmem>> -> memref<128xi32, #tpu.memory_space<vmem>>
        %dma_wait3A_1337 = arith.constant 0 : i32
        %dma_wait3A_1338 = arith.constant 0 : i32
        %dma_wait3A_1339 = tpu.memref_slice %arg28[%dma_wait3A_1337, %dma_wait3A_1338] : memref<100096x8xf32, #tpu.memory_space<vmem_shared>> -> memref<100096x8xf32, #tpu.memory_space<vmem_shared>>
        tpu.wait_indirect_dma semaphore(%arg31 : memref<!tpu.dma_semaphore, #tpu.memory_space<semaphore_mem>>) src(%dma_wait3A_1333 : memref<128x8xf32, #tpu.memory_space<vmem>>) dst(%dma_wait3A_1339 : memref<100096x8xf32, #tpu.memory_space<vmem_shared>>)
        %dma_wait3A_1340 = arith.constant 1 : i32
        %dma_wait3A_1341 = arith.constant 128 : i32
        %dma_wait3A_1342 = arith.constant 0 : i32
        %dma_wait3A_1343 = tpu.memref_slice %arg15[%dma_wait3A_1341, %dma_wait3A_1342] : memref<512x8xf32, #tpu.memory_space<vmem>> -> memref<128x8xf32, #tpu.memory_space<vmem>>
        %dma_wait3A_1344 = arith.constant 0 : i32
        %dma_wait3A_1345 = tpu.memref_slice %arg13[%dma_wait3A_1340, %dma_wait3A_1344] : memref<4x128xi32, #tpu.memory_space<vmem>> -> memref<1x128xi32, #tpu.memory_space<vmem>>
        %dma_wait3A_1346 = tpu.memref_squeeze %dma_wait3A_1345 : memref<1x128xi32, #tpu.memory_space<vmem>> -> memref<128xi32, #tpu.memory_space<vmem>>
        %dma_wait3A_1347 = arith.constant 0 : i32
        %dma_wait3A_1348 = arith.constant 0 : i32
        %dma_wait3A_1349 = tpu.memref_slice %arg27[%dma_wait3A_1347, %dma_wait3A_1348] : memref<100096x8xf32, #tpu.memory_space<vmem_shared>> -> memref<100096x8xf32, #tpu.memory_space<vmem_shared>>
        tpu.wait_indirect_dma semaphore(%arg31 : memref<!tpu.dma_semaphore, #tpu.memory_space<semaphore_mem>>) src(%dma_wait3A_1343 : memref<128x8xf32, #tpu.memory_space<vmem>>) dst(%dma_wait3A_1349 : memref<100096x8xf32, #tpu.memory_space<vmem_shared>>)
        %dma_wait3A_1350 = arith.constant 1 : i32
        %dma_wait3A_1351 = arith.constant 128 : i32
        %dma_wait3A_1352 = arith.constant 0 : i32
        %dma_wait3A_1353 = tpu.memref_slice %arg16[%dma_wait3A_1351, %dma_wait3A_1352] : memref<512x8xf32, #tpu.memory_space<vmem>> -> memref<128x8xf32, #tpu.memory_space<vmem>>
        %dma_wait3A_1354 = arith.constant 0 : i32
        %dma_wait3A_1355 = tpu.memref_slice %arg14[%dma_wait3A_1350, %dma_wait3A_1354] : memref<4x128xi32, #tpu.memory_space<vmem>> -> memref<1x128xi32, #tpu.memory_space<vmem>>
        %dma_wait3A_1356 = tpu.memref_squeeze %dma_wait3A_1355 : memref<1x128xi32, #tpu.memory_space<vmem>> -> memref<128xi32, #tpu.memory_space<vmem>>
        %dma_wait3A_1357 = arith.constant 0 : i32
        %dma_wait3A_1358 = arith.constant 0 : i32
        %dma_wait3A_1359 = tpu.memref_slice %arg27[%dma_wait3A_1357, %dma_wait3A_1358] : memref<100096x8xf32, #tpu.memory_space<vmem_shared>> -> memref<100096x8xf32, #tpu.memory_space<vmem_shared>>
        tpu.wait_indirect_dma semaphore(%arg31 : memref<!tpu.dma_semaphore, #tpu.memory_space<semaphore_mem>>) src(%dma_wait3A_1353 : memref<128x8xf32, #tpu.memory_space<vmem>>) dst(%dma_wait3A_1359 : memref<100096x8xf32, #tpu.memory_space<vmem_shared>>)
        %dma_wait3A_1360 = arith.constant 1 : i32
        %dma_wait3A_1361 = arith.constant 128 : i32
        %dma_wait3A_1362 = arith.constant 0 : i32
        %dma_wait3A_1363 = tpu.memref_slice %arg17[%dma_wait3A_1361, %dma_wait3A_1362] : memref<512x8xf32, #tpu.memory_space<vmem>> -> memref<128x8xf32, #tpu.memory_space<vmem>>
        %dma_wait3A_1364 = arith.constant 0 : i32
        %dma_wait3A_1365 = tpu.memref_slice %arg14[%dma_wait3A_1360, %dma_wait3A_1364] : memref<4x128xi32, #tpu.memory_space<vmem>> -> memref<1x128xi32, #tpu.memory_space<vmem>>
        %dma_wait3A_1366 = tpu.memref_squeeze %dma_wait3A_1365 : memref<1x128xi32, #tpu.memory_space<vmem>> -> memref<128xi32, #tpu.memory_space<vmem>>
        %dma_wait3A_1367 = arith.constant 0 : i32
        %dma_wait3A_1368 = arith.constant 0 : i32
        %dma_wait3A_1369 = tpu.memref_slice %arg28[%dma_wait3A_1367, %dma_wait3A_1368] : memref<100096x8xf32, #tpu.memory_space<vmem_shared>> -> memref<100096x8xf32, #tpu.memory_space<vmem_shared>>
        tpu.wait_indirect_dma semaphore(%arg31 : memref<!tpu.dma_semaphore, #tpu.memory_space<semaphore_mem>>) src(%dma_wait3A_1363 : memref<128x8xf32, #tpu.memory_space<vmem>>) dst(%dma_wait3A_1369 : memref<100096x8xf32, #tpu.memory_space<vmem_shared>>)
        %dma_wait3A_1370 = arith.constant 2 : i32
        %dma_wait3A_1371 = arith.constant 256 : i32
        %dma_wait3A_1372 = arith.constant 0 : i32
        %dma_wait3A_1373 = tpu.memref_slice %arg15[%dma_wait3A_1371, %dma_wait3A_1372] : memref<512x8xf32, #tpu.memory_space<vmem>> -> memref<128x8xf32, #tpu.memory_space<vmem>>
        %dma_wait3A_1374 = arith.constant 0 : i32
        %dma_wait3A_1375 = tpu.memref_slice %arg13[%dma_wait3A_1370, %dma_wait3A_1374] : memref<4x128xi32, #tpu.memory_space<vmem>> -> memref<1x128xi32, #tpu.memory_space<vmem>>
        %dma_wait3A_1376 = tpu.memref_squeeze %dma_wait3A_1375 : memref<1x128xi32, #tpu.memory_space<vmem>> -> memref<128xi32, #tpu.memory_space<vmem>>
        %dma_wait3A_1377 = arith.constant 0 : i32
        %dma_wait3A_1378 = arith.constant 0 : i32
        %dma_wait3A_1379 = tpu.memref_slice %arg27[%dma_wait3A_1377, %dma_wait3A_1378] : memref<100096x8xf32, #tpu.memory_space<vmem_shared>> -> memref<100096x8xf32, #tpu.memory_space<vmem_shared>>
        tpu.wait_indirect_dma semaphore(%arg31 : memref<!tpu.dma_semaphore, #tpu.memory_space<semaphore_mem>>) src(%dma_wait3A_1373 : memref<128x8xf32, #tpu.memory_space<vmem>>) dst(%dma_wait3A_1379 : memref<100096x8xf32, #tpu.memory_space<vmem_shared>>)
        %dma_wait3A_1380 = arith.constant 2 : i32
        %dma_wait3A_1381 = arith.constant 256 : i32
        %dma_wait3A_1382 = arith.constant 0 : i32
        %dma_wait3A_1383 = tpu.memref_slice %arg16[%dma_wait3A_1381, %dma_wait3A_1382] : memref<512x8xf32, #tpu.memory_space<vmem>> -> memref<128x8xf32, #tpu.memory_space<vmem>>
        %dma_wait3A_1384 = arith.constant 0 : i32
        %dma_wait3A_1385 = tpu.memref_slice %arg14[%dma_wait3A_1380, %dma_wait3A_1384] : memref<4x128xi32, #tpu.memory_space<vmem>> -> memref<1x128xi32, #tpu.memory_space<vmem>>
        %dma_wait3A_1386 = tpu.memref_squeeze %dma_wait3A_1385 : memref<1x128xi32, #tpu.memory_space<vmem>> -> memref<128xi32, #tpu.memory_space<vmem>>
        %dma_wait3A_1387 = arith.constant 0 : i32
        %dma_wait3A_1388 = arith.constant 0 : i32
        %dma_wait3A_1389 = tpu.memref_slice %arg27[%dma_wait3A_1387, %dma_wait3A_1388] : memref<100096x8xf32, #tpu.memory_space<vmem_shared>> -> memref<100096x8xf32, #tpu.memory_space<vmem_shared>>
        tpu.wait_indirect_dma semaphore(%arg31 : memref<!tpu.dma_semaphore, #tpu.memory_space<semaphore_mem>>) src(%dma_wait3A_1383 : memref<128x8xf32, #tpu.memory_space<vmem>>) dst(%dma_wait3A_1389 : memref<100096x8xf32, #tpu.memory_space<vmem_shared>>)
        %dma_wait3A_1390 = arith.constant 2 : i32
        %dma_wait3A_1391 = arith.constant 256 : i32
        %dma_wait3A_1392 = arith.constant 0 : i32
        %dma_wait3A_1393 = tpu.memref_slice %arg17[%dma_wait3A_1391, %dma_wait3A_1392] : memref<512x8xf32, #tpu.memory_space<vmem>> -> memref<128x8xf32, #tpu.memory_space<vmem>>
        %dma_wait3A_1394 = arith.constant 0 : i32
        %dma_wait3A_1395 = tpu.memref_slice %arg14[%dma_wait3A_1390, %dma_wait3A_1394] : memref<4x128xi32, #tpu.memory_space<vmem>> -> memref<1x128xi32, #tpu.memory_space<vmem>>
        %dma_wait3A_1396 = tpu.memref_squeeze %dma_wait3A_1395 : memref<1x128xi32, #tpu.memory_space<vmem>> -> memref<128xi32, #tpu.memory_space<vmem>>
        %dma_wait3A_1397 = arith.constant 0 : i32
        %dma_wait3A_1398 = arith.constant 0 : i32
        %dma_wait3A_1399 = tpu.memref_slice %arg28[%dma_wait3A_1397, %dma_wait3A_1398] : memref<100096x8xf32, #tpu.memory_space<vmem_shared>> -> memref<100096x8xf32, #tpu.memory_space<vmem_shared>>
        tpu.wait_indirect_dma semaphore(%arg31 : memref<!tpu.dma_semaphore, #tpu.memory_space<semaphore_mem>>) src(%dma_wait3A_1393 : memref<128x8xf32, #tpu.memory_space<vmem>>) dst(%dma_wait3A_1399 : memref<100096x8xf32, #tpu.memory_space<vmem_shared>>)
        %dma_wait3A_1400 = arith.constant 3 : i32
        %dma_wait3A_1401 = arith.constant 384 : i32
        %dma_wait3A_1402 = arith.constant 0 : i32
        %dma_wait3A_1403 = tpu.memref_slice %arg15[%dma_wait3A_1401, %dma_wait3A_1402] : memref<512x8xf32, #tpu.memory_space<vmem>> -> memref<128x8xf32, #tpu.memory_space<vmem>>
        %dma_wait3A_1404 = arith.constant 0 : i32
        %dma_wait3A_1405 = tpu.memref_slice %arg13[%dma_wait3A_1400, %dma_wait3A_1404] : memref<4x128xi32, #tpu.memory_space<vmem>> -> memref<1x128xi32, #tpu.memory_space<vmem>>
        %dma_wait3A_1406 = tpu.memref_squeeze %dma_wait3A_1405 : memref<1x128xi32, #tpu.memory_space<vmem>> -> memref<128xi32, #tpu.memory_space<vmem>>
        %dma_wait3A_1407 = arith.constant 0 : i32
        %dma_wait3A_1408 = arith.constant 0 : i32
        %dma_wait3A_1409 = tpu.memref_slice %arg27[%dma_wait3A_1407, %dma_wait3A_1408] : memref<100096x8xf32, #tpu.memory_space<vmem_shared>> -> memref<100096x8xf32, #tpu.memory_space<vmem_shared>>
        tpu.wait_indirect_dma semaphore(%arg31 : memref<!tpu.dma_semaphore, #tpu.memory_space<semaphore_mem>>) src(%dma_wait3A_1403 : memref<128x8xf32, #tpu.memory_space<vmem>>) dst(%dma_wait3A_1409 : memref<100096x8xf32, #tpu.memory_space<vmem_shared>>)
        %dma_wait3A_1410 = arith.constant 3 : i32
        %dma_wait3A_1411 = arith.constant 384 : i32
        %dma_wait3A_1412 = arith.constant 0 : i32
        %dma_wait3A_1413 = tpu.memref_slice %arg16[%dma_wait3A_1411, %dma_wait3A_1412] : memref<512x8xf32, #tpu.memory_space<vmem>> -> memref<128x8xf32, #tpu.memory_space<vmem>>
        %dma_wait3A_1414 = arith.constant 0 : i32
        %dma_wait3A_1415 = tpu.memref_slice %arg14[%dma_wait3A_1410, %dma_wait3A_1414] : memref<4x128xi32, #tpu.memory_space<vmem>> -> memref<1x128xi32, #tpu.memory_space<vmem>>
        %dma_wait3A_1416 = tpu.memref_squeeze %dma_wait3A_1415 : memref<1x128xi32, #tpu.memory_space<vmem>> -> memref<128xi32, #tpu.memory_space<vmem>>
        %dma_wait3A_1417 = arith.constant 0 : i32
        %dma_wait3A_1418 = arith.constant 0 : i32
        %dma_wait3A_1419 = tpu.memref_slice %arg27[%dma_wait3A_1417, %dma_wait3A_1418] : memref<100096x8xf32, #tpu.memory_space<vmem_shared>> -> memref<100096x8xf32, #tpu.memory_space<vmem_shared>>
        tpu.wait_indirect_dma semaphore(%arg31 : memref<!tpu.dma_semaphore, #tpu.memory_space<semaphore_mem>>) src(%dma_wait3A_1413 : memref<128x8xf32, #tpu.memory_space<vmem>>) dst(%dma_wait3A_1419 : memref<100096x8xf32, #tpu.memory_space<vmem_shared>>)
        %dma_wait3A_1420 = arith.constant 3 : i32
        %dma_wait3A_1421 = arith.constant 384 : i32
        %dma_wait3A_1422 = arith.constant 0 : i32
        %dma_wait3A_1423 = tpu.memref_slice %arg17[%dma_wait3A_1421, %dma_wait3A_1422] : memref<512x8xf32, #tpu.memory_space<vmem>> -> memref<128x8xf32, #tpu.memory_space<vmem>>
        %dma_wait3A_1424 = arith.constant 0 : i32
        %dma_wait3A_1425 = tpu.memref_slice %arg14[%dma_wait3A_1420, %dma_wait3A_1424] : memref<4x128xi32, #tpu.memory_space<vmem>> -> memref<1x128xi32, #tpu.memory_space<vmem>>
        %dma_wait3A_1426 = tpu.memref_squeeze %dma_wait3A_1425 : memref<1x128xi32, #tpu.memory_space<vmem>> -> memref<128xi32, #tpu.memory_space<vmem>>
        %dma_wait3A_1427 = arith.constant 0 : i32
        %dma_wait3A_1428 = arith.constant 0 : i32
        %dma_wait3A_1429 = tpu.memref_slice %arg28[%dma_wait3A_1427, %dma_wait3A_1428] : memref<100096x8xf32, #tpu.memory_space<vmem_shared>> -> memref<100096x8xf32, #tpu.memory_space<vmem_shared>>
        tpu.wait_indirect_dma semaphore(%arg31 : memref<!tpu.dma_semaphore, #tpu.memory_space<semaphore_mem>>) src(%dma_wait3A_1423 : memref<128x8xf32, #tpu.memory_space<vmem>>) dst(%dma_wait3A_1429 : memref<100096x8xf32, #tpu.memory_space<vmem_shared>>)
      } else {
      }
      %mul3A_285 = arith.constant 512 : i32
      %mul3A_286 = arith.muli %mul3A_281, %mul3A_285 : i32
      %dma_start3A = tpu.memref_slice %arg2[%mul3A_286] : memref<3200000xf32, #tpu.memory_space<hbm>> -> memref<512xf32, #tpu.memory_space<hbm>>
      %dma_start3A_287 = tpu.memref_slice %arg2[%mul3A_286] : memref<3200000xf32, #tpu.memory_space<hbm>> -> memref<512xf32, #tpu.memory_space<hbm>>
      tpu.enqueue_dma source(%dma_start3A_287 : memref<512xf32, #tpu.memory_space<hbm>>) target(%arg10 : memref<512xf32, #tpu.memory_space<vmem>>) target_semaphore(%arg29 : memref<!tpu.dma_semaphore, #tpu.memory_space<semaphore_mem>>)
      %dma_start3A_288 = tpu.memref_slice %arg3[%mul3A_286] : memref<3200000xf32, #tpu.memory_space<hbm>> -> memref<512xf32, #tpu.memory_space<hbm>>
      %dma_start3A_289 = tpu.memref_slice %arg3[%mul3A_286] : memref<3200000xf32, #tpu.memory_space<hbm>> -> memref<512xf32, #tpu.memory_space<hbm>>
      tpu.enqueue_dma source(%dma_start3A_289 : memref<512xf32, #tpu.memory_space<hbm>>) target(%arg11 : memref<512xf32, #tpu.memory_space<vmem>>) target_semaphore(%arg29 : memref<!tpu.dma_semaphore, #tpu.memory_space<semaphore_mem>>)
      %dma_start3A_290 = tpu.memref_slice %arg4[%mul3A_286] : memref<3200000xf32, #tpu.memory_space<hbm>> -> memref<512xf32, #tpu.memory_space<hbm>>
      %dma_start3A_291 = tpu.memref_slice %arg4[%mul3A_286] : memref<3200000xf32, #tpu.memory_space<hbm>> -> memref<512xf32, #tpu.memory_space<hbm>>
      tpu.enqueue_dma source(%dma_start3A_291 : memref<512xf32, #tpu.memory_space<hbm>>) target(%arg12 : memref<512xf32, #tpu.memory_space<vmem>>) target_semaphore(%arg29 : memref<!tpu.dma_semaphore, #tpu.memory_space<semaphore_mem>>)
      %mul3A_292 = arith.constant 4 : i32
      %mul3A_293 = arith.muli %mul3A_281, %mul3A_292 : i32
      %add3A_294 = arith.constant 0 : i32
      %add3A_295 = arith.addi %mul3A_293, %add3A_294 : i32
      %dma_start3A_296 = arith.constant 0 : i32
      %dma_start3A_297 = arith.constant 0 : i32
      %dma_start3A_298 = arith.constant 0 : i32
      %dma_start3A_299 = tpu.memref_slice %arg13[%dma_start3A_297, %dma_start3A_298] : memref<4x128xi32, #tpu.memory_space<vmem>> -> memref<1x128xi32, #tpu.memory_space<vmem>>
      %dma_start3A_300 = tpu.memref_squeeze %dma_start3A_299 : memref<1x128xi32, #tpu.memory_space<vmem>> -> memref<128xi32, #tpu.memory_space<vmem>>
      %dma_start3A_301 = arith.constant 0 : i32
      %dma_start3A_302 = arith.constant 0 : i32
      %dma_start3A_303 = tpu.memref_slice %arg5[%add3A_295, %dma_start3A_301, %dma_start3A_302] : memref<25000x2x128xi32, #tpu.memory_space<hbm>> -> memref<1x2x128xi32, #tpu.memory_space<hbm>>
      %dma_start3A_304 = tpu.memref_squeeze %dma_start3A_303 : memref<1x2x128xi32, #tpu.memory_space<hbm>> -> memref<2x128xi32, #tpu.memory_space<hbm>>
      %dma_start3A_305 = arith.constant 0 : i32
      %dma_start3A_306 = tpu.memref_slice %dma_start3A_304[%dma_start3A_296, %dma_start3A_305] : memref<2x128xi32, #tpu.memory_space<hbm>> -> memref<1x128xi32, #tpu.memory_space<hbm>>
      %dma_start3A_307 = tpu.memref_squeeze %dma_start3A_306 : memref<1x128xi32, #tpu.memory_space<hbm>> -> memref<128xi32, #tpu.memory_space<hbm>>
      %dma_start3A_308 = arith.constant 0 : i32
      %dma_start3A_309 = tpu.memref_slice %arg13[%dma_start3A_297, %dma_start3A_308] : memref<4x128xi32, #tpu.memory_space<vmem>> -> memref<1x128xi32, #tpu.memory_space<vmem>>
      %dma_start3A_310 = tpu.memref_squeeze %dma_start3A_309 : memref<1x128xi32, #tpu.memory_space<vmem>> -> memref<128xi32, #tpu.memory_space<vmem>>
      %dma_start3A_311 = arith.constant 0 : i32
      %dma_start3A_312 = arith.constant 0 : i32
      %dma_start3A_313 = tpu.memref_slice %arg5[%add3A_295, %dma_start3A_311, %dma_start3A_312] : memref<25000x2x128xi32, #tpu.memory_space<hbm>> -> memref<1x2x128xi32, #tpu.memory_space<hbm>>
      %dma_start3A_314 = tpu.memref_squeeze %dma_start3A_313 : memref<1x2x128xi32, #tpu.memory_space<hbm>> -> memref<2x128xi32, #tpu.memory_space<hbm>>
      %dma_start3A_315 = arith.constant 0 : i32
      %dma_start3A_316 = tpu.memref_slice %dma_start3A_314[%dma_start3A_296, %dma_start3A_315] : memref<2x128xi32, #tpu.memory_space<hbm>> -> memref<1x128xi32, #tpu.memory_space<hbm>>
      %dma_start3A_317 = tpu.memref_squeeze %dma_start3A_316 : memref<1x128xi32, #tpu.memory_space<hbm>> -> memref<128xi32, #tpu.memory_space<hbm>>
      tpu.enqueue_dma source(%dma_start3A_317 : memref<128xi32, #tpu.memory_space<hbm>>) target(%dma_start3A_310 : memref<128xi32, #tpu.memory_space<vmem>>) target_semaphore(%arg29 : memref<!tpu.dma_semaphore, #tpu.memory_space<semaphore_mem>>)
      %add3A_318 = arith.constant 0 : i32
      %add3A_319 = arith.addi %mul3A_293, %add3A_318 : i32
      %dma_start3A_320 = arith.constant 1 : i32
      %dma_start3A_321 = arith.constant 0 : i32
      %dma_start3A_322 = arith.constant 0 : i32
      %dma_start3A_323 = tpu.memref_slice %arg14[%dma_start3A_321, %dma_start3A_322] : memref<4x128xi32, #tpu.memory_space<vmem>> -> memref<1x128xi32, #tpu.memory_space<vmem>>
      %dma_start3A_324 = tpu.memref_squeeze %dma_start3A_323 : memref<1x128xi32, #tpu.memory_space<vmem>> -> memref<128xi32, #tpu.memory_space<vmem>>
      %dma_start3A_325 = arith.constant 0 : i32
      %dma_start3A_326 = arith.constant 0 : i32
      %dma_start3A_327 = tpu.memref_slice %arg5[%add3A_319, %dma_start3A_325, %dma_start3A_326] : memref<25000x2x128xi32, #tpu.memory_space<hbm>> -> memref<1x2x128xi32, #tpu.memory_space<hbm>>
      %dma_start3A_328 = tpu.memref_squeeze %dma_start3A_327 : memref<1x2x128xi32, #tpu.memory_space<hbm>> -> memref<2x128xi32, #tpu.memory_space<hbm>>
      %dma_start3A_329 = arith.constant 0 : i32
      %dma_start3A_330 = tpu.memref_slice %dma_start3A_328[%dma_start3A_320, %dma_start3A_329] : memref<2x128xi32, #tpu.memory_space<hbm>> -> memref<1x128xi32, #tpu.memory_space<hbm>>
      %dma_start3A_331 = tpu.memref_squeeze %dma_start3A_330 : memref<1x128xi32, #tpu.memory_space<hbm>> -> memref<128xi32, #tpu.memory_space<hbm>>
      %dma_start3A_332 = arith.constant 0 : i32
      %dma_start3A_333 = tpu.memref_slice %arg14[%dma_start3A_321, %dma_start3A_332] : memref<4x128xi32, #tpu.memory_space<vmem>> -> memref<1x128xi32, #tpu.memory_space<vmem>>
      %dma_start3A_334 = tpu.memref_squeeze %dma_start3A_333 : memref<1x128xi32, #tpu.memory_space<vmem>> -> memref<128xi32, #tpu.memory_space<vmem>>
      %dma_start3A_335 = arith.constant 0 : i32
      %dma_start3A_336 = arith.constant 0 : i32
      %dma_start3A_337 = tpu.memref_slice %arg5[%add3A_319, %dma_start3A_335, %dma_start3A_336] : memref<25000x2x128xi32, #tpu.memory_space<hbm>> -> memref<1x2x128xi32, #tpu.memory_space<hbm>>
      %dma_start3A_338 = tpu.memref_squeeze %dma_start3A_337 : memref<1x2x128xi32, #tpu.memory_space<hbm>> -> memref<2x128xi32, #tpu.memory_space<hbm>>
      %dma_start3A_339 = arith.constant 0 : i32
      %dma_start3A_340 = tpu.memref_slice %dma_start3A_338[%dma_start3A_320, %dma_start3A_339] : memref<2x128xi32, #tpu.memory_space<hbm>> -> memref<1x128xi32, #tpu.memory_space<hbm>>
      %dma_start3A_341 = tpu.memref_squeeze %dma_start3A_340 : memref<1x128xi32, #tpu.memory_space<hbm>> -> memref<128xi32, #tpu.memory_space<hbm>>
      tpu.enqueue_dma source(%dma_start3A_341 : memref<128xi32, #tpu.memory_space<hbm>>) target(%dma_start3A_334 : memref<128xi32, #tpu.memory_space<vmem>>) target_semaphore(%arg29 : memref<!tpu.dma_semaphore, #tpu.memory_space<semaphore_mem>>)
      %add3A_342 = arith.constant 1 : i32
      %add3A_343 = arith.addi %mul3A_293, %add3A_342 : i32
      %dma_start3A_344 = arith.constant 0 : i32
      %dma_start3A_345 = arith.constant 1 : i32
      %dma_start3A_346 = arith.constant 0 : i32
      %dma_start3A_347 = tpu.memref_slice %arg13[%dma_start3A_345, %dma_start3A_346] : memref<4x128xi32, #tpu.memory_space<vmem>> -> memref<1x128xi32, #tpu.memory_space<vmem>>
      %dma_start3A_348 = tpu.memref_squeeze %dma_start3A_347 : memref<1x128xi32, #tpu.memory_space<vmem>> -> memref<128xi32, #tpu.memory_space<vmem>>
      %dma_start3A_349 = arith.constant 0 : i32
      %dma_start3A_350 = arith.constant 0 : i32
      %dma_start3A_351 = tpu.memref_slice %arg5[%add3A_343, %dma_start3A_349, %dma_start3A_350] : memref<25000x2x128xi32, #tpu.memory_space<hbm>> -> memref<1x2x128xi32, #tpu.memory_space<hbm>>
      %dma_start3A_352 = tpu.memref_squeeze %dma_start3A_351 : memref<1x2x128xi32, #tpu.memory_space<hbm>> -> memref<2x128xi32, #tpu.memory_space<hbm>>
      %dma_start3A_353 = arith.constant 0 : i32
      %dma_start3A_354 = tpu.memref_slice %dma_start3A_352[%dma_start3A_344, %dma_start3A_353] : memref<2x128xi32, #tpu.memory_space<hbm>> -> memref<1x128xi32, #tpu.memory_space<hbm>>
      %dma_start3A_355 = tpu.memref_squeeze %dma_start3A_354 : memref<1x128xi32, #tpu.memory_space<hbm>> -> memref<128xi32, #tpu.memory_space<hbm>>
      %dma_start3A_356 = arith.constant 0 : i32
      %dma_start3A_357 = tpu.memref_slice %arg13[%dma_start3A_345, %dma_start3A_356] : memref<4x128xi32, #tpu.memory_space<vmem>> -> memref<1x128xi32, #tpu.memory_space<vmem>>
      %dma_start3A_358 = tpu.memref_squeeze %dma_start3A_357 : memref<1x128xi32, #tpu.memory_space<vmem>> -> memref<128xi32, #tpu.memory_space<vmem>>
      %dma_start3A_359 = arith.constant 0 : i32
      %dma_start3A_360 = arith.constant 0 : i32
      %dma_start3A_361 = tpu.memref_slice %arg5[%add3A_343, %dma_start3A_359, %dma_start3A_360] : memref<25000x2x128xi32, #tpu.memory_space<hbm>> -> memref<1x2x128xi32, #tpu.memory_space<hbm>>
      %dma_start3A_362 = tpu.memref_squeeze %dma_start3A_361 : memref<1x2x128xi32, #tpu.memory_space<hbm>> -> memref<2x128xi32, #tpu.memory_space<hbm>>
      %dma_start3A_363 = arith.constant 0 : i32
      %dma_start3A_364 = tpu.memref_slice %dma_start3A_362[%dma_start3A_344, %dma_start3A_363] : memref<2x128xi32, #tpu.memory_space<hbm>> -> memref<1x128xi32, #tpu.memory_space<hbm>>
      %dma_start3A_365 = tpu.memref_squeeze %dma_start3A_364 : memref<1x128xi32, #tpu.memory_space<hbm>> -> memref<128xi32, #tpu.memory_space<hbm>>
      tpu.enqueue_dma source(%dma_start3A_365 : memref<128xi32, #tpu.memory_space<hbm>>) target(%dma_start3A_358 : memref<128xi32, #tpu.memory_space<vmem>>) target_semaphore(%arg29 : memref<!tpu.dma_semaphore, #tpu.memory_space<semaphore_mem>>)
      %add3A_366 = arith.constant 1 : i32
      %add3A_367 = arith.addi %mul3A_293, %add3A_366 : i32
      %dma_start3A_368 = arith.constant 1 : i32
      %dma_start3A_369 = arith.constant 1 : i32
      %dma_start3A_370 = arith.constant 0 : i32
      %dma_start3A_371 = tpu.memref_slice %arg14[%dma_start3A_369, %dma_start3A_370] : memref<4x128xi32, #tpu.memory_space<vmem>> -> memref<1x128xi32, #tpu.memory_space<vmem>>
      %dma_start3A_372 = tpu.memref_squeeze %dma_start3A_371 : memref<1x128xi32, #tpu.memory_space<vmem>> -> memref<128xi32, #tpu.memory_space<vmem>>
      %dma_start3A_373 = arith.constant 0 : i32
      %dma_start3A_374 = arith.constant 0 : i32
      %dma_start3A_375 = tpu.memref_slice %arg5[%add3A_367, %dma_start3A_373, %dma_start3A_374] : memref<25000x2x128xi32, #tpu.memory_space<hbm>> -> memref<1x2x128xi32, #tpu.memory_space<hbm>>
      %dma_start3A_376 = tpu.memref_squeeze %dma_start3A_375 : memref<1x2x128xi32, #tpu.memory_space<hbm>> -> memref<2x128xi32, #tpu.memory_space<hbm>>
      %dma_start3A_377 = arith.constant 0 : i32
      %dma_start3A_378 = tpu.memref_slice %dma_start3A_376[%dma_start3A_368, %dma_start3A_377] : memref<2x128xi32, #tpu.memory_space<hbm>> -> memref<1x128xi32, #tpu.memory_space<hbm>>
      %dma_start3A_379 = tpu.memref_squeeze %dma_start3A_378 : memref<1x128xi32, #tpu.memory_space<hbm>> -> memref<128xi32, #tpu.memory_space<hbm>>
      %dma_start3A_380 = arith.constant 0 : i32
      %dma_start3A_381 = tpu.memref_slice %arg14[%dma_start3A_369, %dma_start3A_380] : memref<4x128xi32, #tpu.memory_space<vmem>> -> memref<1x128xi32, #tpu.memory_space<vmem>>
      %dma_start3A_382 = tpu.memref_squeeze %dma_start3A_381 : memref<1x128xi32, #tpu.memory_space<vmem>> -> memref<128xi32, #tpu.memory_space<vmem>>
      %dma_start3A_383 = arith.constant 0 : i32
      %dma_start3A_384 = arith.constant 0 : i32
      %dma_start3A_385 = tpu.memref_slice %arg5[%add3A_367, %dma_start3A_383, %dma_start3A_384] : memref<25000x2x128xi32, #tpu.memory_space<hbm>> -> memref<1x2x128xi32, #tpu.memory_space<hbm>>
      %dma_start3A_386 = tpu.memref_squeeze %dma_start3A_385 : memref<1x2x128xi32, #tpu.memory_space<hbm>> -> memref<2x128xi32, #tpu.memory_space<hbm>>
      %dma_start3A_387 = arith.constant 0 : i32
      %dma_start3A_388 = tpu.memref_slice %dma_start3A_386[%dma_start3A_368, %dma_start3A_387] : memref<2x128xi32, #tpu.memory_space<hbm>> -> memref<1x128xi32, #tpu.memory_space<hbm>>
      %dma_start3A_389 = tpu.memref_squeeze %dma_start3A_388 : memref<1x128xi32, #tpu.memory_space<hbm>> -> memref<128xi32, #tpu.memory_space<hbm>>
      tpu.enqueue_dma source(%dma_start3A_389 : memref<128xi32, #tpu.memory_space<hbm>>) target(%dma_start3A_382 : memref<128xi32, #tpu.memory_space<vmem>>) target_semaphore(%arg29 : memref<!tpu.dma_semaphore, #tpu.memory_space<semaphore_mem>>)
      %add3A_390 = arith.constant 2 : i32
      %add3A_391 = arith.addi %mul3A_293, %add3A_390 : i32
      %dma_start3A_392 = arith.constant 0 : i32
      %dma_start3A_393 = arith.constant 2 : i32
      %dma_start3A_394 = arith.constant 0 : i32
      %dma_start3A_395 = tpu.memref_slice %arg13[%dma_start3A_393, %dma_start3A_394] : memref<4x128xi32, #tpu.memory_space<vmem>> -> memref<1x128xi32, #tpu.memory_space<vmem>>
      %dma_start3A_396 = tpu.memref_squeeze %dma_start3A_395 : memref<1x128xi32, #tpu.memory_space<vmem>> -> memref<128xi32, #tpu.memory_space<vmem>>
      %dma_start3A_397 = arith.constant 0 : i32
      %dma_start3A_398 = arith.constant 0 : i32
      %dma_start3A_399 = tpu.memref_slice %arg5[%add3A_391, %dma_start3A_397, %dma_start3A_398] : memref<25000x2x128xi32, #tpu.memory_space<hbm>> -> memref<1x2x128xi32, #tpu.memory_space<hbm>>
      %dma_start3A_400 = tpu.memref_squeeze %dma_start3A_399 : memref<1x2x128xi32, #tpu.memory_space<hbm>> -> memref<2x128xi32, #tpu.memory_space<hbm>>
      %dma_start3A_401 = arith.constant 0 : i32
      %dma_start3A_402 = tpu.memref_slice %dma_start3A_400[%dma_start3A_392, %dma_start3A_401] : memref<2x128xi32, #tpu.memory_space<hbm>> -> memref<1x128xi32, #tpu.memory_space<hbm>>
      %dma_start3A_403 = tpu.memref_squeeze %dma_start3A_402 : memref<1x128xi32, #tpu.memory_space<hbm>> -> memref<128xi32, #tpu.memory_space<hbm>>
      %dma_start3A_404 = arith.constant 0 : i32
      %dma_start3A_405 = tpu.memref_slice %arg13[%dma_start3A_393, %dma_start3A_404] : memref<4x128xi32, #tpu.memory_space<vmem>> -> memref<1x128xi32, #tpu.memory_space<vmem>>
      %dma_start3A_406 = tpu.memref_squeeze %dma_start3A_405 : memref<1x128xi32, #tpu.memory_space<vmem>> -> memref<128xi32, #tpu.memory_space<vmem>>
      %dma_start3A_407 = arith.constant 0 : i32
      %dma_start3A_408 = arith.constant 0 : i32
      %dma_start3A_409 = tpu.memref_slice %arg5[%add3A_391, %dma_start3A_407, %dma_start3A_408] : memref<25000x2x128xi32, #tpu.memory_space<hbm>> -> memref<1x2x128xi32, #tpu.memory_space<hbm>>
      %dma_start3A_410 = tpu.memref_squeeze %dma_start3A_409 : memref<1x2x128xi32, #tpu.memory_space<hbm>> -> memref<2x128xi32, #tpu.memory_space<hbm>>
      %dma_start3A_411 = arith.constant 0 : i32
      %dma_start3A_412 = tpu.memref_slice %dma_start3A_410[%dma_start3A_392, %dma_start3A_411] : memref<2x128xi32, #tpu.memory_space<hbm>> -> memref<1x128xi32, #tpu.memory_space<hbm>>
      %dma_start3A_413 = tpu.memref_squeeze %dma_start3A_412 : memref<1x128xi32, #tpu.memory_space<hbm>> -> memref<128xi32, #tpu.memory_space<hbm>>
      tpu.enqueue_dma source(%dma_start3A_413 : memref<128xi32, #tpu.memory_space<hbm>>) target(%dma_start3A_406 : memref<128xi32, #tpu.memory_space<vmem>>) target_semaphore(%arg29 : memref<!tpu.dma_semaphore, #tpu.memory_space<semaphore_mem>>)
      %add3A_414 = arith.constant 2 : i32
      %add3A_415 = arith.addi %mul3A_293, %add3A_414 : i32
      %dma_start3A_416 = arith.constant 1 : i32
      %dma_start3A_417 = arith.constant 2 : i32
      %dma_start3A_418 = arith.constant 0 : i32
      %dma_start3A_419 = tpu.memref_slice %arg14[%dma_start3A_417, %dma_start3A_418] : memref<4x128xi32, #tpu.memory_space<vmem>> -> memref<1x128xi32, #tpu.memory_space<vmem>>
      %dma_start3A_420 = tpu.memref_squeeze %dma_start3A_419 : memref<1x128xi32, #tpu.memory_space<vmem>> -> memref<128xi32, #tpu.memory_space<vmem>>
      %dma_start3A_421 = arith.constant 0 : i32
      %dma_start3A_422 = arith.constant 0 : i32
      %dma_start3A_423 = tpu.memref_slice %arg5[%add3A_415, %dma_start3A_421, %dma_start3A_422] : memref<25000x2x128xi32, #tpu.memory_space<hbm>> -> memref<1x2x128xi32, #tpu.memory_space<hbm>>
      %dma_start3A_424 = tpu.memref_squeeze %dma_start3A_423 : memref<1x2x128xi32, #tpu.memory_space<hbm>> -> memref<2x128xi32, #tpu.memory_space<hbm>>
      %dma_start3A_425 = arith.constant 0 : i32
      %dma_start3A_426 = tpu.memref_slice %dma_start3A_424[%dma_start3A_416, %dma_start3A_425] : memref<2x128xi32, #tpu.memory_space<hbm>> -> memref<1x128xi32, #tpu.memory_space<hbm>>
      %dma_start3A_427 = tpu.memref_squeeze %dma_start3A_426 : memref<1x128xi32, #tpu.memory_space<hbm>> -> memref<128xi32, #tpu.memory_space<hbm>>
      %dma_start3A_428 = arith.constant 0 : i32
      %dma_start3A_429 = tpu.memref_slice %arg14[%dma_start3A_417, %dma_start3A_428] : memref<4x128xi32, #tpu.memory_space<vmem>> -> memref<1x128xi32, #tpu.memory_space<vmem>>
      %dma_start3A_430 = tpu.memref_squeeze %dma_start3A_429 : memref<1x128xi32, #tpu.memory_space<vmem>> -> memref<128xi32, #tpu.memory_space<vmem>>
      %dma_start3A_431 = arith.constant 0 : i32
      %dma_start3A_432 = arith.constant 0 : i32
      %dma_start3A_433 = tpu.memref_slice %arg5[%add3A_415, %dma_start3A_431, %dma_start3A_432] : memref<25000x2x128xi32, #tpu.memory_space<hbm>> -> memref<1x2x128xi32, #tpu.memory_space<hbm>>
      %dma_start3A_434 = tpu.memref_squeeze %dma_start3A_433 : memref<1x2x128xi32, #tpu.memory_space<hbm>> -> memref<2x128xi32, #tpu.memory_space<hbm>>
      %dma_start3A_435 = arith.constant 0 : i32
      %dma_start3A_436 = tpu.memref_slice %dma_start3A_434[%dma_start3A_416, %dma_start3A_435] : memref<2x128xi32, #tpu.memory_space<hbm>> -> memref<1x128xi32, #tpu.memory_space<hbm>>
      %dma_start3A_437 = tpu.memref_squeeze %dma_start3A_436 : memref<1x128xi32, #tpu.memory_space<hbm>> -> memref<128xi32, #tpu.memory_space<hbm>>
      tpu.enqueue_dma source(%dma_start3A_437 : memref<128xi32, #tpu.memory_space<hbm>>) target(%dma_start3A_430 : memref<128xi32, #tpu.memory_space<vmem>>) target_semaphore(%arg29 : memref<!tpu.dma_semaphore, #tpu.memory_space<semaphore_mem>>)
      %add3A_438 = arith.constant 3 : i32
      %add3A_439 = arith.addi %mul3A_293, %add3A_438 : i32
      %dma_start3A_440 = arith.constant 0 : i32
      %dma_start3A_441 = arith.constant 3 : i32
      %dma_start3A_442 = arith.constant 0 : i32
      %dma_start3A_443 = tpu.memref_slice %arg13[%dma_start3A_441, %dma_start3A_442] : memref<4x128xi32, #tpu.memory_space<vmem>> -> memref<1x128xi32, #tpu.memory_space<vmem>>
      %dma_start3A_444 = tpu.memref_squeeze %dma_start3A_443 : memref<1x128xi32, #tpu.memory_space<vmem>> -> memref<128xi32, #tpu.memory_space<vmem>>
      %dma_start3A_445 = arith.constant 0 : i32
      %dma_start3A_446 = arith.constant 0 : i32
      %dma_start3A_447 = tpu.memref_slice %arg5[%add3A_439, %dma_start3A_445, %dma_start3A_446] : memref<25000x2x128xi32, #tpu.memory_space<hbm>> -> memref<1x2x128xi32, #tpu.memory_space<hbm>>
      %dma_start3A_448 = tpu.memref_squeeze %dma_start3A_447 : memref<1x2x128xi32, #tpu.memory_space<hbm>> -> memref<2x128xi32, #tpu.memory_space<hbm>>
      %dma_start3A_449 = arith.constant 0 : i32
      %dma_start3A_450 = tpu.memref_slice %dma_start3A_448[%dma_start3A_440, %dma_start3A_449] : memref<2x128xi32, #tpu.memory_space<hbm>> -> memref<1x128xi32, #tpu.memory_space<hbm>>
      %dma_start3A_451 = tpu.memref_squeeze %dma_start3A_450 : memref<1x128xi32, #tpu.memory_space<hbm>> -> memref<128xi32, #tpu.memory_space<hbm>>
      %dma_start3A_452 = arith.constant 0 : i32
      %dma_start3A_453 = tpu.memref_slice %arg13[%dma_start3A_441, %dma_start3A_452] : memref<4x128xi32, #tpu.memory_space<vmem>> -> memref<1x128xi32, #tpu.memory_space<vmem>>
      %dma_start3A_454 = tpu.memref_squeeze %dma_start3A_453 : memref<1x128xi32, #tpu.memory_space<vmem>> -> memref<128xi32, #tpu.memory_space<vmem>>
      %dma_start3A_455 = arith.constant 0 : i32
      %dma_start3A_456 = arith.constant 0 : i32
      %dma_start3A_457 = tpu.memref_slice %arg5[%add3A_439, %dma_start3A_455, %dma_start3A_456] : memref<25000x2x128xi32, #tpu.memory_space<hbm>> -> memref<1x2x128xi32, #tpu.memory_space<hbm>>
      %dma_start3A_458 = tpu.memref_squeeze %dma_start3A_457 : memref<1x2x128xi32, #tpu.memory_space<hbm>> -> memref<2x128xi32, #tpu.memory_space<hbm>>
      %dma_start3A_459 = arith.constant 0 : i32
      %dma_start3A_460 = tpu.memref_slice %dma_start3A_458[%dma_start3A_440, %dma_start3A_459] : memref<2x128xi32, #tpu.memory_space<hbm>> -> memref<1x128xi32, #tpu.memory_space<hbm>>
      %dma_start3A_461 = tpu.memref_squeeze %dma_start3A_460 : memref<1x128xi32, #tpu.memory_space<hbm>> -> memref<128xi32, #tpu.memory_space<hbm>>
      tpu.enqueue_dma source(%dma_start3A_461 : memref<128xi32, #tpu.memory_space<hbm>>) target(%dma_start3A_454 : memref<128xi32, #tpu.memory_space<vmem>>) target_semaphore(%arg29 : memref<!tpu.dma_semaphore, #tpu.memory_space<semaphore_mem>>)
      %add3A_462 = arith.constant 3 : i32
      %add3A_463 = arith.addi %mul3A_293, %add3A_462 : i32
      %dma_start3A_464 = arith.constant 1 : i32
      %dma_start3A_465 = arith.constant 3 : i32
      %dma_start3A_466 = arith.constant 0 : i32
      %dma_start3A_467 = tpu.memref_slice %arg14[%dma_start3A_465, %dma_start3A_466] : memref<4x128xi32, #tpu.memory_space<vmem>> -> memref<1x128xi32, #tpu.memory_space<vmem>>
      %dma_start3A_468 = tpu.memref_squeeze %dma_start3A_467 : memref<1x128xi32, #tpu.memory_space<vmem>> -> memref<128xi32, #tpu.memory_space<vmem>>
      %dma_start3A_469 = arith.constant 0 : i32
      %dma_start3A_470 = arith.constant 0 : i32
      %dma_start3A_471 = tpu.memref_slice %arg5[%add3A_463, %dma_start3A_469, %dma_start3A_470] : memref<25000x2x128xi32, #tpu.memory_space<hbm>> -> memref<1x2x128xi32, #tpu.memory_space<hbm>>
      %dma_start3A_472 = tpu.memref_squeeze %dma_start3A_471 : memref<1x2x128xi32, #tpu.memory_space<hbm>> -> memref<2x128xi32, #tpu.memory_space<hbm>>
      %dma_start3A_473 = arith.constant 0 : i32
      %dma_start3A_474 = tpu.memref_slice %dma_start3A_472[%dma_start3A_464, %dma_start3A_473] : memref<2x128xi32, #tpu.memory_space<hbm>> -> memref<1x128xi32, #tpu.memory_space<hbm>>
      %dma_start3A_475 = tpu.memref_squeeze %dma_start3A_474 : memref<1x128xi32, #tpu.memory_space<hbm>> -> memref<128xi32, #tpu.memory_space<hbm>>
      %dma_start3A_476 = arith.constant 0 : i32
      %dma_start3A_477 = tpu.memref_slice %arg14[%dma_start3A_465, %dma_start3A_476] : memref<4x128xi32, #tpu.memory_space<vmem>> -> memref<1x128xi32, #tpu.memory_space<vmem>>
      %dma_start3A_478 = tpu.memref_squeeze %dma_start3A_477 : memref<1x128xi32, #tpu.memory_space<vmem>> -> memref<128xi32, #tpu.memory_space<vmem>>
      %dma_start3A_479 = arith.constant 0 : i32
      %dma_start3A_480 = arith.constant 0 : i32
      %dma_start3A_481 = tpu.memref_slice %arg5[%add3A_463, %dma_start3A_479, %dma_start3A_480] : memref<25000x2x128xi32, #tpu.memory_space<hbm>> -> memref<1x2x128xi32, #tpu.memory_space<hbm>>
      %dma_start3A_482 = tpu.memref_squeeze %dma_start3A_481 : memref<1x2x128xi32, #tpu.memory_space<hbm>> -> memref<2x128xi32, #tpu.memory_space<hbm>>
      %dma_start3A_483 = arith.constant 0 : i32
      %dma_start3A_484 = tpu.memref_slice %dma_start3A_482[%dma_start3A_464, %dma_start3A_483] : memref<2x128xi32, #tpu.memory_space<hbm>> -> memref<1x128xi32, #tpu.memory_space<hbm>>
      %dma_start3A_485 = tpu.memref_squeeze %dma_start3A_484 : memref<1x128xi32, #tpu.memory_space<hbm>> -> memref<128xi32, #tpu.memory_space<hbm>>
      tpu.enqueue_dma source(%dma_start3A_485 : memref<128xi32, #tpu.memory_space<hbm>>) target(%dma_start3A_478 : memref<128xi32, #tpu.memory_space<vmem>>) target_semaphore(%arg29 : memref<!tpu.dma_semaphore, #tpu.memory_space<semaphore_mem>>)
      %gt3A_486 = arith.constant 0 : i32
      %gt3A_487 = arith.cmpi sgt, %while3A_278, %gt3A_486 : i32
      %convert_element_type3A_488 = arith.extui %gt3A_487 : i1 to i32
      %cond3A_489 = arith.constant 0 : i32
      %cond3A_490 = arith.cmpi ne, %convert_element_type3A_488, %cond3A_489 : i32
      scf.if %cond3A_490 {
        %dma_wait3A_1310 = arith.constant 0 : i32
        %dma_wait3A_1311 = arith.constant 0 : i32
        %dma_wait3A_1312 = arith.constant 0 : i32
        %dma_wait3A_1313 = tpu.memref_slice %arg23[%dma_wait3A_1311, %dma_wait3A_1312] : memref<512x8xf32, #tpu.memory_space<vmem>> -> memref<128x8xf32, #tpu.memory_space<vmem>>
        %dma_wait3A_1314 = arith.constant 0 : i32
        %dma_wait3A_1315 = tpu.memref_slice %arg21[%dma_wait3A_1310, %dma_wait3A_1314] : memref<4x128xi32, #tpu.memory_space<vmem>> -> memref<1x128xi32, #tpu.memory_space<vmem>>
        %dma_wait3A_1316 = tpu.memref_squeeze %dma_wait3A_1315 : memref<1x128xi32, #tpu.memory_space<vmem>> -> memref<128xi32, #tpu.memory_space<vmem>>
        %dma_wait3A_1317 = arith.constant 0 : i32
        %dma_wait3A_1318 = arith.constant 0 : i32
        %dma_wait3A_1319 = tpu.memref_slice %arg27[%dma_wait3A_1317, %dma_wait3A_1318] : memref<100096x8xf32, #tpu.memory_space<vmem_shared>> -> memref<100096x8xf32, #tpu.memory_space<vmem_shared>>
        tpu.wait_indirect_dma semaphore(%arg32 : memref<!tpu.dma_semaphore, #tpu.memory_space<semaphore_mem>>) src(%dma_wait3A_1313 : memref<128x8xf32, #tpu.memory_space<vmem>>) dst(%dma_wait3A_1319 : memref<100096x8xf32, #tpu.memory_space<vmem_shared>>)
        %dma_wait3A_1320 = arith.constant 0 : i32
        %dma_wait3A_1321 = arith.constant 0 : i32
        %dma_wait3A_1322 = arith.constant 0 : i32
        %dma_wait3A_1323 = tpu.memref_slice %arg24[%dma_wait3A_1321, %dma_wait3A_1322] : memref<512x8xf32, #tpu.memory_space<vmem>> -> memref<128x8xf32, #tpu.memory_space<vmem>>
        %dma_wait3A_1324 = arith.constant 0 : i32
        %dma_wait3A_1325 = tpu.memref_slice %arg22[%dma_wait3A_1320, %dma_wait3A_1324] : memref<4x128xi32, #tpu.memory_space<vmem>> -> memref<1x128xi32, #tpu.memory_space<vmem>>
        %dma_wait3A_1326 = tpu.memref_squeeze %dma_wait3A_1325 : memref<1x128xi32, #tpu.memory_space<vmem>> -> memref<128xi32, #tpu.memory_space<vmem>>
        %dma_wait3A_1327 = arith.constant 0 : i32
        %dma_wait3A_1328 = arith.constant 0 : i32
        %dma_wait3A_1329 = tpu.memref_slice %arg27[%dma_wait3A_1327, %dma_wait3A_1328] : memref<100096x8xf32, #tpu.memory_space<vmem_shared>> -> memref<100096x8xf32, #tpu.memory_space<vmem_shared>>
        tpu.wait_indirect_dma semaphore(%arg32 : memref<!tpu.dma_semaphore, #tpu.memory_space<semaphore_mem>>) src(%dma_wait3A_1323 : memref<128x8xf32, #tpu.memory_space<vmem>>) dst(%dma_wait3A_1329 : memref<100096x8xf32, #tpu.memory_space<vmem_shared>>)
        %dma_wait3A_1330 = arith.constant 0 : i32
        %dma_wait3A_1331 = arith.constant 0 : i32
        %dma_wait3A_1332 = arith.constant 0 : i32
        %dma_wait3A_1333 = tpu.memref_slice %arg25[%dma_wait3A_1331, %dma_wait3A_1332] : memref<512x8xf32, #tpu.memory_space<vmem>> -> memref<128x8xf32, #tpu.memory_space<vmem>>
        %dma_wait3A_1334 = arith.constant 0 : i32
        %dma_wait3A_1335 = tpu.memref_slice %arg22[%dma_wait3A_1330, %dma_wait3A_1334] : memref<4x128xi32, #tpu.memory_space<vmem>> -> memref<1x128xi32, #tpu.memory_space<vmem>>
        %dma_wait3A_1336 = tpu.memref_squeeze %dma_wait3A_1335 : memref<1x128xi32, #tpu.memory_space<vmem>> -> memref<128xi32, #tpu.memory_space<vmem>>
        %dma_wait3A_1337 = arith.constant 0 : i32
        %dma_wait3A_1338 = arith.constant 0 : i32
        %dma_wait3A_1339 = tpu.memref_slice %arg28[%dma_wait3A_1337, %dma_wait3A_1338] : memref<100096x8xf32, #tpu.memory_space<vmem_shared>> -> memref<100096x8xf32, #tpu.memory_space<vmem_shared>>
        tpu.wait_indirect_dma semaphore(%arg32 : memref<!tpu.dma_semaphore, #tpu.memory_space<semaphore_mem>>) src(%dma_wait3A_1333 : memref<128x8xf32, #tpu.memory_space<vmem>>) dst(%dma_wait3A_1339 : memref<100096x8xf32, #tpu.memory_space<vmem_shared>>)
        %dma_wait3A_1340 = arith.constant 1 : i32
        %dma_wait3A_1341 = arith.constant 128 : i32
        %dma_wait3A_1342 = arith.constant 0 : i32
        %dma_wait3A_1343 = tpu.memref_slice %arg23[%dma_wait3A_1341, %dma_wait3A_1342] : memref<512x8xf32, #tpu.memory_space<vmem>> -> memref<128x8xf32, #tpu.memory_space<vmem>>
        %dma_wait3A_1344 = arith.constant 0 : i32
        %dma_wait3A_1345 = tpu.memref_slice %arg21[%dma_wait3A_1340, %dma_wait3A_1344] : memref<4x128xi32, #tpu.memory_space<vmem>> -> memref<1x128xi32, #tpu.memory_space<vmem>>
        %dma_wait3A_1346 = tpu.memref_squeeze %dma_wait3A_1345 : memref<1x128xi32, #tpu.memory_space<vmem>> -> memref<128xi32, #tpu.memory_space<vmem>>
        %dma_wait3A_1347 = arith.constant 0 : i32
        %dma_wait3A_1348 = arith.constant 0 : i32
        %dma_wait3A_1349 = tpu.memref_slice %arg27[%dma_wait3A_1347, %dma_wait3A_1348] : memref<100096x8xf32, #tpu.memory_space<vmem_shared>> -> memref<100096x8xf32, #tpu.memory_space<vmem_shared>>
        tpu.wait_indirect_dma semaphore(%arg32 : memref<!tpu.dma_semaphore, #tpu.memory_space<semaphore_mem>>) src(%dma_wait3A_1343 : memref<128x8xf32, #tpu.memory_space<vmem>>) dst(%dma_wait3A_1349 : memref<100096x8xf32, #tpu.memory_space<vmem_shared>>)
        %dma_wait3A_1350 = arith.constant 1 : i32
        %dma_wait3A_1351 = arith.constant 128 : i32
        %dma_wait3A_1352 = arith.constant 0 : i32
        %dma_wait3A_1353 = tpu.memref_slice %arg24[%dma_wait3A_1351, %dma_wait3A_1352] : memref<512x8xf32, #tpu.memory_space<vmem>> -> memref<128x8xf32, #tpu.memory_space<vmem>>
        %dma_wait3A_1354 = arith.constant 0 : i32
        %dma_wait3A_1355 = tpu.memref_slice %arg22[%dma_wait3A_1350, %dma_wait3A_1354] : memref<4x128xi32, #tpu.memory_space<vmem>> -> memref<1x128xi32, #tpu.memory_space<vmem>>
        %dma_wait3A_1356 = tpu.memref_squeeze %dma_wait3A_1355 : memref<1x128xi32, #tpu.memory_space<vmem>> -> memref<128xi32, #tpu.memory_space<vmem>>
        %dma_wait3A_1357 = arith.constant 0 : i32
        %dma_wait3A_1358 = arith.constant 0 : i32
        %dma_wait3A_1359 = tpu.memref_slice %arg27[%dma_wait3A_1357, %dma_wait3A_1358] : memref<100096x8xf32, #tpu.memory_space<vmem_shared>> -> memref<100096x8xf32, #tpu.memory_space<vmem_shared>>
        tpu.wait_indirect_dma semaphore(%arg32 : memref<!tpu.dma_semaphore, #tpu.memory_space<semaphore_mem>>) src(%dma_wait3A_1353 : memref<128x8xf32, #tpu.memory_space<vmem>>) dst(%dma_wait3A_1359 : memref<100096x8xf32, #tpu.memory_space<vmem_shared>>)
        %dma_wait3A_1360 = arith.constant 1 : i32
        %dma_wait3A_1361 = arith.constant 128 : i32
        %dma_wait3A_1362 = arith.constant 0 : i32
        %dma_wait3A_1363 = tpu.memref_slice %arg25[%dma_wait3A_1361, %dma_wait3A_1362] : memref<512x8xf32, #tpu.memory_space<vmem>> -> memref<128x8xf32, #tpu.memory_space<vmem>>
        %dma_wait3A_1364 = arith.constant 0 : i32
        %dma_wait3A_1365 = tpu.memref_slice %arg22[%dma_wait3A_1360, %dma_wait3A_1364] : memref<4x128xi32, #tpu.memory_space<vmem>> -> memref<1x128xi32, #tpu.memory_space<vmem>>
        %dma_wait3A_1366 = tpu.memref_squeeze %dma_wait3A_1365 : memref<1x128xi32, #tpu.memory_space<vmem>> -> memref<128xi32, #tpu.memory_space<vmem>>
        %dma_wait3A_1367 = arith.constant 0 : i32
        %dma_wait3A_1368 = arith.constant 0 : i32
        %dma_wait3A_1369 = tpu.memref_slice %arg28[%dma_wait3A_1367, %dma_wait3A_1368] : memref<100096x8xf32, #tpu.memory_space<vmem_shared>> -> memref<100096x8xf32, #tpu.memory_space<vmem_shared>>
        tpu.wait_indirect_dma semaphore(%arg32 : memref<!tpu.dma_semaphore, #tpu.memory_space<semaphore_mem>>) src(%dma_wait3A_1363 : memref<128x8xf32, #tpu.memory_space<vmem>>) dst(%dma_wait3A_1369 : memref<100096x8xf32, #tpu.memory_space<vmem_shared>>)
        %dma_wait3A_1370 = arith.constant 2 : i32
        %dma_wait3A_1371 = arith.constant 256 : i32
        %dma_wait3A_1372 = arith.constant 0 : i32
        %dma_wait3A_1373 = tpu.memref_slice %arg23[%dma_wait3A_1371, %dma_wait3A_1372] : memref<512x8xf32, #tpu.memory_space<vmem>> -> memref<128x8xf32, #tpu.memory_space<vmem>>
        %dma_wait3A_1374 = arith.constant 0 : i32
        %dma_wait3A_1375 = tpu.memref_slice %arg21[%dma_wait3A_1370, %dma_wait3A_1374] : memref<4x128xi32, #tpu.memory_space<vmem>> -> memref<1x128xi32, #tpu.memory_space<vmem>>
        %dma_wait3A_1376 = tpu.memref_squeeze %dma_wait3A_1375 : memref<1x128xi32, #tpu.memory_space<vmem>> -> memref<128xi32, #tpu.memory_space<vmem>>
        %dma_wait3A_1377 = arith.constant 0 : i32
        %dma_wait3A_1378 = arith.constant 0 : i32
        %dma_wait3A_1379 = tpu.memref_slice %arg27[%dma_wait3A_1377, %dma_wait3A_1378] : memref<100096x8xf32, #tpu.memory_space<vmem_shared>> -> memref<100096x8xf32, #tpu.memory_space<vmem_shared>>
        tpu.wait_indirect_dma semaphore(%arg32 : memref<!tpu.dma_semaphore, #tpu.memory_space<semaphore_mem>>) src(%dma_wait3A_1373 : memref<128x8xf32, #tpu.memory_space<vmem>>) dst(%dma_wait3A_1379 : memref<100096x8xf32, #tpu.memory_space<vmem_shared>>)
        %dma_wait3A_1380 = arith.constant 2 : i32
        %dma_wait3A_1381 = arith.constant 256 : i32
        %dma_wait3A_1382 = arith.constant 0 : i32
        %dma_wait3A_1383 = tpu.memref_slice %arg24[%dma_wait3A_1381, %dma_wait3A_1382] : memref<512x8xf32, #tpu.memory_space<vmem>> -> memref<128x8xf32, #tpu.memory_space<vmem>>
        %dma_wait3A_1384 = arith.constant 0 : i32
        %dma_wait3A_1385 = tpu.memref_slice %arg22[%dma_wait3A_1380, %dma_wait3A_1384] : memref<4x128xi32, #tpu.memory_space<vmem>> -> memref<1x128xi32, #tpu.memory_space<vmem>>
        %dma_wait3A_1386 = tpu.memref_squeeze %dma_wait3A_1385 : memref<1x128xi32, #tpu.memory_space<vmem>> -> memref<128xi32, #tpu.memory_space<vmem>>
        %dma_wait3A_1387 = arith.constant 0 : i32
        %dma_wait3A_1388 = arith.constant 0 : i32
        %dma_wait3A_1389 = tpu.memref_slice %arg27[%dma_wait3A_1387, %dma_wait3A_1388] : memref<100096x8xf32, #tpu.memory_space<vmem_shared>> -> memref<100096x8xf32, #tpu.memory_space<vmem_shared>>
        tpu.wait_indirect_dma semaphore(%arg32 : memref<!tpu.dma_semaphore, #tpu.memory_space<semaphore_mem>>) src(%dma_wait3A_1383 : memref<128x8xf32, #tpu.memory_space<vmem>>) dst(%dma_wait3A_1389 : memref<100096x8xf32, #tpu.memory_space<vmem_shared>>)
        %dma_wait3A_1390 = arith.constant 2 : i32
        %dma_wait3A_1391 = arith.constant 256 : i32
        %dma_wait3A_1392 = arith.constant 0 : i32
        %dma_wait3A_1393 = tpu.memref_slice %arg25[%dma_wait3A_1391, %dma_wait3A_1392] : memref<512x8xf32, #tpu.memory_space<vmem>> -> memref<128x8xf32, #tpu.memory_space<vmem>>
        %dma_wait3A_1394 = arith.constant 0 : i32
        %dma_wait3A_1395 = tpu.memref_slice %arg22[%dma_wait3A_1390, %dma_wait3A_1394] : memref<4x128xi32, #tpu.memory_space<vmem>> -> memref<1x128xi32, #tpu.memory_space<vmem>>
        %dma_wait3A_1396 = tpu.memref_squeeze %dma_wait3A_1395 : memref<1x128xi32, #tpu.memory_space<vmem>> -> memref<128xi32, #tpu.memory_space<vmem>>
        %dma_wait3A_1397 = arith.constant 0 : i32
        %dma_wait3A_1398 = arith.constant 0 : i32
        %dma_wait3A_1399 = tpu.memref_slice %arg28[%dma_wait3A_1397, %dma_wait3A_1398] : memref<100096x8xf32, #tpu.memory_space<vmem_shared>> -> memref<100096x8xf32, #tpu.memory_space<vmem_shared>>
        tpu.wait_indirect_dma semaphore(%arg32 : memref<!tpu.dma_semaphore, #tpu.memory_space<semaphore_mem>>) src(%dma_wait3A_1393 : memref<128x8xf32, #tpu.memory_space<vmem>>) dst(%dma_wait3A_1399 : memref<100096x8xf32, #tpu.memory_space<vmem_shared>>)
        %dma_wait3A_1400 = arith.constant 3 : i32
        %dma_wait3A_1401 = arith.constant 384 : i32
        %dma_wait3A_1402 = arith.constant 0 : i32
        %dma_wait3A_1403 = tpu.memref_slice %arg23[%dma_wait3A_1401, %dma_wait3A_1402] : memref<512x8xf32, #tpu.memory_space<vmem>> -> memref<128x8xf32, #tpu.memory_space<vmem>>
        %dma_wait3A_1404 = arith.constant 0 : i32
        %dma_wait3A_1405 = tpu.memref_slice %arg21[%dma_wait3A_1400, %dma_wait3A_1404] : memref<4x128xi32, #tpu.memory_space<vmem>> -> memref<1x128xi32, #tpu.memory_space<vmem>>
        %dma_wait3A_1406 = tpu.memref_squeeze %dma_wait3A_1405 : memref<1x128xi32, #tpu.memory_space<vmem>> -> memref<128xi32, #tpu.memory_space<vmem>>
        %dma_wait3A_1407 = arith.constant 0 : i32
        %dma_wait3A_1408 = arith.constant 0 : i32
        %dma_wait3A_1409 = tpu.memref_slice %arg27[%dma_wait3A_1407, %dma_wait3A_1408] : memref<100096x8xf32, #tpu.memory_space<vmem_shared>> -> memref<100096x8xf32, #tpu.memory_space<vmem_shared>>
        tpu.wait_indirect_dma semaphore(%arg32 : memref<!tpu.dma_semaphore, #tpu.memory_space<semaphore_mem>>) src(%dma_wait3A_1403 : memref<128x8xf32, #tpu.memory_space<vmem>>) dst(%dma_wait3A_1409 : memref<100096x8xf32, #tpu.memory_space<vmem_shared>>)
        %dma_wait3A_1410 = arith.constant 3 : i32
        %dma_wait3A_1411 = arith.constant 384 : i32
        %dma_wait3A_1412 = arith.constant 0 : i32
        %dma_wait3A_1413 = tpu.memref_slice %arg24[%dma_wait3A_1411, %dma_wait3A_1412] : memref<512x8xf32, #tpu.memory_space<vmem>> -> memref<128x8xf32, #tpu.memory_space<vmem>>
        %dma_wait3A_1414 = arith.constant 0 : i32
        %dma_wait3A_1415 = tpu.memref_slice %arg22[%dma_wait3A_1410, %dma_wait3A_1414] : memref<4x128xi32, #tpu.memory_space<vmem>> -> memref<1x128xi32, #tpu.memory_space<vmem>>
        %dma_wait3A_1416 = tpu.memref_squeeze %dma_wait3A_1415 : memref<1x128xi32, #tpu.memory_space<vmem>> -> memref<128xi32, #tpu.memory_space<vmem>>
        %dma_wait3A_1417 = arith.constant 0 : i32
        %dma_wait3A_1418 = arith.constant 0 : i32
        %dma_wait3A_1419 = tpu.memref_slice %arg27[%dma_wait3A_1417, %dma_wait3A_1418] : memref<100096x8xf32, #tpu.memory_space<vmem_shared>> -> memref<100096x8xf32, #tpu.memory_space<vmem_shared>>
        tpu.wait_indirect_dma semaphore(%arg32 : memref<!tpu.dma_semaphore, #tpu.memory_space<semaphore_mem>>) src(%dma_wait3A_1413 : memref<128x8xf32, #tpu.memory_space<vmem>>) dst(%dma_wait3A_1419 : memref<100096x8xf32, #tpu.memory_space<vmem_shared>>)
        %dma_wait3A_1420 = arith.constant 3 : i32
        %dma_wait3A_1421 = arith.constant 384 : i32
        %dma_wait3A_1422 = arith.constant 0 : i32
        %dma_wait3A_1423 = tpu.memref_slice %arg25[%dma_wait3A_1421, %dma_wait3A_1422] : memref<512x8xf32, #tpu.memory_space<vmem>> -> memref<128x8xf32, #tpu.memory_space<vmem>>
        %dma_wait3A_1424 = arith.constant 0 : i32
        %dma_wait3A_1425 = tpu.memref_slice %arg22[%dma_wait3A_1420, %dma_wait3A_1424] : memref<4x128xi32, #tpu.memory_space<vmem>> -> memref<1x128xi32, #tpu.memory_space<vmem>>
        %dma_wait3A_1426 = tpu.memref_squeeze %dma_wait3A_1425 : memref<1x128xi32, #tpu.memory_space<vmem>> -> memref<128xi32, #tpu.memory_space<vmem>>
        %dma_wait3A_1427 = arith.constant 0 : i32
        %dma_wait3A_1428 = arith.constant 0 : i32
        %dma_wait3A_1429 = tpu.memref_slice %arg28[%dma_wait3A_1427, %dma_wait3A_1428] : memref<100096x8xf32, #tpu.memory_space<vmem_shared>> -> memref<100096x8xf32, #tpu.memory_space<vmem_shared>>
        tpu.wait_indirect_dma semaphore(%arg32 : memref<!tpu.dma_semaphore, #tpu.memory_space<semaphore_mem>>) src(%dma_wait3A_1423 : memref<128x8xf32, #tpu.memory_space<vmem>>) dst(%dma_wait3A_1429 : memref<100096x8xf32, #tpu.memory_space<vmem_shared>>)
      } else {
      }
      %add3A_491 = arith.constant 1 : i32
      %add3A_492 = arith.addi %mul3A_281, %add3A_491 : i32
      %mul3A_493 = arith.constant 512 : i32
      %mul3A_494 = arith.muli %add3A_492, %mul3A_493 : i32
      %dma_start3A_495 = tpu.memref_slice %arg2[%mul3A_494] : memref<3200000xf32, #tpu.memory_space<hbm>> -> memref<512xf32, #tpu.memory_space<hbm>>
      %dma_start3A_496 = tpu.memref_slice %arg2[%mul3A_494] : memref<3200000xf32, #tpu.memory_space<hbm>> -> memref<512xf32, #tpu.memory_space<hbm>>
      tpu.enqueue_dma source(%dma_start3A_496 : memref<512xf32, #tpu.memory_space<hbm>>) target(%arg18 : memref<512xf32, #tpu.memory_space<vmem>>) target_semaphore(%arg30 : memref<!tpu.dma_semaphore, #tpu.memory_space<semaphore_mem>>)
      %dma_start3A_497 = tpu.memref_slice %arg3[%mul3A_494] : memref<3200000xf32, #tpu.memory_space<hbm>> -> memref<512xf32, #tpu.memory_space<hbm>>
      %dma_start3A_498 = tpu.memref_slice %arg3[%mul3A_494] : memref<3200000xf32, #tpu.memory_space<hbm>> -> memref<512xf32, #tpu.memory_space<hbm>>
      tpu.enqueue_dma source(%dma_start3A_498 : memref<512xf32, #tpu.memory_space<hbm>>) target(%arg19 : memref<512xf32, #tpu.memory_space<vmem>>) target_semaphore(%arg30 : memref<!tpu.dma_semaphore, #tpu.memory_space<semaphore_mem>>)
      %dma_start3A_499 = tpu.memref_slice %arg4[%mul3A_494] : memref<3200000xf32, #tpu.memory_space<hbm>> -> memref<512xf32, #tpu.memory_space<hbm>>
      %dma_start3A_500 = tpu.memref_slice %arg4[%mul3A_494] : memref<3200000xf32, #tpu.memory_space<hbm>> -> memref<512xf32, #tpu.memory_space<hbm>>
      tpu.enqueue_dma source(%dma_start3A_500 : memref<512xf32, #tpu.memory_space<hbm>>) target(%arg20 : memref<512xf32, #tpu.memory_space<vmem>>) target_semaphore(%arg30 : memref<!tpu.dma_semaphore, #tpu.memory_space<semaphore_mem>>)
      %mul3A_501 = arith.constant 4 : i32
      %mul3A_502 = arith.muli %add3A_492, %mul3A_501 : i32
      %add3A_503 = arith.constant 0 : i32
      %add3A_504 = arith.addi %mul3A_502, %add3A_503 : i32
      %dma_start3A_505 = arith.constant 0 : i32
      %dma_start3A_506 = arith.constant 0 : i32
      %dma_start3A_507 = arith.constant 0 : i32
      %dma_start3A_508 = tpu.memref_slice %arg21[%dma_start3A_506, %dma_start3A_507] : memref<4x128xi32, #tpu.memory_space<vmem>> -> memref<1x128xi32, #tpu.memory_space<vmem>>
      %dma_start3A_509 = tpu.memref_squeeze %dma_start3A_508 : memref<1x128xi32, #tpu.memory_space<vmem>> -> memref<128xi32, #tpu.memory_space<vmem>>
      %dma_start3A_510 = arith.constant 0 : i32
      %dma_start3A_511 = arith.constant 0 : i32
      %dma_start3A_512 = tpu.memref_slice %arg5[%add3A_504, %dma_start3A_510, %dma_start3A_511] : memref<25000x2x128xi32, #tpu.memory_space<hbm>> -> memref<1x2x128xi32, #tpu.memory_space<hbm>>
      %dma_start3A_513 = tpu.memref_squeeze %dma_start3A_512 : memref<1x2x128xi32, #tpu.memory_space<hbm>> -> memref<2x128xi32, #tpu.memory_space<hbm>>
      %dma_start3A_514 = arith.constant 0 : i32
      %dma_start3A_515 = tpu.memref_slice %dma_start3A_513[%dma_start3A_505, %dma_start3A_514] : memref<2x128xi32, #tpu.memory_space<hbm>> -> memref<1x128xi32, #tpu.memory_space<hbm>>
      %dma_start3A_516 = tpu.memref_squeeze %dma_start3A_515 : memref<1x128xi32, #tpu.memory_space<hbm>> -> memref<128xi32, #tpu.memory_space<hbm>>
      %dma_start3A_517 = arith.constant 0 : i32
      %dma_start3A_518 = tpu.memref_slice %arg21[%dma_start3A_506, %dma_start3A_517] : memref<4x128xi32, #tpu.memory_space<vmem>> -> memref<1x128xi32, #tpu.memory_space<vmem>>
      %dma_start3A_519 = tpu.memref_squeeze %dma_start3A_518 : memref<1x128xi32, #tpu.memory_space<vmem>> -> memref<128xi32, #tpu.memory_space<vmem>>
      %dma_start3A_520 = arith.constant 0 : i32
      %dma_start3A_521 = arith.constant 0 : i32
      %dma_start3A_522 = tpu.memref_slice %arg5[%add3A_504, %dma_start3A_520, %dma_start3A_521] : memref<25000x2x128xi32, #tpu.memory_space<hbm>> -> memref<1x2x128xi32, #tpu.memory_space<hbm>>
      %dma_start3A_523 = tpu.memref_squeeze %dma_start3A_522 : memref<1x2x128xi32, #tpu.memory_space<hbm>> -> memref<2x128xi32, #tpu.memory_space<hbm>>
      %dma_start3A_524 = arith.constant 0 : i32
      %dma_start3A_525 = tpu.memref_slice %dma_start3A_523[%dma_start3A_505, %dma_start3A_524] : memref<2x128xi32, #tpu.memory_space<hbm>> -> memref<1x128xi32, #tpu.memory_space<hbm>>
      %dma_start3A_526 = tpu.memref_squeeze %dma_start3A_525 : memref<1x128xi32, #tpu.memory_space<hbm>> -> memref<128xi32, #tpu.memory_space<hbm>>
      tpu.enqueue_dma source(%dma_start3A_526 : memref<128xi32, #tpu.memory_space<hbm>>) target(%dma_start3A_519 : memref<128xi32, #tpu.memory_space<vmem>>) target_semaphore(%arg30 : memref<!tpu.dma_semaphore, #tpu.memory_space<semaphore_mem>>)
      %add3A_527 = arith.constant 0 : i32
      %add3A_528 = arith.addi %mul3A_502, %add3A_527 : i32
      %dma_start3A_529 = arith.constant 1 : i32
      %dma_start3A_530 = arith.constant 0 : i32
      %dma_start3A_531 = arith.constant 0 : i32
      %dma_start3A_532 = tpu.memref_slice %arg22[%dma_start3A_530, %dma_start3A_531] : memref<4x128xi32, #tpu.memory_space<vmem>> -> memref<1x128xi32, #tpu.memory_space<vmem>>
      %dma_start3A_533 = tpu.memref_squeeze %dma_start3A_532 : memref<1x128xi32, #tpu.memory_space<vmem>> -> memref<128xi32, #tpu.memory_space<vmem>>
      %dma_start3A_534 = arith.constant 0 : i32
      %dma_start3A_535 = arith.constant 0 : i32
      %dma_start3A_536 = tpu.memref_slice %arg5[%add3A_528, %dma_start3A_534, %dma_start3A_535] : memref<25000x2x128xi32, #tpu.memory_space<hbm>> -> memref<1x2x128xi32, #tpu.memory_space<hbm>>
      %dma_start3A_537 = tpu.memref_squeeze %dma_start3A_536 : memref<1x2x128xi32, #tpu.memory_space<hbm>> -> memref<2x128xi32, #tpu.memory_space<hbm>>
      %dma_start3A_538 = arith.constant 0 : i32
      %dma_start3A_539 = tpu.memref_slice %dma_start3A_537[%dma_start3A_529, %dma_start3A_538] : memref<2x128xi32, #tpu.memory_space<hbm>> -> memref<1x128xi32, #tpu.memory_space<hbm>>
      %dma_start3A_540 = tpu.memref_squeeze %dma_start3A_539 : memref<1x128xi32, #tpu.memory_space<hbm>> -> memref<128xi32, #tpu.memory_space<hbm>>
      %dma_start3A_541 = arith.constant 0 : i32
      %dma_start3A_542 = tpu.memref_slice %arg22[%dma_start3A_530, %dma_start3A_541] : memref<4x128xi32, #tpu.memory_space<vmem>> -> memref<1x128xi32, #tpu.memory_space<vmem>>
      %dma_start3A_543 = tpu.memref_squeeze %dma_start3A_542 : memref<1x128xi32, #tpu.memory_space<vmem>> -> memref<128xi32, #tpu.memory_space<vmem>>
      %dma_start3A_544 = arith.constant 0 : i32
      %dma_start3A_545 = arith.constant 0 : i32
      %dma_start3A_546 = tpu.memref_slice %arg5[%add3A_528, %dma_start3A_544, %dma_start3A_545] : memref<25000x2x128xi32, #tpu.memory_space<hbm>> -> memref<1x2x128xi32, #tpu.memory_space<hbm>>
      %dma_start3A_547 = tpu.memref_squeeze %dma_start3A_546 : memref<1x2x128xi32, #tpu.memory_space<hbm>> -> memref<2x128xi32, #tpu.memory_space<hbm>>
      %dma_start3A_548 = arith.constant 0 : i32
      %dma_start3A_549 = tpu.memref_slice %dma_start3A_547[%dma_start3A_529, %dma_start3A_548] : memref<2x128xi32, #tpu.memory_space<hbm>> -> memref<1x128xi32, #tpu.memory_space<hbm>>
      %dma_start3A_550 = tpu.memref_squeeze %dma_start3A_549 : memref<1x128xi32, #tpu.memory_space<hbm>> -> memref<128xi32, #tpu.memory_space<hbm>>
      tpu.enqueue_dma source(%dma_start3A_550 : memref<128xi32, #tpu.memory_space<hbm>>) target(%dma_start3A_543 : memref<128xi32, #tpu.memory_space<vmem>>) target_semaphore(%arg30 : memref<!tpu.dma_semaphore, #tpu.memory_space<semaphore_mem>>)
      %add3A_551 = arith.constant 1 : i32
      %add3A_552 = arith.addi %mul3A_502, %add3A_551 : i32
      %dma_start3A_553 = arith.constant 0 : i32
      %dma_start3A_554 = arith.constant 1 : i32
      %dma_start3A_555 = arith.constant 0 : i32
      %dma_start3A_556 = tpu.memref_slice %arg21[%dma_start3A_554, %dma_start3A_555] : memref<4x128xi32, #tpu.memory_space<vmem>> -> memref<1x128xi32, #tpu.memory_space<vmem>>
      %dma_start3A_557 = tpu.memref_squeeze %dma_start3A_556 : memref<1x128xi32, #tpu.memory_space<vmem>> -> memref<128xi32, #tpu.memory_space<vmem>>
      %dma_start3A_558 = arith.constant 0 : i32
      %dma_start3A_559 = arith.constant 0 : i32
      %dma_start3A_560 = tpu.memref_slice %arg5[%add3A_552, %dma_start3A_558, %dma_start3A_559] : memref<25000x2x128xi32, #tpu.memory_space<hbm>> -> memref<1x2x128xi32, #tpu.memory_space<hbm>>
      %dma_start3A_561 = tpu.memref_squeeze %dma_start3A_560 : memref<1x2x128xi32, #tpu.memory_space<hbm>> -> memref<2x128xi32, #tpu.memory_space<hbm>>
      %dma_start3A_562 = arith.constant 0 : i32
      %dma_start3A_563 = tpu.memref_slice %dma_start3A_561[%dma_start3A_553, %dma_start3A_562] : memref<2x128xi32, #tpu.memory_space<hbm>> -> memref<1x128xi32, #tpu.memory_space<hbm>>
      %dma_start3A_564 = tpu.memref_squeeze %dma_start3A_563 : memref<1x128xi32, #tpu.memory_space<hbm>> -> memref<128xi32, #tpu.memory_space<hbm>>
      %dma_start3A_565 = arith.constant 0 : i32
      %dma_start3A_566 = tpu.memref_slice %arg21[%dma_start3A_554, %dma_start3A_565] : memref<4x128xi32, #tpu.memory_space<vmem>> -> memref<1x128xi32, #tpu.memory_space<vmem>>
      %dma_start3A_567 = tpu.memref_squeeze %dma_start3A_566 : memref<1x128xi32, #tpu.memory_space<vmem>> -> memref<128xi32, #tpu.memory_space<vmem>>
      %dma_start3A_568 = arith.constant 0 : i32
      %dma_start3A_569 = arith.constant 0 : i32
      %dma_start3A_570 = tpu.memref_slice %arg5[%add3A_552, %dma_start3A_568, %dma_start3A_569] : memref<25000x2x128xi32, #tpu.memory_space<hbm>> -> memref<1x2x128xi32, #tpu.memory_space<hbm>>
      %dma_start3A_571 = tpu.memref_squeeze %dma_start3A_570 : memref<1x2x128xi32, #tpu.memory_space<hbm>> -> memref<2x128xi32, #tpu.memory_space<hbm>>
      %dma_start3A_572 = arith.constant 0 : i32
      %dma_start3A_573 = tpu.memref_slice %dma_start3A_571[%dma_start3A_553, %dma_start3A_572] : memref<2x128xi32, #tpu.memory_space<hbm>> -> memref<1x128xi32, #tpu.memory_space<hbm>>
      %dma_start3A_574 = tpu.memref_squeeze %dma_start3A_573 : memref<1x128xi32, #tpu.memory_space<hbm>> -> memref<128xi32, #tpu.memory_space<hbm>>
      tpu.enqueue_dma source(%dma_start3A_574 : memref<128xi32, #tpu.memory_space<hbm>>) target(%dma_start3A_567 : memref<128xi32, #tpu.memory_space<vmem>>) target_semaphore(%arg30 : memref<!tpu.dma_semaphore, #tpu.memory_space<semaphore_mem>>)
      %add3A_575 = arith.constant 1 : i32
      %add3A_576 = arith.addi %mul3A_502, %add3A_575 : i32
      %dma_start3A_577 = arith.constant 1 : i32
      %dma_start3A_578 = arith.constant 1 : i32
      %dma_start3A_579 = arith.constant 0 : i32
      %dma_start3A_580 = tpu.memref_slice %arg22[%dma_start3A_578, %dma_start3A_579] : memref<4x128xi32, #tpu.memory_space<vmem>> -> memref<1x128xi32, #tpu.memory_space<vmem>>
      %dma_start3A_581 = tpu.memref_squeeze %dma_start3A_580 : memref<1x128xi32, #tpu.memory_space<vmem>> -> memref<128xi32, #tpu.memory_space<vmem>>
      %dma_start3A_582 = arith.constant 0 : i32
      %dma_start3A_583 = arith.constant 0 : i32
      %dma_start3A_584 = tpu.memref_slice %arg5[%add3A_576, %dma_start3A_582, %dma_start3A_583] : memref<25000x2x128xi32, #tpu.memory_space<hbm>> -> memref<1x2x128xi32, #tpu.memory_space<hbm>>
      %dma_start3A_585 = tpu.memref_squeeze %dma_start3A_584 : memref<1x2x128xi32, #tpu.memory_space<hbm>> -> memref<2x128xi32, #tpu.memory_space<hbm>>
      %dma_start3A_586 = arith.constant 0 : i32
      %dma_start3A_587 = tpu.memref_slice %dma_start3A_585[%dma_start3A_577, %dma_start3A_586] : memref<2x128xi32, #tpu.memory_space<hbm>> -> memref<1x128xi32, #tpu.memory_space<hbm>>
      %dma_start3A_588 = tpu.memref_squeeze %dma_start3A_587 : memref<1x128xi32, #tpu.memory_space<hbm>> -> memref<128xi32, #tpu.memory_space<hbm>>
      %dma_start3A_589 = arith.constant 0 : i32
      %dma_start3A_590 = tpu.memref_slice %arg22[%dma_start3A_578, %dma_start3A_589] : memref<4x128xi32, #tpu.memory_space<vmem>> -> memref<1x128xi32, #tpu.memory_space<vmem>>
      %dma_start3A_591 = tpu.memref_squeeze %dma_start3A_590 : memref<1x128xi32, #tpu.memory_space<vmem>> -> memref<128xi32, #tpu.memory_space<vmem>>
      %dma_start3A_592 = arith.constant 0 : i32
      %dma_start3A_593 = arith.constant 0 : i32
      %dma_start3A_594 = tpu.memref_slice %arg5[%add3A_576, %dma_start3A_592, %dma_start3A_593] : memref<25000x2x128xi32, #tpu.memory_space<hbm>> -> memref<1x2x128xi32, #tpu.memory_space<hbm>>
      %dma_start3A_595 = tpu.memref_squeeze %dma_start3A_594 : memref<1x2x128xi32, #tpu.memory_space<hbm>> -> memref<2x128xi32, #tpu.memory_space<hbm>>
      %dma_start3A_596 = arith.constant 0 : i32
      %dma_start3A_597 = tpu.memref_slice %dma_start3A_595[%dma_start3A_577, %dma_start3A_596] : memref<2x128xi32, #tpu.memory_space<hbm>> -> memref<1x128xi32, #tpu.memory_space<hbm>>
      %dma_start3A_598 = tpu.memref_squeeze %dma_start3A_597 : memref<1x128xi32, #tpu.memory_space<hbm>> -> memref<128xi32, #tpu.memory_space<hbm>>
      tpu.enqueue_dma source(%dma_start3A_598 : memref<128xi32, #tpu.memory_space<hbm>>) target(%dma_start3A_591 : memref<128xi32, #tpu.memory_space<vmem>>) target_semaphore(%arg30 : memref<!tpu.dma_semaphore, #tpu.memory_space<semaphore_mem>>)
      %add3A_599 = arith.constant 2 : i32
      %add3A_600 = arith.addi %mul3A_502, %add3A_599 : i32
      %dma_start3A_601 = arith.constant 0 : i32
      %dma_start3A_602 = arith.constant 2 : i32
      %dma_start3A_603 = arith.constant 0 : i32
      %dma_start3A_604 = tpu.memref_slice %arg21[%dma_start3A_602, %dma_start3A_603] : memref<4x128xi32, #tpu.memory_space<vmem>> -> memref<1x128xi32, #tpu.memory_space<vmem>>
      %dma_start3A_605 = tpu.memref_squeeze %dma_start3A_604 : memref<1x128xi32, #tpu.memory_space<vmem>> -> memref<128xi32, #tpu.memory_space<vmem>>
      %dma_start3A_606 = arith.constant 0 : i32
      %dma_start3A_607 = arith.constant 0 : i32
      %dma_start3A_608 = tpu.memref_slice %arg5[%add3A_600, %dma_start3A_606, %dma_start3A_607] : memref<25000x2x128xi32, #tpu.memory_space<hbm>> -> memref<1x2x128xi32, #tpu.memory_space<hbm>>
      %dma_start3A_609 = tpu.memref_squeeze %dma_start3A_608 : memref<1x2x128xi32, #tpu.memory_space<hbm>> -> memref<2x128xi32, #tpu.memory_space<hbm>>
      %dma_start3A_610 = arith.constant 0 : i32
      %dma_start3A_611 = tpu.memref_slice %dma_start3A_609[%dma_start3A_601, %dma_start3A_610] : memref<2x128xi32, #tpu.memory_space<hbm>> -> memref<1x128xi32, #tpu.memory_space<hbm>>
      %dma_start3A_612 = tpu.memref_squeeze %dma_start3A_611 : memref<1x128xi32, #tpu.memory_space<hbm>> -> memref<128xi32, #tpu.memory_space<hbm>>
      %dma_start3A_613 = arith.constant 0 : i32
      %dma_start3A_614 = tpu.memref_slice %arg21[%dma_start3A_602, %dma_start3A_613] : memref<4x128xi32, #tpu.memory_space<vmem>> -> memref<1x128xi32, #tpu.memory_space<vmem>>
      %dma_start3A_615 = tpu.memref_squeeze %dma_start3A_614 : memref<1x128xi32, #tpu.memory_space<vmem>> -> memref<128xi32, #tpu.memory_space<vmem>>
      %dma_start3A_616 = arith.constant 0 : i32
      %dma_start3A_617 = arith.constant 0 : i32
      %dma_start3A_618 = tpu.memref_slice %arg5[%add3A_600, %dma_start3A_616, %dma_start3A_617] : memref<25000x2x128xi32, #tpu.memory_space<hbm>> -> memref<1x2x128xi32, #tpu.memory_space<hbm>>
      %dma_start3A_619 = tpu.memref_squeeze %dma_start3A_618 : memref<1x2x128xi32, #tpu.memory_space<hbm>> -> memref<2x128xi32, #tpu.memory_space<hbm>>
      %dma_start3A_620 = arith.constant 0 : i32
      %dma_start3A_621 = tpu.memref_slice %dma_start3A_619[%dma_start3A_601, %dma_start3A_620] : memref<2x128xi32, #tpu.memory_space<hbm>> -> memref<1x128xi32, #tpu.memory_space<hbm>>
      %dma_start3A_622 = tpu.memref_squeeze %dma_start3A_621 : memref<1x128xi32, #tpu.memory_space<hbm>> -> memref<128xi32, #tpu.memory_space<hbm>>
      tpu.enqueue_dma source(%dma_start3A_622 : memref<128xi32, #tpu.memory_space<hbm>>) target(%dma_start3A_615 : memref<128xi32, #tpu.memory_space<vmem>>) target_semaphore(%arg30 : memref<!tpu.dma_semaphore, #tpu.memory_space<semaphore_mem>>)
      %add3A_623 = arith.constant 2 : i32
      %add3A_624 = arith.addi %mul3A_502, %add3A_623 : i32
      %dma_start3A_625 = arith.constant 1 : i32
      %dma_start3A_626 = arith.constant 2 : i32
      %dma_start3A_627 = arith.constant 0 : i32
      %dma_start3A_628 = tpu.memref_slice %arg22[%dma_start3A_626, %dma_start3A_627] : memref<4x128xi32, #tpu.memory_space<vmem>> -> memref<1x128xi32, #tpu.memory_space<vmem>>
      %dma_start3A_629 = tpu.memref_squeeze %dma_start3A_628 : memref<1x128xi32, #tpu.memory_space<vmem>> -> memref<128xi32, #tpu.memory_space<vmem>>
      %dma_start3A_630 = arith.constant 0 : i32
      %dma_start3A_631 = arith.constant 0 : i32
      %dma_start3A_632 = tpu.memref_slice %arg5[%add3A_624, %dma_start3A_630, %dma_start3A_631] : memref<25000x2x128xi32, #tpu.memory_space<hbm>> -> memref<1x2x128xi32, #tpu.memory_space<hbm>>
      %dma_start3A_633 = tpu.memref_squeeze %dma_start3A_632 : memref<1x2x128xi32, #tpu.memory_space<hbm>> -> memref<2x128xi32, #tpu.memory_space<hbm>>
      %dma_start3A_634 = arith.constant 0 : i32
      %dma_start3A_635 = tpu.memref_slice %dma_start3A_633[%dma_start3A_625, %dma_start3A_634] : memref<2x128xi32, #tpu.memory_space<hbm>> -> memref<1x128xi32, #tpu.memory_space<hbm>>
      %dma_start3A_636 = tpu.memref_squeeze %dma_start3A_635 : memref<1x128xi32, #tpu.memory_space<hbm>> -> memref<128xi32, #tpu.memory_space<hbm>>
      %dma_start3A_637 = arith.constant 0 : i32
      %dma_start3A_638 = tpu.memref_slice %arg22[%dma_start3A_626, %dma_start3A_637] : memref<4x128xi32, #tpu.memory_space<vmem>> -> memref<1x128xi32, #tpu.memory_space<vmem>>
      %dma_start3A_639 = tpu.memref_squeeze %dma_start3A_638 : memref<1x128xi32, #tpu.memory_space<vmem>> -> memref<128xi32, #tpu.memory_space<vmem>>
      %dma_start3A_640 = arith.constant 0 : i32
      %dma_start3A_641 = arith.constant 0 : i32
      %dma_start3A_642 = tpu.memref_slice %arg5[%add3A_624, %dma_start3A_640, %dma_start3A_641] : memref<25000x2x128xi32, #tpu.memory_space<hbm>> -> memref<1x2x128xi32, #tpu.memory_space<hbm>>
      %dma_start3A_643 = tpu.memref_squeeze %dma_start3A_642 : memref<1x2x128xi32, #tpu.memory_space<hbm>> -> memref<2x128xi32, #tpu.memory_space<hbm>>
      %dma_start3A_644 = arith.constant 0 : i32
      %dma_start3A_645 = tpu.memref_slice %dma_start3A_643[%dma_start3A_625, %dma_start3A_644] : memref<2x128xi32, #tpu.memory_space<hbm>> -> memref<1x128xi32, #tpu.memory_space<hbm>>
      %dma_start3A_646 = tpu.memref_squeeze %dma_start3A_645 : memref<1x128xi32, #tpu.memory_space<hbm>> -> memref<128xi32, #tpu.memory_space<hbm>>
      tpu.enqueue_dma source(%dma_start3A_646 : memref<128xi32, #tpu.memory_space<hbm>>) target(%dma_start3A_639 : memref<128xi32, #tpu.memory_space<vmem>>) target_semaphore(%arg30 : memref<!tpu.dma_semaphore, #tpu.memory_space<semaphore_mem>>)
      %add3A_647 = arith.constant 3 : i32
      %add3A_648 = arith.addi %mul3A_502, %add3A_647 : i32
      %dma_start3A_649 = arith.constant 0 : i32
      %dma_start3A_650 = arith.constant 3 : i32
      %dma_start3A_651 = arith.constant 0 : i32
      %dma_start3A_652 = tpu.memref_slice %arg21[%dma_start3A_650, %dma_start3A_651] : memref<4x128xi32, #tpu.memory_space<vmem>> -> memref<1x128xi32, #tpu.memory_space<vmem>>
      %dma_start3A_653 = tpu.memref_squeeze %dma_start3A_652 : memref<1x128xi32, #tpu.memory_space<vmem>> -> memref<128xi32, #tpu.memory_space<vmem>>
      %dma_start3A_654 = arith.constant 0 : i32
      %dma_start3A_655 = arith.constant 0 : i32
      %dma_start3A_656 = tpu.memref_slice %arg5[%add3A_648, %dma_start3A_654, %dma_start3A_655] : memref<25000x2x128xi32, #tpu.memory_space<hbm>> -> memref<1x2x128xi32, #tpu.memory_space<hbm>>
      %dma_start3A_657 = tpu.memref_squeeze %dma_start3A_656 : memref<1x2x128xi32, #tpu.memory_space<hbm>> -> memref<2x128xi32, #tpu.memory_space<hbm>>
      %dma_start3A_658 = arith.constant 0 : i32
      %dma_start3A_659 = tpu.memref_slice %dma_start3A_657[%dma_start3A_649, %dma_start3A_658] : memref<2x128xi32, #tpu.memory_space<hbm>> -> memref<1x128xi32, #tpu.memory_space<hbm>>
      %dma_start3A_660 = tpu.memref_squeeze %dma_start3A_659 : memref<1x128xi32, #tpu.memory_space<hbm>> -> memref<128xi32, #tpu.memory_space<hbm>>
      %dma_start3A_661 = arith.constant 0 : i32
      %dma_start3A_662 = tpu.memref_slice %arg21[%dma_start3A_650, %dma_start3A_661] : memref<4x128xi32, #tpu.memory_space<vmem>> -> memref<1x128xi32, #tpu.memory_space<vmem>>
      %dma_start3A_663 = tpu.memref_squeeze %dma_start3A_662 : memref<1x128xi32, #tpu.memory_space<vmem>> -> memref<128xi32, #tpu.memory_space<vmem>>
      %dma_start3A_664 = arith.constant 0 : i32
      %dma_start3A_665 = arith.constant 0 : i32
      %dma_start3A_666 = tpu.memref_slice %arg5[%add3A_648, %dma_start3A_664, %dma_start3A_665] : memref<25000x2x128xi32, #tpu.memory_space<hbm>> -> memref<1x2x128xi32, #tpu.memory_space<hbm>>
      %dma_start3A_667 = tpu.memref_squeeze %dma_start3A_666 : memref<1x2x128xi32, #tpu.memory_space<hbm>> -> memref<2x128xi32, #tpu.memory_space<hbm>>
      %dma_start3A_668 = arith.constant 0 : i32
      %dma_start3A_669 = tpu.memref_slice %dma_start3A_667[%dma_start3A_649, %dma_start3A_668] : memref<2x128xi32, #tpu.memory_space<hbm>> -> memref<1x128xi32, #tpu.memory_space<hbm>>
      %dma_start3A_670 = tpu.memref_squeeze %dma_start3A_669 : memref<1x128xi32, #tpu.memory_space<hbm>> -> memref<128xi32, #tpu.memory_space<hbm>>
      tpu.enqueue_dma source(%dma_start3A_670 : memref<128xi32, #tpu.memory_space<hbm>>) target(%dma_start3A_663 : memref<128xi32, #tpu.memory_space<vmem>>) target_semaphore(%arg30 : memref<!tpu.dma_semaphore, #tpu.memory_space<semaphore_mem>>)
      %add3A_671 = arith.constant 3 : i32
      %add3A_672 = arith.addi %mul3A_502, %add3A_671 : i32
      %dma_start3A_673 = arith.constant 1 : i32
      %dma_start3A_674 = arith.constant 3 : i32
      %dma_start3A_675 = arith.constant 0 : i32
      %dma_start3A_676 = tpu.memref_slice %arg22[%dma_start3A_674, %dma_start3A_675] : memref<4x128xi32, #tpu.memory_space<vmem>> -> memref<1x128xi32, #tpu.memory_space<vmem>>
      %dma_start3A_677 = tpu.memref_squeeze %dma_start3A_676 : memref<1x128xi32, #tpu.memory_space<vmem>> -> memref<128xi32, #tpu.memory_space<vmem>>
      %dma_start3A_678 = arith.constant 0 : i32
      %dma_start3A_679 = arith.constant 0 : i32
      %dma_start3A_680 = tpu.memref_slice %arg5[%add3A_672, %dma_start3A_678, %dma_start3A_679] : memref<25000x2x128xi32, #tpu.memory_space<hbm>> -> memref<1x2x128xi32, #tpu.memory_space<hbm>>
      %dma_start3A_681 = tpu.memref_squeeze %dma_start3A_680 : memref<1x2x128xi32, #tpu.memory_space<hbm>> -> memref<2x128xi32, #tpu.memory_space<hbm>>
      %dma_start3A_682 = arith.constant 0 : i32
      %dma_start3A_683 = tpu.memref_slice %dma_start3A_681[%dma_start3A_673, %dma_start3A_682] : memref<2x128xi32, #tpu.memory_space<hbm>> -> memref<1x128xi32, #tpu.memory_space<hbm>>
      %dma_start3A_684 = tpu.memref_squeeze %dma_start3A_683 : memref<1x128xi32, #tpu.memory_space<hbm>> -> memref<128xi32, #tpu.memory_space<hbm>>
      %dma_start3A_685 = arith.constant 0 : i32
      %dma_start3A_686 = tpu.memref_slice %arg22[%dma_start3A_674, %dma_start3A_685] : memref<4x128xi32, #tpu.memory_space<vmem>> -> memref<1x128xi32, #tpu.memory_space<vmem>>
      %dma_start3A_687 = tpu.memref_squeeze %dma_start3A_686 : memref<1x128xi32, #tpu.memory_space<vmem>> -> memref<128xi32, #tpu.memory_space<vmem>>
      %dma_start3A_688 = arith.constant 0 : i32
      %dma_start3A_689 = arith.constant 0 : i32
      %dma_start3A_690 = tpu.memref_slice %arg5[%add3A_672, %dma_start3A_688, %dma_start3A_689] : memref<25000x2x128xi32, #tpu.memory_space<hbm>> -> memref<1x2x128xi32, #tpu.memory_space<hbm>>
      %dma_start3A_691 = tpu.memref_squeeze %dma_start3A_690 : memref<1x2x128xi32, #tpu.memory_space<hbm>> -> memref<2x128xi32, #tpu.memory_space<hbm>>
      %dma_start3A_692 = arith.constant 0 : i32
      %dma_start3A_693 = tpu.memref_slice %dma_start3A_691[%dma_start3A_673, %dma_start3A_692] : memref<2x128xi32, #tpu.memory_space<hbm>> -> memref<1x128xi32, #tpu.memory_space<hbm>>
      %dma_start3A_694 = tpu.memref_squeeze %dma_start3A_693 : memref<1x128xi32, #tpu.memory_space<hbm>> -> memref<128xi32, #tpu.memory_space<hbm>>
      tpu.enqueue_dma source(%dma_start3A_694 : memref<128xi32, #tpu.memory_space<hbm>>) target(%dma_start3A_687 : memref<128xi32, #tpu.memory_space<vmem>>) target_semaphore(%arg30 : memref<!tpu.dma_semaphore, #tpu.memory_space<semaphore_mem>>)
      %dma_wait3A_695 = tpu.memref_slice %arg2[%mul3A_286] : memref<3200000xf32, #tpu.memory_space<hbm>> -> memref<512xf32, #tpu.memory_space<hbm>>
      %dma_wait3A_696 = tpu.memref_slice %arg2[%mul3A_286] : memref<3200000xf32, #tpu.memory_space<hbm>> -> memref<512xf32, #tpu.memory_space<hbm>>
      tpu.wait_dma2 semaphore(%arg29 : memref<!tpu.dma_semaphore, #tpu.memory_space<semaphore_mem>>) src(%dma_wait3A_696 : memref<512xf32, #tpu.memory_space<hbm>>) dst(%arg10 : memref<512xf32, #tpu.memory_space<vmem>>)
      %dma_wait3A_697 = tpu.memref_slice %arg3[%mul3A_286] : memref<3200000xf32, #tpu.memory_space<hbm>> -> memref<512xf32, #tpu.memory_space<hbm>>
      %dma_wait3A_698 = tpu.memref_slice %arg3[%mul3A_286] : memref<3200000xf32, #tpu.memory_space<hbm>> -> memref<512xf32, #tpu.memory_space<hbm>>
      tpu.wait_dma2 semaphore(%arg29 : memref<!tpu.dma_semaphore, #tpu.memory_space<semaphore_mem>>) src(%dma_wait3A_698 : memref<512xf32, #tpu.memory_space<hbm>>) dst(%arg11 : memref<512xf32, #tpu.memory_space<vmem>>)
      %dma_wait3A_699 = tpu.memref_slice %arg4[%mul3A_286] : memref<3200000xf32, #tpu.memory_space<hbm>> -> memref<512xf32, #tpu.memory_space<hbm>>
      %dma_wait3A_700 = tpu.memref_slice %arg4[%mul3A_286] : memref<3200000xf32, #tpu.memory_space<hbm>> -> memref<512xf32, #tpu.memory_space<hbm>>
      tpu.wait_dma2 semaphore(%arg29 : memref<!tpu.dma_semaphore, #tpu.memory_space<semaphore_mem>>) src(%dma_wait3A_700 : memref<512xf32, #tpu.memory_space<hbm>>) dst(%arg12 : memref<512xf32, #tpu.memory_space<vmem>>)
      %dma_wait3A_701 = arith.constant 0 : i32
      %dma_wait3A_702 = arith.constant 0 : i32
      %dma_wait3A_703 = arith.constant 0 : i32
      %dma_wait3A_704 = tpu.memref_slice %arg13[%dma_wait3A_702, %dma_wait3A_703] : memref<4x128xi32, #tpu.memory_space<vmem>> -> memref<1x128xi32, #tpu.memory_space<vmem>>
      %dma_wait3A_705 = tpu.memref_squeeze %dma_wait3A_704 : memref<1x128xi32, #tpu.memory_space<vmem>> -> memref<128xi32, #tpu.memory_space<vmem>>
      %dma_wait3A_706 = arith.constant 0 : i32
      %dma_wait3A_707 = arith.constant 0 : i32
      %dma_wait3A_708 = tpu.memref_slice %arg5[%add3A_295, %dma_wait3A_706, %dma_wait3A_707] : memref<25000x2x128xi32, #tpu.memory_space<hbm>> -> memref<1x2x128xi32, #tpu.memory_space<hbm>>
      %dma_wait3A_709 = tpu.memref_squeeze %dma_wait3A_708 : memref<1x2x128xi32, #tpu.memory_space<hbm>> -> memref<2x128xi32, #tpu.memory_space<hbm>>
      %dma_wait3A_710 = arith.constant 0 : i32
      %dma_wait3A_711 = tpu.memref_slice %dma_wait3A_709[%dma_wait3A_701, %dma_wait3A_710] : memref<2x128xi32, #tpu.memory_space<hbm>> -> memref<1x128xi32, #tpu.memory_space<hbm>>
      %dma_wait3A_712 = tpu.memref_squeeze %dma_wait3A_711 : memref<1x128xi32, #tpu.memory_space<hbm>> -> memref<128xi32, #tpu.memory_space<hbm>>
      %dma_wait3A_713 = arith.constant 0 : i32
      %dma_wait3A_714 = tpu.memref_slice %arg13[%dma_wait3A_702, %dma_wait3A_713] : memref<4x128xi32, #tpu.memory_space<vmem>> -> memref<1x128xi32, #tpu.memory_space<vmem>>
      %dma_wait3A_715 = tpu.memref_squeeze %dma_wait3A_714 : memref<1x128xi32, #tpu.memory_space<vmem>> -> memref<128xi32, #tpu.memory_space<vmem>>
      %dma_wait3A_716 = arith.constant 0 : i32
      %dma_wait3A_717 = arith.constant 0 : i32
      %dma_wait3A_718 = tpu.memref_slice %arg5[%add3A_295, %dma_wait3A_716, %dma_wait3A_717] : memref<25000x2x128xi32, #tpu.memory_space<hbm>> -> memref<1x2x128xi32, #tpu.memory_space<hbm>>
      %dma_wait3A_719 = tpu.memref_squeeze %dma_wait3A_718 : memref<1x2x128xi32, #tpu.memory_space<hbm>> -> memref<2x128xi32, #tpu.memory_space<hbm>>
      %dma_wait3A_720 = arith.constant 0 : i32
      %dma_wait3A_721 = tpu.memref_slice %dma_wait3A_719[%dma_wait3A_701, %dma_wait3A_720] : memref<2x128xi32, #tpu.memory_space<hbm>> -> memref<1x128xi32, #tpu.memory_space<hbm>>
      %dma_wait3A_722 = tpu.memref_squeeze %dma_wait3A_721 : memref<1x128xi32, #tpu.memory_space<hbm>> -> memref<128xi32, #tpu.memory_space<hbm>>
      tpu.wait_dma2 semaphore(%arg29 : memref<!tpu.dma_semaphore, #tpu.memory_space<semaphore_mem>>) src(%dma_wait3A_722 : memref<128xi32, #tpu.memory_space<hbm>>) dst(%dma_wait3A_715 : memref<128xi32, #tpu.memory_space<vmem>>)
      %dma_wait3A_723 = arith.constant 1 : i32
      %dma_wait3A_724 = arith.constant 0 : i32
      %dma_wait3A_725 = arith.constant 0 : i32
      %dma_wait3A_726 = tpu.memref_slice %arg14[%dma_wait3A_724, %dma_wait3A_725] : memref<4x128xi32, #tpu.memory_space<vmem>> -> memref<1x128xi32, #tpu.memory_space<vmem>>
      %dma_wait3A_727 = tpu.memref_squeeze %dma_wait3A_726 : memref<1x128xi32, #tpu.memory_space<vmem>> -> memref<128xi32, #tpu.memory_space<vmem>>
      %dma_wait3A_728 = arith.constant 0 : i32
      %dma_wait3A_729 = arith.constant 0 : i32
      %dma_wait3A_730 = tpu.memref_slice %arg5[%add3A_319, %dma_wait3A_728, %dma_wait3A_729] : memref<25000x2x128xi32, #tpu.memory_space<hbm>> -> memref<1x2x128xi32, #tpu.memory_space<hbm>>
      %dma_wait3A_731 = tpu.memref_squeeze %dma_wait3A_730 : memref<1x2x128xi32, #tpu.memory_space<hbm>> -> memref<2x128xi32, #tpu.memory_space<hbm>>
      %dma_wait3A_732 = arith.constant 0 : i32
      %dma_wait3A_733 = tpu.memref_slice %dma_wait3A_731[%dma_wait3A_723, %dma_wait3A_732] : memref<2x128xi32, #tpu.memory_space<hbm>> -> memref<1x128xi32, #tpu.memory_space<hbm>>
      %dma_wait3A_734 = tpu.memref_squeeze %dma_wait3A_733 : memref<1x128xi32, #tpu.memory_space<hbm>> -> memref<128xi32, #tpu.memory_space<hbm>>
      %dma_wait3A_735 = arith.constant 0 : i32
      %dma_wait3A_736 = tpu.memref_slice %arg14[%dma_wait3A_724, %dma_wait3A_735] : memref<4x128xi32, #tpu.memory_space<vmem>> -> memref<1x128xi32, #tpu.memory_space<vmem>>
      %dma_wait3A_737 = tpu.memref_squeeze %dma_wait3A_736 : memref<1x128xi32, #tpu.memory_space<vmem>> -> memref<128xi32, #tpu.memory_space<vmem>>
      %dma_wait3A_738 = arith.constant 0 : i32
      %dma_wait3A_739 = arith.constant 0 : i32
      %dma_wait3A_740 = tpu.memref_slice %arg5[%add3A_319, %dma_wait3A_738, %dma_wait3A_739] : memref<25000x2x128xi32, #tpu.memory_space<hbm>> -> memref<1x2x128xi32, #tpu.memory_space<hbm>>
      %dma_wait3A_741 = tpu.memref_squeeze %dma_wait3A_740 : memref<1x2x128xi32, #tpu.memory_space<hbm>> -> memref<2x128xi32, #tpu.memory_space<hbm>>
      %dma_wait3A_742 = arith.constant 0 : i32
      %dma_wait3A_743 = tpu.memref_slice %dma_wait3A_741[%dma_wait3A_723, %dma_wait3A_742] : memref<2x128xi32, #tpu.memory_space<hbm>> -> memref<1x128xi32, #tpu.memory_space<hbm>>
      %dma_wait3A_744 = tpu.memref_squeeze %dma_wait3A_743 : memref<1x128xi32, #tpu.memory_space<hbm>> -> memref<128xi32, #tpu.memory_space<hbm>>
      tpu.wait_dma2 semaphore(%arg29 : memref<!tpu.dma_semaphore, #tpu.memory_space<semaphore_mem>>) src(%dma_wait3A_744 : memref<128xi32, #tpu.memory_space<hbm>>) dst(%dma_wait3A_737 : memref<128xi32, #tpu.memory_space<vmem>>)
      %dma_wait3A_745 = arith.constant 0 : i32
      %dma_wait3A_746 = arith.constant 1 : i32
      %dma_wait3A_747 = arith.constant 0 : i32
      %dma_wait3A_748 = tpu.memref_slice %arg13[%dma_wait3A_746, %dma_wait3A_747] : memref<4x128xi32, #tpu.memory_space<vmem>> -> memref<1x128xi32, #tpu.memory_space<vmem>>
      %dma_wait3A_749 = tpu.memref_squeeze %dma_wait3A_748 : memref<1x128xi32, #tpu.memory_space<vmem>> -> memref<128xi32, #tpu.memory_space<vmem>>
      %dma_wait3A_750 = arith.constant 0 : i32
      %dma_wait3A_751 = arith.constant 0 : i32
      %dma_wait3A_752 = tpu.memref_slice %arg5[%add3A_343, %dma_wait3A_750, %dma_wait3A_751] : memref<25000x2x128xi32, #tpu.memory_space<hbm>> -> memref<1x2x128xi32, #tpu.memory_space<hbm>>
      %dma_wait3A_753 = tpu.memref_squeeze %dma_wait3A_752 : memref<1x2x128xi32, #tpu.memory_space<hbm>> -> memref<2x128xi32, #tpu.memory_space<hbm>>
      %dma_wait3A_754 = arith.constant 0 : i32
      %dma_wait3A_755 = tpu.memref_slice %dma_wait3A_753[%dma_wait3A_745, %dma_wait3A_754] : memref<2x128xi32, #tpu.memory_space<hbm>> -> memref<1x128xi32, #tpu.memory_space<hbm>>
      %dma_wait3A_756 = tpu.memref_squeeze %dma_wait3A_755 : memref<1x128xi32, #tpu.memory_space<hbm>> -> memref<128xi32, #tpu.memory_space<hbm>>
      %dma_wait3A_757 = arith.constant 0 : i32
      %dma_wait3A_758 = tpu.memref_slice %arg13[%dma_wait3A_746, %dma_wait3A_757] : memref<4x128xi32, #tpu.memory_space<vmem>> -> memref<1x128xi32, #tpu.memory_space<vmem>>
      %dma_wait3A_759 = tpu.memref_squeeze %dma_wait3A_758 : memref<1x128xi32, #tpu.memory_space<vmem>> -> memref<128xi32, #tpu.memory_space<vmem>>
      %dma_wait3A_760 = arith.constant 0 : i32
      %dma_wait3A_761 = arith.constant 0 : i32
      %dma_wait3A_762 = tpu.memref_slice %arg5[%add3A_343, %dma_wait3A_760, %dma_wait3A_761] : memref<25000x2x128xi32, #tpu.memory_space<hbm>> -> memref<1x2x128xi32, #tpu.memory_space<hbm>>
      %dma_wait3A_763 = tpu.memref_squeeze %dma_wait3A_762 : memref<1x2x128xi32, #tpu.memory_space<hbm>> -> memref<2x128xi32, #tpu.memory_space<hbm>>
      %dma_wait3A_764 = arith.constant 0 : i32
      %dma_wait3A_765 = tpu.memref_slice %dma_wait3A_763[%dma_wait3A_745, %dma_wait3A_764] : memref<2x128xi32, #tpu.memory_space<hbm>> -> memref<1x128xi32, #tpu.memory_space<hbm>>
      %dma_wait3A_766 = tpu.memref_squeeze %dma_wait3A_765 : memref<1x128xi32, #tpu.memory_space<hbm>> -> memref<128xi32, #tpu.memory_space<hbm>>
      tpu.wait_dma2 semaphore(%arg29 : memref<!tpu.dma_semaphore, #tpu.memory_space<semaphore_mem>>) src(%dma_wait3A_766 : memref<128xi32, #tpu.memory_space<hbm>>) dst(%dma_wait3A_759 : memref<128xi32, #tpu.memory_space<vmem>>)
      %dma_wait3A_767 = arith.constant 1 : i32
      %dma_wait3A_768 = arith.constant 1 : i32
      %dma_wait3A_769 = arith.constant 0 : i32
      %dma_wait3A_770 = tpu.memref_slice %arg14[%dma_wait3A_768, %dma_wait3A_769] : memref<4x128xi32, #tpu.memory_space<vmem>> -> memref<1x128xi32, #tpu.memory_space<vmem>>
      %dma_wait3A_771 = tpu.memref_squeeze %dma_wait3A_770 : memref<1x128xi32, #tpu.memory_space<vmem>> -> memref<128xi32, #tpu.memory_space<vmem>>
      %dma_wait3A_772 = arith.constant 0 : i32
      %dma_wait3A_773 = arith.constant 0 : i32
      %dma_wait3A_774 = tpu.memref_slice %arg5[%add3A_367, %dma_wait3A_772, %dma_wait3A_773] : memref<25000x2x128xi32, #tpu.memory_space<hbm>> -> memref<1x2x128xi32, #tpu.memory_space<hbm>>
      %dma_wait3A_775 = tpu.memref_squeeze %dma_wait3A_774 : memref<1x2x128xi32, #tpu.memory_space<hbm>> -> memref<2x128xi32, #tpu.memory_space<hbm>>
      %dma_wait3A_776 = arith.constant 0 : i32
      %dma_wait3A_777 = tpu.memref_slice %dma_wait3A_775[%dma_wait3A_767, %dma_wait3A_776] : memref<2x128xi32, #tpu.memory_space<hbm>> -> memref<1x128xi32, #tpu.memory_space<hbm>>
      %dma_wait3A_778 = tpu.memref_squeeze %dma_wait3A_777 : memref<1x128xi32, #tpu.memory_space<hbm>> -> memref<128xi32, #tpu.memory_space<hbm>>
      %dma_wait3A_779 = arith.constant 0 : i32
      %dma_wait3A_780 = tpu.memref_slice %arg14[%dma_wait3A_768, %dma_wait3A_779] : memref<4x128xi32, #tpu.memory_space<vmem>> -> memref<1x128xi32, #tpu.memory_space<vmem>>
      %dma_wait3A_781 = tpu.memref_squeeze %dma_wait3A_780 : memref<1x128xi32, #tpu.memory_space<vmem>> -> memref<128xi32, #tpu.memory_space<vmem>>
      %dma_wait3A_782 = arith.constant 0 : i32
      %dma_wait3A_783 = arith.constant 0 : i32
      %dma_wait3A_784 = tpu.memref_slice %arg5[%add3A_367, %dma_wait3A_782, %dma_wait3A_783] : memref<25000x2x128xi32, #tpu.memory_space<hbm>> -> memref<1x2x128xi32, #tpu.memory_space<hbm>>
      %dma_wait3A_785 = tpu.memref_squeeze %dma_wait3A_784 : memref<1x2x128xi32, #tpu.memory_space<hbm>> -> memref<2x128xi32, #tpu.memory_space<hbm>>
      %dma_wait3A_786 = arith.constant 0 : i32
      %dma_wait3A_787 = tpu.memref_slice %dma_wait3A_785[%dma_wait3A_767, %dma_wait3A_786] : memref<2x128xi32, #tpu.memory_space<hbm>> -> memref<1x128xi32, #tpu.memory_space<hbm>>
      %dma_wait3A_788 = tpu.memref_squeeze %dma_wait3A_787 : memref<1x128xi32, #tpu.memory_space<hbm>> -> memref<128xi32, #tpu.memory_space<hbm>>
      tpu.wait_dma2 semaphore(%arg29 : memref<!tpu.dma_semaphore, #tpu.memory_space<semaphore_mem>>) src(%dma_wait3A_788 : memref<128xi32, #tpu.memory_space<hbm>>) dst(%dma_wait3A_781 : memref<128xi32, #tpu.memory_space<vmem>>)
      %dma_wait3A_789 = arith.constant 0 : i32
      %dma_wait3A_790 = arith.constant 2 : i32
      %dma_wait3A_791 = arith.constant 0 : i32
      %dma_wait3A_792 = tpu.memref_slice %arg13[%dma_wait3A_790, %dma_wait3A_791] : memref<4x128xi32, #tpu.memory_space<vmem>> -> memref<1x128xi32, #tpu.memory_space<vmem>>
      %dma_wait3A_793 = tpu.memref_squeeze %dma_wait3A_792 : memref<1x128xi32, #tpu.memory_space<vmem>> -> memref<128xi32, #tpu.memory_space<vmem>>
      %dma_wait3A_794 = arith.constant 0 : i32
      %dma_wait3A_795 = arith.constant 0 : i32
      %dma_wait3A_796 = tpu.memref_slice %arg5[%add3A_391, %dma_wait3A_794, %dma_wait3A_795] : memref<25000x2x128xi32, #tpu.memory_space<hbm>> -> memref<1x2x128xi32, #tpu.memory_space<hbm>>
      %dma_wait3A_797 = tpu.memref_squeeze %dma_wait3A_796 : memref<1x2x128xi32, #tpu.memory_space<hbm>> -> memref<2x128xi32, #tpu.memory_space<hbm>>
      %dma_wait3A_798 = arith.constant 0 : i32
      %dma_wait3A_799 = tpu.memref_slice %dma_wait3A_797[%dma_wait3A_789, %dma_wait3A_798] : memref<2x128xi32, #tpu.memory_space<hbm>> -> memref<1x128xi32, #tpu.memory_space<hbm>>
      %dma_wait3A_800 = tpu.memref_squeeze %dma_wait3A_799 : memref<1x128xi32, #tpu.memory_space<hbm>> -> memref<128xi32, #tpu.memory_space<hbm>>
      %dma_wait3A_801 = arith.constant 0 : i32
      %dma_wait3A_802 = tpu.memref_slice %arg13[%dma_wait3A_790, %dma_wait3A_801] : memref<4x128xi32, #tpu.memory_space<vmem>> -> memref<1x128xi32, #tpu.memory_space<vmem>>
      %dma_wait3A_803 = tpu.memref_squeeze %dma_wait3A_802 : memref<1x128xi32, #tpu.memory_space<vmem>> -> memref<128xi32, #tpu.memory_space<vmem>>
      %dma_wait3A_804 = arith.constant 0 : i32
      %dma_wait3A_805 = arith.constant 0 : i32
      %dma_wait3A_806 = tpu.memref_slice %arg5[%add3A_391, %dma_wait3A_804, %dma_wait3A_805] : memref<25000x2x128xi32, #tpu.memory_space<hbm>> -> memref<1x2x128xi32, #tpu.memory_space<hbm>>
      %dma_wait3A_807 = tpu.memref_squeeze %dma_wait3A_806 : memref<1x2x128xi32, #tpu.memory_space<hbm>> -> memref<2x128xi32, #tpu.memory_space<hbm>>
      %dma_wait3A_808 = arith.constant 0 : i32
      %dma_wait3A_809 = tpu.memref_slice %dma_wait3A_807[%dma_wait3A_789, %dma_wait3A_808] : memref<2x128xi32, #tpu.memory_space<hbm>> -> memref<1x128xi32, #tpu.memory_space<hbm>>
      %dma_wait3A_810 = tpu.memref_squeeze %dma_wait3A_809 : memref<1x128xi32, #tpu.memory_space<hbm>> -> memref<128xi32, #tpu.memory_space<hbm>>
      tpu.wait_dma2 semaphore(%arg29 : memref<!tpu.dma_semaphore, #tpu.memory_space<semaphore_mem>>) src(%dma_wait3A_810 : memref<128xi32, #tpu.memory_space<hbm>>) dst(%dma_wait3A_803 : memref<128xi32, #tpu.memory_space<vmem>>)
      %dma_wait3A_811 = arith.constant 1 : i32
      %dma_wait3A_812 = arith.constant 2 : i32
      %dma_wait3A_813 = arith.constant 0 : i32
      %dma_wait3A_814 = tpu.memref_slice %arg14[%dma_wait3A_812, %dma_wait3A_813] : memref<4x128xi32, #tpu.memory_space<vmem>> -> memref<1x128xi32, #tpu.memory_space<vmem>>
      %dma_wait3A_815 = tpu.memref_squeeze %dma_wait3A_814 : memref<1x128xi32, #tpu.memory_space<vmem>> -> memref<128xi32, #tpu.memory_space<vmem>>
      %dma_wait3A_816 = arith.constant 0 : i32
      %dma_wait3A_817 = arith.constant 0 : i32
      %dma_wait3A_818 = tpu.memref_slice %arg5[%add3A_415, %dma_wait3A_816, %dma_wait3A_817] : memref<25000x2x128xi32, #tpu.memory_space<hbm>> -> memref<1x2x128xi32, #tpu.memory_space<hbm>>
      %dma_wait3A_819 = tpu.memref_squeeze %dma_wait3A_818 : memref<1x2x128xi32, #tpu.memory_space<hbm>> -> memref<2x128xi32, #tpu.memory_space<hbm>>
      %dma_wait3A_820 = arith.constant 0 : i32
      %dma_wait3A_821 = tpu.memref_slice %dma_wait3A_819[%dma_wait3A_811, %dma_wait3A_820] : memref<2x128xi32, #tpu.memory_space<hbm>> -> memref<1x128xi32, #tpu.memory_space<hbm>>
      %dma_wait3A_822 = tpu.memref_squeeze %dma_wait3A_821 : memref<1x128xi32, #tpu.memory_space<hbm>> -> memref<128xi32, #tpu.memory_space<hbm>>
      %dma_wait3A_823 = arith.constant 0 : i32
      %dma_wait3A_824 = tpu.memref_slice %arg14[%dma_wait3A_812, %dma_wait3A_823] : memref<4x128xi32, #tpu.memory_space<vmem>> -> memref<1x128xi32, #tpu.memory_space<vmem>>
      %dma_wait3A_825 = tpu.memref_squeeze %dma_wait3A_824 : memref<1x128xi32, #tpu.memory_space<vmem>> -> memref<128xi32, #tpu.memory_space<vmem>>
      %dma_wait3A_826 = arith.constant 0 : i32
      %dma_wait3A_827 = arith.constant 0 : i32
      %dma_wait3A_828 = tpu.memref_slice %arg5[%add3A_415, %dma_wait3A_826, %dma_wait3A_827] : memref<25000x2x128xi32, #tpu.memory_space<hbm>> -> memref<1x2x128xi32, #tpu.memory_space<hbm>>
      %dma_wait3A_829 = tpu.memref_squeeze %dma_wait3A_828 : memref<1x2x128xi32, #tpu.memory_space<hbm>> -> memref<2x128xi32, #tpu.memory_space<hbm>>
      %dma_wait3A_830 = arith.constant 0 : i32
      %dma_wait3A_831 = tpu.memref_slice %dma_wait3A_829[%dma_wait3A_811, %dma_wait3A_830] : memref<2x128xi32, #tpu.memory_space<hbm>> -> memref<1x128xi32, #tpu.memory_space<hbm>>
      %dma_wait3A_832 = tpu.memref_squeeze %dma_wait3A_831 : memref<1x128xi32, #tpu.memory_space<hbm>> -> memref<128xi32, #tpu.memory_space<hbm>>
      tpu.wait_dma2 semaphore(%arg29 : memref<!tpu.dma_semaphore, #tpu.memory_space<semaphore_mem>>) src(%dma_wait3A_832 : memref<128xi32, #tpu.memory_space<hbm>>) dst(%dma_wait3A_825 : memref<128xi32, #tpu.memory_space<vmem>>)
      %dma_wait3A_833 = arith.constant 0 : i32
      %dma_wait3A_834 = arith.constant 3 : i32
      %dma_wait3A_835 = arith.constant 0 : i32
      %dma_wait3A_836 = tpu.memref_slice %arg13[%dma_wait3A_834, %dma_wait3A_835] : memref<4x128xi32, #tpu.memory_space<vmem>> -> memref<1x128xi32, #tpu.memory_space<vmem>>
      %dma_wait3A_837 = tpu.memref_squeeze %dma_wait3A_836 : memref<1x128xi32, #tpu.memory_space<vmem>> -> memref<128xi32, #tpu.memory_space<vmem>>
      %dma_wait3A_838 = arith.constant 0 : i32
      %dma_wait3A_839 = arith.constant 0 : i32
      %dma_wait3A_840 = tpu.memref_slice %arg5[%add3A_439, %dma_wait3A_838, %dma_wait3A_839] : memref<25000x2x128xi32, #tpu.memory_space<hbm>> -> memref<1x2x128xi32, #tpu.memory_space<hbm>>
      %dma_wait3A_841 = tpu.memref_squeeze %dma_wait3A_840 : memref<1x2x128xi32, #tpu.memory_space<hbm>> -> memref<2x128xi32, #tpu.memory_space<hbm>>
      %dma_wait3A_842 = arith.constant 0 : i32
      %dma_wait3A_843 = tpu.memref_slice %dma_wait3A_841[%dma_wait3A_833, %dma_wait3A_842] : memref<2x128xi32, #tpu.memory_space<hbm>> -> memref<1x128xi32, #tpu.memory_space<hbm>>
      %dma_wait3A_844 = tpu.memref_squeeze %dma_wait3A_843 : memref<1x128xi32, #tpu.memory_space<hbm>> -> memref<128xi32, #tpu.memory_space<hbm>>
      %dma_wait3A_845 = arith.constant 0 : i32
      %dma_wait3A_846 = tpu.memref_slice %arg13[%dma_wait3A_834, %dma_wait3A_845] : memref<4x128xi32, #tpu.memory_space<vmem>> -> memref<1x128xi32, #tpu.memory_space<vmem>>
      %dma_wait3A_847 = tpu.memref_squeeze %dma_wait3A_846 : memref<1x128xi32, #tpu.memory_space<vmem>> -> memref<128xi32, #tpu.memory_space<vmem>>
      %dma_wait3A_848 = arith.constant 0 : i32
      %dma_wait3A_849 = arith.constant 0 : i32
      %dma_wait3A_850 = tpu.memref_slice %arg5[%add3A_439, %dma_wait3A_848, %dma_wait3A_849] : memref<25000x2x128xi32, #tpu.memory_space<hbm>> -> memref<1x2x128xi32, #tpu.memory_space<hbm>>
      %dma_wait3A_851 = tpu.memref_squeeze %dma_wait3A_850 : memref<1x2x128xi32, #tpu.memory_space<hbm>> -> memref<2x128xi32, #tpu.memory_space<hbm>>
      %dma_wait3A_852 = arith.constant 0 : i32
      %dma_wait3A_853 = tpu.memref_slice %dma_wait3A_851[%dma_wait3A_833, %dma_wait3A_852] : memref<2x128xi32, #tpu.memory_space<hbm>> -> memref<1x128xi32, #tpu.memory_space<hbm>>
      %dma_wait3A_854 = tpu.memref_squeeze %dma_wait3A_853 : memref<1x128xi32, #tpu.memory_space<hbm>> -> memref<128xi32, #tpu.memory_space<hbm>>
      tpu.wait_dma2 semaphore(%arg29 : memref<!tpu.dma_semaphore, #tpu.memory_space<semaphore_mem>>) src(%dma_wait3A_854 : memref<128xi32, #tpu.memory_space<hbm>>) dst(%dma_wait3A_847 : memref<128xi32, #tpu.memory_space<vmem>>)
      %dma_wait3A_855 = arith.constant 1 : i32
      %dma_wait3A_856 = arith.constant 3 : i32
      %dma_wait3A_857 = arith.constant 0 : i32
      %dma_wait3A_858 = tpu.memref_slice %arg14[%dma_wait3A_856, %dma_wait3A_857] : memref<4x128xi32, #tpu.memory_space<vmem>> -> memref<1x128xi32, #tpu.memory_space<vmem>>
      %dma_wait3A_859 = tpu.memref_squeeze %dma_wait3A_858 : memref<1x128xi32, #tpu.memory_space<vmem>> -> memref<128xi32, #tpu.memory_space<vmem>>
      %dma_wait3A_860 = arith.constant 0 : i32
      %dma_wait3A_861 = arith.constant 0 : i32
      %dma_wait3A_862 = tpu.memref_slice %arg5[%add3A_463, %dma_wait3A_860, %dma_wait3A_861] : memref<25000x2x128xi32, #tpu.memory_space<hbm>> -> memref<1x2x128xi32, #tpu.memory_space<hbm>>
      %dma_wait3A_863 = tpu.memref_squeeze %dma_wait3A_862 : memref<1x2x128xi32, #tpu.memory_space<hbm>> -> memref<2x128xi32, #tpu.memory_space<hbm>>
      %dma_wait3A_864 = arith.constant 0 : i32
      %dma_wait3A_865 = tpu.memref_slice %dma_wait3A_863[%dma_wait3A_855, %dma_wait3A_864] : memref<2x128xi32, #tpu.memory_space<hbm>> -> memref<1x128xi32, #tpu.memory_space<hbm>>
      %dma_wait3A_866 = tpu.memref_squeeze %dma_wait3A_865 : memref<1x128xi32, #tpu.memory_space<hbm>> -> memref<128xi32, #tpu.memory_space<hbm>>
      %dma_wait3A_867 = arith.constant 0 : i32
      %dma_wait3A_868 = tpu.memref_slice %arg14[%dma_wait3A_856, %dma_wait3A_867] : memref<4x128xi32, #tpu.memory_space<vmem>> -> memref<1x128xi32, #tpu.memory_space<vmem>>
      %dma_wait3A_869 = tpu.memref_squeeze %dma_wait3A_868 : memref<1x128xi32, #tpu.memory_space<vmem>> -> memref<128xi32, #tpu.memory_space<vmem>>
      %dma_wait3A_870 = arith.constant 0 : i32
      %dma_wait3A_871 = arith.constant 0 : i32
      %dma_wait3A_872 = tpu.memref_slice %arg5[%add3A_463, %dma_wait3A_870, %dma_wait3A_871] : memref<25000x2x128xi32, #tpu.memory_space<hbm>> -> memref<1x2x128xi32, #tpu.memory_space<hbm>>
      %dma_wait3A_873 = tpu.memref_squeeze %dma_wait3A_872 : memref<1x2x128xi32, #tpu.memory_space<hbm>> -> memref<2x128xi32, #tpu.memory_space<hbm>>
      %dma_wait3A_874 = arith.constant 0 : i32
      %dma_wait3A_875 = tpu.memref_slice %dma_wait3A_873[%dma_wait3A_855, %dma_wait3A_874] : memref<2x128xi32, #tpu.memory_space<hbm>> -> memref<1x128xi32, #tpu.memory_space<hbm>>
      %dma_wait3A_876 = tpu.memref_squeeze %dma_wait3A_875 : memref<1x128xi32, #tpu.memory_space<hbm>> -> memref<128xi32, #tpu.memory_space<hbm>>
      tpu.wait_dma2 semaphore(%arg29 : memref<!tpu.dma_semaphore, #tpu.memory_space<semaphore_mem>>) src(%dma_wait3A_876 : memref<128xi32, #tpu.memory_space<hbm>>) dst(%dma_wait3A_869 : memref<128xi32, #tpu.memory_space<vmem>>)
      %scan3A = arith.constant 0 : i32
      %scan3A_877 = arith.constant 0 : i32
      %scan3A_878 = arith.constant 16 : i32
      %scan3A_879 = arith.addi %scan3A_877, %scan3A_878 : i32
      %scan3A_880 = arith.constant 1 : i32
      scf.for %scan3A_1310 = %scan3A_877 to %scan3A_879 step %scan3A_880  : i32 {
        %mul3A_1311 = arith.constant 32 : i32
        %mul3A_1312 = arith.muli %scan3A_1310, %mul3A_1311 : i32
        %add3A_1313 = arith.constant 0 : i32
        %add3A_1314 = arith.addi %mul3A_1312, %add3A_1313 : i32
        %add3A_1315 = vector.broadcast %add3A_1314 : i32 to vector<16xi32>
        %add3A_1316 = arith.addi %iota3A, %add3A_1315 : vector<16xi32>
        %mul3A_1317 = arith.constant 32 : i32
        %mul3A_1318 = arith.muli %scan3A_1310, %mul3A_1317 : i32
        %add3A_1319 = arith.constant 0 : i32
        %add3A_1320 = arith.addi %mul3A_1318, %add3A_1319 : i32
        %get3A_1321 = arith.index_cast %add3A_1320 : i32 to index
        %get3A_1322 = tpu.vector_load %arg10[%get3A_1321] {strides = array<i32>} : memref<512xf32, #tpu.memory_space<vmem>>, vector<16xf32>,
        %mul3A_1323 = arith.constant 32 : i32
        %mul3A_1324 = arith.muli %scan3A_1310, %mul3A_1323 : i32
        %add3A_1325 = arith.constant 0 : i32
        %add3A_1326 = arith.addi %mul3A_1324, %add3A_1325 : i32
        %get3A_1327 = arith.index_cast %add3A_1326 : i32 to index
        %get3A_1328 = tpu.vector_load %arg11[%get3A_1327] {strides = array<i32>} : memref<512xf32, #tpu.memory_space<vmem>>, vector<16xf32>,
        %mul3A_1329 = arith.constant 32 : i32
        %mul3A_1330 = arith.muli %scan3A_1310, %mul3A_1329 : i32
        %add3A_1331 = arith.constant 0 : i32
        %add3A_1332 = arith.addi %mul3A_1330, %add3A_1331 : i32
        %get3A_1333 = arith.index_cast %add3A_1332 : i32 to index
        %get3A_1334 = tpu.vector_load %arg12[%get3A_1333] {strides = array<i32>} : memref<512xf32, #tpu.memory_space<vmem>>, vector<16xf32>,
        %mul3A_1335 = arith.mulf %get3A_1322, %get3A_1322 : vector<16xf32>
        %mul3A_1336 = arith.mulf %mul3A_1335, %mul3A_8 : vector<16xf32>
        %mul3A_1337 = arith.mulf %get3A_1328, %get3A_1328 : vector<16xf32>
        %mul3A_1338 = arith.mulf %mul3A_1337, %mul3A_9 : vector<16xf32>
        %add3A_1339 = arith.addf %mul3A_1336, %mul3A_1338 : vector<16xf32>
        %mul3A_1340 = arith.mulf %get3A_1334, %get3A_1334 : vector<16xf32>
        %mul3A_1341 = arith.mulf %mul3A_1340, %mul3A_10 : vector<16xf32>
        %add3A_1342 = arith.addf %add3A_1339, %mul3A_1341 : vector<16xf32>
        %neg3A = arith.constant 0.000000e+00 : f32
        %neg3A_1343 = vector.broadcast %neg3A : f32 to vector<16xf32>
        %neg3A_1344 = arith.subf %neg3A_1343, %add3A_1342 : vector<16xf32>
        %exp3A = math.exp %neg3A_1344 : vector<16xf32>
        %mul3A_1345 = arith.constant -2.000000e+00 : f32
        %mul3A_1346 = vector.broadcast %mul3A_1345 : f32 to vector<16xf32>
        %mul3A_1347 = arith.mulf %exp3A, %mul3A_1346 : vector<16xf32>
        %mul3A_1348 = arith.mulf %mul3A_1347, %mul3A_8 : vector<16xf32>
        %mul3A_1349 = arith.mulf %mul3A_1348, %get3A_1322 : vector<16xf32>
        %mul3A_1350 = arith.mulf %mul3A_1347, %mul3A_9 : vector<16xf32>
        %mul3A_1351 = arith.mulf %mul3A_1350, %get3A_1328 : vector<16xf32>
        %mul3A_1352 = arith.mulf %mul3A_1347, %mul3A_10 : vector<16xf32>
        %mul3A_1353 = arith.mulf %mul3A_1352, %get3A_1334 : vector<16xf32>
        tpu.vector_store_idx %arg15[%add3A_1316, %broadcast_in_dim3A_11], %mul3A_1349 : memref<512x8xf32, #tpu.memory_space<vmem>>[vector<16xi32>, vector<16xi32>], vector<16xf32>,
        tpu.vector_store_idx %arg15[%add3A_1316, %broadcast_in_dim3A_13], %mul3A_1351 : memref<512x8xf32, #tpu.memory_space<vmem>>[vector<16xi32>, vector<16xi32>], vector<16xf32>,
        tpu.vector_store_idx %arg15[%add3A_1316, %broadcast_in_dim3A_15], %mul3A_1353 : memref<512x8xf32, #tpu.memory_space<vmem>>[vector<16xi32>, vector<16xi32>], vector<16xf32>,
        %neg3A_1354 = arith.constant 0.000000e+00 : f32
        %neg3A_1355 = vector.broadcast %neg3A_1354 : f32 to vector<16xf32>
        %neg3A_1356 = arith.subf %neg3A_1355, %mul3A_1349 : vector<16xf32>
        tpu.vector_store_idx %arg16[%add3A_1316, %broadcast_in_dim3A_11], %neg3A_1356 : memref<512x8xf32, #tpu.memory_space<vmem>>[vector<16xi32>, vector<16xi32>], vector<16xf32>,
        %neg3A_1357 = arith.constant 0.000000e+00 : f32
        %neg3A_1358 = vector.broadcast %neg3A_1357 : f32 to vector<16xf32>
        %neg3A_1359 = arith.subf %neg3A_1358, %mul3A_1351 : vector<16xf32>
        tpu.vector_store_idx %arg16[%add3A_1316, %broadcast_in_dim3A_13], %neg3A_1359 : memref<512x8xf32, #tpu.memory_space<vmem>>[vector<16xi32>, vector<16xi32>], vector<16xf32>,
        %neg3A_1360 = arith.constant 0.000000e+00 : f32
        %neg3A_1361 = vector.broadcast %neg3A_1360 : f32 to vector<16xf32>
        %neg3A_1362 = arith.subf %neg3A_1361, %mul3A_1353 : vector<16xf32>
        tpu.vector_store_idx %arg16[%add3A_1316, %broadcast_in_dim3A_15], %neg3A_1362 : memref<512x8xf32, #tpu.memory_space<vmem>>[vector<16xi32>, vector<16xi32>], vector<16xf32>,
        %mul3A_1363 = arith.mulf %get3A_1322, %mul3A_1349 : vector<16xf32>
        tpu.vector_store_idx %arg17[%add3A_1316, %broadcast_in_dim3A_11], %mul3A_1363 : memref<512x8xf32, #tpu.memory_space<vmem>>[vector<16xi32>, vector<16xi32>], vector<16xf32>,
        %mul3A_1364 = arith.mulf %get3A_1328, %mul3A_1351 : vector<16xf32>
        tpu.vector_store_idx %arg17[%add3A_1316, %broadcast_in_dim3A_13], %mul3A_1364 : memref<512x8xf32, #tpu.memory_space<vmem>>[vector<16xi32>, vector<16xi32>], vector<16xf32>,
        %mul3A_1365 = arith.mulf %get3A_1334, %mul3A_1353 : vector<16xf32>
        tpu.vector_store_idx %arg17[%add3A_1316, %broadcast_in_dim3A_15], %mul3A_1365 : memref<512x8xf32, #tpu.memory_space<vmem>>[vector<16xi32>, vector<16xi32>], vector<16xf32>,
        %mul3A_1366 = arith.mulf %get3A_1322, %mul3A_1351 : vector<16xf32>
        tpu.vector_store_idx %arg17[%add3A_1316, %broadcast_in_dim3A_17], %mul3A_1366 : memref<512x8xf32, #tpu.memory_space<vmem>>[vector<16xi32>, vector<16xi32>], vector<16xf32>,
        %mul3A_1367 = arith.mulf %get3A_1328, %mul3A_1353 : vector<16xf32>
        tpu.vector_store_idx %arg17[%add3A_1316, %broadcast_in_dim3A_19], %mul3A_1367 : memref<512x8xf32, #tpu.memory_space<vmem>>[vector<16xi32>, vector<16xi32>], vector<16xf32>,
        %mul3A_1368 = arith.mulf %get3A_1334, %mul3A_1349 : vector<16xf32>
        tpu.vector_store_idx %arg17[%add3A_1316, %broadcast_in_dim3A_21], %mul3A_1368 : memref<512x8xf32, #tpu.memory_space<vmem>>[vector<16xi32>, vector<16xi32>], vector<16xf32>,
        %mul3A_1369 = arith.constant 32 : i32
        %mul3A_1370 = arith.muli %scan3A_1310, %mul3A_1369 : i32
        %add3A_1371 = arith.constant 16 : i32
        %add3A_1372 = arith.addi %mul3A_1370, %add3A_1371 : i32
        %add3A_1373 = vector.broadcast %add3A_1372 : i32 to vector<16xi32>
        %add3A_1374 = arith.addi %iota3A, %add3A_1373 : vector<16xi32>
        %mul3A_1375 = arith.constant 32 : i32
        %mul3A_1376 = arith.muli %scan3A_1310, %mul3A_1375 : i32
        %add3A_1377 = arith.constant 16 : i32
        %add3A_1378 = arith.addi %mul3A_1376, %add3A_1377 : i32
        %get3A_1379 = arith.index_cast %add3A_1378 : i32 to index
        %get3A_1380 = tpu.vector_load %arg10[%get3A_1379] {strides = array<i32>} : memref<512xf32, #tpu.memory_space<vmem>>, vector<16xf32>,
        %mul3A_1381 = arith.constant 32 : i32
        %mul3A_1382 = arith.muli %scan3A_1310, %mul3A_1381 : i32
        %add3A_1383 = arith.constant 16 : i32
        %add3A_1384 = arith.addi %mul3A_1382, %add3A_1383 : i32
        %get3A_1385 = arith.index_cast %add3A_1384 : i32 to index
        %get3A_1386 = tpu.vector_load %arg11[%get3A_1385] {strides = array<i32>} : memref<512xf32, #tpu.memory_space<vmem>>, vector<16xf32>,
        %mul3A_1387 = arith.constant 32 : i32
        %mul3A_1388 = arith.muli %scan3A_1310, %mul3A_1387 : i32
        %add3A_1389 = arith.constant 16 : i32
        %add3A_1390 = arith.addi %mul3A_1388, %add3A_1389 : i32
        %get3A_1391 = arith.index_cast %add3A_1390 : i32 to index
        %get3A_1392 = tpu.vector_load %arg12[%get3A_1391] {strides = array<i32>} : memref<512xf32, #tpu.memory_space<vmem>>, vector<16xf32>,
        %mul3A_1393 = arith.mulf %get3A_1380, %get3A_1380 : vector<16xf32>
        %mul3A_1394 = arith.mulf %mul3A_1393, %mul3A_8 : vector<16xf32>
        %mul3A_1395 = arith.mulf %get3A_1386, %get3A_1386 : vector<16xf32>
        %mul3A_1396 = arith.mulf %mul3A_1395, %mul3A_9 : vector<16xf32>
        %add3A_1397 = arith.addf %mul3A_1394, %mul3A_1396 : vector<16xf32>
        %mul3A_1398 = arith.mulf %get3A_1392, %get3A_1392 : vector<16xf32>
        %mul3A_1399 = arith.mulf %mul3A_1398, %mul3A_10 : vector<16xf32>
        %add3A_1400 = arith.addf %add3A_1397, %mul3A_1399 : vector<16xf32>
        %neg3A_1401 = arith.constant 0.000000e+00 : f32
        %neg3A_1402 = vector.broadcast %neg3A_1401 : f32 to vector<16xf32>
        %neg3A_1403 = arith.subf %neg3A_1402, %add3A_1400 : vector<16xf32>
        %exp3A_1404 = math.exp %neg3A_1403 : vector<16xf32>
        %mul3A_1405 = arith.constant -2.000000e+00 : f32
        %mul3A_1406 = vector.broadcast %mul3A_1405 : f32 to vector<16xf32>
        %mul3A_1407 = arith.mulf %exp3A_1404, %mul3A_1406 : vector<16xf32>
        %mul3A_1408 = arith.mulf %mul3A_1407, %mul3A_8 : vector<16xf32>
        %mul3A_1409 = arith.mulf %mul3A_1408, %get3A_1380 : vector<16xf32>
        %mul3A_1410 = arith.mulf %mul3A_1407, %mul3A_9 : vector<16xf32>
        %mul3A_1411 = arith.mulf %mul3A_1410, %get3A_1386 : vector<16xf32>
        %mul3A_1412 = arith.mulf %mul3A_1407, %mul3A_10 : vector<16xf32>
        %mul3A_1413 = arith.mulf %mul3A_1412, %get3A_1392 : vector<16xf32>
        tpu.vector_store_idx %arg15[%add3A_1374, %broadcast_in_dim3A_11], %mul3A_1409 : memref<512x8xf32, #tpu.memory_space<vmem>>[vector<16xi32>, vector<16xi32>], vector<16xf32>,
        tpu.vector_store_idx %arg15[%add3A_1374, %broadcast_in_dim3A_13], %mul3A_1411 : memref<512x8xf32, #tpu.memory_space<vmem>>[vector<16xi32>, vector<16xi32>], vector<16xf32>,
        tpu.vector_store_idx %arg15[%add3A_1374, %broadcast_in_dim3A_15], %mul3A_1413 : memref<512x8xf32, #tpu.memory_space<vmem>>[vector<16xi32>, vector<16xi32>], vector<16xf32>,
        %neg3A_1414 = arith.constant 0.000000e+00 : f32
        %neg3A_1415 = vector.broadcast %neg3A_1414 : f32 to vector<16xf32>
        %neg3A_1416 = arith.subf %neg3A_1415, %mul3A_1409 : vector<16xf32>
        tpu.vector_store_idx %arg16[%add3A_1374, %broadcast_in_dim3A_11], %neg3A_1416 : memref<512x8xf32, #tpu.memory_space<vmem>>[vector<16xi32>, vector<16xi32>], vector<16xf32>,
        %neg3A_1417 = arith.constant 0.000000e+00 : f32
        %neg3A_1418 = vector.broadcast %neg3A_1417 : f32 to vector<16xf32>
        %neg3A_1419 = arith.subf %neg3A_1418, %mul3A_1411 : vector<16xf32>
        tpu.vector_store_idx %arg16[%add3A_1374, %broadcast_in_dim3A_13], %neg3A_1419 : memref<512x8xf32, #tpu.memory_space<vmem>>[vector<16xi32>, vector<16xi32>], vector<16xf32>,
        %neg3A_1420 = arith.constant 0.000000e+00 : f32
        %neg3A_1421 = vector.broadcast %neg3A_1420 : f32 to vector<16xf32>
        %neg3A_1422 = arith.subf %neg3A_1421, %mul3A_1413 : vector<16xf32>
        tpu.vector_store_idx %arg16[%add3A_1374, %broadcast_in_dim3A_15], %neg3A_1422 : memref<512x8xf32, #tpu.memory_space<vmem>>[vector<16xi32>, vector<16xi32>], vector<16xf32>,
        %mul3A_1423 = arith.mulf %get3A_1380, %mul3A_1409 : vector<16xf32>
        tpu.vector_store_idx %arg17[%add3A_1374, %broadcast_in_dim3A_11], %mul3A_1423 : memref<512x8xf32, #tpu.memory_space<vmem>>[vector<16xi32>, vector<16xi32>], vector<16xf32>,
        %mul3A_1424 = arith.mulf %get3A_1386, %mul3A_1411 : vector<16xf32>
        tpu.vector_store_idx %arg17[%add3A_1374, %broadcast_in_dim3A_13], %mul3A_1424 : memref<512x8xf32, #tpu.memory_space<vmem>>[vector<16xi32>, vector<16xi32>], vector<16xf32>,
        %mul3A_1425 = arith.mulf %get3A_1392, %mul3A_1413 : vector<16xf32>
        tpu.vector_store_idx %arg17[%add3A_1374, %broadcast_in_dim3A_15], %mul3A_1425 : memref<512x8xf32, #tpu.memory_space<vmem>>[vector<16xi32>, vector<16xi32>], vector<16xf32>,
        %mul3A_1426 = arith.mulf %get3A_1380, %mul3A_1411 : vector<16xf32>
        tpu.vector_store_idx %arg17[%add3A_1374, %broadcast_in_dim3A_17], %mul3A_1426 : memref<512x8xf32, #tpu.memory_space<vmem>>[vector<16xi32>, vector<16xi32>], vector<16xf32>,
        %mul3A_1427 = arith.mulf %get3A_1386, %mul3A_1413 : vector<16xf32>
        tpu.vector_store_idx %arg17[%add3A_1374, %broadcast_in_dim3A_19], %mul3A_1427 : memref<512x8xf32, #tpu.memory_space<vmem>>[vector<16xi32>, vector<16xi32>], vector<16xf32>,
        %mul3A_1428 = arith.mulf %get3A_1392, %mul3A_1409 : vector<16xf32>
        tpu.vector_store_idx %arg17[%add3A_1374, %broadcast_in_dim3A_21], %mul3A_1428 : memref<512x8xf32, #tpu.memory_space<vmem>>[vector<16xi32>, vector<16xi32>], vector<16xf32>,
      }
      %scan3A_881 = arith.constant 16 : i32
      %dma_start3A_882 = arith.constant 0 : i32
      %dma_start3A_883 = arith.constant 0 : i32
      %dma_start3A_884 = arith.constant 0 : i32
      %dma_start3A_885 = tpu.memref_slice %arg15[%dma_start3A_883, %dma_start3A_884] : memref<512x8xf32, #tpu.memory_space<vmem>> -> memref<128x8xf32, #tpu.memory_space<vmem>>
      %dma_start3A_886 = arith.constant 0 : i32
      %dma_start3A_887 = tpu.memref_slice %arg13[%dma_start3A_882, %dma_start3A_886] : memref<4x128xi32, #tpu.memory_space<vmem>> -> memref<1x128xi32, #tpu.memory_space<vmem>>
      %dma_start3A_888 = tpu.memref_squeeze %dma_start3A_887 : memref<1x128xi32, #tpu.memory_space<vmem>> -> memref<128xi32, #tpu.memory_space<vmem>>
      %dma_start3A_889 = arith.constant 0 : i32
      %dma_start3A_890 = arith.constant 0 : i32
      %dma_start3A_891 = tpu.memref_slice %arg27[%dma_start3A_889, %dma_start3A_890] : memref<100096x8xf32, #tpu.memory_space<vmem_shared>> -> memref<100096x8xf32, #tpu.memory_space<vmem_shared>>
      tpu.enqueue_indirect_dma source(%dma_start3A_885 : memref<128x8xf32, #tpu.memory_space<vmem>>) target(%dma_start3A_891 : memref<100096x8xf32, #tpu.memory_space<vmem_shared>>) offsets(%dma_start3A_888 : memref<128xi32, #tpu.memory_space<vmem>>) semaphore(%arg31 : memref<!tpu.dma_semaphore, #tpu.memory_space<semaphore_mem>>) {add = true}
      %dma_start3A_892 = arith.constant 0 : i32
      %dma_start3A_893 = arith.constant 0 : i32
      %dma_start3A_894 = arith.constant 0 : i32
      %dma_start3A_895 = tpu.memref_slice %arg16[%dma_start3A_893, %dma_start3A_894] : memref<512x8xf32, #tpu.memory_space<vmem>> -> memref<128x8xf32, #tpu.memory_space<vmem>>
      %dma_start3A_896 = arith.constant 0 : i32
      %dma_start3A_897 = tpu.memref_slice %arg14[%dma_start3A_892, %dma_start3A_896] : memref<4x128xi32, #tpu.memory_space<vmem>> -> memref<1x128xi32, #tpu.memory_space<vmem>>
      %dma_start3A_898 = tpu.memref_squeeze %dma_start3A_897 : memref<1x128xi32, #tpu.memory_space<vmem>> -> memref<128xi32, #tpu.memory_space<vmem>>
      %dma_start3A_899 = arith.constant 0 : i32
      %dma_start3A_900 = arith.constant 0 : i32
      %dma_start3A_901 = tpu.memref_slice %arg27[%dma_start3A_899, %dma_start3A_900] : memref<100096x8xf32, #tpu.memory_space<vmem_shared>> -> memref<100096x8xf32, #tpu.memory_space<vmem_shared>>
      tpu.enqueue_indirect_dma source(%dma_start3A_895 : memref<128x8xf32, #tpu.memory_space<vmem>>) target(%dma_start3A_901 : memref<100096x8xf32, #tpu.memory_space<vmem_shared>>) offsets(%dma_start3A_898 : memref<128xi32, #tpu.memory_space<vmem>>) semaphore(%arg31 : memref<!tpu.dma_semaphore, #tpu.memory_space<semaphore_mem>>) {add = true}
      %dma_start3A_902 = arith.constant 0 : i32
      %dma_start3A_903 = arith.constant 0 : i32
      %dma_start3A_904 = arith.constant 0 : i32
      %dma_start3A_905 = tpu.memref_slice %arg17[%dma_start3A_903, %dma_start3A_904] : memref<512x8xf32, #tpu.memory_space<vmem>> -> memref<128x8xf32, #tpu.memory_space<vmem>>
      %dma_start3A_906 = arith.constant 0 : i32
      %dma_start3A_907 = tpu.memref_slice %arg14[%dma_start3A_902, %dma_start3A_906] : memref<4x128xi32, #tpu.memory_space<vmem>> -> memref<1x128xi32, #tpu.memory_space<vmem>>
      %dma_start3A_908 = tpu.memref_squeeze %dma_start3A_907 : memref<1x128xi32, #tpu.memory_space<vmem>> -> memref<128xi32, #tpu.memory_space<vmem>>
      %dma_start3A_909 = arith.constant 0 : i32
      %dma_start3A_910 = arith.constant 0 : i32
      %dma_start3A_911 = tpu.memref_slice %arg28[%dma_start3A_909, %dma_start3A_910] : memref<100096x8xf32, #tpu.memory_space<vmem_shared>> -> memref<100096x8xf32, #tpu.memory_space<vmem_shared>>
      tpu.enqueue_indirect_dma source(%dma_start3A_905 : memref<128x8xf32, #tpu.memory_space<vmem>>) target(%dma_start3A_911 : memref<100096x8xf32, #tpu.memory_space<vmem_shared>>) offsets(%dma_start3A_908 : memref<128xi32, #tpu.memory_space<vmem>>) semaphore(%arg31 : memref<!tpu.dma_semaphore, #tpu.memory_space<semaphore_mem>>) {add = true}
      %dma_start3A_912 = arith.constant 1 : i32
      %dma_start3A_913 = arith.constant 128 : i32
      %dma_start3A_914 = arith.constant 0 : i32
      %dma_start3A_915 = tpu.memref_slice %arg15[%dma_start3A_913, %dma_start3A_914] : memref<512x8xf32, #tpu.memory_space<vmem>> -> memref<128x8xf32, #tpu.memory_space<vmem>>
      %dma_start3A_916 = arith.constant 0 : i32
      %dma_start3A_917 = tpu.memref_slice %arg13[%dma_start3A_912, %dma_start3A_916] : memref<4x128xi32, #tpu.memory_space<vmem>> -> memref<1x128xi32, #tpu.memory_space<vmem>>
      %dma_start3A_918 = tpu.memref_squeeze %dma_start3A_917 : memref<1x128xi32, #tpu.memory_space<vmem>> -> memref<128xi32, #tpu.memory_space<vmem>>
      %dma_start3A_919 = arith.constant 0 : i32
      %dma_start3A_920 = arith.constant 0 : i32
      %dma_start3A_921 = tpu.memref_slice %arg27[%dma_start3A_919, %dma_start3A_920] : memref<100096x8xf32, #tpu.memory_space<vmem_shared>> -> memref<100096x8xf32, #tpu.memory_space<vmem_shared>>
      tpu.enqueue_indirect_dma source(%dma_start3A_915 : memref<128x8xf32, #tpu.memory_space<vmem>>) target(%dma_start3A_921 : memref<100096x8xf32, #tpu.memory_space<vmem_shared>>) offsets(%dma_start3A_918 : memref<128xi32, #tpu.memory_space<vmem>>) semaphore(%arg31 : memref<!tpu.dma_semaphore, #tpu.memory_space<semaphore_mem>>) {add = true}
      %dma_start3A_922 = arith.constant 1 : i32
      %dma_start3A_923 = arith.constant 128 : i32
      %dma_start3A_924 = arith.constant 0 : i32
      %dma_start3A_925 = tpu.memref_slice %arg16[%dma_start3A_923, %dma_start3A_924] : memref<512x8xf32, #tpu.memory_space<vmem>> -> memref<128x8xf32, #tpu.memory_space<vmem>>
      %dma_start3A_926 = arith.constant 0 : i32
      %dma_start3A_927 = tpu.memref_slice %arg14[%dma_start3A_922, %dma_start3A_926] : memref<4x128xi32, #tpu.memory_space<vmem>> -> memref<1x128xi32, #tpu.memory_space<vmem>>
      %dma_start3A_928 = tpu.memref_squeeze %dma_start3A_927 : memref<1x128xi32, #tpu.memory_space<vmem>> -> memref<128xi32, #tpu.memory_space<vmem>>
      %dma_start3A_929 = arith.constant 0 : i32
      %dma_start3A_930 = arith.constant 0 : i32
      %dma_start3A_931 = tpu.memref_slice %arg27[%dma_start3A_929, %dma_start3A_930] : memref<100096x8xf32, #tpu.memory_space<vmem_shared>> -> memref<100096x8xf32, #tpu.memory_space<vmem_shared>>
      tpu.enqueue_indirect_dma source(%dma_start3A_925 : memref<128x8xf32, #tpu.memory_space<vmem>>) target(%dma_start3A_931 : memref<100096x8xf32, #tpu.memory_space<vmem_shared>>) offsets(%dma_start3A_928 : memref<128xi32, #tpu.memory_space<vmem>>) semaphore(%arg31 : memref<!tpu.dma_semaphore, #tpu.memory_space<semaphore_mem>>) {add = true}
      %dma_start3A_932 = arith.constant 1 : i32
      %dma_start3A_933 = arith.constant 128 : i32
      %dma_start3A_934 = arith.constant 0 : i32
      %dma_start3A_935 = tpu.memref_slice %arg17[%dma_start3A_933, %dma_start3A_934] : memref<512x8xf32, #tpu.memory_space<vmem>> -> memref<128x8xf32, #tpu.memory_space<vmem>>
      %dma_start3A_936 = arith.constant 0 : i32
      %dma_start3A_937 = tpu.memref_slice %arg14[%dma_start3A_932, %dma_start3A_936] : memref<4x128xi32, #tpu.memory_space<vmem>> -> memref<1x128xi32, #tpu.memory_space<vmem>>
      %dma_start3A_938 = tpu.memref_squeeze %dma_start3A_937 : memref<1x128xi32, #tpu.memory_space<vmem>> -> memref<128xi32, #tpu.memory_space<vmem>>
      %dma_start3A_939 = arith.constant 0 : i32
      %dma_start3A_940 = arith.constant 0 : i32
      %dma_start3A_941 = tpu.memref_slice %arg28[%dma_start3A_939, %dma_start3A_940] : memref<100096x8xf32, #tpu.memory_space<vmem_shared>> -> memref<100096x8xf32, #tpu.memory_space<vmem_shared>>
      tpu.enqueue_indirect_dma source(%dma_start3A_935 : memref<128x8xf32, #tpu.memory_space<vmem>>) target(%dma_start3A_941 : memref<100096x8xf32, #tpu.memory_space<vmem_shared>>) offsets(%dma_start3A_938 : memref<128xi32, #tpu.memory_space<vmem>>) semaphore(%arg31 : memref<!tpu.dma_semaphore, #tpu.memory_space<semaphore_mem>>) {add = true}
      %dma_start3A_942 = arith.constant 2 : i32
      %dma_start3A_943 = arith.constant 256 : i32
      %dma_start3A_944 = arith.constant 0 : i32
      %dma_start3A_945 = tpu.memref_slice %arg15[%dma_start3A_943, %dma_start3A_944] : memref<512x8xf32, #tpu.memory_space<vmem>> -> memref<128x8xf32, #tpu.memory_space<vmem>>
      %dma_start3A_946 = arith.constant 0 : i32
      %dma_start3A_947 = tpu.memref_slice %arg13[%dma_start3A_942, %dma_start3A_946] : memref<4x128xi32, #tpu.memory_space<vmem>> -> memref<1x128xi32, #tpu.memory_space<vmem>>
      %dma_start3A_948 = tpu.memref_squeeze %dma_start3A_947 : memref<1x128xi32, #tpu.memory_space<vmem>> -> memref<128xi32, #tpu.memory_space<vmem>>
      %dma_start3A_949 = arith.constant 0 : i32
      %dma_start3A_950 = arith.constant 0 : i32
      %dma_start3A_951 = tpu.memref_slice %arg27[%dma_start3A_949, %dma_start3A_950] : memref<100096x8xf32, #tpu.memory_space<vmem_shared>> -> memref<100096x8xf32, #tpu.memory_space<vmem_shared>>
      tpu.enqueue_indirect_dma source(%dma_start3A_945 : memref<128x8xf32, #tpu.memory_space<vmem>>) target(%dma_start3A_951 : memref<100096x8xf32, #tpu.memory_space<vmem_shared>>) offsets(%dma_start3A_948 : memref<128xi32, #tpu.memory_space<vmem>>) semaphore(%arg31 : memref<!tpu.dma_semaphore, #tpu.memory_space<semaphore_mem>>) {add = true}
      %dma_start3A_952 = arith.constant 2 : i32
      %dma_start3A_953 = arith.constant 256 : i32
      %dma_start3A_954 = arith.constant 0 : i32
      %dma_start3A_955 = tpu.memref_slice %arg16[%dma_start3A_953, %dma_start3A_954] : memref<512x8xf32, #tpu.memory_space<vmem>> -> memref<128x8xf32, #tpu.memory_space<vmem>>
      %dma_start3A_956 = arith.constant 0 : i32
      %dma_start3A_957 = tpu.memref_slice %arg14[%dma_start3A_952, %dma_start3A_956] : memref<4x128xi32, #tpu.memory_space<vmem>> -> memref<1x128xi32, #tpu.memory_space<vmem>>
      %dma_start3A_958 = tpu.memref_squeeze %dma_start3A_957 : memref<1x128xi32, #tpu.memory_space<vmem>> -> memref<128xi32, #tpu.memory_space<vmem>>
      %dma_start3A_959 = arith.constant 0 : i32
      %dma_start3A_960 = arith.constant 0 : i32
      %dma_start3A_961 = tpu.memref_slice %arg27[%dma_start3A_959, %dma_start3A_960] : memref<100096x8xf32, #tpu.memory_space<vmem_shared>> -> memref<100096x8xf32, #tpu.memory_space<vmem_shared>>
      tpu.enqueue_indirect_dma source(%dma_start3A_955 : memref<128x8xf32, #tpu.memory_space<vmem>>) target(%dma_start3A_961 : memref<100096x8xf32, #tpu.memory_space<vmem_shared>>) offsets(%dma_start3A_958 : memref<128xi32, #tpu.memory_space<vmem>>) semaphore(%arg31 : memref<!tpu.dma_semaphore, #tpu.memory_space<semaphore_mem>>) {add = true}
      %dma_start3A_962 = arith.constant 2 : i32
      %dma_start3A_963 = arith.constant 256 : i32
      %dma_start3A_964 = arith.constant 0 : i32
      %dma_start3A_965 = tpu.memref_slice %arg17[%dma_start3A_963, %dma_start3A_964] : memref<512x8xf32, #tpu.memory_space<vmem>> -> memref<128x8xf32, #tpu.memory_space<vmem>>
      %dma_start3A_966 = arith.constant 0 : i32
      %dma_start3A_967 = tpu.memref_slice %arg14[%dma_start3A_962, %dma_start3A_966] : memref<4x128xi32, #tpu.memory_space<vmem>> -> memref<1x128xi32, #tpu.memory_space<vmem>>
      %dma_start3A_968 = tpu.memref_squeeze %dma_start3A_967 : memref<1x128xi32, #tpu.memory_space<vmem>> -> memref<128xi32, #tpu.memory_space<vmem>>
      %dma_start3A_969 = arith.constant 0 : i32
      %dma_start3A_970 = arith.constant 0 : i32
      %dma_start3A_971 = tpu.memref_slice %arg28[%dma_start3A_969, %dma_start3A_970] : memref<100096x8xf32, #tpu.memory_space<vmem_shared>> -> memref<100096x8xf32, #tpu.memory_space<vmem_shared>>
      tpu.enqueue_indirect_dma source(%dma_start3A_965 : memref<128x8xf32, #tpu.memory_space<vmem>>) target(%dma_start3A_971 : memref<100096x8xf32, #tpu.memory_space<vmem_shared>>) offsets(%dma_start3A_968 : memref<128xi32, #tpu.memory_space<vmem>>) semaphore(%arg31 : memref<!tpu.dma_semaphore, #tpu.memory_space<semaphore_mem>>) {add = true}
      %dma_start3A_972 = arith.constant 3 : i32
      %dma_start3A_973 = arith.constant 384 : i32
      %dma_start3A_974 = arith.constant 0 : i32
      %dma_start3A_975 = tpu.memref_slice %arg15[%dma_start3A_973, %dma_start3A_974] : memref<512x8xf32, #tpu.memory_space<vmem>> -> memref<128x8xf32, #tpu.memory_space<vmem>>
      %dma_start3A_976 = arith.constant 0 : i32
      %dma_start3A_977 = tpu.memref_slice %arg13[%dma_start3A_972, %dma_start3A_976] : memref<4x128xi32, #tpu.memory_space<vmem>> -> memref<1x128xi32, #tpu.memory_space<vmem>>
      %dma_start3A_978 = tpu.memref_squeeze %dma_start3A_977 : memref<1x128xi32, #tpu.memory_space<vmem>> -> memref<128xi32, #tpu.memory_space<vmem>>
      %dma_start3A_979 = arith.constant 0 : i32
      %dma_start3A_980 = arith.constant 0 : i32
      %dma_start3A_981 = tpu.memref_slice %arg27[%dma_start3A_979, %dma_start3A_980] : memref<100096x8xf32, #tpu.memory_space<vmem_shared>> -> memref<100096x8xf32, #tpu.memory_space<vmem_shared>>
      tpu.enqueue_indirect_dma source(%dma_start3A_975 : memref<128x8xf32, #tpu.memory_space<vmem>>) target(%dma_start3A_981 : memref<100096x8xf32, #tpu.memory_space<vmem_shared>>) offsets(%dma_start3A_978 : memref<128xi32, #tpu.memory_space<vmem>>) semaphore(%arg31 : memref<!tpu.dma_semaphore, #tpu.memory_space<semaphore_mem>>) {add = true}
      %dma_start3A_982 = arith.constant 3 : i32
      %dma_start3A_983 = arith.constant 384 : i32
      %dma_start3A_984 = arith.constant 0 : i32
      %dma_start3A_985 = tpu.memref_slice %arg16[%dma_start3A_983, %dma_start3A_984] : memref<512x8xf32, #tpu.memory_space<vmem>> -> memref<128x8xf32, #tpu.memory_space<vmem>>
      %dma_start3A_986 = arith.constant 0 : i32
      %dma_start3A_987 = tpu.memref_slice %arg14[%dma_start3A_982, %dma_start3A_986] : memref<4x128xi32, #tpu.memory_space<vmem>> -> memref<1x128xi32, #tpu.memory_space<vmem>>
      %dma_start3A_988 = tpu.memref_squeeze %dma_start3A_987 : memref<1x128xi32, #tpu.memory_space<vmem>> -> memref<128xi32, #tpu.memory_space<vmem>>
      %dma_start3A_989 = arith.constant 0 : i32
      %dma_start3A_990 = arith.constant 0 : i32
      %dma_start3A_991 = tpu.memref_slice %arg27[%dma_start3A_989, %dma_start3A_990] : memref<100096x8xf32, #tpu.memory_space<vmem_shared>> -> memref<100096x8xf32, #tpu.memory_space<vmem_shared>>
      tpu.enqueue_indirect_dma source(%dma_start3A_985 : memref<128x8xf32, #tpu.memory_space<vmem>>) target(%dma_start3A_991 : memref<100096x8xf32, #tpu.memory_space<vmem_shared>>) offsets(%dma_start3A_988 : memref<128xi32, #tpu.memory_space<vmem>>) semaphore(%arg31 : memref<!tpu.dma_semaphore, #tpu.memory_space<semaphore_mem>>) {add = true}
      %dma_start3A_992 = arith.constant 3 : i32
      %dma_start3A_993 = arith.constant 384 : i32
      %dma_start3A_994 = arith.constant 0 : i32
      %dma_start3A_995 = tpu.memref_slice %arg17[%dma_start3A_993, %dma_start3A_994] : memref<512x8xf32, #tpu.memory_space<vmem>> -> memref<128x8xf32, #tpu.memory_space<vmem>>
      %dma_start3A_996 = arith.constant 0 : i32
      %dma_start3A_997 = tpu.memref_slice %arg14[%dma_start3A_992, %dma_start3A_996] : memref<4x128xi32, #tpu.memory_space<vmem>> -> memref<1x128xi32, #tpu.memory_space<vmem>>
      %dma_start3A_998 = tpu.memref_squeeze %dma_start3A_997 : memref<1x128xi32, #tpu.memory_space<vmem>> -> memref<128xi32, #tpu.memory_space<vmem>>
      %dma_start3A_999 = arith.constant 0 : i32
      %dma_start3A_1000 = arith.constant 0 : i32
      %dma_start3A_1001 = tpu.memref_slice %arg28[%dma_start3A_999, %dma_start3A_1000] : memref<100096x8xf32, #tpu.memory_space<vmem_shared>> -> memref<100096x8xf32, #tpu.memory_space<vmem_shared>>
      tpu.enqueue_indirect_dma source(%dma_start3A_995 : memref<128x8xf32, #tpu.memory_space<vmem>>) target(%dma_start3A_1001 : memref<100096x8xf32, #tpu.memory_space<vmem_shared>>) offsets(%dma_start3A_998 : memref<128xi32, #tpu.memory_space<vmem>>) semaphore(%arg31 : memref<!tpu.dma_semaphore, #tpu.memory_space<semaphore_mem>>) {add = true}
      %dma_wait3A_1002 = tpu.memref_slice %arg2[%mul3A_494] : memref<3200000xf32, #tpu.memory_space<hbm>> -> memref<512xf32, #tpu.memory_space<hbm>>
      %dma_wait3A_1003 = tpu.memref_slice %arg2[%mul3A_494] : memref<3200000xf32, #tpu.memory_space<hbm>> -> memref<512xf32, #tpu.memory_space<hbm>>
      tpu.wait_dma2 semaphore(%arg30 : memref<!tpu.dma_semaphore, #tpu.memory_space<semaphore_mem>>) src(%dma_wait3A_1003 : memref<512xf32, #tpu.memory_space<hbm>>) dst(%arg18 : memref<512xf32, #tpu.memory_space<vmem>>)
      %dma_wait3A_1004 = tpu.memref_slice %arg3[%mul3A_494] : memref<3200000xf32, #tpu.memory_space<hbm>> -> memref<512xf32, #tpu.memory_space<hbm>>
      %dma_wait3A_1005 = tpu.memref_slice %arg3[%mul3A_494] : memref<3200000xf32, #tpu.memory_space<hbm>> -> memref<512xf32, #tpu.memory_space<hbm>>
      tpu.wait_dma2 semaphore(%arg30 : memref<!tpu.dma_semaphore, #tpu.memory_space<semaphore_mem>>) src(%dma_wait3A_1005 : memref<512xf32, #tpu.memory_space<hbm>>) dst(%arg19 : memref<512xf32, #tpu.memory_space<vmem>>)
      %dma_wait3A_1006 = tpu.memref_slice %arg4[%mul3A_494] : memref<3200000xf32, #tpu.memory_space<hbm>> -> memref<512xf32, #tpu.memory_space<hbm>>
      %dma_wait3A_1007 = tpu.memref_slice %arg4[%mul3A_494] : memref<3200000xf32, #tpu.memory_space<hbm>> -> memref<512xf32, #tpu.memory_space<hbm>>
      tpu.wait_dma2 semaphore(%arg30 : memref<!tpu.dma_semaphore, #tpu.memory_space<semaphore_mem>>) src(%dma_wait3A_1007 : memref<512xf32, #tpu.memory_space<hbm>>) dst(%arg20 : memref<512xf32, #tpu.memory_space<vmem>>)
      %dma_wait3A_1008 = arith.constant 0 : i32
      %dma_wait3A_1009 = arith.constant 0 : i32
      %dma_wait3A_1010 = arith.constant 0 : i32
      %dma_wait3A_1011 = tpu.memref_slice %arg21[%dma_wait3A_1009, %dma_wait3A_1010] : memref<4x128xi32, #tpu.memory_space<vmem>> -> memref<1x128xi32, #tpu.memory_space<vmem>>
      %dma_wait3A_1012 = tpu.memref_squeeze %dma_wait3A_1011 : memref<1x128xi32, #tpu.memory_space<vmem>> -> memref<128xi32, #tpu.memory_space<vmem>>
      %dma_wait3A_1013 = arith.constant 0 : i32
      %dma_wait3A_1014 = arith.constant 0 : i32
      %dma_wait3A_1015 = tpu.memref_slice %arg5[%add3A_504, %dma_wait3A_1013, %dma_wait3A_1014] : memref<25000x2x128xi32, #tpu.memory_space<hbm>> -> memref<1x2x128xi32, #tpu.memory_space<hbm>>
      %dma_wait3A_1016 = tpu.memref_squeeze %dma_wait3A_1015 : memref<1x2x128xi32, #tpu.memory_space<hbm>> -> memref<2x128xi32, #tpu.memory_space<hbm>>
      %dma_wait3A_1017 = arith.constant 0 : i32
      %dma_wait3A_1018 = tpu.memref_slice %dma_wait3A_1016[%dma_wait3A_1008, %dma_wait3A_1017] : memref<2x128xi32, #tpu.memory_space<hbm>> -> memref<1x128xi32, #tpu.memory_space<hbm>>
      %dma_wait3A_1019 = tpu.memref_squeeze %dma_wait3A_1018 : memref<1x128xi32, #tpu.memory_space<hbm>> -> memref<128xi32, #tpu.memory_space<hbm>>
      %dma_wait3A_1020 = arith.constant 0 : i32
      %dma_wait3A_1021 = tpu.memref_slice %arg21[%dma_wait3A_1009, %dma_wait3A_1020] : memref<4x128xi32, #tpu.memory_space<vmem>> -> memref<1x128xi32, #tpu.memory_space<vmem>>
      %dma_wait3A_1022 = tpu.memref_squeeze %dma_wait3A_1021 : memref<1x128xi32, #tpu.memory_space<vmem>> -> memref<128xi32, #tpu.memory_space<vmem>>
      %dma_wait3A_1023 = arith.constant 0 : i32
      %dma_wait3A_1024 = arith.constant 0 : i32
      %dma_wait3A_1025 = tpu.memref_slice %arg5[%add3A_504, %dma_wait3A_1023, %dma_wait3A_1024] : memref<25000x2x128xi32, #tpu.memory_space<hbm>> -> memref<1x2x128xi32, #tpu.memory_space<hbm>>
      %dma_wait3A_1026 = tpu.memref_squeeze %dma_wait3A_1025 : memref<1x2x128xi32, #tpu.memory_space<hbm>> -> memref<2x128xi32, #tpu.memory_space<hbm>>
      %dma_wait3A_1027 = arith.constant 0 : i32
      %dma_wait3A_1028 = tpu.memref_slice %dma_wait3A_1026[%dma_wait3A_1008, %dma_wait3A_1027] : memref<2x128xi32, #tpu.memory_space<hbm>> -> memref<1x128xi32, #tpu.memory_space<hbm>>
      %dma_wait3A_1029 = tpu.memref_squeeze %dma_wait3A_1028 : memref<1x128xi32, #tpu.memory_space<hbm>> -> memref<128xi32, #tpu.memory_space<hbm>>
      tpu.wait_dma2 semaphore(%arg30 : memref<!tpu.dma_semaphore, #tpu.memory_space<semaphore_mem>>) src(%dma_wait3A_1029 : memref<128xi32, #tpu.memory_space<hbm>>) dst(%dma_wait3A_1022 : memref<128xi32, #tpu.memory_space<vmem>>)
      %dma_wait3A_1030 = arith.constant 1 : i32
      %dma_wait3A_1031 = arith.constant 0 : i32
      %dma_wait3A_1032 = arith.constant 0 : i32
      %dma_wait3A_1033 = tpu.memref_slice %arg22[%dma_wait3A_1031, %dma_wait3A_1032] : memref<4x128xi32, #tpu.memory_space<vmem>> -> memref<1x128xi32, #tpu.memory_space<vmem>>
      %dma_wait3A_1034 = tpu.memref_squeeze %dma_wait3A_1033 : memref<1x128xi32, #tpu.memory_space<vmem>> -> memref<128xi32, #tpu.memory_space<vmem>>
      %dma_wait3A_1035 = arith.constant 0 : i32
      %dma_wait3A_1036 = arith.constant 0 : i32
      %dma_wait3A_1037 = tpu.memref_slice %arg5[%add3A_528, %dma_wait3A_1035, %dma_wait3A_1036] : memref<25000x2x128xi32, #tpu.memory_space<hbm>> -> memref<1x2x128xi32, #tpu.memory_space<hbm>>
      %dma_wait3A_1038 = tpu.memref_squeeze %dma_wait3A_1037 : memref<1x2x128xi32, #tpu.memory_space<hbm>> -> memref<2x128xi32, #tpu.memory_space<hbm>>
      %dma_wait3A_1039 = arith.constant 0 : i32
      %dma_wait3A_1040 = tpu.memref_slice %dma_wait3A_1038[%dma_wait3A_1030, %dma_wait3A_1039] : memref<2x128xi32, #tpu.memory_space<hbm>> -> memref<1x128xi32, #tpu.memory_space<hbm>>
      %dma_wait3A_1041 = tpu.memref_squeeze %dma_wait3A_1040 : memref<1x128xi32, #tpu.memory_space<hbm>> -> memref<128xi32, #tpu.memory_space<hbm>>
      %dma_wait3A_1042 = arith.constant 0 : i32
      %dma_wait3A_1043 = tpu.memref_slice %arg22[%dma_wait3A_1031, %dma_wait3A_1042] : memref<4x128xi32, #tpu.memory_space<vmem>> -> memref<1x128xi32, #tpu.memory_space<vmem>>
      %dma_wait3A_1044 = tpu.memref_squeeze %dma_wait3A_1043 : memref<1x128xi32, #tpu.memory_space<vmem>> -> memref<128xi32, #tpu.memory_space<vmem>>
      %dma_wait3A_1045 = arith.constant 0 : i32
      %dma_wait3A_1046 = arith.constant 0 : i32
      %dma_wait3A_1047 = tpu.memref_slice %arg5[%add3A_528, %dma_wait3A_1045, %dma_wait3A_1046] : memref<25000x2x128xi32, #tpu.memory_space<hbm>> -> memref<1x2x128xi32, #tpu.memory_space<hbm>>
      %dma_wait3A_1048 = tpu.memref_squeeze %dma_wait3A_1047 : memref<1x2x128xi32, #tpu.memory_space<hbm>> -> memref<2x128xi32, #tpu.memory_space<hbm>>
      %dma_wait3A_1049 = arith.constant 0 : i32
      %dma_wait3A_1050 = tpu.memref_slice %dma_wait3A_1048[%dma_wait3A_1030, %dma_wait3A_1049] : memref<2x128xi32, #tpu.memory_space<hbm>> -> memref<1x128xi32, #tpu.memory_space<hbm>>
      %dma_wait3A_1051 = tpu.memref_squeeze %dma_wait3A_1050 : memref<1x128xi32, #tpu.memory_space<hbm>> -> memref<128xi32, #tpu.memory_space<hbm>>
      tpu.wait_dma2 semaphore(%arg30 : memref<!tpu.dma_semaphore, #tpu.memory_space<semaphore_mem>>) src(%dma_wait3A_1051 : memref<128xi32, #tpu.memory_space<hbm>>) dst(%dma_wait3A_1044 : memref<128xi32, #tpu.memory_space<vmem>>)
      %dma_wait3A_1052 = arith.constant 0 : i32
      %dma_wait3A_1053 = arith.constant 1 : i32
      %dma_wait3A_1054 = arith.constant 0 : i32
      %dma_wait3A_1055 = tpu.memref_slice %arg21[%dma_wait3A_1053, %dma_wait3A_1054] : memref<4x128xi32, #tpu.memory_space<vmem>> -> memref<1x128xi32, #tpu.memory_space<vmem>>
      %dma_wait3A_1056 = tpu.memref_squeeze %dma_wait3A_1055 : memref<1x128xi32, #tpu.memory_space<vmem>> -> memref<128xi32, #tpu.memory_space<vmem>>
      %dma_wait3A_1057 = arith.constant 0 : i32
      %dma_wait3A_1058 = arith.constant 0 : i32
      %dma_wait3A_1059 = tpu.memref_slice %arg5[%add3A_552, %dma_wait3A_1057, %dma_wait3A_1058] : memref<25000x2x128xi32, #tpu.memory_space<hbm>> -> memref<1x2x128xi32, #tpu.memory_space<hbm>>
      %dma_wait3A_1060 = tpu.memref_squeeze %dma_wait3A_1059 : memref<1x2x128xi32, #tpu.memory_space<hbm>> -> memref<2x128xi32, #tpu.memory_space<hbm>>
      %dma_wait3A_1061 = arith.constant 0 : i32
      %dma_wait3A_1062 = tpu.memref_slice %dma_wait3A_1060[%dma_wait3A_1052, %dma_wait3A_1061] : memref<2x128xi32, #tpu.memory_space<hbm>> -> memref<1x128xi32, #tpu.memory_space<hbm>>
      %dma_wait3A_1063 = tpu.memref_squeeze %dma_wait3A_1062 : memref<1x128xi32, #tpu.memory_space<hbm>> -> memref<128xi32, #tpu.memory_space<hbm>>
      %dma_wait3A_1064 = arith.constant 0 : i32
      %dma_wait3A_1065 = tpu.memref_slice %arg21[%dma_wait3A_1053, %dma_wait3A_1064] : memref<4x128xi32, #tpu.memory_space<vmem>> -> memref<1x128xi32, #tpu.memory_space<vmem>>
      %dma_wait3A_1066 = tpu.memref_squeeze %dma_wait3A_1065 : memref<1x128xi32, #tpu.memory_space<vmem>> -> memref<128xi32, #tpu.memory_space<vmem>>
      %dma_wait3A_1067 = arith.constant 0 : i32
      %dma_wait3A_1068 = arith.constant 0 : i32
      %dma_wait3A_1069 = tpu.memref_slice %arg5[%add3A_552, %dma_wait3A_1067, %dma_wait3A_1068] : memref<25000x2x128xi32, #tpu.memory_space<hbm>> -> memref<1x2x128xi32, #tpu.memory_space<hbm>>
      %dma_wait3A_1070 = tpu.memref_squeeze %dma_wait3A_1069 : memref<1x2x128xi32, #tpu.memory_space<hbm>> -> memref<2x128xi32, #tpu.memory_space<hbm>>
      %dma_wait3A_1071 = arith.constant 0 : i32
      %dma_wait3A_1072 = tpu.memref_slice %dma_wait3A_1070[%dma_wait3A_1052, %dma_wait3A_1071] : memref<2x128xi32, #tpu.memory_space<hbm>> -> memref<1x128xi32, #tpu.memory_space<hbm>>
      %dma_wait3A_1073 = tpu.memref_squeeze %dma_wait3A_1072 : memref<1x128xi32, #tpu.memory_space<hbm>> -> memref<128xi32, #tpu.memory_space<hbm>>
      tpu.wait_dma2 semaphore(%arg30 : memref<!tpu.dma_semaphore, #tpu.memory_space<semaphore_mem>>) src(%dma_wait3A_1073 : memref<128xi32, #tpu.memory_space<hbm>>) dst(%dma_wait3A_1066 : memref<128xi32, #tpu.memory_space<vmem>>)
      %dma_wait3A_1074 = arith.constant 1 : i32
      %dma_wait3A_1075 = arith.constant 1 : i32
      %dma_wait3A_1076 = arith.constant 0 : i32
      %dma_wait3A_1077 = tpu.memref_slice %arg22[%dma_wait3A_1075, %dma_wait3A_1076] : memref<4x128xi32, #tpu.memory_space<vmem>> -> memref<1x128xi32, #tpu.memory_space<vmem>>
      %dma_wait3A_1078 = tpu.memref_squeeze %dma_wait3A_1077 : memref<1x128xi32, #tpu.memory_space<vmem>> -> memref<128xi32, #tpu.memory_space<vmem>>
      %dma_wait3A_1079 = arith.constant 0 : i32
      %dma_wait3A_1080 = arith.constant 0 : i32
      %dma_wait3A_1081 = tpu.memref_slice %arg5[%add3A_576, %dma_wait3A_1079, %dma_wait3A_1080] : memref<25000x2x128xi32, #tpu.memory_space<hbm>> -> memref<1x2x128xi32, #tpu.memory_space<hbm>>
      %dma_wait3A_1082 = tpu.memref_squeeze %dma_wait3A_1081 : memref<1x2x128xi32, #tpu.memory_space<hbm>> -> memref<2x128xi32, #tpu.memory_space<hbm>>
      %dma_wait3A_1083 = arith.constant 0 : i32
      %dma_wait3A_1084 = tpu.memref_slice %dma_wait3A_1082[%dma_wait3A_1074, %dma_wait3A_1083] : memref<2x128xi32, #tpu.memory_space<hbm>> -> memref<1x128xi32, #tpu.memory_space<hbm>>
      %dma_wait3A_1085 = tpu.memref_squeeze %dma_wait3A_1084 : memref<1x128xi32, #tpu.memory_space<hbm>> -> memref<128xi32, #tpu.memory_space<hbm>>
      %dma_wait3A_1086 = arith.constant 0 : i32
      %dma_wait3A_1087 = tpu.memref_slice %arg22[%dma_wait3A_1075, %dma_wait3A_1086] : memref<4x128xi32, #tpu.memory_space<vmem>> -> memref<1x128xi32, #tpu.memory_space<vmem>>
      %dma_wait3A_1088 = tpu.memref_squeeze %dma_wait3A_1087 : memref<1x128xi32, #tpu.memory_space<vmem>> -> memref<128xi32, #tpu.memory_space<vmem>>
      %dma_wait3A_1089 = arith.constant 0 : i32
      %dma_wait3A_1090 = arith.constant 0 : i32
      %dma_wait3A_1091 = tpu.memref_slice %arg5[%add3A_576, %dma_wait3A_1089, %dma_wait3A_1090] : memref<25000x2x128xi32, #tpu.memory_space<hbm>> -> memref<1x2x128xi32, #tpu.memory_space<hbm>>
      %dma_wait3A_1092 = tpu.memref_squeeze %dma_wait3A_1091 : memref<1x2x128xi32, #tpu.memory_space<hbm>> -> memref<2x128xi32, #tpu.memory_space<hbm>>
      %dma_wait3A_1093 = arith.constant 0 : i32
      %dma_wait3A_1094 = tpu.memref_slice %dma_wait3A_1092[%dma_wait3A_1074, %dma_wait3A_1093] : memref<2x128xi32, #tpu.memory_space<hbm>> -> memref<1x128xi32, #tpu.memory_space<hbm>>
      %dma_wait3A_1095 = tpu.memref_squeeze %dma_wait3A_1094 : memref<1x128xi32, #tpu.memory_space<hbm>> -> memref<128xi32, #tpu.memory_space<hbm>>
      tpu.wait_dma2 semaphore(%arg30 : memref<!tpu.dma_semaphore, #tpu.memory_space<semaphore_mem>>) src(%dma_wait3A_1095 : memref<128xi32, #tpu.memory_space<hbm>>) dst(%dma_wait3A_1088 : memref<128xi32, #tpu.memory_space<vmem>>)
      %dma_wait3A_1096 = arith.constant 0 : i32
      %dma_wait3A_1097 = arith.constant 2 : i32
      %dma_wait3A_1098 = arith.constant 0 : i32
      %dma_wait3A_1099 = tpu.memref_slice %arg21[%dma_wait3A_1097, %dma_wait3A_1098] : memref<4x128xi32, #tpu.memory_space<vmem>> -> memref<1x128xi32, #tpu.memory_space<vmem>>
      %dma_wait3A_1100 = tpu.memref_squeeze %dma_wait3A_1099 : memref<1x128xi32, #tpu.memory_space<vmem>> -> memref<128xi32, #tpu.memory_space<vmem>>
      %dma_wait3A_1101 = arith.constant 0 : i32
      %dma_wait3A_1102 = arith.constant 0 : i32
      %dma_wait3A_1103 = tpu.memref_slice %arg5[%add3A_600, %dma_wait3A_1101, %dma_wait3A_1102] : memref<25000x2x128xi32, #tpu.memory_space<hbm>> -> memref<1x2x128xi32, #tpu.memory_space<hbm>>
      %dma_wait3A_1104 = tpu.memref_squeeze %dma_wait3A_1103 : memref<1x2x128xi32, #tpu.memory_space<hbm>> -> memref<2x128xi32, #tpu.memory_space<hbm>>
      %dma_wait3A_1105 = arith.constant 0 : i32
      %dma_wait3A_1106 = tpu.memref_slice %dma_wait3A_1104[%dma_wait3A_1096, %dma_wait3A_1105] : memref<2x128xi32, #tpu.memory_space<hbm>> -> memref<1x128xi32, #tpu.memory_space<hbm>>
      %dma_wait3A_1107 = tpu.memref_squeeze %dma_wait3A_1106 : memref<1x128xi32, #tpu.memory_space<hbm>> -> memref<128xi32, #tpu.memory_space<hbm>>
      %dma_wait3A_1108 = arith.constant 0 : i32
      %dma_wait3A_1109 = tpu.memref_slice %arg21[%dma_wait3A_1097, %dma_wait3A_1108] : memref<4x128xi32, #tpu.memory_space<vmem>> -> memref<1x128xi32, #tpu.memory_space<vmem>>
      %dma_wait3A_1110 = tpu.memref_squeeze %dma_wait3A_1109 : memref<1x128xi32, #tpu.memory_space<vmem>> -> memref<128xi32, #tpu.memory_space<vmem>>
      %dma_wait3A_1111 = arith.constant 0 : i32
      %dma_wait3A_1112 = arith.constant 0 : i32
      %dma_wait3A_1113 = tpu.memref_slice %arg5[%add3A_600, %dma_wait3A_1111, %dma_wait3A_1112] : memref<25000x2x128xi32, #tpu.memory_space<hbm>> -> memref<1x2x128xi32, #tpu.memory_space<hbm>>
      %dma_wait3A_1114 = tpu.memref_squeeze %dma_wait3A_1113 : memref<1x2x128xi32, #tpu.memory_space<hbm>> -> memref<2x128xi32, #tpu.memory_space<hbm>>
      %dma_wait3A_1115 = arith.constant 0 : i32
      %dma_wait3A_1116 = tpu.memref_slice %dma_wait3A_1114[%dma_wait3A_1096, %dma_wait3A_1115] : memref<2x128xi32, #tpu.memory_space<hbm>> -> memref<1x128xi32, #tpu.memory_space<hbm>>
      %dma_wait3A_1117 = tpu.memref_squeeze %dma_wait3A_1116 : memref<1x128xi32, #tpu.memory_space<hbm>> -> memref<128xi32, #tpu.memory_space<hbm>>
      tpu.wait_dma2 semaphore(%arg30 : memref<!tpu.dma_semaphore, #tpu.memory_space<semaphore_mem>>) src(%dma_wait3A_1117 : memref<128xi32, #tpu.memory_space<hbm>>) dst(%dma_wait3A_1110 : memref<128xi32, #tpu.memory_space<vmem>>)
      %dma_wait3A_1118 = arith.constant 1 : i32
      %dma_wait3A_1119 = arith.constant 2 : i32
      %dma_wait3A_1120 = arith.constant 0 : i32
      %dma_wait3A_1121 = tpu.memref_slice %arg22[%dma_wait3A_1119, %dma_wait3A_1120] : memref<4x128xi32, #tpu.memory_space<vmem>> -> memref<1x128xi32, #tpu.memory_space<vmem>>
      %dma_wait3A_1122 = tpu.memref_squeeze %dma_wait3A_1121 : memref<1x128xi32, #tpu.memory_space<vmem>> -> memref<128xi32, #tpu.memory_space<vmem>>
      %dma_wait3A_1123 = arith.constant 0 : i32
      %dma_wait3A_1124 = arith.constant 0 : i32
      %dma_wait3A_1125 = tpu.memref_slice %arg5[%add3A_624, %dma_wait3A_1123, %dma_wait3A_1124] : memref<25000x2x128xi32, #tpu.memory_space<hbm>> -> memref<1x2x128xi32, #tpu.memory_space<hbm>>
      %dma_wait3A_1126 = tpu.memref_squeeze %dma_wait3A_1125 : memref<1x2x128xi32, #tpu.memory_space<hbm>> -> memref<2x128xi32, #tpu.memory_space<hbm>>
      %dma_wait3A_1127 = arith.constant 0 : i32
      %dma_wait3A_1128 = tpu.memref_slice %dma_wait3A_1126[%dma_wait3A_1118, %dma_wait3A_1127] : memref<2x128xi32, #tpu.memory_space<hbm>> -> memref<1x128xi32, #tpu.memory_space<hbm>>
      %dma_wait3A_1129 = tpu.memref_squeeze %dma_wait3A_1128 : memref<1x128xi32, #tpu.memory_space<hbm>> -> memref<128xi32, #tpu.memory_space<hbm>>
      %dma_wait3A_1130 = arith.constant 0 : i32
      %dma_wait3A_1131 = tpu.memref_slice %arg22[%dma_wait3A_1119, %dma_wait3A_1130] : memref<4x128xi32, #tpu.memory_space<vmem>> -> memref<1x128xi32, #tpu.memory_space<vmem>>
      %dma_wait3A_1132 = tpu.memref_squeeze %dma_wait3A_1131 : memref<1x128xi32, #tpu.memory_space<vmem>> -> memref<128xi32, #tpu.memory_space<vmem>>
      %dma_wait3A_1133 = arith.constant 0 : i32
      %dma_wait3A_1134 = arith.constant 0 : i32
      %dma_wait3A_1135 = tpu.memref_slice %arg5[%add3A_624, %dma_wait3A_1133, %dma_wait3A_1134] : memref<25000x2x128xi32, #tpu.memory_space<hbm>> -> memref<1x2x128xi32, #tpu.memory_space<hbm>>
      %dma_wait3A_1136 = tpu.memref_squeeze %dma_wait3A_1135 : memref<1x2x128xi32, #tpu.memory_space<hbm>> -> memref<2x128xi32, #tpu.memory_space<hbm>>
      %dma_wait3A_1137 = arith.constant 0 : i32
      %dma_wait3A_1138 = tpu.memref_slice %dma_wait3A_1136[%dma_wait3A_1118, %dma_wait3A_1137] : memref<2x128xi32, #tpu.memory_space<hbm>> -> memref<1x128xi32, #tpu.memory_space<hbm>>
      %dma_wait3A_1139 = tpu.memref_squeeze %dma_wait3A_1138 : memref<1x128xi32, #tpu.memory_space<hbm>> -> memref<128xi32, #tpu.memory_space<hbm>>
      tpu.wait_dma2 semaphore(%arg30 : memref<!tpu.dma_semaphore, #tpu.memory_space<semaphore_mem>>) src(%dma_wait3A_1139 : memref<128xi32, #tpu.memory_space<hbm>>) dst(%dma_wait3A_1132 : memref<128xi32, #tpu.memory_space<vmem>>)
      %dma_wait3A_1140 = arith.constant 0 : i32
      %dma_wait3A_1141 = arith.constant 3 : i32
      %dma_wait3A_1142 = arith.constant 0 : i32
      %dma_wait3A_1143 = tpu.memref_slice %arg21[%dma_wait3A_1141, %dma_wait3A_1142] : memref<4x128xi32, #tpu.memory_space<vmem>> -> memref<1x128xi32, #tpu.memory_space<vmem>>
      %dma_wait3A_1144 = tpu.memref_squeeze %dma_wait3A_1143 : memref<1x128xi32, #tpu.memory_space<vmem>> -> memref<128xi32, #tpu.memory_space<vmem>>
      %dma_wait3A_1145 = arith.constant 0 : i32
      %dma_wait3A_1146 = arith.constant 0 : i32
      %dma_wait3A_1147 = tpu.memref_slice %arg5[%add3A_648, %dma_wait3A_1145, %dma_wait3A_1146] : memref<25000x2x128xi32, #tpu.memory_space<hbm>> -> memref<1x2x128xi32, #tpu.memory_space<hbm>>
      %dma_wait3A_1148 = tpu.memref_squeeze %dma_wait3A_1147 : memref<1x2x128xi32, #tpu.memory_space<hbm>> -> memref<2x128xi32, #tpu.memory_space<hbm>>
      %dma_wait3A_1149 = arith.constant 0 : i32
      %dma_wait3A_1150 = tpu.memref_slice %dma_wait3A_1148[%dma_wait3A_1140, %dma_wait3A_1149] : memref<2x128xi32, #tpu.memory_space<hbm>> -> memref<1x128xi32, #tpu.memory_space<hbm>>
      %dma_wait3A_1151 = tpu.memref_squeeze %dma_wait3A_1150 : memref<1x128xi32, #tpu.memory_space<hbm>> -> memref<128xi32, #tpu.memory_space<hbm>>
      %dma_wait3A_1152 = arith.constant 0 : i32
      %dma_wait3A_1153 = tpu.memref_slice %arg21[%dma_wait3A_1141, %dma_wait3A_1152] : memref<4x128xi32, #tpu.memory_space<vmem>> -> memref<1x128xi32, #tpu.memory_space<vmem>>
      %dma_wait3A_1154 = tpu.memref_squeeze %dma_wait3A_1153 : memref<1x128xi32, #tpu.memory_space<vmem>> -> memref<128xi32, #tpu.memory_space<vmem>>
      %dma_wait3A_1155 = arith.constant 0 : i32
      %dma_wait3A_1156 = arith.constant 0 : i32
      %dma_wait3A_1157 = tpu.memref_slice %arg5[%add3A_648, %dma_wait3A_1155, %dma_wait3A_1156] : memref<25000x2x128xi32, #tpu.memory_space<hbm>> -> memref<1x2x128xi32, #tpu.memory_space<hbm>>
      %dma_wait3A_1158 = tpu.memref_squeeze %dma_wait3A_1157 : memref<1x2x128xi32, #tpu.memory_space<hbm>> -> memref<2x128xi32, #tpu.memory_space<hbm>>
      %dma_wait3A_1159 = arith.constant 0 : i32
      %dma_wait3A_1160 = tpu.memref_slice %dma_wait3A_1158[%dma_wait3A_1140, %dma_wait3A_1159] : memref<2x128xi32, #tpu.memory_space<hbm>> -> memref<1x128xi32, #tpu.memory_space<hbm>>
      %dma_wait3A_1161 = tpu.memref_squeeze %dma_wait3A_1160 : memref<1x128xi32, #tpu.memory_space<hbm>> -> memref<128xi32, #tpu.memory_space<hbm>>
      tpu.wait_dma2 semaphore(%arg30 : memref<!tpu.dma_semaphore, #tpu.memory_space<semaphore_mem>>) src(%dma_wait3A_1161 : memref<128xi32, #tpu.memory_space<hbm>>) dst(%dma_wait3A_1154 : memref<128xi32, #tpu.memory_space<vmem>>)
      %dma_wait3A_1162 = arith.constant 1 : i32
      %dma_wait3A_1163 = arith.constant 3 : i32
      %dma_wait3A_1164 = arith.constant 0 : i32
      %dma_wait3A_1165 = tpu.memref_slice %arg22[%dma_wait3A_1163, %dma_wait3A_1164] : memref<4x128xi32, #tpu.memory_space<vmem>> -> memref<1x128xi32, #tpu.memory_space<vmem>>
      %dma_wait3A_1166 = tpu.memref_squeeze %dma_wait3A_1165 : memref<1x128xi32, #tpu.memory_space<vmem>> -> memref<128xi32, #tpu.memory_space<vmem>>
      %dma_wait3A_1167 = arith.constant 0 : i32
      %dma_wait3A_1168 = arith.constant 0 : i32
      %dma_wait3A_1169 = tpu.memref_slice %arg5[%add3A_672, %dma_wait3A_1167, %dma_wait3A_1168] : memref<25000x2x128xi32, #tpu.memory_space<hbm>> -> memref<1x2x128xi32, #tpu.memory_space<hbm>>
      %dma_wait3A_1170 = tpu.memref_squeeze %dma_wait3A_1169 : memref<1x2x128xi32, #tpu.memory_space<hbm>> -> memref<2x128xi32, #tpu.memory_space<hbm>>
      %dma_wait3A_1171 = arith.constant 0 : i32
      %dma_wait3A_1172 = tpu.memref_slice %dma_wait3A_1170[%dma_wait3A_1162, %dma_wait3A_1171] : memref<2x128xi32, #tpu.memory_space<hbm>> -> memref<1x128xi32, #tpu.memory_space<hbm>>
      %dma_wait3A_1173 = tpu.memref_squeeze %dma_wait3A_1172 : memref<1x128xi32, #tpu.memory_space<hbm>> -> memref<128xi32, #tpu.memory_space<hbm>>
      %dma_wait3A_1174 = arith.constant 0 : i32
      %dma_wait3A_1175 = tpu.memref_slice %arg22[%dma_wait3A_1163, %dma_wait3A_1174] : memref<4x128xi32, #tpu.memory_space<vmem>> -> memref<1x128xi32, #tpu.memory_space<vmem>>
      %dma_wait3A_1176 = tpu.memref_squeeze %dma_wait3A_1175 : memref<1x128xi32, #tpu.memory_space<vmem>> -> memref<128xi32, #tpu.memory_space<vmem>>
      %dma_wait3A_1177 = arith.constant 0 : i32
      %dma_wait3A_1178 = arith.constant 0 : i32
      %dma_wait3A_1179 = tpu.memref_slice %arg5[%add3A_672, %dma_wait3A_1177, %dma_wait3A_1178] : memref<25000x2x128xi32, #tpu.memory_space<hbm>> -> memref<1x2x128xi32, #tpu.memory_space<hbm>>
      %dma_wait3A_1180 = tpu.memref_squeeze %dma_wait3A_1179 : memref<1x2x128xi32, #tpu.memory_space<hbm>> -> memref<2x128xi32, #tpu.memory_space<hbm>>
      %dma_wait3A_1181 = arith.constant 0 : i32
      %dma_wait3A_1182 = tpu.memref_slice %dma_wait3A_1180[%dma_wait3A_1162, %dma_wait3A_1181] : memref<2x128xi32, #tpu.memory_space<hbm>> -> memref<1x128xi32, #tpu.memory_space<hbm>>
      %dma_wait3A_1183 = tpu.memref_squeeze %dma_wait3A_1182 : memref<1x128xi32, #tpu.memory_space<hbm>> -> memref<128xi32, #tpu.memory_space<hbm>>
      tpu.wait_dma2 semaphore(%arg30 : memref<!tpu.dma_semaphore, #tpu.memory_space<semaphore_mem>>) src(%dma_wait3A_1183 : memref<128xi32, #tpu.memory_space<hbm>>) dst(%dma_wait3A_1176 : memref<128xi32, #tpu.memory_space<vmem>>)
      %scan3A_1184 = arith.constant 0 : i32
      %scan3A_1185 = arith.constant 0 : i32
      %scan3A_1186 = arith.constant 16 : i32
      %scan3A_1187 = arith.addi %scan3A_1185, %scan3A_1186 : i32
      %scan3A_1188 = arith.constant 1 : i32
      scf.for %scan3A_1310 = %scan3A_1185 to %scan3A_1187 step %scan3A_1188  : i32 {
        %mul3A_1311 = arith.constant 32 : i32
        %mul3A_1312 = arith.muli %scan3A_1310, %mul3A_1311 : i32
        %add3A_1313 = arith.constant 0 : i32
        %add3A_1314 = arith.addi %mul3A_1312, %add3A_1313 : i32
        %add3A_1315 = vector.broadcast %add3A_1314 : i32 to vector<16xi32>
        %add3A_1316 = arith.addi %iota3A, %add3A_1315 : vector<16xi32>
        %mul3A_1317 = arith.constant 32 : i32
        %mul3A_1318 = arith.muli %scan3A_1310, %mul3A_1317 : i32
        %add3A_1319 = arith.constant 0 : i32
        %add3A_1320 = arith.addi %mul3A_1318, %add3A_1319 : i32
        %get3A_1321 = arith.index_cast %add3A_1320 : i32 to index
        %get3A_1322 = tpu.vector_load %arg18[%get3A_1321] {strides = array<i32>} : memref<512xf32, #tpu.memory_space<vmem>>, vector<16xf32>,
        %mul3A_1323 = arith.constant 32 : i32
        %mul3A_1324 = arith.muli %scan3A_1310, %mul3A_1323 : i32
        %add3A_1325 = arith.constant 0 : i32
        %add3A_1326 = arith.addi %mul3A_1324, %add3A_1325 : i32
        %get3A_1327 = arith.index_cast %add3A_1326 : i32 to index
        %get3A_1328 = tpu.vector_load %arg19[%get3A_1327] {strides = array<i32>} : memref<512xf32, #tpu.memory_space<vmem>>, vector<16xf32>,
        %mul3A_1329 = arith.constant 32 : i32
        %mul3A_1330 = arith.muli %scan3A_1310, %mul3A_1329 : i32
        %add3A_1331 = arith.constant 0 : i32
        %add3A_1332 = arith.addi %mul3A_1330, %add3A_1331 : i32
        %get3A_1333 = arith.index_cast %add3A_1332 : i32 to index
        %get3A_1334 = tpu.vector_load %arg20[%get3A_1333] {strides = array<i32>} : memref<512xf32, #tpu.memory_space<vmem>>, vector<16xf32>,
        %mul3A_1335 = arith.mulf %get3A_1322, %get3A_1322 : vector<16xf32>
        %mul3A_1336 = arith.mulf %mul3A_1335, %mul3A_8 : vector<16xf32>
        %mul3A_1337 = arith.mulf %get3A_1328, %get3A_1328 : vector<16xf32>
        %mul3A_1338 = arith.mulf %mul3A_1337, %mul3A_9 : vector<16xf32>
        %add3A_1339 = arith.addf %mul3A_1336, %mul3A_1338 : vector<16xf32>
        %mul3A_1340 = arith.mulf %get3A_1334, %get3A_1334 : vector<16xf32>
        %mul3A_1341 = arith.mulf %mul3A_1340, %mul3A_10 : vector<16xf32>
        %add3A_1342 = arith.addf %add3A_1339, %mul3A_1341 : vector<16xf32>
        %neg3A = arith.constant 0.000000e+00 : f32
        %neg3A_1343 = vector.broadcast %neg3A : f32 to vector<16xf32>
        %neg3A_1344 = arith.subf %neg3A_1343, %add3A_1342 : vector<16xf32>
        %exp3A = math.exp %neg3A_1344 : vector<16xf32>
        %mul3A_1345 = arith.constant -2.000000e+00 : f32
        %mul3A_1346 = vector.broadcast %mul3A_1345 : f32 to vector<16xf32>
        %mul3A_1347 = arith.mulf %exp3A, %mul3A_1346 : vector<16xf32>
        %mul3A_1348 = arith.mulf %mul3A_1347, %mul3A_8 : vector<16xf32>
        %mul3A_1349 = arith.mulf %mul3A_1348, %get3A_1322 : vector<16xf32>
        %mul3A_1350 = arith.mulf %mul3A_1347, %mul3A_9 : vector<16xf32>
        %mul3A_1351 = arith.mulf %mul3A_1350, %get3A_1328 : vector<16xf32>
        %mul3A_1352 = arith.mulf %mul3A_1347, %mul3A_10 : vector<16xf32>
        %mul3A_1353 = arith.mulf %mul3A_1352, %get3A_1334 : vector<16xf32>
        tpu.vector_store_idx %arg23[%add3A_1316, %broadcast_in_dim3A_11], %mul3A_1349 : memref<512x8xf32, #tpu.memory_space<vmem>>[vector<16xi32>, vector<16xi32>], vector<16xf32>,
        tpu.vector_store_idx %arg23[%add3A_1316, %broadcast_in_dim3A_13], %mul3A_1351 : memref<512x8xf32, #tpu.memory_space<vmem>>[vector<16xi32>, vector<16xi32>], vector<16xf32>,
        tpu.vector_store_idx %arg23[%add3A_1316, %broadcast_in_dim3A_15], %mul3A_1353 : memref<512x8xf32, #tpu.memory_space<vmem>>[vector<16xi32>, vector<16xi32>], vector<16xf32>,
        %neg3A_1354 = arith.constant 0.000000e+00 : f32
        %neg3A_1355 = vector.broadcast %neg3A_1354 : f32 to vector<16xf32>
        %neg3A_1356 = arith.subf %neg3A_1355, %mul3A_1349 : vector<16xf32>
        tpu.vector_store_idx %arg24[%add3A_1316, %broadcast_in_dim3A_11], %neg3A_1356 : memref<512x8xf32, #tpu.memory_space<vmem>>[vector<16xi32>, vector<16xi32>], vector<16xf32>,
        %neg3A_1357 = arith.constant 0.000000e+00 : f32
        %neg3A_1358 = vector.broadcast %neg3A_1357 : f32 to vector<16xf32>
        %neg3A_1359 = arith.subf %neg3A_1358, %mul3A_1351 : vector<16xf32>
        tpu.vector_store_idx %arg24[%add3A_1316, %broadcast_in_dim3A_13], %neg3A_1359 : memref<512x8xf32, #tpu.memory_space<vmem>>[vector<16xi32>, vector<16xi32>], vector<16xf32>,
        %neg3A_1360 = arith.constant 0.000000e+00 : f32
        %neg3A_1361 = vector.broadcast %neg3A_1360 : f32 to vector<16xf32>
        %neg3A_1362 = arith.subf %neg3A_1361, %mul3A_1353 : vector<16xf32>
        tpu.vector_store_idx %arg24[%add3A_1316, %broadcast_in_dim3A_15], %neg3A_1362 : memref<512x8xf32, #tpu.memory_space<vmem>>[vector<16xi32>, vector<16xi32>], vector<16xf32>,
        %mul3A_1363 = arith.mulf %get3A_1322, %mul3A_1349 : vector<16xf32>
        tpu.vector_store_idx %arg25[%add3A_1316, %broadcast_in_dim3A_11], %mul3A_1363 : memref<512x8xf32, #tpu.memory_space<vmem>>[vector<16xi32>, vector<16xi32>], vector<16xf32>,
        %mul3A_1364 = arith.mulf %get3A_1328, %mul3A_1351 : vector<16xf32>
        tpu.vector_store_idx %arg25[%add3A_1316, %broadcast_in_dim3A_13], %mul3A_1364 : memref<512x8xf32, #tpu.memory_space<vmem>>[vector<16xi32>, vector<16xi32>], vector<16xf32>,
        %mul3A_1365 = arith.mulf %get3A_1334, %mul3A_1353 : vector<16xf32>
        tpu.vector_store_idx %arg25[%add3A_1316, %broadcast_in_dim3A_15], %mul3A_1365 : memref<512x8xf32, #tpu.memory_space<vmem>>[vector<16xi32>, vector<16xi32>], vector<16xf32>,
        %mul3A_1366 = arith.mulf %get3A_1322, %mul3A_1351 : vector<16xf32>
        tpu.vector_store_idx %arg25[%add3A_1316, %broadcast_in_dim3A_17], %mul3A_1366 : memref<512x8xf32, #tpu.memory_space<vmem>>[vector<16xi32>, vector<16xi32>], vector<16xf32>,
        %mul3A_1367 = arith.mulf %get3A_1328, %mul3A_1353 : vector<16xf32>
        tpu.vector_store_idx %arg25[%add3A_1316, %broadcast_in_dim3A_19], %mul3A_1367 : memref<512x8xf32, #tpu.memory_space<vmem>>[vector<16xi32>, vector<16xi32>], vector<16xf32>,
        %mul3A_1368 = arith.mulf %get3A_1334, %mul3A_1349 : vector<16xf32>
        tpu.vector_store_idx %arg25[%add3A_1316, %broadcast_in_dim3A_21], %mul3A_1368 : memref<512x8xf32, #tpu.memory_space<vmem>>[vector<16xi32>, vector<16xi32>], vector<16xf32>,
        %mul3A_1369 = arith.constant 32 : i32
        %mul3A_1370 = arith.muli %scan3A_1310, %mul3A_1369 : i32
        %add3A_1371 = arith.constant 16 : i32
        %add3A_1372 = arith.addi %mul3A_1370, %add3A_1371 : i32
        %add3A_1373 = vector.broadcast %add3A_1372 : i32 to vector<16xi32>
        %add3A_1374 = arith.addi %iota3A, %add3A_1373 : vector<16xi32>
        %mul3A_1375 = arith.constant 32 : i32
        %mul3A_1376 = arith.muli %scan3A_1310, %mul3A_1375 : i32
        %add3A_1377 = arith.constant 16 : i32
        %add3A_1378 = arith.addi %mul3A_1376, %add3A_1377 : i32
        %get3A_1379 = arith.index_cast %add3A_1378 : i32 to index
        %get3A_1380 = tpu.vector_load %arg18[%get3A_1379] {strides = array<i32>} : memref<512xf32, #tpu.memory_space<vmem>>, vector<16xf32>,
        %mul3A_1381 = arith.constant 32 : i32
        %mul3A_1382 = arith.muli %scan3A_1310, %mul3A_1381 : i32
        %add3A_1383 = arith.constant 16 : i32
        %add3A_1384 = arith.addi %mul3A_1382, %add3A_1383 : i32
        %get3A_1385 = arith.index_cast %add3A_1384 : i32 to index
        %get3A_1386 = tpu.vector_load %arg19[%get3A_1385] {strides = array<i32>} : memref<512xf32, #tpu.memory_space<vmem>>, vector<16xf32>,
        %mul3A_1387 = arith.constant 32 : i32
        %mul3A_1388 = arith.muli %scan3A_1310, %mul3A_1387 : i32
        %add3A_1389 = arith.constant 16 : i32
        %add3A_1390 = arith.addi %mul3A_1388, %add3A_1389 : i32
        %get3A_1391 = arith.index_cast %add3A_1390 : i32 to index
        %get3A_1392 = tpu.vector_load %arg20[%get3A_1391] {strides = array<i32>} : memref<512xf32, #tpu.memory_space<vmem>>, vector<16xf32>,
        %mul3A_1393 = arith.mulf %get3A_1380, %get3A_1380 : vector<16xf32>
        %mul3A_1394 = arith.mulf %mul3A_1393, %mul3A_8 : vector<16xf32>
        %mul3A_1395 = arith.mulf %get3A_1386, %get3A_1386 : vector<16xf32>
        %mul3A_1396 = arith.mulf %mul3A_1395, %mul3A_9 : vector<16xf32>
        %add3A_1397 = arith.addf %mul3A_1394, %mul3A_1396 : vector<16xf32>
        %mul3A_1398 = arith.mulf %get3A_1392, %get3A_1392 : vector<16xf32>
        %mul3A_1399 = arith.mulf %mul3A_1398, %mul3A_10 : vector<16xf32>
        %add3A_1400 = arith.addf %add3A_1397, %mul3A_1399 : vector<16xf32>
        %neg3A_1401 = arith.constant 0.000000e+00 : f32
        %neg3A_1402 = vector.broadcast %neg3A_1401 : f32 to vector<16xf32>
        %neg3A_1403 = arith.subf %neg3A_1402, %add3A_1400 : vector<16xf32>
        %exp3A_1404 = math.exp %neg3A_1403 : vector<16xf32>
        %mul3A_1405 = arith.constant -2.000000e+00 : f32
        %mul3A_1406 = vector.broadcast %mul3A_1405 : f32 to vector<16xf32>
        %mul3A_1407 = arith.mulf %exp3A_1404, %mul3A_1406 : vector<16xf32>
        %mul3A_1408 = arith.mulf %mul3A_1407, %mul3A_8 : vector<16xf32>
        %mul3A_1409 = arith.mulf %mul3A_1408, %get3A_1380 : vector<16xf32>
        %mul3A_1410 = arith.mulf %mul3A_1407, %mul3A_9 : vector<16xf32>
        %mul3A_1411 = arith.mulf %mul3A_1410, %get3A_1386 : vector<16xf32>
        %mul3A_1412 = arith.mulf %mul3A_1407, %mul3A_10 : vector<16xf32>
        %mul3A_1413 = arith.mulf %mul3A_1412, %get3A_1392 : vector<16xf32>
        tpu.vector_store_idx %arg23[%add3A_1374, %broadcast_in_dim3A_11], %mul3A_1409 : memref<512x8xf32, #tpu.memory_space<vmem>>[vector<16xi32>, vector<16xi32>], vector<16xf32>,
        tpu.vector_store_idx %arg23[%add3A_1374, %broadcast_in_dim3A_13], %mul3A_1411 : memref<512x8xf32, #tpu.memory_space<vmem>>[vector<16xi32>, vector<16xi32>], vector<16xf32>,
        tpu.vector_store_idx %arg23[%add3A_1374, %broadcast_in_dim3A_15], %mul3A_1413 : memref<512x8xf32, #tpu.memory_space<vmem>>[vector<16xi32>, vector<16xi32>], vector<16xf32>,
        %neg3A_1414 = arith.constant 0.000000e+00 : f32
        %neg3A_1415 = vector.broadcast %neg3A_1414 : f32 to vector<16xf32>
        %neg3A_1416 = arith.subf %neg3A_1415, %mul3A_1409 : vector<16xf32>
        tpu.vector_store_idx %arg24[%add3A_1374, %broadcast_in_dim3A_11], %neg3A_1416 : memref<512x8xf32, #tpu.memory_space<vmem>>[vector<16xi32>, vector<16xi32>], vector<16xf32>,
        %neg3A_1417 = arith.constant 0.000000e+00 : f32
        %neg3A_1418 = vector.broadcast %neg3A_1417 : f32 to vector<16xf32>
        %neg3A_1419 = arith.subf %neg3A_1418, %mul3A_1411 : vector<16xf32>
        tpu.vector_store_idx %arg24[%add3A_1374, %broadcast_in_dim3A_13], %neg3A_1419 : memref<512x8xf32, #tpu.memory_space<vmem>>[vector<16xi32>, vector<16xi32>], vector<16xf32>,
        %neg3A_1420 = arith.constant 0.000000e+00 : f32
        %neg3A_1421 = vector.broadcast %neg3A_1420 : f32 to vector<16xf32>
        %neg3A_1422 = arith.subf %neg3A_1421, %mul3A_1413 : vector<16xf32>
        tpu.vector_store_idx %arg24[%add3A_1374, %broadcast_in_dim3A_15], %neg3A_1422 : memref<512x8xf32, #tpu.memory_space<vmem>>[vector<16xi32>, vector<16xi32>], vector<16xf32>,
        %mul3A_1423 = arith.mulf %get3A_1380, %mul3A_1409 : vector<16xf32>
        tpu.vector_store_idx %arg25[%add3A_1374, %broadcast_in_dim3A_11], %mul3A_1423 : memref<512x8xf32, #tpu.memory_space<vmem>>[vector<16xi32>, vector<16xi32>], vector<16xf32>,
        %mul3A_1424 = arith.mulf %get3A_1386, %mul3A_1411 : vector<16xf32>
        tpu.vector_store_idx %arg25[%add3A_1374, %broadcast_in_dim3A_13], %mul3A_1424 : memref<512x8xf32, #tpu.memory_space<vmem>>[vector<16xi32>, vector<16xi32>], vector<16xf32>,
        %mul3A_1425 = arith.mulf %get3A_1392, %mul3A_1413 : vector<16xf32>
        tpu.vector_store_idx %arg25[%add3A_1374, %broadcast_in_dim3A_15], %mul3A_1425 : memref<512x8xf32, #tpu.memory_space<vmem>>[vector<16xi32>, vector<16xi32>], vector<16xf32>,
        %mul3A_1426 = arith.mulf %get3A_1380, %mul3A_1411 : vector<16xf32>
        tpu.vector_store_idx %arg25[%add3A_1374, %broadcast_in_dim3A_17], %mul3A_1426 : memref<512x8xf32, #tpu.memory_space<vmem>>[vector<16xi32>, vector<16xi32>], vector<16xf32>,
        %mul3A_1427 = arith.mulf %get3A_1386, %mul3A_1413 : vector<16xf32>
        tpu.vector_store_idx %arg25[%add3A_1374, %broadcast_in_dim3A_19], %mul3A_1427 : memref<512x8xf32, #tpu.memory_space<vmem>>[vector<16xi32>, vector<16xi32>], vector<16xf32>,
        %mul3A_1428 = arith.mulf %get3A_1392, %mul3A_1409 : vector<16xf32>
        tpu.vector_store_idx %arg25[%add3A_1374, %broadcast_in_dim3A_21], %mul3A_1428 : memref<512x8xf32, #tpu.memory_space<vmem>>[vector<16xi32>, vector<16xi32>], vector<16xf32>,
      }
      %scan3A_1189 = arith.constant 16 : i32
      %dma_start3A_1190 = arith.constant 0 : i32
      %dma_start3A_1191 = arith.constant 0 : i32
      %dma_start3A_1192 = arith.constant 0 : i32
      %dma_start3A_1193 = tpu.memref_slice %arg23[%dma_start3A_1191, %dma_start3A_1192] : memref<512x8xf32, #tpu.memory_space<vmem>> -> memref<128x8xf32, #tpu.memory_space<vmem>>
      %dma_start3A_1194 = arith.constant 0 : i32
      %dma_start3A_1195 = tpu.memref_slice %arg21[%dma_start3A_1190, %dma_start3A_1194] : memref<4x128xi32, #tpu.memory_space<vmem>> -> memref<1x128xi32, #tpu.memory_space<vmem>>
      %dma_start3A_1196 = tpu.memref_squeeze %dma_start3A_1195 : memref<1x128xi32, #tpu.memory_space<vmem>> -> memref<128xi32, #tpu.memory_space<vmem>>
      %dma_start3A_1197 = arith.constant 0 : i32
      %dma_start3A_1198 = arith.constant 0 : i32
      %dma_start3A_1199 = tpu.memref_slice %arg27[%dma_start3A_1197, %dma_start3A_1198] : memref<100096x8xf32, #tpu.memory_space<vmem_shared>> -> memref<100096x8xf32, #tpu.memory_space<vmem_shared>>
      tpu.enqueue_indirect_dma source(%dma_start3A_1193 : memref<128x8xf32, #tpu.memory_space<vmem>>) target(%dma_start3A_1199 : memref<100096x8xf32, #tpu.memory_space<vmem_shared>>) offsets(%dma_start3A_1196 : memref<128xi32, #tpu.memory_space<vmem>>) semaphore(%arg32 : memref<!tpu.dma_semaphore, #tpu.memory_space<semaphore_mem>>) {add = true}
      %dma_start3A_1200 = arith.constant 0 : i32
      %dma_start3A_1201 = arith.constant 0 : i32
      %dma_start3A_1202 = arith.constant 0 : i32
      %dma_start3A_1203 = tpu.memref_slice %arg24[%dma_start3A_1201, %dma_start3A_1202] : memref<512x8xf32, #tpu.memory_space<vmem>> -> memref<128x8xf32, #tpu.memory_space<vmem>>
      %dma_start3A_1204 = arith.constant 0 : i32
      %dma_start3A_1205 = tpu.memref_slice %arg22[%dma_start3A_1200, %dma_start3A_1204] : memref<4x128xi32, #tpu.memory_space<vmem>> -> memref<1x128xi32, #tpu.memory_space<vmem>>
      %dma_start3A_1206 = tpu.memref_squeeze %dma_start3A_1205 : memref<1x128xi32, #tpu.memory_space<vmem>> -> memref<128xi32, #tpu.memory_space<vmem>>
      %dma_start3A_1207 = arith.constant 0 : i32
      %dma_start3A_1208 = arith.constant 0 : i32
      %dma_start3A_1209 = tpu.memref_slice %arg27[%dma_start3A_1207, %dma_start3A_1208] : memref<100096x8xf32, #tpu.memory_space<vmem_shared>> -> memref<100096x8xf32, #tpu.memory_space<vmem_shared>>
      tpu.enqueue_indirect_dma source(%dma_start3A_1203 : memref<128x8xf32, #tpu.memory_space<vmem>>) target(%dma_start3A_1209 : memref<100096x8xf32, #tpu.memory_space<vmem_shared>>) offsets(%dma_start3A_1206 : memref<128xi32, #tpu.memory_space<vmem>>) semaphore(%arg32 : memref<!tpu.dma_semaphore, #tpu.memory_space<semaphore_mem>>) {add = true}
      %dma_start3A_1210 = arith.constant 0 : i32
      %dma_start3A_1211 = arith.constant 0 : i32
      %dma_start3A_1212 = arith.constant 0 : i32
      %dma_start3A_1213 = tpu.memref_slice %arg25[%dma_start3A_1211, %dma_start3A_1212] : memref<512x8xf32, #tpu.memory_space<vmem>> -> memref<128x8xf32, #tpu.memory_space<vmem>>
      %dma_start3A_1214 = arith.constant 0 : i32
      %dma_start3A_1215 = tpu.memref_slice %arg22[%dma_start3A_1210, %dma_start3A_1214] : memref<4x128xi32, #tpu.memory_space<vmem>> -> memref<1x128xi32, #tpu.memory_space<vmem>>
      %dma_start3A_1216 = tpu.memref_squeeze %dma_start3A_1215 : memref<1x128xi32, #tpu.memory_space<vmem>> -> memref<128xi32, #tpu.memory_space<vmem>>
      %dma_start3A_1217 = arith.constant 0 : i32
      %dma_start3A_1218 = arith.constant 0 : i32
      %dma_start3A_1219 = tpu.memref_slice %arg28[%dma_start3A_1217, %dma_start3A_1218] : memref<100096x8xf32, #tpu.memory_space<vmem_shared>> -> memref<100096x8xf32, #tpu.memory_space<vmem_shared>>
      tpu.enqueue_indirect_dma source(%dma_start3A_1213 : memref<128x8xf32, #tpu.memory_space<vmem>>) target(%dma_start3A_1219 : memref<100096x8xf32, #tpu.memory_space<vmem_shared>>) offsets(%dma_start3A_1216 : memref<128xi32, #tpu.memory_space<vmem>>) semaphore(%arg32 : memref<!tpu.dma_semaphore, #tpu.memory_space<semaphore_mem>>) {add = true}
      %dma_start3A_1220 = arith.constant 1 : i32
      %dma_start3A_1221 = arith.constant 128 : i32
      %dma_start3A_1222 = arith.constant 0 : i32
      %dma_start3A_1223 = tpu.memref_slice %arg23[%dma_start3A_1221, %dma_start3A_1222] : memref<512x8xf32, #tpu.memory_space<vmem>> -> memref<128x8xf32, #tpu.memory_space<vmem>>
      %dma_start3A_1224 = arith.constant 0 : i32
      %dma_start3A_1225 = tpu.memref_slice %arg21[%dma_start3A_1220, %dma_start3A_1224] : memref<4x128xi32, #tpu.memory_space<vmem>> -> memref<1x128xi32, #tpu.memory_space<vmem>>
      %dma_start3A_1226 = tpu.memref_squeeze %dma_start3A_1225 : memref<1x128xi32, #tpu.memory_space<vmem>> -> memref<128xi32, #tpu.memory_space<vmem>>
      %dma_start3A_1227 = arith.constant 0 : i32
      %dma_start3A_1228 = arith.constant 0 : i32
      %dma_start3A_1229 = tpu.memref_slice %arg27[%dma_start3A_1227, %dma_start3A_1228] : memref<100096x8xf32, #tpu.memory_space<vmem_shared>> -> memref<100096x8xf32, #tpu.memory_space<vmem_shared>>
      tpu.enqueue_indirect_dma source(%dma_start3A_1223 : memref<128x8xf32, #tpu.memory_space<vmem>>) target(%dma_start3A_1229 : memref<100096x8xf32, #tpu.memory_space<vmem_shared>>) offsets(%dma_start3A_1226 : memref<128xi32, #tpu.memory_space<vmem>>) semaphore(%arg32 : memref<!tpu.dma_semaphore, #tpu.memory_space<semaphore_mem>>) {add = true}
      %dma_start3A_1230 = arith.constant 1 : i32
      %dma_start3A_1231 = arith.constant 128 : i32
      %dma_start3A_1232 = arith.constant 0 : i32
      %dma_start3A_1233 = tpu.memref_slice %arg24[%dma_start3A_1231, %dma_start3A_1232] : memref<512x8xf32, #tpu.memory_space<vmem>> -> memref<128x8xf32, #tpu.memory_space<vmem>>
      %dma_start3A_1234 = arith.constant 0 : i32
      %dma_start3A_1235 = tpu.memref_slice %arg22[%dma_start3A_1230, %dma_start3A_1234] : memref<4x128xi32, #tpu.memory_space<vmem>> -> memref<1x128xi32, #tpu.memory_space<vmem>>
      %dma_start3A_1236 = tpu.memref_squeeze %dma_start3A_1235 : memref<1x128xi32, #tpu.memory_space<vmem>> -> memref<128xi32, #tpu.memory_space<vmem>>
      %dma_start3A_1237 = arith.constant 0 : i32
      %dma_start3A_1238 = arith.constant 0 : i32
      %dma_start3A_1239 = tpu.memref_slice %arg27[%dma_start3A_1237, %dma_start3A_1238] : memref<100096x8xf32, #tpu.memory_space<vmem_shared>> -> memref<100096x8xf32, #tpu.memory_space<vmem_shared>>
      tpu.enqueue_indirect_dma source(%dma_start3A_1233 : memref<128x8xf32, #tpu.memory_space<vmem>>) target(%dma_start3A_1239 : memref<100096x8xf32, #tpu.memory_space<vmem_shared>>) offsets(%dma_start3A_1236 : memref<128xi32, #tpu.memory_space<vmem>>) semaphore(%arg32 : memref<!tpu.dma_semaphore, #tpu.memory_space<semaphore_mem>>) {add = true}
      %dma_start3A_1240 = arith.constant 1 : i32
      %dma_start3A_1241 = arith.constant 128 : i32
      %dma_start3A_1242 = arith.constant 0 : i32
      %dma_start3A_1243 = tpu.memref_slice %arg25[%dma_start3A_1241, %dma_start3A_1242] : memref<512x8xf32, #tpu.memory_space<vmem>> -> memref<128x8xf32, #tpu.memory_space<vmem>>
      %dma_start3A_1244 = arith.constant 0 : i32
      %dma_start3A_1245 = tpu.memref_slice %arg22[%dma_start3A_1240, %dma_start3A_1244] : memref<4x128xi32, #tpu.memory_space<vmem>> -> memref<1x128xi32, #tpu.memory_space<vmem>>
      %dma_start3A_1246 = tpu.memref_squeeze %dma_start3A_1245 : memref<1x128xi32, #tpu.memory_space<vmem>> -> memref<128xi32, #tpu.memory_space<vmem>>
      %dma_start3A_1247 = arith.constant 0 : i32
      %dma_start3A_1248 = arith.constant 0 : i32
      %dma_start3A_1249 = tpu.memref_slice %arg28[%dma_start3A_1247, %dma_start3A_1248] : memref<100096x8xf32, #tpu.memory_space<vmem_shared>> -> memref<100096x8xf32, #tpu.memory_space<vmem_shared>>
      tpu.enqueue_indirect_dma source(%dma_start3A_1243 : memref<128x8xf32, #tpu.memory_space<vmem>>) target(%dma_start3A_1249 : memref<100096x8xf32, #tpu.memory_space<vmem_shared>>) offsets(%dma_start3A_1246 : memref<128xi32, #tpu.memory_space<vmem>>) semaphore(%arg32 : memref<!tpu.dma_semaphore, #tpu.memory_space<semaphore_mem>>) {add = true}
      %dma_start3A_1250 = arith.constant 2 : i32
      %dma_start3A_1251 = arith.constant 256 : i32
      %dma_start3A_1252 = arith.constant 0 : i32
      %dma_start3A_1253 = tpu.memref_slice %arg23[%dma_start3A_1251, %dma_start3A_1252] : memref<512x8xf32, #tpu.memory_space<vmem>> -> memref<128x8xf32, #tpu.memory_space<vmem>>
      %dma_start3A_1254 = arith.constant 0 : i32
      %dma_start3A_1255 = tpu.memref_slice %arg21[%dma_start3A_1250, %dma_start3A_1254] : memref<4x128xi32, #tpu.memory_space<vmem>> -> memref<1x128xi32, #tpu.memory_space<vmem>>
      %dma_start3A_1256 = tpu.memref_squeeze %dma_start3A_1255 : memref<1x128xi32, #tpu.memory_space<vmem>> -> memref<128xi32, #tpu.memory_space<vmem>>
      %dma_start3A_1257 = arith.constant 0 : i32
      %dma_start3A_1258 = arith.constant 0 : i32
      %dma_start3A_1259 = tpu.memref_slice %arg27[%dma_start3A_1257, %dma_start3A_1258] : memref<100096x8xf32, #tpu.memory_space<vmem_shared>> -> memref<100096x8xf32, #tpu.memory_space<vmem_shared>>
      tpu.enqueue_indirect_dma source(%dma_start3A_1253 : memref<128x8xf32, #tpu.memory_space<vmem>>) target(%dma_start3A_1259 : memref<100096x8xf32, #tpu.memory_space<vmem_shared>>) offsets(%dma_start3A_1256 : memref<128xi32, #tpu.memory_space<vmem>>) semaphore(%arg32 : memref<!tpu.dma_semaphore, #tpu.memory_space<semaphore_mem>>) {add = true}
      %dma_start3A_1260 = arith.constant 2 : i32
      %dma_start3A_1261 = arith.constant 256 : i32
      %dma_start3A_1262 = arith.constant 0 : i32
      %dma_start3A_1263 = tpu.memref_slice %arg24[%dma_start3A_1261, %dma_start3A_1262] : memref<512x8xf32, #tpu.memory_space<vmem>> -> memref<128x8xf32, #tpu.memory_space<vmem>>
      %dma_start3A_1264 = arith.constant 0 : i32
      %dma_start3A_1265 = tpu.memref_slice %arg22[%dma_start3A_1260, %dma_start3A_1264] : memref<4x128xi32, #tpu.memory_space<vmem>> -> memref<1x128xi32, #tpu.memory_space<vmem>>
      %dma_start3A_1266 = tpu.memref_squeeze %dma_start3A_1265 : memref<1x128xi32, #tpu.memory_space<vmem>> -> memref<128xi32, #tpu.memory_space<vmem>>
      %dma_start3A_1267 = arith.constant 0 : i32
      %dma_start3A_1268 = arith.constant 0 : i32
      %dma_start3A_1269 = tpu.memref_slice %arg27[%dma_start3A_1267, %dma_start3A_1268] : memref<100096x8xf32, #tpu.memory_space<vmem_shared>> -> memref<100096x8xf32, #tpu.memory_space<vmem_shared>>
      tpu.enqueue_indirect_dma source(%dma_start3A_1263 : memref<128x8xf32, #tpu.memory_space<vmem>>) target(%dma_start3A_1269 : memref<100096x8xf32, #tpu.memory_space<vmem_shared>>) offsets(%dma_start3A_1266 : memref<128xi32, #tpu.memory_space<vmem>>) semaphore(%arg32 : memref<!tpu.dma_semaphore, #tpu.memory_space<semaphore_mem>>) {add = true}
      %dma_start3A_1270 = arith.constant 2 : i32
      %dma_start3A_1271 = arith.constant 256 : i32
      %dma_start3A_1272 = arith.constant 0 : i32
      %dma_start3A_1273 = tpu.memref_slice %arg25[%dma_start3A_1271, %dma_start3A_1272] : memref<512x8xf32, #tpu.memory_space<vmem>> -> memref<128x8xf32, #tpu.memory_space<vmem>>
      %dma_start3A_1274 = arith.constant 0 : i32
      %dma_start3A_1275 = tpu.memref_slice %arg22[%dma_start3A_1270, %dma_start3A_1274] : memref<4x128xi32, #tpu.memory_space<vmem>> -> memref<1x128xi32, #tpu.memory_space<vmem>>
      %dma_start3A_1276 = tpu.memref_squeeze %dma_start3A_1275 : memref<1x128xi32, #tpu.memory_space<vmem>> -> memref<128xi32, #tpu.memory_space<vmem>>
      %dma_start3A_1277 = arith.constant 0 : i32
      %dma_start3A_1278 = arith.constant 0 : i32
      %dma_start3A_1279 = tpu.memref_slice %arg28[%dma_start3A_1277, %dma_start3A_1278] : memref<100096x8xf32, #tpu.memory_space<vmem_shared>> -> memref<100096x8xf32, #tpu.memory_space<vmem_shared>>
      tpu.enqueue_indirect_dma source(%dma_start3A_1273 : memref<128x8xf32, #tpu.memory_space<vmem>>) target(%dma_start3A_1279 : memref<100096x8xf32, #tpu.memory_space<vmem_shared>>) offsets(%dma_start3A_1276 : memref<128xi32, #tpu.memory_space<vmem>>) semaphore(%arg32 : memref<!tpu.dma_semaphore, #tpu.memory_space<semaphore_mem>>) {add = true}
      %dma_start3A_1280 = arith.constant 3 : i32
      %dma_start3A_1281 = arith.constant 384 : i32
      %dma_start3A_1282 = arith.constant 0 : i32
      %dma_start3A_1283 = tpu.memref_slice %arg23[%dma_start3A_1281, %dma_start3A_1282] : memref<512x8xf32, #tpu.memory_space<vmem>> -> memref<128x8xf32, #tpu.memory_space<vmem>>
      %dma_start3A_1284 = arith.constant 0 : i32
      %dma_start3A_1285 = tpu.memref_slice %arg21[%dma_start3A_1280, %dma_start3A_1284] : memref<4x128xi32, #tpu.memory_space<vmem>> -> memref<1x128xi32, #tpu.memory_space<vmem>>
      %dma_start3A_1286 = tpu.memref_squeeze %dma_start3A_1285 : memref<1x128xi32, #tpu.memory_space<vmem>> -> memref<128xi32, #tpu.memory_space<vmem>>
      %dma_start3A_1287 = arith.constant 0 : i32
      %dma_start3A_1288 = arith.constant 0 : i32
      %dma_start3A_1289 = tpu.memref_slice %arg27[%dma_start3A_1287, %dma_start3A_1288] : memref<100096x8xf32, #tpu.memory_space<vmem_shared>> -> memref<100096x8xf32, #tpu.memory_space<vmem_shared>>
      tpu.enqueue_indirect_dma source(%dma_start3A_1283 : memref<128x8xf32, #tpu.memory_space<vmem>>) target(%dma_start3A_1289 : memref<100096x8xf32, #tpu.memory_space<vmem_shared>>) offsets(%dma_start3A_1286 : memref<128xi32, #tpu.memory_space<vmem>>) semaphore(%arg32 : memref<!tpu.dma_semaphore, #tpu.memory_space<semaphore_mem>>) {add = true}
      %dma_start3A_1290 = arith.constant 3 : i32
      %dma_start3A_1291 = arith.constant 384 : i32
      %dma_start3A_1292 = arith.constant 0 : i32
      %dma_start3A_1293 = tpu.memref_slice %arg24[%dma_start3A_1291, %dma_start3A_1292] : memref<512x8xf32, #tpu.memory_space<vmem>> -> memref<128x8xf32, #tpu.memory_space<vmem>>
      %dma_start3A_1294 = arith.constant 0 : i32
      %dma_start3A_1295 = tpu.memref_slice %arg22[%dma_start3A_1290, %dma_start3A_1294] : memref<4x128xi32, #tpu.memory_space<vmem>> -> memref<1x128xi32, #tpu.memory_space<vmem>>
      %dma_start3A_1296 = tpu.memref_squeeze %dma_start3A_1295 : memref<1x128xi32, #tpu.memory_space<vmem>> -> memref<128xi32, #tpu.memory_space<vmem>>
      %dma_start3A_1297 = arith.constant 0 : i32
      %dma_start3A_1298 = arith.constant 0 : i32
      %dma_start3A_1299 = tpu.memref_slice %arg27[%dma_start3A_1297, %dma_start3A_1298] : memref<100096x8xf32, #tpu.memory_space<vmem_shared>> -> memref<100096x8xf32, #tpu.memory_space<vmem_shared>>
      tpu.enqueue_indirect_dma source(%dma_start3A_1293 : memref<128x8xf32, #tpu.memory_space<vmem>>) target(%dma_start3A_1299 : memref<100096x8xf32, #tpu.memory_space<vmem_shared>>) offsets(%dma_start3A_1296 : memref<128xi32, #tpu.memory_space<vmem>>) semaphore(%arg32 : memref<!tpu.dma_semaphore, #tpu.memory_space<semaphore_mem>>) {add = true}
      %dma_start3A_1300 = arith.constant 3 : i32
      %dma_start3A_1301 = arith.constant 384 : i32
      %dma_start3A_1302 = arith.constant 0 : i32
      %dma_start3A_1303 = tpu.memref_slice %arg25[%dma_start3A_1301, %dma_start3A_1302] : memref<512x8xf32, #tpu.memory_space<vmem>> -> memref<128x8xf32, #tpu.memory_space<vmem>>
      %dma_start3A_1304 = arith.constant 0 : i32
      %dma_start3A_1305 = tpu.memref_slice %arg22[%dma_start3A_1300, %dma_start3A_1304] : memref<4x128xi32, #tpu.memory_space<vmem>> -> memref<1x128xi32, #tpu.memory_space<vmem>>
      %dma_start3A_1306 = tpu.memref_squeeze %dma_start3A_1305 : memref<1x128xi32, #tpu.memory_space<vmem>> -> memref<128xi32, #tpu.memory_space<vmem>>
      %dma_start3A_1307 = arith.constant 0 : i32
      %dma_start3A_1308 = arith.constant 0 : i32
      %dma_start3A_1309 = tpu.memref_slice %arg28[%dma_start3A_1307, %dma_start3A_1308] : memref<100096x8xf32, #tpu.memory_space<vmem_shared>> -> memref<100096x8xf32, #tpu.memory_space<vmem_shared>>
      tpu.enqueue_indirect_dma source(%dma_start3A_1303 : memref<128x8xf32, #tpu.memory_space<vmem>>) target(%dma_start3A_1309 : memref<100096x8xf32, #tpu.memory_space<vmem_shared>>) offsets(%dma_start3A_1306 : memref<128xi32, #tpu.memory_space<vmem>>) semaphore(%arg32 : memref<!tpu.dma_semaphore, #tpu.memory_space<semaphore_mem>>) {add = true}
    }
    %while3A_37 = arith.constant 1 : i32
    scf.for %while3A_278 = %while3A_35 to %while3A_31 step %while3A_37  : i32 {
      %add3A_279 = arith.addi %add3A_25, %while3A_278 : i32
      %mul3A_280 = arith.constant 2 : i32
      %mul3A_281 = arith.muli %mul3A_280, %add3A_279 : i32
      %gt3A = arith.constant 0 : i32
      %gt3A_282 = arith.cmpi sgt, %while3A_278, %gt3A : i32
      %convert_element_type3A_283 = arith.extui %gt3A_282 : i1 to i32
      %cond3A = arith.constant 0 : i32
      %cond3A_284 = arith.cmpi ne, %convert_element_type3A_283, %cond3A : i32
      scf.if %cond3A_284 {
        %dma_wait3A_1310 = arith.constant 0 : i32
        %dma_wait3A_1311 = arith.constant 0 : i32
        %dma_wait3A_1312 = arith.constant 0 : i32
        %dma_wait3A_1313 = tpu.memref_slice %arg15[%dma_wait3A_1311, %dma_wait3A_1312] : memref<512x8xf32, #tpu.memory_space<vmem>> -> memref<128x8xf32, #tpu.memory_space<vmem>>
        %dma_wait3A_1314 = arith.constant 0 : i32
        %dma_wait3A_1315 = tpu.memref_slice %arg13[%dma_wait3A_1310, %dma_wait3A_1314] : memref<4x128xi32, #tpu.memory_space<vmem>> -> memref<1x128xi32, #tpu.memory_space<vmem>>
        %dma_wait3A_1316 = tpu.memref_squeeze %dma_wait3A_1315 : memref<1x128xi32, #tpu.memory_space<vmem>> -> memref<128xi32, #tpu.memory_space<vmem>>
        %dma_wait3A_1317 = arith.constant 0 : i32
        %dma_wait3A_1318 = arith.constant 0 : i32
        %dma_wait3A_1319 = tpu.memref_slice %arg27[%dma_wait3A_1317, %dma_wait3A_1318] : memref<100096x8xf32, #tpu.memory_space<vmem_shared>> -> memref<100096x8xf32, #tpu.memory_space<vmem_shared>>
        tpu.wait_indirect_dma semaphore(%arg31 : memref<!tpu.dma_semaphore, #tpu.memory_space<semaphore_mem>>) src(%dma_wait3A_1313 : memref<128x8xf32, #tpu.memory_space<vmem>>) dst(%dma_wait3A_1319 : memref<100096x8xf32, #tpu.memory_space<vmem_shared>>)
        %dma_wait3A_1320 = arith.constant 0 : i32
        %dma_wait3A_1321 = arith.constant 0 : i32
        %dma_wait3A_1322 = arith.constant 0 : i32
        %dma_wait3A_1323 = tpu.memref_slice %arg16[%dma_wait3A_1321, %dma_wait3A_1322] : memref<512x8xf32, #tpu.memory_space<vmem>> -> memref<128x8xf32, #tpu.memory_space<vmem>>
        %dma_wait3A_1324 = arith.constant 0 : i32
        %dma_wait3A_1325 = tpu.memref_slice %arg14[%dma_wait3A_1320, %dma_wait3A_1324] : memref<4x128xi32, #tpu.memory_space<vmem>> -> memref<1x128xi32, #tpu.memory_space<vmem>>
        %dma_wait3A_1326 = tpu.memref_squeeze %dma_wait3A_1325 : memref<1x128xi32, #tpu.memory_space<vmem>> -> memref<128xi32, #tpu.memory_space<vmem>>
        %dma_wait3A_1327 = arith.constant 0 : i32
        %dma_wait3A_1328 = arith.constant 0 : i32
        %dma_wait3A_1329 = tpu.memref_slice %arg27[%dma_wait3A_1327, %dma_wait3A_1328] : memref<100096x8xf32, #tpu.memory_space<vmem_shared>> -> memref<100096x8xf32, #tpu.memory_space<vmem_shared>>
        tpu.wait_indirect_dma semaphore(%arg31 : memref<!tpu.dma_semaphore, #tpu.memory_space<semaphore_mem>>) src(%dma_wait3A_1323 : memref<128x8xf32, #tpu.memory_space<vmem>>) dst(%dma_wait3A_1329 : memref<100096x8xf32, #tpu.memory_space<vmem_shared>>)
        %dma_wait3A_1330 = arith.constant 0 : i32
        %dma_wait3A_1331 = arith.constant 0 : i32
        %dma_wait3A_1332 = arith.constant 0 : i32
        %dma_wait3A_1333 = tpu.memref_slice %arg17[%dma_wait3A_1331, %dma_wait3A_1332] : memref<512x8xf32, #tpu.memory_space<vmem>> -> memref<128x8xf32, #tpu.memory_space<vmem>>
        %dma_wait3A_1334 = arith.constant 0 : i32
        %dma_wait3A_1335 = tpu.memref_slice %arg14[%dma_wait3A_1330, %dma_wait3A_1334] : memref<4x128xi32, #tpu.memory_space<vmem>> -> memref<1x128xi32, #tpu.memory_space<vmem>>
        %dma_wait3A_1336 = tpu.memref_squeeze %dma_wait3A_1335 : memref<1x128xi32, #tpu.memory_space<vmem>> -> memref<128xi32, #tpu.memory_space<vmem>>
        %dma_wait3A_1337 = arith.constant 0 : i32
        %dma_wait3A_1338 = arith.constant 0 : i32
        %dma_wait3A_1339 = tpu.memref_slice %arg28[%dma_wait3A_1337, %dma_wait3A_1338] : memref<100096x8xf32, #tpu.memory_space<vmem_shared>> -> memref<100096x8xf32, #tpu.memory_space<vmem_shared>>
        tpu.wait_indirect_dma semaphore(%arg31 : memref<!tpu.dma_semaphore, #tpu.memory_space<semaphore_mem>>) src(%dma_wait3A_1333 : memref<128x8xf32, #tpu.memory_space<vmem>>) dst(%dma_wait3A_1339 : memref<100096x8xf32, #tpu.memory_space<vmem_shared>>)
        %dma_wait3A_1340 = arith.constant 1 : i32
        %dma_wait3A_1341 = arith.constant 128 : i32
        %dma_wait3A_1342 = arith.constant 0 : i32
        %dma_wait3A_1343 = tpu.memref_slice %arg15[%dma_wait3A_1341, %dma_wait3A_1342] : memref<512x8xf32, #tpu.memory_space<vmem>> -> memref<128x8xf32, #tpu.memory_space<vmem>>
        %dma_wait3A_1344 = arith.constant 0 : i32
        %dma_wait3A_1345 = tpu.memref_slice %arg13[%dma_wait3A_1340, %dma_wait3A_1344] : memref<4x128xi32, #tpu.memory_space<vmem>> -> memref<1x128xi32, #tpu.memory_space<vmem>>
        %dma_wait3A_1346 = tpu.memref_squeeze %dma_wait3A_1345 : memref<1x128xi32, #tpu.memory_space<vmem>> -> memref<128xi32, #tpu.memory_space<vmem>>
        %dma_wait3A_1347 = arith.constant 0 : i32
        %dma_wait3A_1348 = arith.constant 0 : i32
        %dma_wait3A_1349 = tpu.memref_slice %arg27[%dma_wait3A_1347, %dma_wait3A_1348] : memref<100096x8xf32, #tpu.memory_space<vmem_shared>> -> memref<100096x8xf32, #tpu.memory_space<vmem_shared>>
        tpu.wait_indirect_dma semaphore(%arg31 : memref<!tpu.dma_semaphore, #tpu.memory_space<semaphore_mem>>) src(%dma_wait3A_1343 : memref<128x8xf32, #tpu.memory_space<vmem>>) dst(%dma_wait3A_1349 : memref<100096x8xf32, #tpu.memory_space<vmem_shared>>)
        %dma_wait3A_1350 = arith.constant 1 : i32
        %dma_wait3A_1351 = arith.constant 128 : i32
        %dma_wait3A_1352 = arith.constant 0 : i32
        %dma_wait3A_1353 = tpu.memref_slice %arg16[%dma_wait3A_1351, %dma_wait3A_1352] : memref<512x8xf32, #tpu.memory_space<vmem>> -> memref<128x8xf32, #tpu.memory_space<vmem>>
        %dma_wait3A_1354 = arith.constant 0 : i32
        %dma_wait3A_1355 = tpu.memref_slice %arg14[%dma_wait3A_1350, %dma_wait3A_1354] : memref<4x128xi32, #tpu.memory_space<vmem>> -> memref<1x128xi32, #tpu.memory_space<vmem>>
        %dma_wait3A_1356 = tpu.memref_squeeze %dma_wait3A_1355 : memref<1x128xi32, #tpu.memory_space<vmem>> -> memref<128xi32, #tpu.memory_space<vmem>>
        %dma_wait3A_1357 = arith.constant 0 : i32
        %dma_wait3A_1358 = arith.constant 0 : i32
        %dma_wait3A_1359 = tpu.memref_slice %arg27[%dma_wait3A_1357, %dma_wait3A_1358] : memref<100096x8xf32, #tpu.memory_space<vmem_shared>> -> memref<100096x8xf32, #tpu.memory_space<vmem_shared>>
        tpu.wait_indirect_dma semaphore(%arg31 : memref<!tpu.dma_semaphore, #tpu.memory_space<semaphore_mem>>) src(%dma_wait3A_1353 : memref<128x8xf32, #tpu.memory_space<vmem>>) dst(%dma_wait3A_1359 : memref<100096x8xf32, #tpu.memory_space<vmem_shared>>)
        %dma_wait3A_1360 = arith.constant 1 : i32
        %dma_wait3A_1361 = arith.constant 128 : i32
        %dma_wait3A_1362 = arith.constant 0 : i32
        %dma_wait3A_1363 = tpu.memref_slice %arg17[%dma_wait3A_1361, %dma_wait3A_1362] : memref<512x8xf32, #tpu.memory_space<vmem>> -> memref<128x8xf32, #tpu.memory_space<vmem>>
        %dma_wait3A_1364 = arith.constant 0 : i32
        %dma_wait3A_1365 = tpu.memref_slice %arg14[%dma_wait3A_1360, %dma_wait3A_1364] : memref<4x128xi32, #tpu.memory_space<vmem>> -> memref<1x128xi32, #tpu.memory_space<vmem>>
        %dma_wait3A_1366 = tpu.memref_squeeze %dma_wait3A_1365 : memref<1x128xi32, #tpu.memory_space<vmem>> -> memref<128xi32, #tpu.memory_space<vmem>>
        %dma_wait3A_1367 = arith.constant 0 : i32
        %dma_wait3A_1368 = arith.constant 0 : i32
        %dma_wait3A_1369 = tpu.memref_slice %arg28[%dma_wait3A_1367, %dma_wait3A_1368] : memref<100096x8xf32, #tpu.memory_space<vmem_shared>> -> memref<100096x8xf32, #tpu.memory_space<vmem_shared>>
        tpu.wait_indirect_dma semaphore(%arg31 : memref<!tpu.dma_semaphore, #tpu.memory_space<semaphore_mem>>) src(%dma_wait3A_1363 : memref<128x8xf32, #tpu.memory_space<vmem>>) dst(%dma_wait3A_1369 : memref<100096x8xf32, #tpu.memory_space<vmem_shared>>)
        %dma_wait3A_1370 = arith.constant 2 : i32
        %dma_wait3A_1371 = arith.constant 256 : i32
        %dma_wait3A_1372 = arith.constant 0 : i32
        %dma_wait3A_1373 = tpu.memref_slice %arg15[%dma_wait3A_1371, %dma_wait3A_1372] : memref<512x8xf32, #tpu.memory_space<vmem>> -> memref<128x8xf32, #tpu.memory_space<vmem>>
        %dma_wait3A_1374 = arith.constant 0 : i32
        %dma_wait3A_1375 = tpu.memref_slice %arg13[%dma_wait3A_1370, %dma_wait3A_1374] : memref<4x128xi32, #tpu.memory_space<vmem>> -> memref<1x128xi32, #tpu.memory_space<vmem>>
        %dma_wait3A_1376 = tpu.memref_squeeze %dma_wait3A_1375 : memref<1x128xi32, #tpu.memory_space<vmem>> -> memref<128xi32, #tpu.memory_space<vmem>>
        %dma_wait3A_1377 = arith.constant 0 : i32
        %dma_wait3A_1378 = arith.constant 0 : i32
        %dma_wait3A_1379 = tpu.memref_slice %arg27[%dma_wait3A_1377, %dma_wait3A_1378] : memref<100096x8xf32, #tpu.memory_space<vmem_shared>> -> memref<100096x8xf32, #tpu.memory_space<vmem_shared>>
        tpu.wait_indirect_dma semaphore(%arg31 : memref<!tpu.dma_semaphore, #tpu.memory_space<semaphore_mem>>) src(%dma_wait3A_1373 : memref<128x8xf32, #tpu.memory_space<vmem>>) dst(%dma_wait3A_1379 : memref<100096x8xf32, #tpu.memory_space<vmem_shared>>)
        %dma_wait3A_1380 = arith.constant 2 : i32
        %dma_wait3A_1381 = arith.constant 256 : i32
        %dma_wait3A_1382 = arith.constant 0 : i32
        %dma_wait3A_1383 = tpu.memref_slice %arg16[%dma_wait3A_1381, %dma_wait3A_1382] : memref<512x8xf32, #tpu.memory_space<vmem>> -> memref<128x8xf32, #tpu.memory_space<vmem>>
        %dma_wait3A_1384 = arith.constant 0 : i32
        %dma_wait3A_1385 = tpu.memref_slice %arg14[%dma_wait3A_1380, %dma_wait3A_1384] : memref<4x128xi32, #tpu.memory_space<vmem>> -> memref<1x128xi32, #tpu.memory_space<vmem>>
        %dma_wait3A_1386 = tpu.memref_squeeze %dma_wait3A_1385 : memref<1x128xi32, #tpu.memory_space<vmem>> -> memref<128xi32, #tpu.memory_space<vmem>>
        %dma_wait3A_1387 = arith.constant 0 : i32
        %dma_wait3A_1388 = arith.constant 0 : i32
        %dma_wait3A_1389 = tpu.memref_slice %arg27[%dma_wait3A_1387, %dma_wait3A_1388] : memref<100096x8xf32, #tpu.memory_space<vmem_shared>> -> memref<100096x8xf32, #tpu.memory_space<vmem_shared>>
        tpu.wait_indirect_dma semaphore(%arg31 : memref<!tpu.dma_semaphore, #tpu.memory_space<semaphore_mem>>) src(%dma_wait3A_1383 : memref<128x8xf32, #tpu.memory_space<vmem>>) dst(%dma_wait3A_1389 : memref<100096x8xf32, #tpu.memory_space<vmem_shared>>)
        %dma_wait3A_1390 = arith.constant 2 : i32
        %dma_wait3A_1391 = arith.constant 256 : i32
        %dma_wait3A_1392 = arith.constant 0 : i32
        %dma_wait3A_1393 = tpu.memref_slice %arg17[%dma_wait3A_1391, %dma_wait3A_1392] : memref<512x8xf32, #tpu.memory_space<vmem>> -> memref<128x8xf32, #tpu.memory_space<vmem>>
        %dma_wait3A_1394 = arith.constant 0 : i32
        %dma_wait3A_1395 = tpu.memref_slice %arg14[%dma_wait3A_1390, %dma_wait3A_1394] : memref<4x128xi32, #tpu.memory_space<vmem>> -> memref<1x128xi32, #tpu.memory_space<vmem>>
        %dma_wait3A_1396 = tpu.memref_squeeze %dma_wait3A_1395 : memref<1x128xi32, #tpu.memory_space<vmem>> -> memref<128xi32, #tpu.memory_space<vmem>>
        %dma_wait3A_1397 = arith.constant 0 : i32
        %dma_wait3A_1398 = arith.constant 0 : i32
        %dma_wait3A_1399 = tpu.memref_slice %arg28[%dma_wait3A_1397, %dma_wait3A_1398] : memref<100096x8xf32, #tpu.memory_space<vmem_shared>> -> memref<100096x8xf32, #tpu.memory_space<vmem_shared>>
        tpu.wait_indirect_dma semaphore(%arg31 : memref<!tpu.dma_semaphore, #tpu.memory_space<semaphore_mem>>) src(%dma_wait3A_1393 : memref<128x8xf32, #tpu.memory_space<vmem>>) dst(%dma_wait3A_1399 : memref<100096x8xf32, #tpu.memory_space<vmem_shared>>)
        %dma_wait3A_1400 = arith.constant 3 : i32
        %dma_wait3A_1401 = arith.constant 384 : i32
        %dma_wait3A_1402 = arith.constant 0 : i32
        %dma_wait3A_1403 = tpu.memref_slice %arg15[%dma_wait3A_1401, %dma_wait3A_1402] : memref<512x8xf32, #tpu.memory_space<vmem>> -> memref<128x8xf32, #tpu.memory_space<vmem>>
        %dma_wait3A_1404 = arith.constant 0 : i32
        %dma_wait3A_1405 = tpu.memref_slice %arg13[%dma_wait3A_1400, %dma_wait3A_1404] : memref<4x128xi32, #tpu.memory_space<vmem>> -> memref<1x128xi32, #tpu.memory_space<vmem>>
        %dma_wait3A_1406 = tpu.memref_squeeze %dma_wait3A_1405 : memref<1x128xi32, #tpu.memory_space<vmem>> -> memref<128xi32, #tpu.memory_space<vmem>>
        %dma_wait3A_1407 = arith.constant 0 : i32
        %dma_wait3A_1408 = arith.constant 0 : i32
        %dma_wait3A_1409 = tpu.memref_slice %arg27[%dma_wait3A_1407, %dma_wait3A_1408] : memref<100096x8xf32, #tpu.memory_space<vmem_shared>> -> memref<100096x8xf32, #tpu.memory_space<vmem_shared>>
        tpu.wait_indirect_dma semaphore(%arg31 : memref<!tpu.dma_semaphore, #tpu.memory_space<semaphore_mem>>) src(%dma_wait3A_1403 : memref<128x8xf32, #tpu.memory_space<vmem>>) dst(%dma_wait3A_1409 : memref<100096x8xf32, #tpu.memory_space<vmem_shared>>)
        %dma_wait3A_1410 = arith.constant 3 : i32
        %dma_wait3A_1411 = arith.constant 384 : i32
        %dma_wait3A_1412 = arith.constant 0 : i32
        %dma_wait3A_1413 = tpu.memref_slice %arg16[%dma_wait3A_1411, %dma_wait3A_1412] : memref<512x8xf32, #tpu.memory_space<vmem>> -> memref<128x8xf32, #tpu.memory_space<vmem>>
        %dma_wait3A_1414 = arith.constant 0 : i32
        %dma_wait3A_1415 = tpu.memref_slice %arg14[%dma_wait3A_1410, %dma_wait3A_1414] : memref<4x128xi32, #tpu.memory_space<vmem>> -> memref<1x128xi32, #tpu.memory_space<vmem>>
        %dma_wait3A_1416 = tpu.memref_squeeze %dma_wait3A_1415 : memref<1x128xi32, #tpu.memory_space<vmem>> -> memref<128xi32, #tpu.memory_space<vmem>>
        %dma_wait3A_1417 = arith.constant 0 : i32
        %dma_wait3A_1418 = arith.constant 0 : i32
        %dma_wait3A_1419 = tpu.memref_slice %arg27[%dma_wait3A_1417, %dma_wait3A_1418] : memref<100096x8xf32, #tpu.memory_space<vmem_shared>> -> memref<100096x8xf32, #tpu.memory_space<vmem_shared>>
        tpu.wait_indirect_dma semaphore(%arg31 : memref<!tpu.dma_semaphore, #tpu.memory_space<semaphore_mem>>) src(%dma_wait3A_1413 : memref<128x8xf32, #tpu.memory_space<vmem>>) dst(%dma_wait3A_1419 : memref<100096x8xf32, #tpu.memory_space<vmem_shared>>)
        %dma_wait3A_1420 = arith.constant 3 : i32
        %dma_wait3A_1421 = arith.constant 384 : i32
        %dma_wait3A_1422 = arith.constant 0 : i32
        %dma_wait3A_1423 = tpu.memref_slice %arg17[%dma_wait3A_1421, %dma_wait3A_1422] : memref<512x8xf32, #tpu.memory_space<vmem>> -> memref<128x8xf32, #tpu.memory_space<vmem>>
        %dma_wait3A_1424 = arith.constant 0 : i32
        %dma_wait3A_1425 = tpu.memref_slice %arg14[%dma_wait3A_1420, %dma_wait3A_1424] : memref<4x128xi32, #tpu.memory_space<vmem>> -> memref<1x128xi32, #tpu.memory_space<vmem>>
        %dma_wait3A_1426 = tpu.memref_squeeze %dma_wait3A_1425 : memref<1x128xi32, #tpu.memory_space<vmem>> -> memref<128xi32, #tpu.memory_space<vmem>>
        %dma_wait3A_1427 = arith.constant 0 : i32
        %dma_wait3A_1428 = arith.constant 0 : i32
        %dma_wait3A_1429 = tpu.memref_slice %arg28[%dma_wait3A_1427, %dma_wait3A_1428] : memref<100096x8xf32, #tpu.memory_space<vmem_shared>> -> memref<100096x8xf32, #tpu.memory_space<vmem_shared>>
        tpu.wait_indirect_dma semaphore(%arg31 : memref<!tpu.dma_semaphore, #tpu.memory_space<semaphore_mem>>) src(%dma_wait3A_1423 : memref<128x8xf32, #tpu.memory_space<vmem>>) dst(%dma_wait3A_1429 : memref<100096x8xf32, #tpu.memory_space<vmem_shared>>)
      } else {
      }
      %mul3A_285 = arith.constant 512 : i32
      %mul3A_286 = arith.muli %mul3A_281, %mul3A_285 : i32
      %dma_start3A = tpu.memref_slice %arg2[%mul3A_286] : memref<3200000xf32, #tpu.memory_space<hbm>> -> memref<512xf32, #tpu.memory_space<hbm>>
      %dma_start3A_287 = tpu.memref_slice %arg2[%mul3A_286] : memref<3200000xf32, #tpu.memory_space<hbm>> -> memref<512xf32, #tpu.memory_space<hbm>>
      tpu.enqueue_dma source(%dma_start3A_287 : memref<512xf32, #tpu.memory_space<hbm>>) target(%arg10 : memref<512xf32, #tpu.memory_space<vmem>>) target_semaphore(%arg29 : memref<!tpu.dma_semaphore, #tpu.memory_space<semaphore_mem>>)
      %dma_start3A_288 = tpu.memref_slice %arg3[%mul3A_286] : memref<3200000xf32, #tpu.memory_space<hbm>> -> memref<512xf32, #tpu.memory_space<hbm>>
      %dma_start3A_289 = tpu.memref_slice %arg3[%mul3A_286] : memref<3200000xf32, #tpu.memory_space<hbm>> -> memref<512xf32, #tpu.memory_space<hbm>>
      tpu.enqueue_dma source(%dma_start3A_289 : memref<512xf32, #tpu.memory_space<hbm>>) target(%arg11 : memref<512xf32, #tpu.memory_space<vmem>>) target_semaphore(%arg29 : memref<!tpu.dma_semaphore, #tpu.memory_space<semaphore_mem>>)
      %dma_start3A_290 = tpu.memref_slice %arg4[%mul3A_286] : memref<3200000xf32, #tpu.memory_space<hbm>> -> memref<512xf32, #tpu.memory_space<hbm>>
      %dma_start3A_291 = tpu.memref_slice %arg4[%mul3A_286] : memref<3200000xf32, #tpu.memory_space<hbm>> -> memref<512xf32, #tpu.memory_space<hbm>>
      tpu.enqueue_dma source(%dma_start3A_291 : memref<512xf32, #tpu.memory_space<hbm>>) target(%arg12 : memref<512xf32, #tpu.memory_space<vmem>>) target_semaphore(%arg29 : memref<!tpu.dma_semaphore, #tpu.memory_space<semaphore_mem>>)
      %mul3A_292 = arith.constant 4 : i32
      %mul3A_293 = arith.muli %mul3A_281, %mul3A_292 : i32
      %add3A_294 = arith.constant 0 : i32
      %add3A_295 = arith.addi %mul3A_293, %add3A_294 : i32
      %dma_start3A_296 = arith.constant 0 : i32
      %dma_start3A_297 = arith.constant 0 : i32
      %dma_start3A_298 = arith.constant 0 : i32
      %dma_start3A_299 = tpu.memref_slice %arg13[%dma_start3A_297, %dma_start3A_298] : memref<4x128xi32, #tpu.memory_space<vmem>> -> memref<1x128xi32, #tpu.memory_space<vmem>>
      %dma_start3A_300 = tpu.memref_squeeze %dma_start3A_299 : memref<1x128xi32, #tpu.memory_space<vmem>> -> memref<128xi32, #tpu.memory_space<vmem>>
      %dma_start3A_301 = arith.constant 0 : i32
      %dma_start3A_302 = arith.constant 0 : i32
      %dma_start3A_303 = tpu.memref_slice %arg5[%add3A_295, %dma_start3A_301, %dma_start3A_302] : memref<25000x2x128xi32, #tpu.memory_space<hbm>> -> memref<1x2x128xi32, #tpu.memory_space<hbm>>
      %dma_start3A_304 = tpu.memref_squeeze %dma_start3A_303 : memref<1x2x128xi32, #tpu.memory_space<hbm>> -> memref<2x128xi32, #tpu.memory_space<hbm>>
      %dma_start3A_305 = arith.constant 0 : i32
      %dma_start3A_306 = tpu.memref_slice %dma_start3A_304[%dma_start3A_296, %dma_start3A_305] : memref<2x128xi32, #tpu.memory_space<hbm>> -> memref<1x128xi32, #tpu.memory_space<hbm>>
      %dma_start3A_307 = tpu.memref_squeeze %dma_start3A_306 : memref<1x128xi32, #tpu.memory_space<hbm>> -> memref<128xi32, #tpu.memory_space<hbm>>
      %dma_start3A_308 = arith.constant 0 : i32
      %dma_start3A_309 = tpu.memref_slice %arg13[%dma_start3A_297, %dma_start3A_308] : memref<4x128xi32, #tpu.memory_space<vmem>> -> memref<1x128xi32, #tpu.memory_space<vmem>>
      %dma_start3A_310 = tpu.memref_squeeze %dma_start3A_309 : memref<1x128xi32, #tpu.memory_space<vmem>> -> memref<128xi32, #tpu.memory_space<vmem>>
      %dma_start3A_311 = arith.constant 0 : i32
      %dma_start3A_312 = arith.constant 0 : i32
      %dma_start3A_313 = tpu.memref_slice %arg5[%add3A_295, %dma_start3A_311, %dma_start3A_312] : memref<25000x2x128xi32, #tpu.memory_space<hbm>> -> memref<1x2x128xi32, #tpu.memory_space<hbm>>
      %dma_start3A_314 = tpu.memref_squeeze %dma_start3A_313 : memref<1x2x128xi32, #tpu.memory_space<hbm>> -> memref<2x128xi32, #tpu.memory_space<hbm>>
      %dma_start3A_315 = arith.constant 0 : i32
      %dma_start3A_316 = tpu.memref_slice %dma_start3A_314[%dma_start3A_296, %dma_start3A_315] : memref<2x128xi32, #tpu.memory_space<hbm>> -> memref<1x128xi32, #tpu.memory_space<hbm>>
      %dma_start3A_317 = tpu.memref_squeeze %dma_start3A_316 : memref<1x128xi32, #tpu.memory_space<hbm>> -> memref<128xi32, #tpu.memory_space<hbm>>
      tpu.enqueue_dma source(%dma_start3A_317 : memref<128xi32, #tpu.memory_space<hbm>>) target(%dma_start3A_310 : memref<128xi32, #tpu.memory_space<vmem>>) target_semaphore(%arg29 : memref<!tpu.dma_semaphore, #tpu.memory_space<semaphore_mem>>)
      %add3A_318 = arith.constant 0 : i32
      %add3A_319 = arith.addi %mul3A_293, %add3A_318 : i32
      %dma_start3A_320 = arith.constant 1 : i32
      %dma_start3A_321 = arith.constant 0 : i32
      %dma_start3A_322 = arith.constant 0 : i32
      %dma_start3A_323 = tpu.memref_slice %arg14[%dma_start3A_321, %dma_start3A_322] : memref<4x128xi32, #tpu.memory_space<vmem>> -> memref<1x128xi32, #tpu.memory_space<vmem>>
      %dma_start3A_324 = tpu.memref_squeeze %dma_start3A_323 : memref<1x128xi32, #tpu.memory_space<vmem>> -> memref<128xi32, #tpu.memory_space<vmem>>
      %dma_start3A_325 = arith.constant 0 : i32
      %dma_start3A_326 = arith.constant 0 : i32
      %dma_start3A_327 = tpu.memref_slice %arg5[%add3A_319, %dma_start3A_325, %dma_start3A_326] : memref<25000x2x128xi32, #tpu.memory_space<hbm>> -> memref<1x2x128xi32, #tpu.memory_space<hbm>>
      %dma_start3A_328 = tpu.memref_squeeze %dma_start3A_327 : memref<1x2x128xi32, #tpu.memory_space<hbm>> -> memref<2x128xi32, #tpu.memory_space<hbm>>
      %dma_start3A_329 = arith.constant 0 : i32
      %dma_start3A_330 = tpu.memref_slice %dma_start3A_328[%dma_start3A_320, %dma_start3A_329] : memref<2x128xi32, #tpu.memory_space<hbm>> -> memref<1x128xi32, #tpu.memory_space<hbm>>
      %dma_start3A_331 = tpu.memref_squeeze %dma_start3A_330 : memref<1x128xi32, #tpu.memory_space<hbm>> -> memref<128xi32, #tpu.memory_space<hbm>>
      %dma_start3A_332 = arith.constant 0 : i32
      %dma_start3A_333 = tpu.memref_slice %arg14[%dma_start3A_321, %dma_start3A_332] : memref<4x128xi32, #tpu.memory_space<vmem>> -> memref<1x128xi32, #tpu.memory_space<vmem>>
      %dma_start3A_334 = tpu.memref_squeeze %dma_start3A_333 : memref<1x128xi32, #tpu.memory_space<vmem>> -> memref<128xi32, #tpu.memory_space<vmem>>
      %dma_start3A_335 = arith.constant 0 : i32
      %dma_start3A_336 = arith.constant 0 : i32
      %dma_start3A_337 = tpu.memref_slice %arg5[%add3A_319, %dma_start3A_335, %dma_start3A_336] : memref<25000x2x128xi32, #tpu.memory_space<hbm>> -> memref<1x2x128xi32, #tpu.memory_space<hbm>>
      %dma_start3A_338 = tpu.memref_squeeze %dma_start3A_337 : memref<1x2x128xi32, #tpu.memory_space<hbm>> -> memref<2x128xi32, #tpu.memory_space<hbm>>
      %dma_start3A_339 = arith.constant 0 : i32
      %dma_start3A_340 = tpu.memref_slice %dma_start3A_338[%dma_start3A_320, %dma_start3A_339] : memref<2x128xi32, #tpu.memory_space<hbm>> -> memref<1x128xi32, #tpu.memory_space<hbm>>
      %dma_start3A_341 = tpu.memref_squeeze %dma_start3A_340 : memref<1x128xi32, #tpu.memory_space<hbm>> -> memref<128xi32, #tpu.memory_space<hbm>>
      tpu.enqueue_dma source(%dma_start3A_341 : memref<128xi32, #tpu.memory_space<hbm>>) target(%dma_start3A_334 : memref<128xi32, #tpu.memory_space<vmem>>) target_semaphore(%arg29 : memref<!tpu.dma_semaphore, #tpu.memory_space<semaphore_mem>>)
      %add3A_342 = arith.constant 1 : i32
      %add3A_343 = arith.addi %mul3A_293, %add3A_342 : i32
      %dma_start3A_344 = arith.constant 0 : i32
      %dma_start3A_345 = arith.constant 1 : i32
      %dma_start3A_346 = arith.constant 0 : i32
      %dma_start3A_347 = tpu.memref_slice %arg13[%dma_start3A_345, %dma_start3A_346] : memref<4x128xi32, #tpu.memory_space<vmem>> -> memref<1x128xi32, #tpu.memory_space<vmem>>
      %dma_start3A_348 = tpu.memref_squeeze %dma_start3A_347 : memref<1x128xi32, #tpu.memory_space<vmem>> -> memref<128xi32, #tpu.memory_space<vmem>>
      %dma_start3A_349 = arith.constant 0 : i32
      %dma_start3A_350 = arith.constant 0 : i32
      %dma_start3A_351 = tpu.memref_slice %arg5[%add3A_343, %dma_start3A_349, %dma_start3A_350] : memref<25000x2x128xi32, #tpu.memory_space<hbm>> -> memref<1x2x128xi32, #tpu.memory_space<hbm>>
      %dma_start3A_352 = tpu.memref_squeeze %dma_start3A_351 : memref<1x2x128xi32, #tpu.memory_space<hbm>> -> memref<2x128xi32, #tpu.memory_space<hbm>>
      %dma_start3A_353 = arith.constant 0 : i32
      %dma_start3A_354 = tpu.memref_slice %dma_start3A_352[%dma_start3A_344, %dma_start3A_353] : memref<2x128xi32, #tpu.memory_space<hbm>> -> memref<1x128xi32, #tpu.memory_space<hbm>>
      %dma_start3A_355 = tpu.memref_squeeze %dma_start3A_354 : memref<1x128xi32, #tpu.memory_space<hbm>> -> memref<128xi32, #tpu.memory_space<hbm>>
      %dma_start3A_356 = arith.constant 0 : i32
      %dma_start3A_357 = tpu.memref_slice %arg13[%dma_start3A_345, %dma_start3A_356] : memref<4x128xi32, #tpu.memory_space<vmem>> -> memref<1x128xi32, #tpu.memory_space<vmem>>
      %dma_start3A_358 = tpu.memref_squeeze %dma_start3A_357 : memref<1x128xi32, #tpu.memory_space<vmem>> -> memref<128xi32, #tpu.memory_space<vmem>>
      %dma_start3A_359 = arith.constant 0 : i32
      %dma_start3A_360 = arith.constant 0 : i32
      %dma_start3A_361 = tpu.memref_slice %arg5[%add3A_343, %dma_start3A_359, %dma_start3A_360] : memref<25000x2x128xi32, #tpu.memory_space<hbm>> -> memref<1x2x128xi32, #tpu.memory_space<hbm>>
      %dma_start3A_362 = tpu.memref_squeeze %dma_start3A_361 : memref<1x2x128xi32, #tpu.memory_space<hbm>> -> memref<2x128xi32, #tpu.memory_space<hbm>>
      %dma_start3A_363 = arith.constant 0 : i32
      %dma_start3A_364 = tpu.memref_slice %dma_start3A_362[%dma_start3A_344, %dma_start3A_363] : memref<2x128xi32, #tpu.memory_space<hbm>> -> memref<1x128xi32, #tpu.memory_space<hbm>>
      %dma_start3A_365 = tpu.memref_squeeze %dma_start3A_364 : memref<1x128xi32, #tpu.memory_space<hbm>> -> memref<128xi32, #tpu.memory_space<hbm>>
      tpu.enqueue_dma source(%dma_start3A_365 : memref<128xi32, #tpu.memory_space<hbm>>) target(%dma_start3A_358 : memref<128xi32, #tpu.memory_space<vmem>>) target_semaphore(%arg29 : memref<!tpu.dma_semaphore, #tpu.memory_space<semaphore_mem>>)
      %add3A_366 = arith.constant 1 : i32
      %add3A_367 = arith.addi %mul3A_293, %add3A_366 : i32
      %dma_start3A_368 = arith.constant 1 : i32
      %dma_start3A_369 = arith.constant 1 : i32
      %dma_start3A_370 = arith.constant 0 : i32
      %dma_start3A_371 = tpu.memref_slice %arg14[%dma_start3A_369, %dma_start3A_370] : memref<4x128xi32, #tpu.memory_space<vmem>> -> memref<1x128xi32, #tpu.memory_space<vmem>>
      %dma_start3A_372 = tpu.memref_squeeze %dma_start3A_371 : memref<1x128xi32, #tpu.memory_space<vmem>> -> memref<128xi32, #tpu.memory_space<vmem>>
      %dma_start3A_373 = arith.constant 0 : i32
      %dma_start3A_374 = arith.constant 0 : i32
      %dma_start3A_375 = tpu.memref_slice %arg5[%add3A_367, %dma_start3A_373, %dma_start3A_374] : memref<25000x2x128xi32, #tpu.memory_space<hbm>> -> memref<1x2x128xi32, #tpu.memory_space<hbm>>
      %dma_start3A_376 = tpu.memref_squeeze %dma_start3A_375 : memref<1x2x128xi32, #tpu.memory_space<hbm>> -> memref<2x128xi32, #tpu.memory_space<hbm>>
      %dma_start3A_377 = arith.constant 0 : i32
      %dma_start3A_378 = tpu.memref_slice %dma_start3A_376[%dma_start3A_368, %dma_start3A_377] : memref<2x128xi32, #tpu.memory_space<hbm>> -> memref<1x128xi32, #tpu.memory_space<hbm>>
      %dma_start3A_379 = tpu.memref_squeeze %dma_start3A_378 : memref<1x128xi32, #tpu.memory_space<hbm>> -> memref<128xi32, #tpu.memory_space<hbm>>
      %dma_start3A_380 = arith.constant 0 : i32
      %dma_start3A_381 = tpu.memref_slice %arg14[%dma_start3A_369, %dma_start3A_380] : memref<4x128xi32, #tpu.memory_space<vmem>> -> memref<1x128xi32, #tpu.memory_space<vmem>>
      %dma_start3A_382 = tpu.memref_squeeze %dma_start3A_381 : memref<1x128xi32, #tpu.memory_space<vmem>> -> memref<128xi32, #tpu.memory_space<vmem>>
      %dma_start3A_383 = arith.constant 0 : i32
      %dma_start3A_384 = arith.constant 0 : i32
      %dma_start3A_385 = tpu.memref_slice %arg5[%add3A_367, %dma_start3A_383, %dma_start3A_384] : memref<25000x2x128xi32, #tpu.memory_space<hbm>> -> memref<1x2x128xi32, #tpu.memory_space<hbm>>
      %dma_start3A_386 = tpu.memref_squeeze %dma_start3A_385 : memref<1x2x128xi32, #tpu.memory_space<hbm>> -> memref<2x128xi32, #tpu.memory_space<hbm>>
      %dma_start3A_387 = arith.constant 0 : i32
      %dma_start3A_388 = tpu.memref_slice %dma_start3A_386[%dma_start3A_368, %dma_start3A_387] : memref<2x128xi32, #tpu.memory_space<hbm>> -> memref<1x128xi32, #tpu.memory_space<hbm>>
      %dma_start3A_389 = tpu.memref_squeeze %dma_start3A_388 : memref<1x128xi32, #tpu.memory_space<hbm>> -> memref<128xi32, #tpu.memory_space<hbm>>
      tpu.enqueue_dma source(%dma_start3A_389 : memref<128xi32, #tpu.memory_space<hbm>>) target(%dma_start3A_382 : memref<128xi32, #tpu.memory_space<vmem>>) target_semaphore(%arg29 : memref<!tpu.dma_semaphore, #tpu.memory_space<semaphore_mem>>)
      %add3A_390 = arith.constant 2 : i32
      %add3A_391 = arith.addi %mul3A_293, %add3A_390 : i32
      %dma_start3A_392 = arith.constant 0 : i32
      %dma_start3A_393 = arith.constant 2 : i32
      %dma_start3A_394 = arith.constant 0 : i32
      %dma_start3A_395 = tpu.memref_slice %arg13[%dma_start3A_393, %dma_start3A_394] : memref<4x128xi32, #tpu.memory_space<vmem>> -> memref<1x128xi32, #tpu.memory_space<vmem>>
      %dma_start3A_396 = tpu.memref_squeeze %dma_start3A_395 : memref<1x128xi32, #tpu.memory_space<vmem>> -> memref<128xi32, #tpu.memory_space<vmem>>
      %dma_start3A_397 = arith.constant 0 : i32
      %dma_start3A_398 = arith.constant 0 : i32
      %dma_start3A_399 = tpu.memref_slice %arg5[%add3A_391, %dma_start3A_397, %dma_start3A_398] : memref<25000x2x128xi32, #tpu.memory_space<hbm>> -> memref<1x2x128xi32, #tpu.memory_space<hbm>>
      %dma_start3A_400 = tpu.memref_squeeze %dma_start3A_399 : memref<1x2x128xi32, #tpu.memory_space<hbm>> -> memref<2x128xi32, #tpu.memory_space<hbm>>
      %dma_start3A_401 = arith.constant 0 : i32
      %dma_start3A_402 = tpu.memref_slice %dma_start3A_400[%dma_start3A_392, %dma_start3A_401] : memref<2x128xi32, #tpu.memory_space<hbm>> -> memref<1x128xi32, #tpu.memory_space<hbm>>
      %dma_start3A_403 = tpu.memref_squeeze %dma_start3A_402 : memref<1x128xi32, #tpu.memory_space<hbm>> -> memref<128xi32, #tpu.memory_space<hbm>>
      %dma_start3A_404 = arith.constant 0 : i32
      %dma_start3A_405 = tpu.memref_slice %arg13[%dma_start3A_393, %dma_start3A_404] : memref<4x128xi32, #tpu.memory_space<vmem>> -> memref<1x128xi32, #tpu.memory_space<vmem>>
      %dma_start3A_406 = tpu.memref_squeeze %dma_start3A_405 : memref<1x128xi32, #tpu.memory_space<vmem>> -> memref<128xi32, #tpu.memory_space<vmem>>
      %dma_start3A_407 = arith.constant 0 : i32
      %dma_start3A_408 = arith.constant 0 : i32
      %dma_start3A_409 = tpu.memref_slice %arg5[%add3A_391, %dma_start3A_407, %dma_start3A_408] : memref<25000x2x128xi32, #tpu.memory_space<hbm>> -> memref<1x2x128xi32, #tpu.memory_space<hbm>>
      %dma_start3A_410 = tpu.memref_squeeze %dma_start3A_409 : memref<1x2x128xi32, #tpu.memory_space<hbm>> -> memref<2x128xi32, #tpu.memory_space<hbm>>
      %dma_start3A_411 = arith.constant 0 : i32
      %dma_start3A_412 = tpu.memref_slice %dma_start3A_410[%dma_start3A_392, %dma_start3A_411] : memref<2x128xi32, #tpu.memory_space<hbm>> -> memref<1x128xi32, #tpu.memory_space<hbm>>
      %dma_start3A_413 = tpu.memref_squeeze %dma_start3A_412 : memref<1x128xi32, #tpu.memory_space<hbm>> -> memref<128xi32, #tpu.memory_space<hbm>>
      tpu.enqueue_dma source(%dma_start3A_413 : memref<128xi32, #tpu.memory_space<hbm>>) target(%dma_start3A_406 : memref<128xi32, #tpu.memory_space<vmem>>) target_semaphore(%arg29 : memref<!tpu.dma_semaphore, #tpu.memory_space<semaphore_mem>>)
      %add3A_414 = arith.constant 2 : i32
      %add3A_415 = arith.addi %mul3A_293, %add3A_414 : i32
      %dma_start3A_416 = arith.constant 1 : i32
      %dma_start3A_417 = arith.constant 2 : i32
      %dma_start3A_418 = arith.constant 0 : i32
      %dma_start3A_419 = tpu.memref_slice %arg14[%dma_start3A_417, %dma_start3A_418] : memref<4x128xi32, #tpu.memory_space<vmem>> -> memref<1x128xi32, #tpu.memory_space<vmem>>
      %dma_start3A_420 = tpu.memref_squeeze %dma_start3A_419 : memref<1x128xi32, #tpu.memory_space<vmem>> -> memref<128xi32, #tpu.memory_space<vmem>>
      %dma_start3A_421 = arith.constant 0 : i32
      %dma_start3A_422 = arith.constant 0 : i32
      %dma_start3A_423 = tpu.memref_slice %arg5[%add3A_415, %dma_start3A_421, %dma_start3A_422] : memref<25000x2x128xi32, #tpu.memory_space<hbm>> -> memref<1x2x128xi32, #tpu.memory_space<hbm>>
      %dma_start3A_424 = tpu.memref_squeeze %dma_start3A_423 : memref<1x2x128xi32, #tpu.memory_space<hbm>> -> memref<2x128xi32, #tpu.memory_space<hbm>>
      %dma_start3A_425 = arith.constant 0 : i32
      %dma_start3A_426 = tpu.memref_slice %dma_start3A_424[%dma_start3A_416, %dma_start3A_425] : memref<2x128xi32, #tpu.memory_space<hbm>> -> memref<1x128xi32, #tpu.memory_space<hbm>>
      %dma_start3A_427 = tpu.memref_squeeze %dma_start3A_426 : memref<1x128xi32, #tpu.memory_space<hbm>> -> memref<128xi32, #tpu.memory_space<hbm>>
      %dma_start3A_428 = arith.constant 0 : i32
      %dma_start3A_429 = tpu.memref_slice %arg14[%dma_start3A_417, %dma_start3A_428] : memref<4x128xi32, #tpu.memory_space<vmem>> -> memref<1x128xi32, #tpu.memory_space<vmem>>
      %dma_start3A_430 = tpu.memref_squeeze %dma_start3A_429 : memref<1x128xi32, #tpu.memory_space<vmem>> -> memref<128xi32, #tpu.memory_space<vmem>>
      %dma_start3A_431 = arith.constant 0 : i32
      %dma_start3A_432 = arith.constant 0 : i32
      %dma_start3A_433 = tpu.memref_slice %arg5[%add3A_415, %dma_start3A_431, %dma_start3A_432] : memref<25000x2x128xi32, #tpu.memory_space<hbm>> -> memref<1x2x128xi32, #tpu.memory_space<hbm>>
      %dma_start3A_434 = tpu.memref_squeeze %dma_start3A_433 : memref<1x2x128xi32, #tpu.memory_space<hbm>> -> memref<2x128xi32, #tpu.memory_space<hbm>>
      %dma_start3A_435 = arith.constant 0 : i32
      %dma_start3A_436 = tpu.memref_slice %dma_start3A_434[%dma_start3A_416, %dma_start3A_435] : memref<2x128xi32, #tpu.memory_space<hbm>> -> memref<1x128xi32, #tpu.memory_space<hbm>>
      %dma_start3A_437 = tpu.memref_squeeze %dma_start3A_436 : memref<1x128xi32, #tpu.memory_space<hbm>> -> memref<128xi32, #tpu.memory_space<hbm>>
      tpu.enqueue_dma source(%dma_start3A_437 : memref<128xi32, #tpu.memory_space<hbm>>) target(%dma_start3A_430 : memref<128xi32, #tpu.memory_space<vmem>>) target_semaphore(%arg29 : memref<!tpu.dma_semaphore, #tpu.memory_space<semaphore_mem>>)
      %add3A_438 = arith.constant 3 : i32
      %add3A_439 = arith.addi %mul3A_293, %add3A_438 : i32
      %dma_start3A_440 = arith.constant 0 : i32
      %dma_start3A_441 = arith.constant 3 : i32
      %dma_start3A_442 = arith.constant 0 : i32
      %dma_start3A_443 = tpu.memref_slice %arg13[%dma_start3A_441, %dma_start3A_442] : memref<4x128xi32, #tpu.memory_space<vmem>> -> memref<1x128xi32, #tpu.memory_space<vmem>>
      %dma_start3A_444 = tpu.memref_squeeze %dma_start3A_443 : memref<1x128xi32, #tpu.memory_space<vmem>> -> memref<128xi32, #tpu.memory_space<vmem>>
      %dma_start3A_445 = arith.constant 0 : i32
      %dma_start3A_446 = arith.constant 0 : i32
      %dma_start3A_447 = tpu.memref_slice %arg5[%add3A_439, %dma_start3A_445, %dma_start3A_446] : memref<25000x2x128xi32, #tpu.memory_space<hbm>> -> memref<1x2x128xi32, #tpu.memory_space<hbm>>
      %dma_start3A_448 = tpu.memref_squeeze %dma_start3A_447 : memref<1x2x128xi32, #tpu.memory_space<hbm>> -> memref<2x128xi32, #tpu.memory_space<hbm>>
      %dma_start3A_449 = arith.constant 0 : i32
      %dma_start3A_450 = tpu.memref_slice %dma_start3A_448[%dma_start3A_440, %dma_start3A_449] : memref<2x128xi32, #tpu.memory_space<hbm>> -> memref<1x128xi32, #tpu.memory_space<hbm>>
      %dma_start3A_451 = tpu.memref_squeeze %dma_start3A_450 : memref<1x128xi32, #tpu.memory_space<hbm>> -> memref<128xi32, #tpu.memory_space<hbm>>
      %dma_start3A_452 = arith.constant 0 : i32
      %dma_start3A_453 = tpu.memref_slice %arg13[%dma_start3A_441, %dma_start3A_452] : memref<4x128xi32, #tpu.memory_space<vmem>> -> memref<1x128xi32, #tpu.memory_space<vmem>>
      %dma_start3A_454 = tpu.memref_squeeze %dma_start3A_453 : memref<1x128xi32, #tpu.memory_space<vmem>> -> memref<128xi32, #tpu.memory_space<vmem>>
      %dma_start3A_455 = arith.constant 0 : i32
      %dma_start3A_456 = arith.constant 0 : i32
      %dma_start3A_457 = tpu.memref_slice %arg5[%add3A_439, %dma_start3A_455, %dma_start3A_456] : memref<25000x2x128xi32, #tpu.memory_space<hbm>> -> memref<1x2x128xi32, #tpu.memory_space<hbm>>
      %dma_start3A_458 = tpu.memref_squeeze %dma_start3A_457 : memref<1x2x128xi32, #tpu.memory_space<hbm>> -> memref<2x128xi32, #tpu.memory_space<hbm>>
      %dma_start3A_459 = arith.constant 0 : i32
      %dma_start3A_460 = tpu.memref_slice %dma_start3A_458[%dma_start3A_440, %dma_start3A_459] : memref<2x128xi32, #tpu.memory_space<hbm>> -> memref<1x128xi32, #tpu.memory_space<hbm>>
      %dma_start3A_461 = tpu.memref_squeeze %dma_start3A_460 : memref<1x128xi32, #tpu.memory_space<hbm>> -> memref<128xi32, #tpu.memory_space<hbm>>
      tpu.enqueue_dma source(%dma_start3A_461 : memref<128xi32, #tpu.memory_space<hbm>>) target(%dma_start3A_454 : memref<128xi32, #tpu.memory_space<vmem>>) target_semaphore(%arg29 : memref<!tpu.dma_semaphore, #tpu.memory_space<semaphore_mem>>)
      %add3A_462 = arith.constant 3 : i32
      %add3A_463 = arith.addi %mul3A_293, %add3A_462 : i32
      %dma_start3A_464 = arith.constant 1 : i32
      %dma_start3A_465 = arith.constant 3 : i32
      %dma_start3A_466 = arith.constant 0 : i32
      %dma_start3A_467 = tpu.memref_slice %arg14[%dma_start3A_465, %dma_start3A_466] : memref<4x128xi32, #tpu.memory_space<vmem>> -> memref<1x128xi32, #tpu.memory_space<vmem>>
      %dma_start3A_468 = tpu.memref_squeeze %dma_start3A_467 : memref<1x128xi32, #tpu.memory_space<vmem>> -> memref<128xi32, #tpu.memory_space<vmem>>
      %dma_start3A_469 = arith.constant 0 : i32
      %dma_start3A_470 = arith.constant 0 : i32
      %dma_start3A_471 = tpu.memref_slice %arg5[%add3A_463, %dma_start3A_469, %dma_start3A_470] : memref<25000x2x128xi32, #tpu.memory_space<hbm>> -> memref<1x2x128xi32, #tpu.memory_space<hbm>>
      %dma_start3A_472 = tpu.memref_squeeze %dma_start3A_471 : memref<1x2x128xi32, #tpu.memory_space<hbm>> -> memref<2x128xi32, #tpu.memory_space<hbm>>
      %dma_start3A_473 = arith.constant 0 : i32
      %dma_start3A_474 = tpu.memref_slice %dma_start3A_472[%dma_start3A_464, %dma_start3A_473] : memref<2x128xi32, #tpu.memory_space<hbm>> -> memref<1x128xi32, #tpu.memory_space<hbm>>
      %dma_start3A_475 = tpu.memref_squeeze %dma_start3A_474 : memref<1x128xi32, #tpu.memory_space<hbm>> -> memref<128xi32, #tpu.memory_space<hbm>>
      %dma_start3A_476 = arith.constant 0 : i32
      %dma_start3A_477 = tpu.memref_slice %arg14[%dma_start3A_465, %dma_start3A_476] : memref<4x128xi32, #tpu.memory_space<vmem>> -> memref<1x128xi32, #tpu.memory_space<vmem>>
      %dma_start3A_478 = tpu.memref_squeeze %dma_start3A_477 : memref<1x128xi32, #tpu.memory_space<vmem>> -> memref<128xi32, #tpu.memory_space<vmem>>
      %dma_start3A_479 = arith.constant 0 : i32
      %dma_start3A_480 = arith.constant 0 : i32
      %dma_start3A_481 = tpu.memref_slice %arg5[%add3A_463, %dma_start3A_479, %dma_start3A_480] : memref<25000x2x128xi32, #tpu.memory_space<hbm>> -> memref<1x2x128xi32, #tpu.memory_space<hbm>>
      %dma_start3A_482 = tpu.memref_squeeze %dma_start3A_481 : memref<1x2x128xi32, #tpu.memory_space<hbm>> -> memref<2x128xi32, #tpu.memory_space<hbm>>
      %dma_start3A_483 = arith.constant 0 : i32
      %dma_start3A_484 = tpu.memref_slice %dma_start3A_482[%dma_start3A_464, %dma_start3A_483] : memref<2x128xi32, #tpu.memory_space<hbm>> -> memref<1x128xi32, #tpu.memory_space<hbm>>
      %dma_start3A_485 = tpu.memref_squeeze %dma_start3A_484 : memref<1x128xi32, #tpu.memory_space<hbm>> -> memref<128xi32, #tpu.memory_space<hbm>>
      tpu.enqueue_dma source(%dma_start3A_485 : memref<128xi32, #tpu.memory_space<hbm>>) target(%dma_start3A_478 : memref<128xi32, #tpu.memory_space<vmem>>) target_semaphore(%arg29 : memref<!tpu.dma_semaphore, #tpu.memory_space<semaphore_mem>>)
      %gt3A_486 = arith.constant 0 : i32
      %gt3A_487 = arith.cmpi sgt, %while3A_278, %gt3A_486 : i32
      %convert_element_type3A_488 = arith.extui %gt3A_487 : i1 to i32
      %cond3A_489 = arith.constant 0 : i32
      %cond3A_490 = arith.cmpi ne, %convert_element_type3A_488, %cond3A_489 : i32
      scf.if %cond3A_490 {
        %dma_wait3A_1310 = arith.constant 0 : i32
        %dma_wait3A_1311 = arith.constant 0 : i32
        %dma_wait3A_1312 = arith.constant 0 : i32
        %dma_wait3A_1313 = tpu.memref_slice %arg23[%dma_wait3A_1311, %dma_wait3A_1312] : memref<512x8xf32, #tpu.memory_space<vmem>> -> memref<128x8xf32, #tpu.memory_space<vmem>>
        %dma_wait3A_1314 = arith.constant 0 : i32
        %dma_wait3A_1315 = tpu.memref_slice %arg21[%dma_wait3A_1310, %dma_wait3A_1314] : memref<4x128xi32, #tpu.memory_space<vmem>> -> memref<1x128xi32, #tpu.memory_space<vmem>>
        %dma_wait3A_1316 = tpu.memref_squeeze %dma_wait3A_1315 : memref<1x128xi32, #tpu.memory_space<vmem>> -> memref<128xi32, #tpu.memory_space<vmem>>
        %dma_wait3A_1317 = arith.constant 0 : i32
        %dma_wait3A_1318 = arith.constant 0 : i32
        %dma_wait3A_1319 = tpu.memref_slice %arg27[%dma_wait3A_1317, %dma_wait3A_1318] : memref<100096x8xf32, #tpu.memory_space<vmem_shared>> -> memref<100096x8xf32, #tpu.memory_space<vmem_shared>>
        tpu.wait_indirect_dma semaphore(%arg32 : memref<!tpu.dma_semaphore, #tpu.memory_space<semaphore_mem>>) src(%dma_wait3A_1313 : memref<128x8xf32, #tpu.memory_space<vmem>>) dst(%dma_wait3A_1319 : memref<100096x8xf32, #tpu.memory_space<vmem_shared>>)
        %dma_wait3A_1320 = arith.constant 0 : i32
        %dma_wait3A_1321 = arith.constant 0 : i32
        %dma_wait3A_1322 = arith.constant 0 : i32
        %dma_wait3A_1323 = tpu.memref_slice %arg24[%dma_wait3A_1321, %dma_wait3A_1322] : memref<512x8xf32, #tpu.memory_space<vmem>> -> memref<128x8xf32, #tpu.memory_space<vmem>>
        %dma_wait3A_1324 = arith.constant 0 : i32
        %dma_wait3A_1325 = tpu.memref_slice %arg22[%dma_wait3A_1320, %dma_wait3A_1324] : memref<4x128xi32, #tpu.memory_space<vmem>> -> memref<1x128xi32, #tpu.memory_space<vmem>>
        %dma_wait3A_1326 = tpu.memref_squeeze %dma_wait3A_1325 : memref<1x128xi32, #tpu.memory_space<vmem>> -> memref<128xi32, #tpu.memory_space<vmem>>
        %dma_wait3A_1327 = arith.constant 0 : i32
        %dma_wait3A_1328 = arith.constant 0 : i32
        %dma_wait3A_1329 = tpu.memref_slice %arg27[%dma_wait3A_1327, %dma_wait3A_1328] : memref<100096x8xf32, #tpu.memory_space<vmem_shared>> -> memref<100096x8xf32, #tpu.memory_space<vmem_shared>>
        tpu.wait_indirect_dma semaphore(%arg32 : memref<!tpu.dma_semaphore, #tpu.memory_space<semaphore_mem>>) src(%dma_wait3A_1323 : memref<128x8xf32, #tpu.memory_space<vmem>>) dst(%dma_wait3A_1329 : memref<100096x8xf32, #tpu.memory_space<vmem_shared>>)
        %dma_wait3A_1330 = arith.constant 0 : i32
        %dma_wait3A_1331 = arith.constant 0 : i32
        %dma_wait3A_1332 = arith.constant 0 : i32
        %dma_wait3A_1333 = tpu.memref_slice %arg25[%dma_wait3A_1331, %dma_wait3A_1332] : memref<512x8xf32, #tpu.memory_space<vmem>> -> memref<128x8xf32, #tpu.memory_space<vmem>>
        %dma_wait3A_1334 = arith.constant 0 : i32
        %dma_wait3A_1335 = tpu.memref_slice %arg22[%dma_wait3A_1330, %dma_wait3A_1334] : memref<4x128xi32, #tpu.memory_space<vmem>> -> memref<1x128xi32, #tpu.memory_space<vmem>>
        %dma_wait3A_1336 = tpu.memref_squeeze %dma_wait3A_1335 : memref<1x128xi32, #tpu.memory_space<vmem>> -> memref<128xi32, #tpu.memory_space<vmem>>
        %dma_wait3A_1337 = arith.constant 0 : i32
        %dma_wait3A_1338 = arith.constant 0 : i32
        %dma_wait3A_1339 = tpu.memref_slice %arg28[%dma_wait3A_1337, %dma_wait3A_1338] : memref<100096x8xf32, #tpu.memory_space<vmem_shared>> -> memref<100096x8xf32, #tpu.memory_space<vmem_shared>>
        tpu.wait_indirect_dma semaphore(%arg32 : memref<!tpu.dma_semaphore, #tpu.memory_space<semaphore_mem>>) src(%dma_wait3A_1333 : memref<128x8xf32, #tpu.memory_space<vmem>>) dst(%dma_wait3A_1339 : memref<100096x8xf32, #tpu.memory_space<vmem_shared>>)
        %dma_wait3A_1340 = arith.constant 1 : i32
        %dma_wait3A_1341 = arith.constant 128 : i32
        %dma_wait3A_1342 = arith.constant 0 : i32
        %dma_wait3A_1343 = tpu.memref_slice %arg23[%dma_wait3A_1341, %dma_wait3A_1342] : memref<512x8xf32, #tpu.memory_space<vmem>> -> memref<128x8xf32, #tpu.memory_space<vmem>>
        %dma_wait3A_1344 = arith.constant 0 : i32
        %dma_wait3A_1345 = tpu.memref_slice %arg21[%dma_wait3A_1340, %dma_wait3A_1344] : memref<4x128xi32, #tpu.memory_space<vmem>> -> memref<1x128xi32, #tpu.memory_space<vmem>>
        %dma_wait3A_1346 = tpu.memref_squeeze %dma_wait3A_1345 : memref<1x128xi32, #tpu.memory_space<vmem>> -> memref<128xi32, #tpu.memory_space<vmem>>
        %dma_wait3A_1347 = arith.constant 0 : i32
        %dma_wait3A_1348 = arith.constant 0 : i32
        %dma_wait3A_1349 = tpu.memref_slice %arg27[%dma_wait3A_1347, %dma_wait3A_1348] : memref<100096x8xf32, #tpu.memory_space<vmem_shared>> -> memref<100096x8xf32, #tpu.memory_space<vmem_shared>>
        tpu.wait_indirect_dma semaphore(%arg32 : memref<!tpu.dma_semaphore, #tpu.memory_space<semaphore_mem>>) src(%dma_wait3A_1343 : memref<128x8xf32, #tpu.memory_space<vmem>>) dst(%dma_wait3A_1349 : memref<100096x8xf32, #tpu.memory_space<vmem_shared>>)
        %dma_wait3A_1350 = arith.constant 1 : i32
        %dma_wait3A_1351 = arith.constant 128 : i32
        %dma_wait3A_1352 = arith.constant 0 : i32
        %dma_wait3A_1353 = tpu.memref_slice %arg24[%dma_wait3A_1351, %dma_wait3A_1352] : memref<512x8xf32, #tpu.memory_space<vmem>> -> memref<128x8xf32, #tpu.memory_space<vmem>>
        %dma_wait3A_1354 = arith.constant 0 : i32
        %dma_wait3A_1355 = tpu.memref_slice %arg22[%dma_wait3A_1350, %dma_wait3A_1354] : memref<4x128xi32, #tpu.memory_space<vmem>> -> memref<1x128xi32, #tpu.memory_space<vmem>>
        %dma_wait3A_1356 = tpu.memref_squeeze %dma_wait3A_1355 : memref<1x128xi32, #tpu.memory_space<vmem>> -> memref<128xi32, #tpu.memory_space<vmem>>
        %dma_wait3A_1357 = arith.constant 0 : i32
        %dma_wait3A_1358 = arith.constant 0 : i32
        %dma_wait3A_1359 = tpu.memref_slice %arg27[%dma_wait3A_1357, %dma_wait3A_1358] : memref<100096x8xf32, #tpu.memory_space<vmem_shared>> -> memref<100096x8xf32, #tpu.memory_space<vmem_shared>>
        tpu.wait_indirect_dma semaphore(%arg32 : memref<!tpu.dma_semaphore, #tpu.memory_space<semaphore_mem>>) src(%dma_wait3A_1353 : memref<128x8xf32, #tpu.memory_space<vmem>>) dst(%dma_wait3A_1359 : memref<100096x8xf32, #tpu.memory_space<vmem_shared>>)
        %dma_wait3A_1360 = arith.constant 1 : i32
        %dma_wait3A_1361 = arith.constant 128 : i32
        %dma_wait3A_1362 = arith.constant 0 : i32
        %dma_wait3A_1363 = tpu.memref_slice %arg25[%dma_wait3A_1361, %dma_wait3A_1362] : memref<512x8xf32, #tpu.memory_space<vmem>> -> memref<128x8xf32, #tpu.memory_space<vmem>>
        %dma_wait3A_1364 = arith.constant 0 : i32
        %dma_wait3A_1365 = tpu.memref_slice %arg22[%dma_wait3A_1360, %dma_wait3A_1364] : memref<4x128xi32, #tpu.memory_space<vmem>> -> memref<1x128xi32, #tpu.memory_space<vmem>>
        %dma_wait3A_1366 = tpu.memref_squeeze %dma_wait3A_1365 : memref<1x128xi32, #tpu.memory_space<vmem>> -> memref<128xi32, #tpu.memory_space<vmem>>
        %dma_wait3A_1367 = arith.constant 0 : i32
        %dma_wait3A_1368 = arith.constant 0 : i32
        %dma_wait3A_1369 = tpu.memref_slice %arg28[%dma_wait3A_1367, %dma_wait3A_1368] : memref<100096x8xf32, #tpu.memory_space<vmem_shared>> -> memref<100096x8xf32, #tpu.memory_space<vmem_shared>>
        tpu.wait_indirect_dma semaphore(%arg32 : memref<!tpu.dma_semaphore, #tpu.memory_space<semaphore_mem>>) src(%dma_wait3A_1363 : memref<128x8xf32, #tpu.memory_space<vmem>>) dst(%dma_wait3A_1369 : memref<100096x8xf32, #tpu.memory_space<vmem_shared>>)
        %dma_wait3A_1370 = arith.constant 2 : i32
        %dma_wait3A_1371 = arith.constant 256 : i32
        %dma_wait3A_1372 = arith.constant 0 : i32
        %dma_wait3A_1373 = tpu.memref_slice %arg23[%dma_wait3A_1371, %dma_wait3A_1372] : memref<512x8xf32, #tpu.memory_space<vmem>> -> memref<128x8xf32, #tpu.memory_space<vmem>>
        %dma_wait3A_1374 = arith.constant 0 : i32
        %dma_wait3A_1375 = tpu.memref_slice %arg21[%dma_wait3A_1370, %dma_wait3A_1374] : memref<4x128xi32, #tpu.memory_space<vmem>> -> memref<1x128xi32, #tpu.memory_space<vmem>>
        %dma_wait3A_1376 = tpu.memref_squeeze %dma_wait3A_1375 : memref<1x128xi32, #tpu.memory_space<vmem>> -> memref<128xi32, #tpu.memory_space<vmem>>
        %dma_wait3A_1377 = arith.constant 0 : i32
        %dma_wait3A_1378 = arith.constant 0 : i32
        %dma_wait3A_1379 = tpu.memref_slice %arg27[%dma_wait3A_1377, %dma_wait3A_1378] : memref<100096x8xf32, #tpu.memory_space<vmem_shared>> -> memref<100096x8xf32, #tpu.memory_space<vmem_shared>>
        tpu.wait_indirect_dma semaphore(%arg32 : memref<!tpu.dma_semaphore, #tpu.memory_space<semaphore_mem>>) src(%dma_wait3A_1373 : memref<128x8xf32, #tpu.memory_space<vmem>>) dst(%dma_wait3A_1379 : memref<100096x8xf32, #tpu.memory_space<vmem_shared>>)
        %dma_wait3A_1380 = arith.constant 2 : i32
        %dma_wait3A_1381 = arith.constant 256 : i32
        %dma_wait3A_1382 = arith.constant 0 : i32
        %dma_wait3A_1383 = tpu.memref_slice %arg24[%dma_wait3A_1381, %dma_wait3A_1382] : memref<512x8xf32, #tpu.memory_space<vmem>> -> memref<128x8xf32, #tpu.memory_space<vmem>>
        %dma_wait3A_1384 = arith.constant 0 : i32
        %dma_wait3A_1385 = tpu.memref_slice %arg22[%dma_wait3A_1380, %dma_wait3A_1384] : memref<4x128xi32, #tpu.memory_space<vmem>> -> memref<1x128xi32, #tpu.memory_space<vmem>>
        %dma_wait3A_1386 = tpu.memref_squeeze %dma_wait3A_1385 : memref<1x128xi32, #tpu.memory_space<vmem>> -> memref<128xi32, #tpu.memory_space<vmem>>
        %dma_wait3A_1387 = arith.constant 0 : i32
        %dma_wait3A_1388 = arith.constant 0 : i32
        %dma_wait3A_1389 = tpu.memref_slice %arg27[%dma_wait3A_1387, %dma_wait3A_1388] : memref<100096x8xf32, #tpu.memory_space<vmem_shared>> -> memref<100096x8xf32, #tpu.memory_space<vmem_shared>>
        tpu.wait_indirect_dma semaphore(%arg32 : memref<!tpu.dma_semaphore, #tpu.memory_space<semaphore_mem>>) src(%dma_wait3A_1383 : memref<128x8xf32, #tpu.memory_space<vmem>>) dst(%dma_wait3A_1389 : memref<100096x8xf32, #tpu.memory_space<vmem_shared>>)
        %dma_wait3A_1390 = arith.constant 2 : i32
        %dma_wait3A_1391 = arith.constant 256 : i32
        %dma_wait3A_1392 = arith.constant 0 : i32
        %dma_wait3A_1393 = tpu.memref_slice %arg25[%dma_wait3A_1391, %dma_wait3A_1392] : memref<512x8xf32, #tpu.memory_space<vmem>> -> memref<128x8xf32, #tpu.memory_space<vmem>>
        %dma_wait3A_1394 = arith.constant 0 : i32
        %dma_wait3A_1395 = tpu.memref_slice %arg22[%dma_wait3A_1390, %dma_wait3A_1394] : memref<4x128xi32, #tpu.memory_space<vmem>> -> memref<1x128xi32, #tpu.memory_space<vmem>>
        %dma_wait3A_1396 = tpu.memref_squeeze %dma_wait3A_1395 : memref<1x128xi32, #tpu.memory_space<vmem>> -> memref<128xi32, #tpu.memory_space<vmem>>
        %dma_wait3A_1397 = arith.constant 0 : i32
        %dma_wait3A_1398 = arith.constant 0 : i32
        %dma_wait3A_1399 = tpu.memref_slice %arg28[%dma_wait3A_1397, %dma_wait3A_1398] : memref<100096x8xf32, #tpu.memory_space<vmem_shared>> -> memref<100096x8xf32, #tpu.memory_space<vmem_shared>>
        tpu.wait_indirect_dma semaphore(%arg32 : memref<!tpu.dma_semaphore, #tpu.memory_space<semaphore_mem>>) src(%dma_wait3A_1393 : memref<128x8xf32, #tpu.memory_space<vmem>>) dst(%dma_wait3A_1399 : memref<100096x8xf32, #tpu.memory_space<vmem_shared>>)
        %dma_wait3A_1400 = arith.constant 3 : i32
        %dma_wait3A_1401 = arith.constant 384 : i32
        %dma_wait3A_1402 = arith.constant 0 : i32
        %dma_wait3A_1403 = tpu.memref_slice %arg23[%dma_wait3A_1401, %dma_wait3A_1402] : memref<512x8xf32, #tpu.memory_space<vmem>> -> memref<128x8xf32, #tpu.memory_space<vmem>>
        %dma_wait3A_1404 = arith.constant 0 : i32
        %dma_wait3A_1405 = tpu.memref_slice %arg21[%dma_wait3A_1400, %dma_wait3A_1404] : memref<4x128xi32, #tpu.memory_space<vmem>> -> memref<1x128xi32, #tpu.memory_space<vmem>>
        %dma_wait3A_1406 = tpu.memref_squeeze %dma_wait3A_1405 : memref<1x128xi32, #tpu.memory_space<vmem>> -> memref<128xi32, #tpu.memory_space<vmem>>
        %dma_wait3A_1407 = arith.constant 0 : i32
        %dma_wait3A_1408 = arith.constant 0 : i32
        %dma_wait3A_1409 = tpu.memref_slice %arg27[%dma_wait3A_1407, %dma_wait3A_1408] : memref<100096x8xf32, #tpu.memory_space<vmem_shared>> -> memref<100096x8xf32, #tpu.memory_space<vmem_shared>>
        tpu.wait_indirect_dma semaphore(%arg32 : memref<!tpu.dma_semaphore, #tpu.memory_space<semaphore_mem>>) src(%dma_wait3A_1403 : memref<128x8xf32, #tpu.memory_space<vmem>>) dst(%dma_wait3A_1409 : memref<100096x8xf32, #tpu.memory_space<vmem_shared>>)
        %dma_wait3A_1410 = arith.constant 3 : i32
        %dma_wait3A_1411 = arith.constant 384 : i32
        %dma_wait3A_1412 = arith.constant 0 : i32
        %dma_wait3A_1413 = tpu.memref_slice %arg24[%dma_wait3A_1411, %dma_wait3A_1412] : memref<512x8xf32, #tpu.memory_space<vmem>> -> memref<128x8xf32, #tpu.memory_space<vmem>>
        %dma_wait3A_1414 = arith.constant 0 : i32
        %dma_wait3A_1415 = tpu.memref_slice %arg22[%dma_wait3A_1410, %dma_wait3A_1414] : memref<4x128xi32, #tpu.memory_space<vmem>> -> memref<1x128xi32, #tpu.memory_space<vmem>>
        %dma_wait3A_1416 = tpu.memref_squeeze %dma_wait3A_1415 : memref<1x128xi32, #tpu.memory_space<vmem>> -> memref<128xi32, #tpu.memory_space<vmem>>
        %dma_wait3A_1417 = arith.constant 0 : i32
        %dma_wait3A_1418 = arith.constant 0 : i32
        %dma_wait3A_1419 = tpu.memref_slice %arg27[%dma_wait3A_1417, %dma_wait3A_1418] : memref<100096x8xf32, #tpu.memory_space<vmem_shared>> -> memref<100096x8xf32, #tpu.memory_space<vmem_shared>>
        tpu.wait_indirect_dma semaphore(%arg32 : memref<!tpu.dma_semaphore, #tpu.memory_space<semaphore_mem>>) src(%dma_wait3A_1413 : memref<128x8xf32, #tpu.memory_space<vmem>>) dst(%dma_wait3A_1419 : memref<100096x8xf32, #tpu.memory_space<vmem_shared>>)
        %dma_wait3A_1420 = arith.constant 3 : i32
        %dma_wait3A_1421 = arith.constant 384 : i32
        %dma_wait3A_1422 = arith.constant 0 : i32
        %dma_wait3A_1423 = tpu.memref_slice %arg25[%dma_wait3A_1421, %dma_wait3A_1422] : memref<512x8xf32, #tpu.memory_space<vmem>> -> memref<128x8xf32, #tpu.memory_space<vmem>>
        %dma_wait3A_1424 = arith.constant 0 : i32
        %dma_wait3A_1425 = tpu.memref_slice %arg22[%dma_wait3A_1420, %dma_wait3A_1424] : memref<4x128xi32, #tpu.memory_space<vmem>> -> memref<1x128xi32, #tpu.memory_space<vmem>>
        %dma_wait3A_1426 = tpu.memref_squeeze %dma_wait3A_1425 : memref<1x128xi32, #tpu.memory_space<vmem>> -> memref<128xi32, #tpu.memory_space<vmem>>
        %dma_wait3A_1427 = arith.constant 0 : i32
        %dma_wait3A_1428 = arith.constant 0 : i32
        %dma_wait3A_1429 = tpu.memref_slice %arg28[%dma_wait3A_1427, %dma_wait3A_1428] : memref<100096x8xf32, #tpu.memory_space<vmem_shared>> -> memref<100096x8xf32, #tpu.memory_space<vmem_shared>>
        tpu.wait_indirect_dma semaphore(%arg32 : memref<!tpu.dma_semaphore, #tpu.memory_space<semaphore_mem>>) src(%dma_wait3A_1423 : memref<128x8xf32, #tpu.memory_space<vmem>>) dst(%dma_wait3A_1429 : memref<100096x8xf32, #tpu.memory_space<vmem_shared>>)
      } else {
      }
      %add3A_491 = arith.constant 1 : i32
      %add3A_492 = arith.addi %mul3A_281, %add3A_491 : i32
      %mul3A_493 = arith.constant 512 : i32
      %mul3A_494 = arith.muli %add3A_492, %mul3A_493 : i32
      %dma_start3A_495 = tpu.memref_slice %arg2[%mul3A_494] : memref<3200000xf32, #tpu.memory_space<hbm>> -> memref<512xf32, #tpu.memory_space<hbm>>
      %dma_start3A_496 = tpu.memref_slice %arg2[%mul3A_494] : memref<3200000xf32, #tpu.memory_space<hbm>> -> memref<512xf32, #tpu.memory_space<hbm>>
      tpu.enqueue_dma source(%dma_start3A_496 : memref<512xf32, #tpu.memory_space<hbm>>) target(%arg18 : memref<512xf32, #tpu.memory_space<vmem>>) target_semaphore(%arg30 : memref<!tpu.dma_semaphore, #tpu.memory_space<semaphore_mem>>)
      %dma_start3A_497 = tpu.memref_slice %arg3[%mul3A_494] : memref<3200000xf32, #tpu.memory_space<hbm>> -> memref<512xf32, #tpu.memory_space<hbm>>
      %dma_start3A_498 = tpu.memref_slice %arg3[%mul3A_494] : memref<3200000xf32, #tpu.memory_space<hbm>> -> memref<512xf32, #tpu.memory_space<hbm>>
      tpu.enqueue_dma source(%dma_start3A_498 : memref<512xf32, #tpu.memory_space<hbm>>) target(%arg19 : memref<512xf32, #tpu.memory_space<vmem>>) target_semaphore(%arg30 : memref<!tpu.dma_semaphore, #tpu.memory_space<semaphore_mem>>)
      %dma_start3A_499 = tpu.memref_slice %arg4[%mul3A_494] : memref<3200000xf32, #tpu.memory_space<hbm>> -> memref<512xf32, #tpu.memory_space<hbm>>
      %dma_start3A_500 = tpu.memref_slice %arg4[%mul3A_494] : memref<3200000xf32, #tpu.memory_space<hbm>> -> memref<512xf32, #tpu.memory_space<hbm>>
      tpu.enqueue_dma source(%dma_start3A_500 : memref<512xf32, #tpu.memory_space<hbm>>) target(%arg20 : memref<512xf32, #tpu.memory_space<vmem>>) target_semaphore(%arg30 : memref<!tpu.dma_semaphore, #tpu.memory_space<semaphore_mem>>)
      %mul3A_501 = arith.constant 4 : i32
      %mul3A_502 = arith.muli %add3A_492, %mul3A_501 : i32
      %add3A_503 = arith.constant 0 : i32
      %add3A_504 = arith.addi %mul3A_502, %add3A_503 : i32
      %dma_start3A_505 = arith.constant 0 : i32
      %dma_start3A_506 = arith.constant 0 : i32
      %dma_start3A_507 = arith.constant 0 : i32
      %dma_start3A_508 = tpu.memref_slice %arg21[%dma_start3A_506, %dma_start3A_507] : memref<4x128xi32, #tpu.memory_space<vmem>> -> memref<1x128xi32, #tpu.memory_space<vmem>>
      %dma_start3A_509 = tpu.memref_squeeze %dma_start3A_508 : memref<1x128xi32, #tpu.memory_space<vmem>> -> memref<128xi32, #tpu.memory_space<vmem>>
      %dma_start3A_510 = arith.constant 0 : i32
      %dma_start3A_511 = arith.constant 0 : i32
      %dma_start3A_512 = tpu.memref_slice %arg5[%add3A_504, %dma_start3A_510, %dma_start3A_511] : memref<25000x2x128xi32, #tpu.memory_space<hbm>> -> memref<1x2x128xi32, #tpu.memory_space<hbm>>
      %dma_start3A_513 = tpu.memref_squeeze %dma_start3A_512 : memref<1x2x128xi32, #tpu.memory_space<hbm>> -> memref<2x128xi32, #tpu.memory_space<hbm>>
      %dma_start3A_514 = arith.constant 0 : i32
      %dma_start3A_515 = tpu.memref_slice %dma_start3A_513[%dma_start3A_505, %dma_start3A_514] : memref<2x128xi32, #tpu.memory_space<hbm>> -> memref<1x128xi32, #tpu.memory_space<hbm>>
      %dma_start3A_516 = tpu.memref_squeeze %dma_start3A_515 : memref<1x128xi32, #tpu.memory_space<hbm>> -> memref<128xi32, #tpu.memory_space<hbm>>
      %dma_start3A_517 = arith.constant 0 : i32
      %dma_start3A_518 = tpu.memref_slice %arg21[%dma_start3A_506, %dma_start3A_517] : memref<4x128xi32, #tpu.memory_space<vmem>> -> memref<1x128xi32, #tpu.memory_space<vmem>>
      %dma_start3A_519 = tpu.memref_squeeze %dma_start3A_518 : memref<1x128xi32, #tpu.memory_space<vmem>> -> memref<128xi32, #tpu.memory_space<vmem>>
      %dma_start3A_520 = arith.constant 0 : i32
      %dma_start3A_521 = arith.constant 0 : i32
      %dma_start3A_522 = tpu.memref_slice %arg5[%add3A_504, %dma_start3A_520, %dma_start3A_521] : memref<25000x2x128xi32, #tpu.memory_space<hbm>> -> memref<1x2x128xi32, #tpu.memory_space<hbm>>
      %dma_start3A_523 = tpu.memref_squeeze %dma_start3A_522 : memref<1x2x128xi32, #tpu.memory_space<hbm>> -> memref<2x128xi32, #tpu.memory_space<hbm>>
      %dma_start3A_524 = arith.constant 0 : i32
      %dma_start3A_525 = tpu.memref_slice %dma_start3A_523[%dma_start3A_505, %dma_start3A_524] : memref<2x128xi32, #tpu.memory_space<hbm>> -> memref<1x128xi32, #tpu.memory_space<hbm>>
      %dma_start3A_526 = tpu.memref_squeeze %dma_start3A_525 : memref<1x128xi32, #tpu.memory_space<hbm>> -> memref<128xi32, #tpu.memory_space<hbm>>
      tpu.enqueue_dma source(%dma_start3A_526 : memref<128xi32, #tpu.memory_space<hbm>>) target(%dma_start3A_519 : memref<128xi32, #tpu.memory_space<vmem>>) target_semaphore(%arg30 : memref<!tpu.dma_semaphore, #tpu.memory_space<semaphore_mem>>)
      %add3A_527 = arith.constant 0 : i32
      %add3A_528 = arith.addi %mul3A_502, %add3A_527 : i32
      %dma_start3A_529 = arith.constant 1 : i32
      %dma_start3A_530 = arith.constant 0 : i32
      %dma_start3A_531 = arith.constant 0 : i32
      %dma_start3A_532 = tpu.memref_slice %arg22[%dma_start3A_530, %dma_start3A_531] : memref<4x128xi32, #tpu.memory_space<vmem>> -> memref<1x128xi32, #tpu.memory_space<vmem>>
      %dma_start3A_533 = tpu.memref_squeeze %dma_start3A_532 : memref<1x128xi32, #tpu.memory_space<vmem>> -> memref<128xi32, #tpu.memory_space<vmem>>
      %dma_start3A_534 = arith.constant 0 : i32
      %dma_start3A_535 = arith.constant 0 : i32
      %dma_start3A_536 = tpu.memref_slice %arg5[%add3A_528, %dma_start3A_534, %dma_start3A_535] : memref<25000x2x128xi32, #tpu.memory_space<hbm>> -> memref<1x2x128xi32, #tpu.memory_space<hbm>>
      %dma_start3A_537 = tpu.memref_squeeze %dma_start3A_536 : memref<1x2x128xi32, #tpu.memory_space<hbm>> -> memref<2x128xi32, #tpu.memory_space<hbm>>
      %dma_start3A_538 = arith.constant 0 : i32
      %dma_start3A_539 = tpu.memref_slice %dma_start3A_537[%dma_start3A_529, %dma_start3A_538] : memref<2x128xi32, #tpu.memory_space<hbm>> -> memref<1x128xi32, #tpu.memory_space<hbm>>
      %dma_start3A_540 = tpu.memref_squeeze %dma_start3A_539 : memref<1x128xi32, #tpu.memory_space<hbm>> -> memref<128xi32, #tpu.memory_space<hbm>>
      %dma_start3A_541 = arith.constant 0 : i32
      %dma_start3A_542 = tpu.memref_slice %arg22[%dma_start3A_530, %dma_start3A_541] : memref<4x128xi32, #tpu.memory_space<vmem>> -> memref<1x128xi32, #tpu.memory_space<vmem>>
      %dma_start3A_543 = tpu.memref_squeeze %dma_start3A_542 : memref<1x128xi32, #tpu.memory_space<vmem>> -> memref<128xi32, #tpu.memory_space<vmem>>
      %dma_start3A_544 = arith.constant 0 : i32
      %dma_start3A_545 = arith.constant 0 : i32
      %dma_start3A_546 = tpu.memref_slice %arg5[%add3A_528, %dma_start3A_544, %dma_start3A_545] : memref<25000x2x128xi32, #tpu.memory_space<hbm>> -> memref<1x2x128xi32, #tpu.memory_space<hbm>>
      %dma_start3A_547 = tpu.memref_squeeze %dma_start3A_546 : memref<1x2x128xi32, #tpu.memory_space<hbm>> -> memref<2x128xi32, #tpu.memory_space<hbm>>
      %dma_start3A_548 = arith.constant 0 : i32
      %dma_start3A_549 = tpu.memref_slice %dma_start3A_547[%dma_start3A_529, %dma_start3A_548] : memref<2x128xi32, #tpu.memory_space<hbm>> -> memref<1x128xi32, #tpu.memory_space<hbm>>
      %dma_start3A_550 = tpu.memref_squeeze %dma_start3A_549 : memref<1x128xi32, #tpu.memory_space<hbm>> -> memref<128xi32, #tpu.memory_space<hbm>>
      tpu.enqueue_dma source(%dma_start3A_550 : memref<128xi32, #tpu.memory_space<hbm>>) target(%dma_start3A_543 : memref<128xi32, #tpu.memory_space<vmem>>) target_semaphore(%arg30 : memref<!tpu.dma_semaphore, #tpu.memory_space<semaphore_mem>>)
      %add3A_551 = arith.constant 1 : i32
      %add3A_552 = arith.addi %mul3A_502, %add3A_551 : i32
      %dma_start3A_553 = arith.constant 0 : i32
      %dma_start3A_554 = arith.constant 1 : i32
      %dma_start3A_555 = arith.constant 0 : i32
      %dma_start3A_556 = tpu.memref_slice %arg21[%dma_start3A_554, %dma_start3A_555] : memref<4x128xi32, #tpu.memory_space<vmem>> -> memref<1x128xi32, #tpu.memory_space<vmem>>
      %dma_start3A_557 = tpu.memref_squeeze %dma_start3A_556 : memref<1x128xi32, #tpu.memory_space<vmem>> -> memref<128xi32, #tpu.memory_space<vmem>>
      %dma_start3A_558 = arith.constant 0 : i32
      %dma_start3A_559 = arith.constant 0 : i32
      %dma_start3A_560 = tpu.memref_slice %arg5[%add3A_552, %dma_start3A_558, %dma_start3A_559] : memref<25000x2x128xi32, #tpu.memory_space<hbm>> -> memref<1x2x128xi32, #tpu.memory_space<hbm>>
      %dma_start3A_561 = tpu.memref_squeeze %dma_start3A_560 : memref<1x2x128xi32, #tpu.memory_space<hbm>> -> memref<2x128xi32, #tpu.memory_space<hbm>>
      %dma_start3A_562 = arith.constant 0 : i32
      %dma_start3A_563 = tpu.memref_slice %dma_start3A_561[%dma_start3A_553, %dma_start3A_562] : memref<2x128xi32, #tpu.memory_space<hbm>> -> memref<1x128xi32, #tpu.memory_space<hbm>>
      %dma_start3A_564 = tpu.memref_squeeze %dma_start3A_563 : memref<1x128xi32, #tpu.memory_space<hbm>> -> memref<128xi32, #tpu.memory_space<hbm>>
      %dma_start3A_565 = arith.constant 0 : i32
      %dma_start3A_566 = tpu.memref_slice %arg21[%dma_start3A_554, %dma_start3A_565] : memref<4x128xi32, #tpu.memory_space<vmem>> -> memref<1x128xi32, #tpu.memory_space<vmem>>
      %dma_start3A_567 = tpu.memref_squeeze %dma_start3A_566 : memref<1x128xi32, #tpu.memory_space<vmem>> -> memref<128xi32, #tpu.memory_space<vmem>>
      %dma_start3A_568 = arith.constant 0 : i32
      %dma_start3A_569 = arith.constant 0 : i32
      %dma_start3A_570 = tpu.memref_slice %arg5[%add3A_552, %dma_start3A_568, %dma_start3A_569] : memref<25000x2x128xi32, #tpu.memory_space<hbm>> -> memref<1x2x128xi32, #tpu.memory_space<hbm>>
      %dma_start3A_571 = tpu.memref_squeeze %dma_start3A_570 : memref<1x2x128xi32, #tpu.memory_space<hbm>> -> memref<2x128xi32, #tpu.memory_space<hbm>>
      %dma_start3A_572 = arith.constant 0 : i32
      %dma_start3A_573 = tpu.memref_slice %dma_start3A_571[%dma_start3A_553, %dma_start3A_572] : memref<2x128xi32, #tpu.memory_space<hbm>> -> memref<1x128xi32, #tpu.memory_space<hbm>>
      %dma_start3A_574 = tpu.memref_squeeze %dma_start3A_573 : memref<1x128xi32, #tpu.memory_space<hbm>> -> memref<128xi32, #tpu.memory_space<hbm>>
      tpu.enqueue_dma source(%dma_start3A_574 : memref<128xi32, #tpu.memory_space<hbm>>) target(%dma_start3A_567 : memref<128xi32, #tpu.memory_space<vmem>>) target_semaphore(%arg30 : memref<!tpu.dma_semaphore, #tpu.memory_space<semaphore_mem>>)
      %add3A_575 = arith.constant 1 : i32
      %add3A_576 = arith.addi %mul3A_502, %add3A_575 : i32
      %dma_start3A_577 = arith.constant 1 : i32
      %dma_start3A_578 = arith.constant 1 : i32
      %dma_start3A_579 = arith.constant 0 : i32
      %dma_start3A_580 = tpu.memref_slice %arg22[%dma_start3A_578, %dma_start3A_579] : memref<4x128xi32, #tpu.memory_space<vmem>> -> memref<1x128xi32, #tpu.memory_space<vmem>>
      %dma_start3A_581 = tpu.memref_squeeze %dma_start3A_580 : memref<1x128xi32, #tpu.memory_space<vmem>> -> memref<128xi32, #tpu.memory_space<vmem>>
      %dma_start3A_582 = arith.constant 0 : i32
      %dma_start3A_583 = arith.constant 0 : i32
      %dma_start3A_584 = tpu.memref_slice %arg5[%add3A_576, %dma_start3A_582, %dma_start3A_583] : memref<25000x2x128xi32, #tpu.memory_space<hbm>> -> memref<1x2x128xi32, #tpu.memory_space<hbm>>
      %dma_start3A_585 = tpu.memref_squeeze %dma_start3A_584 : memref<1x2x128xi32, #tpu.memory_space<hbm>> -> memref<2x128xi32, #tpu.memory_space<hbm>>
      %dma_start3A_586 = arith.constant 0 : i32
      %dma_start3A_587 = tpu.memref_slice %dma_start3A_585[%dma_start3A_577, %dma_start3A_586] : memref<2x128xi32, #tpu.memory_space<hbm>> -> memref<1x128xi32, #tpu.memory_space<hbm>>
      %dma_start3A_588 = tpu.memref_squeeze %dma_start3A_587 : memref<1x128xi32, #tpu.memory_space<hbm>> -> memref<128xi32, #tpu.memory_space<hbm>>
      %dma_start3A_589 = arith.constant 0 : i32
      %dma_start3A_590 = tpu.memref_slice %arg22[%dma_start3A_578, %dma_start3A_589] : memref<4x128xi32, #tpu.memory_space<vmem>> -> memref<1x128xi32, #tpu.memory_space<vmem>>
      %dma_start3A_591 = tpu.memref_squeeze %dma_start3A_590 : memref<1x128xi32, #tpu.memory_space<vmem>> -> memref<128xi32, #tpu.memory_space<vmem>>
      %dma_start3A_592 = arith.constant 0 : i32
      %dma_start3A_593 = arith.constant 0 : i32
      %dma_start3A_594 = tpu.memref_slice %arg5[%add3A_576, %dma_start3A_592, %dma_start3A_593] : memref<25000x2x128xi32, #tpu.memory_space<hbm>> -> memref<1x2x128xi32, #tpu.memory_space<hbm>>
      %dma_start3A_595 = tpu.memref_squeeze %dma_start3A_594 : memref<1x2x128xi32, #tpu.memory_space<hbm>> -> memref<2x128xi32, #tpu.memory_space<hbm>>
      %dma_start3A_596 = arith.constant 0 : i32
      %dma_start3A_597 = tpu.memref_slice %dma_start3A_595[%dma_start3A_577, %dma_start3A_596] : memref<2x128xi32, #tpu.memory_space<hbm>> -> memref<1x128xi32, #tpu.memory_space<hbm>>
      %dma_start3A_598 = tpu.memref_squeeze %dma_start3A_597 : memref<1x128xi32, #tpu.memory_space<hbm>> -> memref<128xi32, #tpu.memory_space<hbm>>
      tpu.enqueue_dma source(%dma_start3A_598 : memref<128xi32, #tpu.memory_space<hbm>>) target(%dma_start3A_591 : memref<128xi32, #tpu.memory_space<vmem>>) target_semaphore(%arg30 : memref<!tpu.dma_semaphore, #tpu.memory_space<semaphore_mem>>)
      %add3A_599 = arith.constant 2 : i32
      %add3A_600 = arith.addi %mul3A_502, %add3A_599 : i32
      %dma_start3A_601 = arith.constant 0 : i32
      %dma_start3A_602 = arith.constant 2 : i32
      %dma_start3A_603 = arith.constant 0 : i32
      %dma_start3A_604 = tpu.memref_slice %arg21[%dma_start3A_602, %dma_start3A_603] : memref<4x128xi32, #tpu.memory_space<vmem>> -> memref<1x128xi32, #tpu.memory_space<vmem>>
      %dma_start3A_605 = tpu.memref_squeeze %dma_start3A_604 : memref<1x128xi32, #tpu.memory_space<vmem>> -> memref<128xi32, #tpu.memory_space<vmem>>
      %dma_start3A_606 = arith.constant 0 : i32
      %dma_start3A_607 = arith.constant 0 : i32
      %dma_start3A_608 = tpu.memref_slice %arg5[%add3A_600, %dma_start3A_606, %dma_start3A_607] : memref<25000x2x128xi32, #tpu.memory_space<hbm>> -> memref<1x2x128xi32, #tpu.memory_space<hbm>>
      %dma_start3A_609 = tpu.memref_squeeze %dma_start3A_608 : memref<1x2x128xi32, #tpu.memory_space<hbm>> -> memref<2x128xi32, #tpu.memory_space<hbm>>
      %dma_start3A_610 = arith.constant 0 : i32
      %dma_start3A_611 = tpu.memref_slice %dma_start3A_609[%dma_start3A_601, %dma_start3A_610] : memref<2x128xi32, #tpu.memory_space<hbm>> -> memref<1x128xi32, #tpu.memory_space<hbm>>
      %dma_start3A_612 = tpu.memref_squeeze %dma_start3A_611 : memref<1x128xi32, #tpu.memory_space<hbm>> -> memref<128xi32, #tpu.memory_space<hbm>>
      %dma_start3A_613 = arith.constant 0 : i32
      %dma_start3A_614 = tpu.memref_slice %arg21[%dma_start3A_602, %dma_start3A_613] : memref<4x128xi32, #tpu.memory_space<vmem>> -> memref<1x128xi32, #tpu.memory_space<vmem>>
      %dma_start3A_615 = tpu.memref_squeeze %dma_start3A_614 : memref<1x128xi32, #tpu.memory_space<vmem>> -> memref<128xi32, #tpu.memory_space<vmem>>
      %dma_start3A_616 = arith.constant 0 : i32
      %dma_start3A_617 = arith.constant 0 : i32
      %dma_start3A_618 = tpu.memref_slice %arg5[%add3A_600, %dma_start3A_616, %dma_start3A_617] : memref<25000x2x128xi32, #tpu.memory_space<hbm>> -> memref<1x2x128xi32, #tpu.memory_space<hbm>>
      %dma_start3A_619 = tpu.memref_squeeze %dma_start3A_618 : memref<1x2x128xi32, #tpu.memory_space<hbm>> -> memref<2x128xi32, #tpu.memory_space<hbm>>
      %dma_start3A_620 = arith.constant 0 : i32
      %dma_start3A_621 = tpu.memref_slice %dma_start3A_619[%dma_start3A_601, %dma_start3A_620] : memref<2x128xi32, #tpu.memory_space<hbm>> -> memref<1x128xi32, #tpu.memory_space<hbm>>
      %dma_start3A_622 = tpu.memref_squeeze %dma_start3A_621 : memref<1x128xi32, #tpu.memory_space<hbm>> -> memref<128xi32, #tpu.memory_space<hbm>>
      tpu.enqueue_dma source(%dma_start3A_622 : memref<128xi32, #tpu.memory_space<hbm>>) target(%dma_start3A_615 : memref<128xi32, #tpu.memory_space<vmem>>) target_semaphore(%arg30 : memref<!tpu.dma_semaphore, #tpu.memory_space<semaphore_mem>>)
      %add3A_623 = arith.constant 2 : i32
      %add3A_624 = arith.addi %mul3A_502, %add3A_623 : i32
      %dma_start3A_625 = arith.constant 1 : i32
      %dma_start3A_626 = arith.constant 2 : i32
      %dma_start3A_627 = arith.constant 0 : i32
      %dma_start3A_628 = tpu.memref_slice %arg22[%dma_start3A_626, %dma_start3A_627] : memref<4x128xi32, #tpu.memory_space<vmem>> -> memref<1x128xi32, #tpu.memory_space<vmem>>
      %dma_start3A_629 = tpu.memref_squeeze %dma_start3A_628 : memref<1x128xi32, #tpu.memory_space<vmem>> -> memref<128xi32, #tpu.memory_space<vmem>>
      %dma_start3A_630 = arith.constant 0 : i32
      %dma_start3A_631 = arith.constant 0 : i32
      %dma_start3A_632 = tpu.memref_slice %arg5[%add3A_624, %dma_start3A_630, %dma_start3A_631] : memref<25000x2x128xi32, #tpu.memory_space<hbm>> -> memref<1x2x128xi32, #tpu.memory_space<hbm>>
      %dma_start3A_633 = tpu.memref_squeeze %dma_start3A_632 : memref<1x2x128xi32, #tpu.memory_space<hbm>> -> memref<2x128xi32, #tpu.memory_space<hbm>>
      %dma_start3A_634 = arith.constant 0 : i32
      %dma_start3A_635 = tpu.memref_slice %dma_start3A_633[%dma_start3A_625, %dma_start3A_634] : memref<2x128xi32, #tpu.memory_space<hbm>> -> memref<1x128xi32, #tpu.memory_space<hbm>>
      %dma_start3A_636 = tpu.memref_squeeze %dma_start3A_635 : memref<1x128xi32, #tpu.memory_space<hbm>> -> memref<128xi32, #tpu.memory_space<hbm>>
      %dma_start3A_637 = arith.constant 0 : i32
      %dma_start3A_638 = tpu.memref_slice %arg22[%dma_start3A_626, %dma_start3A_637] : memref<4x128xi32, #tpu.memory_space<vmem>> -> memref<1x128xi32, #tpu.memory_space<vmem>>
      %dma_start3A_639 = tpu.memref_squeeze %dma_start3A_638 : memref<1x128xi32, #tpu.memory_space<vmem>> -> memref<128xi32, #tpu.memory_space<vmem>>
      %dma_start3A_640 = arith.constant 0 : i32
      %dma_start3A_641 = arith.constant 0 : i32
      %dma_start3A_642 = tpu.memref_slice %arg5[%add3A_624, %dma_start3A_640, %dma_start3A_641] : memref<25000x2x128xi32, #tpu.memory_space<hbm>> -> memref<1x2x128xi32, #tpu.memory_space<hbm>>
      %dma_start3A_643 = tpu.memref_squeeze %dma_start3A_642 : memref<1x2x128xi32, #tpu.memory_space<hbm>> -> memref<2x128xi32, #tpu.memory_space<hbm>>
      %dma_start3A_644 = arith.constant 0 : i32
      %dma_start3A_645 = tpu.memref_slice %dma_start3A_643[%dma_start3A_625, %dma_start3A_644] : memref<2x128xi32, #tpu.memory_space<hbm>> -> memref<1x128xi32, #tpu.memory_space<hbm>>
      %dma_start3A_646 = tpu.memref_squeeze %dma_start3A_645 : memref<1x128xi32, #tpu.memory_space<hbm>> -> memref<128xi32, #tpu.memory_space<hbm>>
      tpu.enqueue_dma source(%dma_start3A_646 : memref<128xi32, #tpu.memory_space<hbm>>) target(%dma_start3A_639 : memref<128xi32, #tpu.memory_space<vmem>>) target_semaphore(%arg30 : memref<!tpu.dma_semaphore, #tpu.memory_space<semaphore_mem>>)
      %add3A_647 = arith.constant 3 : i32
      %add3A_648 = arith.addi %mul3A_502, %add3A_647 : i32
      %dma_start3A_649 = arith.constant 0 : i32
      %dma_start3A_650 = arith.constant 3 : i32
      %dma_start3A_651 = arith.constant 0 : i32
      %dma_start3A_652 = tpu.memref_slice %arg21[%dma_start3A_650, %dma_start3A_651] : memref<4x128xi32, #tpu.memory_space<vmem>> -> memref<1x128xi32, #tpu.memory_space<vmem>>
      %dma_start3A_653 = tpu.memref_squeeze %dma_start3A_652 : memref<1x128xi32, #tpu.memory_space<vmem>> -> memref<128xi32, #tpu.memory_space<vmem>>
      %dma_start3A_654 = arith.constant 0 : i32
      %dma_start3A_655 = arith.constant 0 : i32
      %dma_start3A_656 = tpu.memref_slice %arg5[%add3A_648, %dma_start3A_654, %dma_start3A_655] : memref<25000x2x128xi32, #tpu.memory_space<hbm>> -> memref<1x2x128xi32, #tpu.memory_space<hbm>>
      %dma_start3A_657 = tpu.memref_squeeze %dma_start3A_656 : memref<1x2x128xi32, #tpu.memory_space<hbm>> -> memref<2x128xi32, #tpu.memory_space<hbm>>
      %dma_start3A_658 = arith.constant 0 : i32
      %dma_start3A_659 = tpu.memref_slice %dma_start3A_657[%dma_start3A_649, %dma_start3A_658] : memref<2x128xi32, #tpu.memory_space<hbm>> -> memref<1x128xi32, #tpu.memory_space<hbm>>
      %dma_start3A_660 = tpu.memref_squeeze %dma_start3A_659 : memref<1x128xi32, #tpu.memory_space<hbm>> -> memref<128xi32, #tpu.memory_space<hbm>>
      %dma_start3A_661 = arith.constant 0 : i32
      %dma_start3A_662 = tpu.memref_slice %arg21[%dma_start3A_650, %dma_start3A_661] : memref<4x128xi32, #tpu.memory_space<vmem>> -> memref<1x128xi32, #tpu.memory_space<vmem>>
      %dma_start3A_663 = tpu.memref_squeeze %dma_start3A_662 : memref<1x128xi32, #tpu.memory_space<vmem>> -> memref<128xi32, #tpu.memory_space<vmem>>
      %dma_start3A_664 = arith.constant 0 : i32
      %dma_start3A_665 = arith.constant 0 : i32
      %dma_start3A_666 = tpu.memref_slice %arg5[%add3A_648, %dma_start3A_664, %dma_start3A_665] : memref<25000x2x128xi32, #tpu.memory_space<hbm>> -> memref<1x2x128xi32, #tpu.memory_space<hbm>>
      %dma_start3A_667 = tpu.memref_squeeze %dma_start3A_666 : memref<1x2x128xi32, #tpu.memory_space<hbm>> -> memref<2x128xi32, #tpu.memory_space<hbm>>
      %dma_start3A_668 = arith.constant 0 : i32
      %dma_start3A_669 = tpu.memref_slice %dma_start3A_667[%dma_start3A_649, %dma_start3A_668] : memref<2x128xi32, #tpu.memory_space<hbm>> -> memref<1x128xi32, #tpu.memory_space<hbm>>
      %dma_start3A_670 = tpu.memref_squeeze %dma_start3A_669 : memref<1x128xi32, #tpu.memory_space<hbm>> -> memref<128xi32, #tpu.memory_space<hbm>>
      tpu.enqueue_dma source(%dma_start3A_670 : memref<128xi32, #tpu.memory_space<hbm>>) target(%dma_start3A_663 : memref<128xi32, #tpu.memory_space<vmem>>) target_semaphore(%arg30 : memref<!tpu.dma_semaphore, #tpu.memory_space<semaphore_mem>>)
      %add3A_671 = arith.constant 3 : i32
      %add3A_672 = arith.addi %mul3A_502, %add3A_671 : i32
      %dma_start3A_673 = arith.constant 1 : i32
      %dma_start3A_674 = arith.constant 3 : i32
      %dma_start3A_675 = arith.constant 0 : i32
      %dma_start3A_676 = tpu.memref_slice %arg22[%dma_start3A_674, %dma_start3A_675] : memref<4x128xi32, #tpu.memory_space<vmem>> -> memref<1x128xi32, #tpu.memory_space<vmem>>
      %dma_start3A_677 = tpu.memref_squeeze %dma_start3A_676 : memref<1x128xi32, #tpu.memory_space<vmem>> -> memref<128xi32, #tpu.memory_space<vmem>>
      %dma_start3A_678 = arith.constant 0 : i32
      %dma_start3A_679 = arith.constant 0 : i32
      %dma_start3A_680 = tpu.memref_slice %arg5[%add3A_672, %dma_start3A_678, %dma_start3A_679] : memref<25000x2x128xi32, #tpu.memory_space<hbm>> -> memref<1x2x128xi32, #tpu.memory_space<hbm>>
      %dma_start3A_681 = tpu.memref_squeeze %dma_start3A_680 : memref<1x2x128xi32, #tpu.memory_space<hbm>> -> memref<2x128xi32, #tpu.memory_space<hbm>>
      %dma_start3A_682 = arith.constant 0 : i32
      %dma_start3A_683 = tpu.memref_slice %dma_start3A_681[%dma_start3A_673, %dma_start3A_682] : memref<2x128xi32, #tpu.memory_space<hbm>> -> memref<1x128xi32, #tpu.memory_space<hbm>>
      %dma_start3A_684 = tpu.memref_squeeze %dma_start3A_683 : memref<1x128xi32, #tpu.memory_space<hbm>> -> memref<128xi32, #tpu.memory_space<hbm>>
      %dma_start3A_685 = arith.constant 0 : i32
      %dma_start3A_686 = tpu.memref_slice %arg22[%dma_start3A_674, %dma_start3A_685] : memref<4x128xi32, #tpu.memory_space<vmem>> -> memref<1x128xi32, #tpu.memory_space<vmem>>
      %dma_start3A_687 = tpu.memref_squeeze %dma_start3A_686 : memref<1x128xi32, #tpu.memory_space<vmem>> -> memref<128xi32, #tpu.memory_space<vmem>>
      %dma_start3A_688 = arith.constant 0 : i32
      %dma_start3A_689 = arith.constant 0 : i32
      %dma_start3A_690 = tpu.memref_slice %arg5[%add3A_672, %dma_start3A_688, %dma_start3A_689] : memref<25000x2x128xi32, #tpu.memory_space<hbm>> -> memref<1x2x128xi32, #tpu.memory_space<hbm>>
      %dma_start3A_691 = tpu.memref_squeeze %dma_start3A_690 : memref<1x2x128xi32, #tpu.memory_space<hbm>> -> memref<2x128xi32, #tpu.memory_space<hbm>>
      %dma_start3A_692 = arith.constant 0 : i32
      %dma_start3A_693 = tpu.memref_slice %dma_start3A_691[%dma_start3A_673, %dma_start3A_692] : memref<2x128xi32, #tpu.memory_space<hbm>> -> memref<1x128xi32, #tpu.memory_space<hbm>>
      %dma_start3A_694 = tpu.memref_squeeze %dma_start3A_693 : memref<1x128xi32, #tpu.memory_space<hbm>> -> memref<128xi32, #tpu.memory_space<hbm>>
      tpu.enqueue_dma source(%dma_start3A_694 : memref<128xi32, #tpu.memory_space<hbm>>) target(%dma_start3A_687 : memref<128xi32, #tpu.memory_space<vmem>>) target_semaphore(%arg30 : memref<!tpu.dma_semaphore, #tpu.memory_space<semaphore_mem>>)
      %dma_wait3A_695 = tpu.memref_slice %arg2[%mul3A_286] : memref<3200000xf32, #tpu.memory_space<hbm>> -> memref<512xf32, #tpu.memory_space<hbm>>
      %dma_wait3A_696 = tpu.memref_slice %arg2[%mul3A_286] : memref<3200000xf32, #tpu.memory_space<hbm>> -> memref<512xf32, #tpu.memory_space<hbm>>
      tpu.wait_dma2 semaphore(%arg29 : memref<!tpu.dma_semaphore, #tpu.memory_space<semaphore_mem>>) src(%dma_wait3A_696 : memref<512xf32, #tpu.memory_space<hbm>>) dst(%arg10 : memref<512xf32, #tpu.memory_space<vmem>>)
      %dma_wait3A_697 = tpu.memref_slice %arg3[%mul3A_286] : memref<3200000xf32, #tpu.memory_space<hbm>> -> memref<512xf32, #tpu.memory_space<hbm>>
      %dma_wait3A_698 = tpu.memref_slice %arg3[%mul3A_286] : memref<3200000xf32, #tpu.memory_space<hbm>> -> memref<512xf32, #tpu.memory_space<hbm>>
      tpu.wait_dma2 semaphore(%arg29 : memref<!tpu.dma_semaphore, #tpu.memory_space<semaphore_mem>>) src(%dma_wait3A_698 : memref<512xf32, #tpu.memory_space<hbm>>) dst(%arg11 : memref<512xf32, #tpu.memory_space<vmem>>)
      %dma_wait3A_699 = tpu.memref_slice %arg4[%mul3A_286] : memref<3200000xf32, #tpu.memory_space<hbm>> -> memref<512xf32, #tpu.memory_space<hbm>>
      %dma_wait3A_700 = tpu.memref_slice %arg4[%mul3A_286] : memref<3200000xf32, #tpu.memory_space<hbm>> -> memref<512xf32, #tpu.memory_space<hbm>>
      tpu.wait_dma2 semaphore(%arg29 : memref<!tpu.dma_semaphore, #tpu.memory_space<semaphore_mem>>) src(%dma_wait3A_700 : memref<512xf32, #tpu.memory_space<hbm>>) dst(%arg12 : memref<512xf32, #tpu.memory_space<vmem>>)
      %dma_wait3A_701 = arith.constant 0 : i32
      %dma_wait3A_702 = arith.constant 0 : i32
      %dma_wait3A_703 = arith.constant 0 : i32
      %dma_wait3A_704 = tpu.memref_slice %arg13[%dma_wait3A_702, %dma_wait3A_703] : memref<4x128xi32, #tpu.memory_space<vmem>> -> memref<1x128xi32, #tpu.memory_space<vmem>>
      %dma_wait3A_705 = tpu.memref_squeeze %dma_wait3A_704 : memref<1x128xi32, #tpu.memory_space<vmem>> -> memref<128xi32, #tpu.memory_space<vmem>>
      %dma_wait3A_706 = arith.constant 0 : i32
      %dma_wait3A_707 = arith.constant 0 : i32
      %dma_wait3A_708 = tpu.memref_slice %arg5[%add3A_295, %dma_wait3A_706, %dma_wait3A_707] : memref<25000x2x128xi32, #tpu.memory_space<hbm>> -> memref<1x2x128xi32, #tpu.memory_space<hbm>>
      %dma_wait3A_709 = tpu.memref_squeeze %dma_wait3A_708 : memref<1x2x128xi32, #tpu.memory_space<hbm>> -> memref<2x128xi32, #tpu.memory_space<hbm>>
      %dma_wait3A_710 = arith.constant 0 : i32
      %dma_wait3A_711 = tpu.memref_slice %dma_wait3A_709[%dma_wait3A_701, %dma_wait3A_710] : memref<2x128xi32, #tpu.memory_space<hbm>> -> memref<1x128xi32, #tpu.memory_space<hbm>>
      %dma_wait3A_712 = tpu.memref_squeeze %dma_wait3A_711 : memref<1x128xi32, #tpu.memory_space<hbm>> -> memref<128xi32, #tpu.memory_space<hbm>>
      %dma_wait3A_713 = arith.constant 0 : i32
      %dma_wait3A_714 = tpu.memref_slice %arg13[%dma_wait3A_702, %dma_wait3A_713] : memref<4x128xi32, #tpu.memory_space<vmem>> -> memref<1x128xi32, #tpu.memory_space<vmem>>
      %dma_wait3A_715 = tpu.memref_squeeze %dma_wait3A_714 : memref<1x128xi32, #tpu.memory_space<vmem>> -> memref<128xi32, #tpu.memory_space<vmem>>
      %dma_wait3A_716 = arith.constant 0 : i32
      %dma_wait3A_717 = arith.constant 0 : i32
      %dma_wait3A_718 = tpu.memref_slice %arg5[%add3A_295, %dma_wait3A_716, %dma_wait3A_717] : memref<25000x2x128xi32, #tpu.memory_space<hbm>> -> memref<1x2x128xi32, #tpu.memory_space<hbm>>
      %dma_wait3A_719 = tpu.memref_squeeze %dma_wait3A_718 : memref<1x2x128xi32, #tpu.memory_space<hbm>> -> memref<2x128xi32, #tpu.memory_space<hbm>>
      %dma_wait3A_720 = arith.constant 0 : i32
      %dma_wait3A_721 = tpu.memref_slice %dma_wait3A_719[%dma_wait3A_701, %dma_wait3A_720] : memref<2x128xi32, #tpu.memory_space<hbm>> -> memref<1x128xi32, #tpu.memory_space<hbm>>
      %dma_wait3A_722 = tpu.memref_squeeze %dma_wait3A_721 : memref<1x128xi32, #tpu.memory_space<hbm>> -> memref<128xi32, #tpu.memory_space<hbm>>
      tpu.wait_dma2 semaphore(%arg29 : memref<!tpu.dma_semaphore, #tpu.memory_space<semaphore_mem>>) src(%dma_wait3A_722 : memref<128xi32, #tpu.memory_space<hbm>>) dst(%dma_wait3A_715 : memref<128xi32, #tpu.memory_space<vmem>>)
      %dma_wait3A_723 = arith.constant 1 : i32
      %dma_wait3A_724 = arith.constant 0 : i32
      %dma_wait3A_725 = arith.constant 0 : i32
      %dma_wait3A_726 = tpu.memref_slice %arg14[%dma_wait3A_724, %dma_wait3A_725] : memref<4x128xi32, #tpu.memory_space<vmem>> -> memref<1x128xi32, #tpu.memory_space<vmem>>
      %dma_wait3A_727 = tpu.memref_squeeze %dma_wait3A_726 : memref<1x128xi32, #tpu.memory_space<vmem>> -> memref<128xi32, #tpu.memory_space<vmem>>
      %dma_wait3A_728 = arith.constant 0 : i32
      %dma_wait3A_729 = arith.constant 0 : i32
      %dma_wait3A_730 = tpu.memref_slice %arg5[%add3A_319, %dma_wait3A_728, %dma_wait3A_729] : memref<25000x2x128xi32, #tpu.memory_space<hbm>> -> memref<1x2x128xi32, #tpu.memory_space<hbm>>
      %dma_wait3A_731 = tpu.memref_squeeze %dma_wait3A_730 : memref<1x2x128xi32, #tpu.memory_space<hbm>> -> memref<2x128xi32, #tpu.memory_space<hbm>>
      %dma_wait3A_732 = arith.constant 0 : i32
      %dma_wait3A_733 = tpu.memref_slice %dma_wait3A_731[%dma_wait3A_723, %dma_wait3A_732] : memref<2x128xi32, #tpu.memory_space<hbm>> -> memref<1x128xi32, #tpu.memory_space<hbm>>
      %dma_wait3A_734 = tpu.memref_squeeze %dma_wait3A_733 : memref<1x128xi32, #tpu.memory_space<hbm>> -> memref<128xi32, #tpu.memory_space<hbm>>
      %dma_wait3A_735 = arith.constant 0 : i32
      %dma_wait3A_736 = tpu.memref_slice %arg14[%dma_wait3A_724, %dma_wait3A_735] : memref<4x128xi32, #tpu.memory_space<vmem>> -> memref<1x128xi32, #tpu.memory_space<vmem>>
      %dma_wait3A_737 = tpu.memref_squeeze %dma_wait3A_736 : memref<1x128xi32, #tpu.memory_space<vmem>> -> memref<128xi32, #tpu.memory_space<vmem>>
      %dma_wait3A_738 = arith.constant 0 : i32
      %dma_wait3A_739 = arith.constant 0 : i32
      %dma_wait3A_740 = tpu.memref_slice %arg5[%add3A_319, %dma_wait3A_738, %dma_wait3A_739] : memref<25000x2x128xi32, #tpu.memory_space<hbm>> -> memref<1x2x128xi32, #tpu.memory_space<hbm>>
      %dma_wait3A_741 = tpu.memref_squeeze %dma_wait3A_740 : memref<1x2x128xi32, #tpu.memory_space<hbm>> -> memref<2x128xi32, #tpu.memory_space<hbm>>
      %dma_wait3A_742 = arith.constant 0 : i32
      %dma_wait3A_743 = tpu.memref_slice %dma_wait3A_741[%dma_wait3A_723, %dma_wait3A_742] : memref<2x128xi32, #tpu.memory_space<hbm>> -> memref<1x128xi32, #tpu.memory_space<hbm>>
      %dma_wait3A_744 = tpu.memref_squeeze %dma_wait3A_743 : memref<1x128xi32, #tpu.memory_space<hbm>> -> memref<128xi32, #tpu.memory_space<hbm>>
      tpu.wait_dma2 semaphore(%arg29 : memref<!tpu.dma_semaphore, #tpu.memory_space<semaphore_mem>>) src(%dma_wait3A_744 : memref<128xi32, #tpu.memory_space<hbm>>) dst(%dma_wait3A_737 : memref<128xi32, #tpu.memory_space<vmem>>)
      %dma_wait3A_745 = arith.constant 0 : i32
      %dma_wait3A_746 = arith.constant 1 : i32
      %dma_wait3A_747 = arith.constant 0 : i32
      %dma_wait3A_748 = tpu.memref_slice %arg13[%dma_wait3A_746, %dma_wait3A_747] : memref<4x128xi32, #tpu.memory_space<vmem>> -> memref<1x128xi32, #tpu.memory_space<vmem>>
      %dma_wait3A_749 = tpu.memref_squeeze %dma_wait3A_748 : memref<1x128xi32, #tpu.memory_space<vmem>> -> memref<128xi32, #tpu.memory_space<vmem>>
      %dma_wait3A_750 = arith.constant 0 : i32
      %dma_wait3A_751 = arith.constant 0 : i32
      %dma_wait3A_752 = tpu.memref_slice %arg5[%add3A_343, %dma_wait3A_750, %dma_wait3A_751] : memref<25000x2x128xi32, #tpu.memory_space<hbm>> -> memref<1x2x128xi32, #tpu.memory_space<hbm>>
      %dma_wait3A_753 = tpu.memref_squeeze %dma_wait3A_752 : memref<1x2x128xi32, #tpu.memory_space<hbm>> -> memref<2x128xi32, #tpu.memory_space<hbm>>
      %dma_wait3A_754 = arith.constant 0 : i32
      %dma_wait3A_755 = tpu.memref_slice %dma_wait3A_753[%dma_wait3A_745, %dma_wait3A_754] : memref<2x128xi32, #tpu.memory_space<hbm>> -> memref<1x128xi32, #tpu.memory_space<hbm>>
      %dma_wait3A_756 = tpu.memref_squeeze %dma_wait3A_755 : memref<1x128xi32, #tpu.memory_space<hbm>> -> memref<128xi32, #tpu.memory_space<hbm>>
      %dma_wait3A_757 = arith.constant 0 : i32
      %dma_wait3A_758 = tpu.memref_slice %arg13[%dma_wait3A_746, %dma_wait3A_757] : memref<4x128xi32, #tpu.memory_space<vmem>> -> memref<1x128xi32, #tpu.memory_space<vmem>>
      %dma_wait3A_759 = tpu.memref_squeeze %dma_wait3A_758 : memref<1x128xi32, #tpu.memory_space<vmem>> -> memref<128xi32, #tpu.memory_space<vmem>>
      %dma_wait3A_760 = arith.constant 0 : i32
      %dma_wait3A_761 = arith.constant 0 : i32
      %dma_wait3A_762 = tpu.memref_slice %arg5[%add3A_343, %dma_wait3A_760, %dma_wait3A_761] : memref<25000x2x128xi32, #tpu.memory_space<hbm>> -> memref<1x2x128xi32, #tpu.memory_space<hbm>>
      %dma_wait3A_763 = tpu.memref_squeeze %dma_wait3A_762 : memref<1x2x128xi32, #tpu.memory_space<hbm>> -> memref<2x128xi32, #tpu.memory_space<hbm>>
      %dma_wait3A_764 = arith.constant 0 : i32
      %dma_wait3A_765 = tpu.memref_slice %dma_wait3A_763[%dma_wait3A_745, %dma_wait3A_764] : memref<2x128xi32, #tpu.memory_space<hbm>> -> memref<1x128xi32, #tpu.memory_space<hbm>>
      %dma_wait3A_766 = tpu.memref_squeeze %dma_wait3A_765 : memref<1x128xi32, #tpu.memory_space<hbm>> -> memref<128xi32, #tpu.memory_space<hbm>>
      tpu.wait_dma2 semaphore(%arg29 : memref<!tpu.dma_semaphore, #tpu.memory_space<semaphore_mem>>) src(%dma_wait3A_766 : memref<128xi32, #tpu.memory_space<hbm>>) dst(%dma_wait3A_759 : memref<128xi32, #tpu.memory_space<vmem>>)
      %dma_wait3A_767 = arith.constant 1 : i32
      %dma_wait3A_768 = arith.constant 1 : i32
      %dma_wait3A_769 = arith.constant 0 : i32
      %dma_wait3A_770 = tpu.memref_slice %arg14[%dma_wait3A_768, %dma_wait3A_769] : memref<4x128xi32, #tpu.memory_space<vmem>> -> memref<1x128xi32, #tpu.memory_space<vmem>>
      %dma_wait3A_771 = tpu.memref_squeeze %dma_wait3A_770 : memref<1x128xi32, #tpu.memory_space<vmem>> -> memref<128xi32, #tpu.memory_space<vmem>>
      %dma_wait3A_772 = arith.constant 0 : i32
      %dma_wait3A_773 = arith.constant 0 : i32
      %dma_wait3A_774 = tpu.memref_slice %arg5[%add3A_367, %dma_wait3A_772, %dma_wait3A_773] : memref<25000x2x128xi32, #tpu.memory_space<hbm>> -> memref<1x2x128xi32, #tpu.memory_space<hbm>>
      %dma_wait3A_775 = tpu.memref_squeeze %dma_wait3A_774 : memref<1x2x128xi32, #tpu.memory_space<hbm>> -> memref<2x128xi32, #tpu.memory_space<hbm>>
      %dma_wait3A_776 = arith.constant 0 : i32
      %dma_wait3A_777 = tpu.memref_slice %dma_wait3A_775[%dma_wait3A_767, %dma_wait3A_776] : memref<2x128xi32, #tpu.memory_space<hbm>> -> memref<1x128xi32, #tpu.memory_space<hbm>>
      %dma_wait3A_778 = tpu.memref_squeeze %dma_wait3A_777 : memref<1x128xi32, #tpu.memory_space<hbm>> -> memref<128xi32, #tpu.memory_space<hbm>>
      %dma_wait3A_779 = arith.constant 0 : i32
      %dma_wait3A_780 = tpu.memref_slice %arg14[%dma_wait3A_768, %dma_wait3A_779] : memref<4x128xi32, #tpu.memory_space<vmem>> -> memref<1x128xi32, #tpu.memory_space<vmem>>
      %dma_wait3A_781 = tpu.memref_squeeze %dma_wait3A_780 : memref<1x128xi32, #tpu.memory_space<vmem>> -> memref<128xi32, #tpu.memory_space<vmem>>
      %dma_wait3A_782 = arith.constant 0 : i32
      %dma_wait3A_783 = arith.constant 0 : i32
      %dma_wait3A_784 = tpu.memref_slice %arg5[%add3A_367, %dma_wait3A_782, %dma_wait3A_783] : memref<25000x2x128xi32, #tpu.memory_space<hbm>> -> memref<1x2x128xi32, #tpu.memory_space<hbm>>
      %dma_wait3A_785 = tpu.memref_squeeze %dma_wait3A_784 : memref<1x2x128xi32, #tpu.memory_space<hbm>> -> memref<2x128xi32, #tpu.memory_space<hbm>>
      %dma_wait3A_786 = arith.constant 0 : i32
      %dma_wait3A_787 = tpu.memref_slice %dma_wait3A_785[%dma_wait3A_767, %dma_wait3A_786] : memref<2x128xi32, #tpu.memory_space<hbm>> -> memref<1x128xi32, #tpu.memory_space<hbm>>
      %dma_wait3A_788 = tpu.memref_squeeze %dma_wait3A_787 : memref<1x128xi32, #tpu.memory_space<hbm>> -> memref<128xi32, #tpu.memory_space<hbm>>
      tpu.wait_dma2 semaphore(%arg29 : memref<!tpu.dma_semaphore, #tpu.memory_space<semaphore_mem>>) src(%dma_wait3A_788 : memref<128xi32, #tpu.memory_space<hbm>>) dst(%dma_wait3A_781 : memref<128xi32, #tpu.memory_space<vmem>>)
      %dma_wait3A_789 = arith.constant 0 : i32
      %dma_wait3A_790 = arith.constant 2 : i32
      %dma_wait3A_791 = arith.constant 0 : i32
      %dma_wait3A_792 = tpu.memref_slice %arg13[%dma_wait3A_790, %dma_wait3A_791] : memref<4x128xi32, #tpu.memory_space<vmem>> -> memref<1x128xi32, #tpu.memory_space<vmem>>
      %dma_wait3A_793 = tpu.memref_squeeze %dma_wait3A_792 : memref<1x128xi32, #tpu.memory_space<vmem>> -> memref<128xi32, #tpu.memory_space<vmem>>
      %dma_wait3A_794 = arith.constant 0 : i32
      %dma_wait3A_795 = arith.constant 0 : i32
      %dma_wait3A_796 = tpu.memref_slice %arg5[%add3A_391, %dma_wait3A_794, %dma_wait3A_795] : memref<25000x2x128xi32, #tpu.memory_space<hbm>> -> memref<1x2x128xi32, #tpu.memory_space<hbm>>
      %dma_wait3A_797 = tpu.memref_squeeze %dma_wait3A_796 : memref<1x2x128xi32, #tpu.memory_space<hbm>> -> memref<2x128xi32, #tpu.memory_space<hbm>>
      %dma_wait3A_798 = arith.constant 0 : i32
      %dma_wait3A_799 = tpu.memref_slice %dma_wait3A_797[%dma_wait3A_789, %dma_wait3A_798] : memref<2x128xi32, #tpu.memory_space<hbm>> -> memref<1x128xi32, #tpu.memory_space<hbm>>
      %dma_wait3A_800 = tpu.memref_squeeze %dma_wait3A_799 : memref<1x128xi32, #tpu.memory_space<hbm>> -> memref<128xi32, #tpu.memory_space<hbm>>
      %dma_wait3A_801 = arith.constant 0 : i32
      %dma_wait3A_802 = tpu.memref_slice %arg13[%dma_wait3A_790, %dma_wait3A_801] : memref<4x128xi32, #tpu.memory_space<vmem>> -> memref<1x128xi32, #tpu.memory_space<vmem>>
      %dma_wait3A_803 = tpu.memref_squeeze %dma_wait3A_802 : memref<1x128xi32, #tpu.memory_space<vmem>> -> memref<128xi32, #tpu.memory_space<vmem>>
      %dma_wait3A_804 = arith.constant 0 : i32
      %dma_wait3A_805 = arith.constant 0 : i32
      %dma_wait3A_806 = tpu.memref_slice %arg5[%add3A_391, %dma_wait3A_804, %dma_wait3A_805] : memref<25000x2x128xi32, #tpu.memory_space<hbm>> -> memref<1x2x128xi32, #tpu.memory_space<hbm>>
      %dma_wait3A_807 = tpu.memref_squeeze %dma_wait3A_806 : memref<1x2x128xi32, #tpu.memory_space<hbm>> -> memref<2x128xi32, #tpu.memory_space<hbm>>
      %dma_wait3A_808 = arith.constant 0 : i32
      %dma_wait3A_809 = tpu.memref_slice %dma_wait3A_807[%dma_wait3A_789, %dma_wait3A_808] : memref<2x128xi32, #tpu.memory_space<hbm>> -> memref<1x128xi32, #tpu.memory_space<hbm>>
      %dma_wait3A_810 = tpu.memref_squeeze %dma_wait3A_809 : memref<1x128xi32, #tpu.memory_space<hbm>> -> memref<128xi32, #tpu.memory_space<hbm>>
      tpu.wait_dma2 semaphore(%arg29 : memref<!tpu.dma_semaphore, #tpu.memory_space<semaphore_mem>>) src(%dma_wait3A_810 : memref<128xi32, #tpu.memory_space<hbm>>) dst(%dma_wait3A_803 : memref<128xi32, #tpu.memory_space<vmem>>)
      %dma_wait3A_811 = arith.constant 1 : i32
      %dma_wait3A_812 = arith.constant 2 : i32
      %dma_wait3A_813 = arith.constant 0 : i32
      %dma_wait3A_814 = tpu.memref_slice %arg14[%dma_wait3A_812, %dma_wait3A_813] : memref<4x128xi32, #tpu.memory_space<vmem>> -> memref<1x128xi32, #tpu.memory_space<vmem>>
      %dma_wait3A_815 = tpu.memref_squeeze %dma_wait3A_814 : memref<1x128xi32, #tpu.memory_space<vmem>> -> memref<128xi32, #tpu.memory_space<vmem>>
      %dma_wait3A_816 = arith.constant 0 : i32
      %dma_wait3A_817 = arith.constant 0 : i32
      %dma_wait3A_818 = tpu.memref_slice %arg5[%add3A_415, %dma_wait3A_816, %dma_wait3A_817] : memref<25000x2x128xi32, #tpu.memory_space<hbm>> -> memref<1x2x128xi32, #tpu.memory_space<hbm>>
      %dma_wait3A_819 = tpu.memref_squeeze %dma_wait3A_818 : memref<1x2x128xi32, #tpu.memory_space<hbm>> -> memref<2x128xi32, #tpu.memory_space<hbm>>
      %dma_wait3A_820 = arith.constant 0 : i32
      %dma_wait3A_821 = tpu.memref_slice %dma_wait3A_819[%dma_wait3A_811, %dma_wait3A_820] : memref<2x128xi32, #tpu.memory_space<hbm>> -> memref<1x128xi32, #tpu.memory_space<hbm>>
      %dma_wait3A_822 = tpu.memref_squeeze %dma_wait3A_821 : memref<1x128xi32, #tpu.memory_space<hbm>> -> memref<128xi32, #tpu.memory_space<hbm>>
      %dma_wait3A_823 = arith.constant 0 : i32
      %dma_wait3A_824 = tpu.memref_slice %arg14[%dma_wait3A_812, %dma_wait3A_823] : memref<4x128xi32, #tpu.memory_space<vmem>> -> memref<1x128xi32, #tpu.memory_space<vmem>>
      %dma_wait3A_825 = tpu.memref_squeeze %dma_wait3A_824 : memref<1x128xi32, #tpu.memory_space<vmem>> -> memref<128xi32, #tpu.memory_space<vmem>>
      %dma_wait3A_826 = arith.constant 0 : i32
      %dma_wait3A_827 = arith.constant 0 : i32
      %dma_wait3A_828 = tpu.memref_slice %arg5[%add3A_415, %dma_wait3A_826, %dma_wait3A_827] : memref<25000x2x128xi32, #tpu.memory_space<hbm>> -> memref<1x2x128xi32, #tpu.memory_space<hbm>>
      %dma_wait3A_829 = tpu.memref_squeeze %dma_wait3A_828 : memref<1x2x128xi32, #tpu.memory_space<hbm>> -> memref<2x128xi32, #tpu.memory_space<hbm>>
      %dma_wait3A_830 = arith.constant 0 : i32
      %dma_wait3A_831 = tpu.memref_slice %dma_wait3A_829[%dma_wait3A_811, %dma_wait3A_830] : memref<2x128xi32, #tpu.memory_space<hbm>> -> memref<1x128xi32, #tpu.memory_space<hbm>>
      %dma_wait3A_832 = tpu.memref_squeeze %dma_wait3A_831 : memref<1x128xi32, #tpu.memory_space<hbm>> -> memref<128xi32, #tpu.memory_space<hbm>>
      tpu.wait_dma2 semaphore(%arg29 : memref<!tpu.dma_semaphore, #tpu.memory_space<semaphore_mem>>) src(%dma_wait3A_832 : memref<128xi32, #tpu.memory_space<hbm>>) dst(%dma_wait3A_825 : memref<128xi32, #tpu.memory_space<vmem>>)
      %dma_wait3A_833 = arith.constant 0 : i32
      %dma_wait3A_834 = arith.constant 3 : i32
      %dma_wait3A_835 = arith.constant 0 : i32
      %dma_wait3A_836 = tpu.memref_slice %arg13[%dma_wait3A_834, %dma_wait3A_835] : memref<4x128xi32, #tpu.memory_space<vmem>> -> memref<1x128xi32, #tpu.memory_space<vmem>>
      %dma_wait3A_837 = tpu.memref_squeeze %dma_wait3A_836 : memref<1x128xi32, #tpu.memory_space<vmem>> -> memref<128xi32, #tpu.memory_space<vmem>>
      %dma_wait3A_838 = arith.constant 0 : i32
      %dma_wait3A_839 = arith.constant 0 : i32
      %dma_wait3A_840 = tpu.memref_slice %arg5[%add3A_439, %dma_wait3A_838, %dma_wait3A_839] : memref<25000x2x128xi32, #tpu.memory_space<hbm>> -> memref<1x2x128xi32, #tpu.memory_space<hbm>>
      %dma_wait3A_841 = tpu.memref_squeeze %dma_wait3A_840 : memref<1x2x128xi32, #tpu.memory_space<hbm>> -> memref<2x128xi32, #tpu.memory_space<hbm>>
      %dma_wait3A_842 = arith.constant 0 : i32
      %dma_wait3A_843 = tpu.memref_slice %dma_wait3A_841[%dma_wait3A_833, %dma_wait3A_842] : memref<2x128xi32, #tpu.memory_space<hbm>> -> memref<1x128xi32, #tpu.memory_space<hbm>>
      %dma_wait3A_844 = tpu.memref_squeeze %dma_wait3A_843 : memref<1x128xi32, #tpu.memory_space<hbm>> -> memref<128xi32, #tpu.memory_space<hbm>>
      %dma_wait3A_845 = arith.constant 0 : i32
      %dma_wait3A_846 = tpu.memref_slice %arg13[%dma_wait3A_834, %dma_wait3A_845] : memref<4x128xi32, #tpu.memory_space<vmem>> -> memref<1x128xi32, #tpu.memory_space<vmem>>
      %dma_wait3A_847 = tpu.memref_squeeze %dma_wait3A_846 : memref<1x128xi32, #tpu.memory_space<vmem>> -> memref<128xi32, #tpu.memory_space<vmem>>
      %dma_wait3A_848 = arith.constant 0 : i32
      %dma_wait3A_849 = arith.constant 0 : i32
      %dma_wait3A_850 = tpu.memref_slice %arg5[%add3A_439, %dma_wait3A_848, %dma_wait3A_849] : memref<25000x2x128xi32, #tpu.memory_space<hbm>> -> memref<1x2x128xi32, #tpu.memory_space<hbm>>
      %dma_wait3A_851 = tpu.memref_squeeze %dma_wait3A_850 : memref<1x2x128xi32, #tpu.memory_space<hbm>> -> memref<2x128xi32, #tpu.memory_space<hbm>>
      %dma_wait3A_852 = arith.constant 0 : i32
      %dma_wait3A_853 = tpu.memref_slice %dma_wait3A_851[%dma_wait3A_833, %dma_wait3A_852] : memref<2x128xi32, #tpu.memory_space<hbm>> -> memref<1x128xi32, #tpu.memory_space<hbm>>
      %dma_wait3A_854 = tpu.memref_squeeze %dma_wait3A_853 : memref<1x128xi32, #tpu.memory_space<hbm>> -> memref<128xi32, #tpu.memory_space<hbm>>
      tpu.wait_dma2 semaphore(%arg29 : memref<!tpu.dma_semaphore, #tpu.memory_space<semaphore_mem>>) src(%dma_wait3A_854 : memref<128xi32, #tpu.memory_space<hbm>>) dst(%dma_wait3A_847 : memref<128xi32, #tpu.memory_space<vmem>>)
      %dma_wait3A_855 = arith.constant 1 : i32
      %dma_wait3A_856 = arith.constant 3 : i32
      %dma_wait3A_857 = arith.constant 0 : i32
      %dma_wait3A_858 = tpu.memref_slice %arg14[%dma_wait3A_856, %dma_wait3A_857] : memref<4x128xi32, #tpu.memory_space<vmem>> -> memref<1x128xi32, #tpu.memory_space<vmem>>
      %dma_wait3A_859 = tpu.memref_squeeze %dma_wait3A_858 : memref<1x128xi32, #tpu.memory_space<vmem>> -> memref<128xi32, #tpu.memory_space<vmem>>
      %dma_wait3A_860 = arith.constant 0 : i32
      %dma_wait3A_861 = arith.constant 0 : i32
      %dma_wait3A_862 = tpu.memref_slice %arg5[%add3A_463, %dma_wait3A_860, %dma_wait3A_861] : memref<25000x2x128xi32, #tpu.memory_space<hbm>> -> memref<1x2x128xi32, #tpu.memory_space<hbm>>
      %dma_wait3A_863 = tpu.memref_squeeze %dma_wait3A_862 : memref<1x2x128xi32, #tpu.memory_space<hbm>> -> memref<2x128xi32, #tpu.memory_space<hbm>>
      %dma_wait3A_864 = arith.constant 0 : i32
      %dma_wait3A_865 = tpu.memref_slice %dma_wait3A_863[%dma_wait3A_855, %dma_wait3A_864] : memref<2x128xi32, #tpu.memory_space<hbm>> -> memref<1x128xi32, #tpu.memory_space<hbm>>
      %dma_wait3A_866 = tpu.memref_squeeze %dma_wait3A_865 : memref<1x128xi32, #tpu.memory_space<hbm>> -> memref<128xi32, #tpu.memory_space<hbm>>
      %dma_wait3A_867 = arith.constant 0 : i32
      %dma_wait3A_868 = tpu.memref_slice %arg14[%dma_wait3A_856, %dma_wait3A_867] : memref<4x128xi32, #tpu.memory_space<vmem>> -> memref<1x128xi32, #tpu.memory_space<vmem>>
      %dma_wait3A_869 = tpu.memref_squeeze %dma_wait3A_868 : memref<1x128xi32, #tpu.memory_space<vmem>> -> memref<128xi32, #tpu.memory_space<vmem>>
      %dma_wait3A_870 = arith.constant 0 : i32
      %dma_wait3A_871 = arith.constant 0 : i32
      %dma_wait3A_872 = tpu.memref_slice %arg5[%add3A_463, %dma_wait3A_870, %dma_wait3A_871] : memref<25000x2x128xi32, #tpu.memory_space<hbm>> -> memref<1x2x128xi32, #tpu.memory_space<hbm>>
      %dma_wait3A_873 = tpu.memref_squeeze %dma_wait3A_872 : memref<1x2x128xi32, #tpu.memory_space<hbm>> -> memref<2x128xi32, #tpu.memory_space<hbm>>
      %dma_wait3A_874 = arith.constant 0 : i32
      %dma_wait3A_875 = tpu.memref_slice %dma_wait3A_873[%dma_wait3A_855, %dma_wait3A_874] : memref<2x128xi32, #tpu.memory_space<hbm>> -> memref<1x128xi32, #tpu.memory_space<hbm>>
      %dma_wait3A_876 = tpu.memref_squeeze %dma_wait3A_875 : memref<1x128xi32, #tpu.memory_space<hbm>> -> memref<128xi32, #tpu.memory_space<hbm>>
      tpu.wait_dma2 semaphore(%arg29 : memref<!tpu.dma_semaphore, #tpu.memory_space<semaphore_mem>>) src(%dma_wait3A_876 : memref<128xi32, #tpu.memory_space<hbm>>) dst(%dma_wait3A_869 : memref<128xi32, #tpu.memory_space<vmem>>)
      %scan3A = arith.constant 0 : i32
      %scan3A_877 = arith.constant 0 : i32
      %scan3A_878 = arith.constant 16 : i32
      %scan3A_879 = arith.addi %scan3A_877, %scan3A_878 : i32
      %scan3A_880 = arith.constant 1 : i32
      scf.for %scan3A_1310 = %scan3A_877 to %scan3A_879 step %scan3A_880  : i32 {
        %mul3A_1311 = arith.constant 32 : i32
        %mul3A_1312 = arith.muli %scan3A_1310, %mul3A_1311 : i32
        %add3A_1313 = arith.constant 0 : i32
        %add3A_1314 = arith.addi %mul3A_1312, %add3A_1313 : i32
        %add3A_1315 = vector.broadcast %add3A_1314 : i32 to vector<16xi32>
        %add3A_1316 = arith.addi %iota3A, %add3A_1315 : vector<16xi32>
        %mul3A_1317 = arith.constant 32 : i32
        %mul3A_1318 = arith.muli %scan3A_1310, %mul3A_1317 : i32
        %add3A_1319 = arith.constant 0 : i32
        %add3A_1320 = arith.addi %mul3A_1318, %add3A_1319 : i32
        %get3A_1321 = arith.index_cast %add3A_1320 : i32 to index
        %get3A_1322 = tpu.vector_load %arg10[%get3A_1321] {strides = array<i32>} : memref<512xf32, #tpu.memory_space<vmem>>, vector<16xf32>,
        %mul3A_1323 = arith.constant 32 : i32
        %mul3A_1324 = arith.muli %scan3A_1310, %mul3A_1323 : i32
        %add3A_1325 = arith.constant 0 : i32
        %add3A_1326 = arith.addi %mul3A_1324, %add3A_1325 : i32
        %get3A_1327 = arith.index_cast %add3A_1326 : i32 to index
        %get3A_1328 = tpu.vector_load %arg11[%get3A_1327] {strides = array<i32>} : memref<512xf32, #tpu.memory_space<vmem>>, vector<16xf32>,
        %mul3A_1329 = arith.constant 32 : i32
        %mul3A_1330 = arith.muli %scan3A_1310, %mul3A_1329 : i32
        %add3A_1331 = arith.constant 0 : i32
        %add3A_1332 = arith.addi %mul3A_1330, %add3A_1331 : i32
        %get3A_1333 = arith.index_cast %add3A_1332 : i32 to index
        %get3A_1334 = tpu.vector_load %arg12[%get3A_1333] {strides = array<i32>} : memref<512xf32, #tpu.memory_space<vmem>>, vector<16xf32>,
        %mul3A_1335 = arith.mulf %get3A_1322, %get3A_1322 : vector<16xf32>
        %mul3A_1336 = arith.mulf %mul3A_1335, %mul3A_8 : vector<16xf32>
        %mul3A_1337 = arith.mulf %get3A_1328, %get3A_1328 : vector<16xf32>
        %mul3A_1338 = arith.mulf %mul3A_1337, %mul3A_9 : vector<16xf32>
        %add3A_1339 = arith.addf %mul3A_1336, %mul3A_1338 : vector<16xf32>
        %mul3A_1340 = arith.mulf %get3A_1334, %get3A_1334 : vector<16xf32>
        %mul3A_1341 = arith.mulf %mul3A_1340, %mul3A_10 : vector<16xf32>
        %add3A_1342 = arith.addf %add3A_1339, %mul3A_1341 : vector<16xf32>
        %neg3A = arith.constant 0.000000e+00 : f32
        %neg3A_1343 = vector.broadcast %neg3A : f32 to vector<16xf32>
        %neg3A_1344 = arith.subf %neg3A_1343, %add3A_1342 : vector<16xf32>
        %exp3A = math.exp %neg3A_1344 : vector<16xf32>
        %mul3A_1345 = arith.constant -2.000000e+00 : f32
        %mul3A_1346 = vector.broadcast %mul3A_1345 : f32 to vector<16xf32>
        %mul3A_1347 = arith.mulf %exp3A, %mul3A_1346 : vector<16xf32>
        %mul3A_1348 = arith.mulf %mul3A_1347, %mul3A_8 : vector<16xf32>
        %mul3A_1349 = arith.mulf %mul3A_1348, %get3A_1322 : vector<16xf32>
        %mul3A_1350 = arith.mulf %mul3A_1347, %mul3A_9 : vector<16xf32>
        %mul3A_1351 = arith.mulf %mul3A_1350, %get3A_1328 : vector<16xf32>
        %mul3A_1352 = arith.mulf %mul3A_1347, %mul3A_10 : vector<16xf32>
        %mul3A_1353 = arith.mulf %mul3A_1352, %get3A_1334 : vector<16xf32>
        tpu.vector_store_idx %arg15[%add3A_1316, %broadcast_in_dim3A_11], %mul3A_1349 : memref<512x8xf32, #tpu.memory_space<vmem>>[vector<16xi32>, vector<16xi32>], vector<16xf32>,
        tpu.vector_store_idx %arg15[%add3A_1316, %broadcast_in_dim3A_13], %mul3A_1351 : memref<512x8xf32, #tpu.memory_space<vmem>>[vector<16xi32>, vector<16xi32>], vector<16xf32>,
        tpu.vector_store_idx %arg15[%add3A_1316, %broadcast_in_dim3A_15], %mul3A_1353 : memref<512x8xf32, #tpu.memory_space<vmem>>[vector<16xi32>, vector<16xi32>], vector<16xf32>,
        %neg3A_1354 = arith.constant 0.000000e+00 : f32
        %neg3A_1355 = vector.broadcast %neg3A_1354 : f32 to vector<16xf32>
        %neg3A_1356 = arith.subf %neg3A_1355, %mul3A_1349 : vector<16xf32>
        tpu.vector_store_idx %arg16[%add3A_1316, %broadcast_in_dim3A_11], %neg3A_1356 : memref<512x8xf32, #tpu.memory_space<vmem>>[vector<16xi32>, vector<16xi32>], vector<16xf32>,
        %neg3A_1357 = arith.constant 0.000000e+00 : f32
        %neg3A_1358 = vector.broadcast %neg3A_1357 : f32 to vector<16xf32>
        %neg3A_1359 = arith.subf %neg3A_1358, %mul3A_1351 : vector<16xf32>
        tpu.vector_store_idx %arg16[%add3A_1316, %broadcast_in_dim3A_13], %neg3A_1359 : memref<512x8xf32, #tpu.memory_space<vmem>>[vector<16xi32>, vector<16xi32>], vector<16xf32>,
        %neg3A_1360 = arith.constant 0.000000e+00 : f32
        %neg3A_1361 = vector.broadcast %neg3A_1360 : f32 to vector<16xf32>
        %neg3A_1362 = arith.subf %neg3A_1361, %mul3A_1353 : vector<16xf32>
        tpu.vector_store_idx %arg16[%add3A_1316, %broadcast_in_dim3A_15], %neg3A_1362 : memref<512x8xf32, #tpu.memory_space<vmem>>[vector<16xi32>, vector<16xi32>], vector<16xf32>,
        %mul3A_1363 = arith.mulf %get3A_1322, %mul3A_1349 : vector<16xf32>
        tpu.vector_store_idx %arg17[%add3A_1316, %broadcast_in_dim3A_11], %mul3A_1363 : memref<512x8xf32, #tpu.memory_space<vmem>>[vector<16xi32>, vector<16xi32>], vector<16xf32>,
        %mul3A_1364 = arith.mulf %get3A_1328, %mul3A_1351 : vector<16xf32>
        tpu.vector_store_idx %arg17[%add3A_1316, %broadcast_in_dim3A_13], %mul3A_1364 : memref<512x8xf32, #tpu.memory_space<vmem>>[vector<16xi32>, vector<16xi32>], vector<16xf32>,
        %mul3A_1365 = arith.mulf %get3A_1334, %mul3A_1353 : vector<16xf32>
        tpu.vector_store_idx %arg17[%add3A_1316, %broadcast_in_dim3A_15], %mul3A_1365 : memref<512x8xf32, #tpu.memory_space<vmem>>[vector<16xi32>, vector<16xi32>], vector<16xf32>,
        %mul3A_1366 = arith.mulf %get3A_1322, %mul3A_1351 : vector<16xf32>
        tpu.vector_store_idx %arg17[%add3A_1316, %broadcast_in_dim3A_17], %mul3A_1366 : memref<512x8xf32, #tpu.memory_space<vmem>>[vector<16xi32>, vector<16xi32>], vector<16xf32>,
        %mul3A_1367 = arith.mulf %get3A_1328, %mul3A_1353 : vector<16xf32>
        tpu.vector_store_idx %arg17[%add3A_1316, %broadcast_in_dim3A_19], %mul3A_1367 : memref<512x8xf32, #tpu.memory_space<vmem>>[vector<16xi32>, vector<16xi32>], vector<16xf32>,
        %mul3A_1368 = arith.mulf %get3A_1334, %mul3A_1349 : vector<16xf32>
        tpu.vector_store_idx %arg17[%add3A_1316, %broadcast_in_dim3A_21], %mul3A_1368 : memref<512x8xf32, #tpu.memory_space<vmem>>[vector<16xi32>, vector<16xi32>], vector<16xf32>,
        %mul3A_1369 = arith.constant 32 : i32
        %mul3A_1370 = arith.muli %scan3A_1310, %mul3A_1369 : i32
        %add3A_1371 = arith.constant 16 : i32
        %add3A_1372 = arith.addi %mul3A_1370, %add3A_1371 : i32
        %add3A_1373 = vector.broadcast %add3A_1372 : i32 to vector<16xi32>
        %add3A_1374 = arith.addi %iota3A, %add3A_1373 : vector<16xi32>
        %mul3A_1375 = arith.constant 32 : i32
        %mul3A_1376 = arith.muli %scan3A_1310, %mul3A_1375 : i32
        %add3A_1377 = arith.constant 16 : i32
        %add3A_1378 = arith.addi %mul3A_1376, %add3A_1377 : i32
        %get3A_1379 = arith.index_cast %add3A_1378 : i32 to index
        %get3A_1380 = tpu.vector_load %arg10[%get3A_1379] {strides = array<i32>} : memref<512xf32, #tpu.memory_space<vmem>>, vector<16xf32>,
        %mul3A_1381 = arith.constant 32 : i32
        %mul3A_1382 = arith.muli %scan3A_1310, %mul3A_1381 : i32
        %add3A_1383 = arith.constant 16 : i32
        %add3A_1384 = arith.addi %mul3A_1382, %add3A_1383 : i32
        %get3A_1385 = arith.index_cast %add3A_1384 : i32 to index
        %get3A_1386 = tpu.vector_load %arg11[%get3A_1385] {strides = array<i32>} : memref<512xf32, #tpu.memory_space<vmem>>, vector<16xf32>,
        %mul3A_1387 = arith.constant 32 : i32
        %mul3A_1388 = arith.muli %scan3A_1310, %mul3A_1387 : i32
        %add3A_1389 = arith.constant 16 : i32
        %add3A_1390 = arith.addi %mul3A_1388, %add3A_1389 : i32
        %get3A_1391 = arith.index_cast %add3A_1390 : i32 to index
        %get3A_1392 = tpu.vector_load %arg12[%get3A_1391] {strides = array<i32>} : memref<512xf32, #tpu.memory_space<vmem>>, vector<16xf32>,
        %mul3A_1393 = arith.mulf %get3A_1380, %get3A_1380 : vector<16xf32>
        %mul3A_1394 = arith.mulf %mul3A_1393, %mul3A_8 : vector<16xf32>
        %mul3A_1395 = arith.mulf %get3A_1386, %get3A_1386 : vector<16xf32>
        %mul3A_1396 = arith.mulf %mul3A_1395, %mul3A_9 : vector<16xf32>
        %add3A_1397 = arith.addf %mul3A_1394, %mul3A_1396 : vector<16xf32>
        %mul3A_1398 = arith.mulf %get3A_1392, %get3A_1392 : vector<16xf32>
        %mul3A_1399 = arith.mulf %mul3A_1398, %mul3A_10 : vector<16xf32>
        %add3A_1400 = arith.addf %add3A_1397, %mul3A_1399 : vector<16xf32>
        %neg3A_1401 = arith.constant 0.000000e+00 : f32
        %neg3A_1402 = vector.broadcast %neg3A_1401 : f32 to vector<16xf32>
        %neg3A_1403 = arith.subf %neg3A_1402, %add3A_1400 : vector<16xf32>
        %exp3A_1404 = math.exp %neg3A_1403 : vector<16xf32>
        %mul3A_1405 = arith.constant -2.000000e+00 : f32
        %mul3A_1406 = vector.broadcast %mul3A_1405 : f32 to vector<16xf32>
        %mul3A_1407 = arith.mulf %exp3A_1404, %mul3A_1406 : vector<16xf32>
        %mul3A_1408 = arith.mulf %mul3A_1407, %mul3A_8 : vector<16xf32>
        %mul3A_1409 = arith.mulf %mul3A_1408, %get3A_1380 : vector<16xf32>
        %mul3A_1410 = arith.mulf %mul3A_1407, %mul3A_9 : vector<16xf32>
        %mul3A_1411 = arith.mulf %mul3A_1410, %get3A_1386 : vector<16xf32>
        %mul3A_1412 = arith.mulf %mul3A_1407, %mul3A_10 : vector<16xf32>
        %mul3A_1413 = arith.mulf %mul3A_1412, %get3A_1392 : vector<16xf32>
        tpu.vector_store_idx %arg15[%add3A_1374, %broadcast_in_dim3A_11], %mul3A_1409 : memref<512x8xf32, #tpu.memory_space<vmem>>[vector<16xi32>, vector<16xi32>], vector<16xf32>,
        tpu.vector_store_idx %arg15[%add3A_1374, %broadcast_in_dim3A_13], %mul3A_1411 : memref<512x8xf32, #tpu.memory_space<vmem>>[vector<16xi32>, vector<16xi32>], vector<16xf32>,
        tpu.vector_store_idx %arg15[%add3A_1374, %broadcast_in_dim3A_15], %mul3A_1413 : memref<512x8xf32, #tpu.memory_space<vmem>>[vector<16xi32>, vector<16xi32>], vector<16xf32>,
        %neg3A_1414 = arith.constant 0.000000e+00 : f32
        %neg3A_1415 = vector.broadcast %neg3A_1414 : f32 to vector<16xf32>
        %neg3A_1416 = arith.subf %neg3A_1415, %mul3A_1409 : vector<16xf32>
        tpu.vector_store_idx %arg16[%add3A_1374, %broadcast_in_dim3A_11], %neg3A_1416 : memref<512x8xf32, #tpu.memory_space<vmem>>[vector<16xi32>, vector<16xi32>], vector<16xf32>,
        %neg3A_1417 = arith.constant 0.000000e+00 : f32
        %neg3A_1418 = vector.broadcast %neg3A_1417 : f32 to vector<16xf32>
        %neg3A_1419 = arith.subf %neg3A_1418, %mul3A_1411 : vector<16xf32>
        tpu.vector_store_idx %arg16[%add3A_1374, %broadcast_in_dim3A_13], %neg3A_1419 : memref<512x8xf32, #tpu.memory_space<vmem>>[vector<16xi32>, vector<16xi32>], vector<16xf32>,
        %neg3A_1420 = arith.constant 0.000000e+00 : f32
        %neg3A_1421 = vector.broadcast %neg3A_1420 : f32 to vector<16xf32>
        %neg3A_1422 = arith.subf %neg3A_1421, %mul3A_1413 : vector<16xf32>
        tpu.vector_store_idx %arg16[%add3A_1374, %broadcast_in_dim3A_15], %neg3A_1422 : memref<512x8xf32, #tpu.memory_space<vmem>>[vector<16xi32>, vector<16xi32>], vector<16xf32>,
        %mul3A_1423 = arith.mulf %get3A_1380, %mul3A_1409 : vector<16xf32>
        tpu.vector_store_idx %arg17[%add3A_1374, %broadcast_in_dim3A_11], %mul3A_1423 : memref<512x8xf32, #tpu.memory_space<vmem>>[vector<16xi32>, vector<16xi32>], vector<16xf32>,
        %mul3A_1424 = arith.mulf %get3A_1386, %mul3A_1411 : vector<16xf32>
        tpu.vector_store_idx %arg17[%add3A_1374, %broadcast_in_dim3A_13], %mul3A_1424 : memref<512x8xf32, #tpu.memory_space<vmem>>[vector<16xi32>, vector<16xi32>], vector<16xf32>,
        %mul3A_1425 = arith.mulf %get3A_1392, %mul3A_1413 : vector<16xf32>
        tpu.vector_store_idx %arg17[%add3A_1374, %broadcast_in_dim3A_15], %mul3A_1425 : memref<512x8xf32, #tpu.memory_space<vmem>>[vector<16xi32>, vector<16xi32>], vector<16xf32>,
        %mul3A_1426 = arith.mulf %get3A_1380, %mul3A_1411 : vector<16xf32>
        tpu.vector_store_idx %arg17[%add3A_1374, %broadcast_in_dim3A_17], %mul3A_1426 : memref<512x8xf32, #tpu.memory_space<vmem>>[vector<16xi32>, vector<16xi32>], vector<16xf32>,
        %mul3A_1427 = arith.mulf %get3A_1386, %mul3A_1413 : vector<16xf32>
        tpu.vector_store_idx %arg17[%add3A_1374, %broadcast_in_dim3A_19], %mul3A_1427 : memref<512x8xf32, #tpu.memory_space<vmem>>[vector<16xi32>, vector<16xi32>], vector<16xf32>,
        %mul3A_1428 = arith.mulf %get3A_1392, %mul3A_1409 : vector<16xf32>
        tpu.vector_store_idx %arg17[%add3A_1374, %broadcast_in_dim3A_21], %mul3A_1428 : memref<512x8xf32, #tpu.memory_space<vmem>>[vector<16xi32>, vector<16xi32>], vector<16xf32>,
      }
      %scan3A_881 = arith.constant 16 : i32
      %dma_start3A_882 = arith.constant 0 : i32
      %dma_start3A_883 = arith.constant 0 : i32
      %dma_start3A_884 = arith.constant 0 : i32
      %dma_start3A_885 = tpu.memref_slice %arg15[%dma_start3A_883, %dma_start3A_884] : memref<512x8xf32, #tpu.memory_space<vmem>> -> memref<128x8xf32, #tpu.memory_space<vmem>>
      %dma_start3A_886 = arith.constant 0 : i32
      %dma_start3A_887 = tpu.memref_slice %arg13[%dma_start3A_882, %dma_start3A_886] : memref<4x128xi32, #tpu.memory_space<vmem>> -> memref<1x128xi32, #tpu.memory_space<vmem>>
      %dma_start3A_888 = tpu.memref_squeeze %dma_start3A_887 : memref<1x128xi32, #tpu.memory_space<vmem>> -> memref<128xi32, #tpu.memory_space<vmem>>
      %dma_start3A_889 = arith.constant 0 : i32
      %dma_start3A_890 = arith.constant 0 : i32
      %dma_start3A_891 = tpu.memref_slice %arg27[%dma_start3A_889, %dma_start3A_890] : memref<100096x8xf32, #tpu.memory_space<vmem_shared>> -> memref<100096x8xf32, #tpu.memory_space<vmem_shared>>
      tpu.enqueue_indirect_dma source(%dma_start3A_885 : memref<128x8xf32, #tpu.memory_space<vmem>>) target(%dma_start3A_891 : memref<100096x8xf32, #tpu.memory_space<vmem_shared>>) offsets(%dma_start3A_888 : memref<128xi32, #tpu.memory_space<vmem>>) semaphore(%arg31 : memref<!tpu.dma_semaphore, #tpu.memory_space<semaphore_mem>>) {add = true}
      %dma_start3A_892 = arith.constant 0 : i32
      %dma_start3A_893 = arith.constant 0 : i32
      %dma_start3A_894 = arith.constant 0 : i32
      %dma_start3A_895 = tpu.memref_slice %arg16[%dma_start3A_893, %dma_start3A_894] : memref<512x8xf32, #tpu.memory_space<vmem>> -> memref<128x8xf32, #tpu.memory_space<vmem>>
      %dma_start3A_896 = arith.constant 0 : i32
      %dma_start3A_897 = tpu.memref_slice %arg14[%dma_start3A_892, %dma_start3A_896] : memref<4x128xi32, #tpu.memory_space<vmem>> -> memref<1x128xi32, #tpu.memory_space<vmem>>
      %dma_start3A_898 = tpu.memref_squeeze %dma_start3A_897 : memref<1x128xi32, #tpu.memory_space<vmem>> -> memref<128xi32, #tpu.memory_space<vmem>>
      %dma_start3A_899 = arith.constant 0 : i32
      %dma_start3A_900 = arith.constant 0 : i32
      %dma_start3A_901 = tpu.memref_slice %arg27[%dma_start3A_899, %dma_start3A_900] : memref<100096x8xf32, #tpu.memory_space<vmem_shared>> -> memref<100096x8xf32, #tpu.memory_space<vmem_shared>>
      tpu.enqueue_indirect_dma source(%dma_start3A_895 : memref<128x8xf32, #tpu.memory_space<vmem>>) target(%dma_start3A_901 : memref<100096x8xf32, #tpu.memory_space<vmem_shared>>) offsets(%dma_start3A_898 : memref<128xi32, #tpu.memory_space<vmem>>) semaphore(%arg31 : memref<!tpu.dma_semaphore, #tpu.memory_space<semaphore_mem>>) {add = true}
      %dma_start3A_902 = arith.constant 0 : i32
      %dma_start3A_903 = arith.constant 0 : i32
      %dma_start3A_904 = arith.constant 0 : i32
      %dma_start3A_905 = tpu.memref_slice %arg17[%dma_start3A_903, %dma_start3A_904] : memref<512x8xf32, #tpu.memory_space<vmem>> -> memref<128x8xf32, #tpu.memory_space<vmem>>
      %dma_start3A_906 = arith.constant 0 : i32
      %dma_start3A_907 = tpu.memref_slice %arg14[%dma_start3A_902, %dma_start3A_906] : memref<4x128xi32, #tpu.memory_space<vmem>> -> memref<1x128xi32, #tpu.memory_space<vmem>>
      %dma_start3A_908 = tpu.memref_squeeze %dma_start3A_907 : memref<1x128xi32, #tpu.memory_space<vmem>> -> memref<128xi32, #tpu.memory_space<vmem>>
      %dma_start3A_909 = arith.constant 0 : i32
      %dma_start3A_910 = arith.constant 0 : i32
      %dma_start3A_911 = tpu.memref_slice %arg28[%dma_start3A_909, %dma_start3A_910] : memref<100096x8xf32, #tpu.memory_space<vmem_shared>> -> memref<100096x8xf32, #tpu.memory_space<vmem_shared>>
      tpu.enqueue_indirect_dma source(%dma_start3A_905 : memref<128x8xf32, #tpu.memory_space<vmem>>) target(%dma_start3A_911 : memref<100096x8xf32, #tpu.memory_space<vmem_shared>>) offsets(%dma_start3A_908 : memref<128xi32, #tpu.memory_space<vmem>>) semaphore(%arg31 : memref<!tpu.dma_semaphore, #tpu.memory_space<semaphore_mem>>) {add = true}
      %dma_start3A_912 = arith.constant 1 : i32
      %dma_start3A_913 = arith.constant 128 : i32
      %dma_start3A_914 = arith.constant 0 : i32
      %dma_start3A_915 = tpu.memref_slice %arg15[%dma_start3A_913, %dma_start3A_914] : memref<512x8xf32, #tpu.memory_space<vmem>> -> memref<128x8xf32, #tpu.memory_space<vmem>>
      %dma_start3A_916 = arith.constant 0 : i32
      %dma_start3A_917 = tpu.memref_slice %arg13[%dma_start3A_912, %dma_start3A_916] : memref<4x128xi32, #tpu.memory_space<vmem>> -> memref<1x128xi32, #tpu.memory_space<vmem>>
      %dma_start3A_918 = tpu.memref_squeeze %dma_start3A_917 : memref<1x128xi32, #tpu.memory_space<vmem>> -> memref<128xi32, #tpu.memory_space<vmem>>
      %dma_start3A_919 = arith.constant 0 : i32
      %dma_start3A_920 = arith.constant 0 : i32
      %dma_start3A_921 = tpu.memref_slice %arg27[%dma_start3A_919, %dma_start3A_920] : memref<100096x8xf32, #tpu.memory_space<vmem_shared>> -> memref<100096x8xf32, #tpu.memory_space<vmem_shared>>
      tpu.enqueue_indirect_dma source(%dma_start3A_915 : memref<128x8xf32, #tpu.memory_space<vmem>>) target(%dma_start3A_921 : memref<100096x8xf32, #tpu.memory_space<vmem_shared>>) offsets(%dma_start3A_918 : memref<128xi32, #tpu.memory_space<vmem>>) semaphore(%arg31 : memref<!tpu.dma_semaphore, #tpu.memory_space<semaphore_mem>>) {add = true}
      %dma_start3A_922 = arith.constant 1 : i32
      %dma_start3A_923 = arith.constant 128 : i32
      %dma_start3A_924 = arith.constant 0 : i32
      %dma_start3A_925 = tpu.memref_slice %arg16[%dma_start3A_923, %dma_start3A_924] : memref<512x8xf32, #tpu.memory_space<vmem>> -> memref<128x8xf32, #tpu.memory_space<vmem>>
      %dma_start3A_926 = arith.constant 0 : i32
      %dma_start3A_927 = tpu.memref_slice %arg14[%dma_start3A_922, %dma_start3A_926] : memref<4x128xi32, #tpu.memory_space<vmem>> -> memref<1x128xi32, #tpu.memory_space<vmem>>
      %dma_start3A_928 = tpu.memref_squeeze %dma_start3A_927 : memref<1x128xi32, #tpu.memory_space<vmem>> -> memref<128xi32, #tpu.memory_space<vmem>>
      %dma_start3A_929 = arith.constant 0 : i32
      %dma_start3A_930 = arith.constant 0 : i32
      %dma_start3A_931 = tpu.memref_slice %arg27[%dma_start3A_929, %dma_start3A_930] : memref<100096x8xf32, #tpu.memory_space<vmem_shared>> -> memref<100096x8xf32, #tpu.memory_space<vmem_shared>>
      tpu.enqueue_indirect_dma source(%dma_start3A_925 : memref<128x8xf32, #tpu.memory_space<vmem>>) target(%dma_start3A_931 : memref<100096x8xf32, #tpu.memory_space<vmem_shared>>) offsets(%dma_start3A_928 : memref<128xi32, #tpu.memory_space<vmem>>) semaphore(%arg31 : memref<!tpu.dma_semaphore, #tpu.memory_space<semaphore_mem>>) {add = true}
      %dma_start3A_932 = arith.constant 1 : i32
      %dma_start3A_933 = arith.constant 128 : i32
      %dma_start3A_934 = arith.constant 0 : i32
      %dma_start3A_935 = tpu.memref_slice %arg17[%dma_start3A_933, %dma_start3A_934] : memref<512x8xf32, #tpu.memory_space<vmem>> -> memref<128x8xf32, #tpu.memory_space<vmem>>
      %dma_start3A_936 = arith.constant 0 : i32
      %dma_start3A_937 = tpu.memref_slice %arg14[%dma_start3A_932, %dma_start3A_936] : memref<4x128xi32, #tpu.memory_space<vmem>> -> memref<1x128xi32, #tpu.memory_space<vmem>>
      %dma_start3A_938 = tpu.memref_squeeze %dma_start3A_937 : memref<1x128xi32, #tpu.memory_space<vmem>> -> memref<128xi32, #tpu.memory_space<vmem>>
      %dma_start3A_939 = arith.constant 0 : i32
      %dma_start3A_940 = arith.constant 0 : i32
      %dma_start3A_941 = tpu.memref_slice %arg28[%dma_start3A_939, %dma_start3A_940] : memref<100096x8xf32, #tpu.memory_space<vmem_shared>> -> memref<100096x8xf32, #tpu.memory_space<vmem_shared>>
      tpu.enqueue_indirect_dma source(%dma_start3A_935 : memref<128x8xf32, #tpu.memory_space<vmem>>) target(%dma_start3A_941 : memref<100096x8xf32, #tpu.memory_space<vmem_shared>>) offsets(%dma_start3A_938 : memref<128xi32, #tpu.memory_space<vmem>>) semaphore(%arg31 : memref<!tpu.dma_semaphore, #tpu.memory_space<semaphore_mem>>) {add = true}
      %dma_start3A_942 = arith.constant 2 : i32
      %dma_start3A_943 = arith.constant 256 : i32
      %dma_start3A_944 = arith.constant 0 : i32
      %dma_start3A_945 = tpu.memref_slice %arg15[%dma_start3A_943, %dma_start3A_944] : memref<512x8xf32, #tpu.memory_space<vmem>> -> memref<128x8xf32, #tpu.memory_space<vmem>>
      %dma_start3A_946 = arith.constant 0 : i32
      %dma_start3A_947 = tpu.memref_slice %arg13[%dma_start3A_942, %dma_start3A_946] : memref<4x128xi32, #tpu.memory_space<vmem>> -> memref<1x128xi32, #tpu.memory_space<vmem>>
      %dma_start3A_948 = tpu.memref_squeeze %dma_start3A_947 : memref<1x128xi32, #tpu.memory_space<vmem>> -> memref<128xi32, #tpu.memory_space<vmem>>
      %dma_start3A_949 = arith.constant 0 : i32
      %dma_start3A_950 = arith.constant 0 : i32
      %dma_start3A_951 = tpu.memref_slice %arg27[%dma_start3A_949, %dma_start3A_950] : memref<100096x8xf32, #tpu.memory_space<vmem_shared>> -> memref<100096x8xf32, #tpu.memory_space<vmem_shared>>
      tpu.enqueue_indirect_dma source(%dma_start3A_945 : memref<128x8xf32, #tpu.memory_space<vmem>>) target(%dma_start3A_951 : memref<100096x8xf32, #tpu.memory_space<vmem_shared>>) offsets(%dma_start3A_948 : memref<128xi32, #tpu.memory_space<vmem>>) semaphore(%arg31 : memref<!tpu.dma_semaphore, #tpu.memory_space<semaphore_mem>>) {add = true}
      %dma_start3A_952 = arith.constant 2 : i32
      %dma_start3A_953 = arith.constant 256 : i32
      %dma_start3A_954 = arith.constant 0 : i32
      %dma_start3A_955 = tpu.memref_slice %arg16[%dma_start3A_953, %dma_start3A_954] : memref<512x8xf32, #tpu.memory_space<vmem>> -> memref<128x8xf32, #tpu.memory_space<vmem>>
      %dma_start3A_956 = arith.constant 0 : i32
      %dma_start3A_957 = tpu.memref_slice %arg14[%dma_start3A_952, %dma_start3A_956] : memref<4x128xi32, #tpu.memory_space<vmem>> -> memref<1x128xi32, #tpu.memory_space<vmem>>
      %dma_start3A_958 = tpu.memref_squeeze %dma_start3A_957 : memref<1x128xi32, #tpu.memory_space<vmem>> -> memref<128xi32, #tpu.memory_space<vmem>>
      %dma_start3A_959 = arith.constant 0 : i32
      %dma_start3A_960 = arith.constant 0 : i32
      %dma_start3A_961 = tpu.memref_slice %arg27[%dma_start3A_959, %dma_start3A_960] : memref<100096x8xf32, #tpu.memory_space<vmem_shared>> -> memref<100096x8xf32, #tpu.memory_space<vmem_shared>>
      tpu.enqueue_indirect_dma source(%dma_start3A_955 : memref<128x8xf32, #tpu.memory_space<vmem>>) target(%dma_start3A_961 : memref<100096x8xf32, #tpu.memory_space<vmem_shared>>) offsets(%dma_start3A_958 : memref<128xi32, #tpu.memory_space<vmem>>) semaphore(%arg31 : memref<!tpu.dma_semaphore, #tpu.memory_space<semaphore_mem>>) {add = true}
      %dma_start3A_962 = arith.constant 2 : i32
      %dma_start3A_963 = arith.constant 256 : i32
      %dma_start3A_964 = arith.constant 0 : i32
      %dma_start3A_965 = tpu.memref_slice %arg17[%dma_start3A_963, %dma_start3A_964] : memref<512x8xf32, #tpu.memory_space<vmem>> -> memref<128x8xf32, #tpu.memory_space<vmem>>
      %dma_start3A_966 = arith.constant 0 : i32
      %dma_start3A_967 = tpu.memref_slice %arg14[%dma_start3A_962, %dma_start3A_966] : memref<4x128xi32, #tpu.memory_space<vmem>> -> memref<1x128xi32, #tpu.memory_space<vmem>>
      %dma_start3A_968 = tpu.memref_squeeze %dma_start3A_967 : memref<1x128xi32, #tpu.memory_space<vmem>> -> memref<128xi32, #tpu.memory_space<vmem>>
      %dma_start3A_969 = arith.constant 0 : i32
      %dma_start3A_970 = arith.constant 0 : i32
      %dma_start3A_971 = tpu.memref_slice %arg28[%dma_start3A_969, %dma_start3A_970] : memref<100096x8xf32, #tpu.memory_space<vmem_shared>> -> memref<100096x8xf32, #tpu.memory_space<vmem_shared>>
      tpu.enqueue_indirect_dma source(%dma_start3A_965 : memref<128x8xf32, #tpu.memory_space<vmem>>) target(%dma_start3A_971 : memref<100096x8xf32, #tpu.memory_space<vmem_shared>>) offsets(%dma_start3A_968 : memref<128xi32, #tpu.memory_space<vmem>>) semaphore(%arg31 : memref<!tpu.dma_semaphore, #tpu.memory_space<semaphore_mem>>) {add = true}
      %dma_start3A_972 = arith.constant 3 : i32
      %dma_start3A_973 = arith.constant 384 : i32
      %dma_start3A_974 = arith.constant 0 : i32
      %dma_start3A_975 = tpu.memref_slice %arg15[%dma_start3A_973, %dma_start3A_974] : memref<512x8xf32, #tpu.memory_space<vmem>> -> memref<128x8xf32, #tpu.memory_space<vmem>>
      %dma_start3A_976 = arith.constant 0 : i32
      %dma_start3A_977 = tpu.memref_slice %arg13[%dma_start3A_972, %dma_start3A_976] : memref<4x128xi32, #tpu.memory_space<vmem>> -> memref<1x128xi32, #tpu.memory_space<vmem>>
      %dma_start3A_978 = tpu.memref_squeeze %dma_start3A_977 : memref<1x128xi32, #tpu.memory_space<vmem>> -> memref<128xi32, #tpu.memory_space<vmem>>
      %dma_start3A_979 = arith.constant 0 : i32
      %dma_start3A_980 = arith.constant 0 : i32
      %dma_start3A_981 = tpu.memref_slice %arg27[%dma_start3A_979, %dma_start3A_980] : memref<100096x8xf32, #tpu.memory_space<vmem_shared>> -> memref<100096x8xf32, #tpu.memory_space<vmem_shared>>
      tpu.enqueue_indirect_dma source(%dma_start3A_975 : memref<128x8xf32, #tpu.memory_space<vmem>>) target(%dma_start3A_981 : memref<100096x8xf32, #tpu.memory_space<vmem_shared>>) offsets(%dma_start3A_978 : memref<128xi32, #tpu.memory_space<vmem>>) semaphore(%arg31 : memref<!tpu.dma_semaphore, #tpu.memory_space<semaphore_mem>>) {add = true}
      %dma_start3A_982 = arith.constant 3 : i32
      %dma_start3A_983 = arith.constant 384 : i32
      %dma_start3A_984 = arith.constant 0 : i32
      %dma_start3A_985 = tpu.memref_slice %arg16[%dma_start3A_983, %dma_start3A_984] : memref<512x8xf32, #tpu.memory_space<vmem>> -> memref<128x8xf32, #tpu.memory_space<vmem>>
      %dma_start3A_986 = arith.constant 0 : i32
      %dma_start3A_987 = tpu.memref_slice %arg14[%dma_start3A_982, %dma_start3A_986] : memref<4x128xi32, #tpu.memory_space<vmem>> -> memref<1x128xi32, #tpu.memory_space<vmem>>
      %dma_start3A_988 = tpu.memref_squeeze %dma_start3A_987 : memref<1x128xi32, #tpu.memory_space<vmem>> -> memref<128xi32, #tpu.memory_space<vmem>>
      %dma_start3A_989 = arith.constant 0 : i32
      %dma_start3A_990 = arith.constant 0 : i32
      %dma_start3A_991 = tpu.memref_slice %arg27[%dma_start3A_989, %dma_start3A_990] : memref<100096x8xf32, #tpu.memory_space<vmem_shared>> -> memref<100096x8xf32, #tpu.memory_space<vmem_shared>>
      tpu.enqueue_indirect_dma source(%dma_start3A_985 : memref<128x8xf32, #tpu.memory_space<vmem>>) target(%dma_start3A_991 : memref<100096x8xf32, #tpu.memory_space<vmem_shared>>) offsets(%dma_start3A_988 : memref<128xi32, #tpu.memory_space<vmem>>) semaphore(%arg31 : memref<!tpu.dma_semaphore, #tpu.memory_space<semaphore_mem>>) {add = true}
      %dma_start3A_992 = arith.constant 3 : i32
      %dma_start3A_993 = arith.constant 384 : i32
      %dma_start3A_994 = arith.constant 0 : i32
      %dma_start3A_995 = tpu.memref_slice %arg17[%dma_start3A_993, %dma_start3A_994] : memref<512x8xf32, #tpu.memory_space<vmem>> -> memref<128x8xf32, #tpu.memory_space<vmem>>
      %dma_start3A_996 = arith.constant 0 : i32
      %dma_start3A_997 = tpu.memref_slice %arg14[%dma_start3A_992, %dma_start3A_996] : memref<4x128xi32, #tpu.memory_space<vmem>> -> memref<1x128xi32, #tpu.memory_space<vmem>>
      %dma_start3A_998 = tpu.memref_squeeze %dma_start3A_997 : memref<1x128xi32, #tpu.memory_space<vmem>> -> memref<128xi32, #tpu.memory_space<vmem>>
      %dma_start3A_999 = arith.constant 0 : i32
      %dma_start3A_1000 = arith.constant 0 : i32
      %dma_start3A_1001 = tpu.memref_slice %arg28[%dma_start3A_999, %dma_start3A_1000] : memref<100096x8xf32, #tpu.memory_space<vmem_shared>> -> memref<100096x8xf32, #tpu.memory_space<vmem_shared>>
      tpu.enqueue_indirect_dma source(%dma_start3A_995 : memref<128x8xf32, #tpu.memory_space<vmem>>) target(%dma_start3A_1001 : memref<100096x8xf32, #tpu.memory_space<vmem_shared>>) offsets(%dma_start3A_998 : memref<128xi32, #tpu.memory_space<vmem>>) semaphore(%arg31 : memref<!tpu.dma_semaphore, #tpu.memory_space<semaphore_mem>>) {add = true}
      %dma_wait3A_1002 = tpu.memref_slice %arg2[%mul3A_494] : memref<3200000xf32, #tpu.memory_space<hbm>> -> memref<512xf32, #tpu.memory_space<hbm>>
      %dma_wait3A_1003 = tpu.memref_slice %arg2[%mul3A_494] : memref<3200000xf32, #tpu.memory_space<hbm>> -> memref<512xf32, #tpu.memory_space<hbm>>
      tpu.wait_dma2 semaphore(%arg30 : memref<!tpu.dma_semaphore, #tpu.memory_space<semaphore_mem>>) src(%dma_wait3A_1003 : memref<512xf32, #tpu.memory_space<hbm>>) dst(%arg18 : memref<512xf32, #tpu.memory_space<vmem>>)
      %dma_wait3A_1004 = tpu.memref_slice %arg3[%mul3A_494] : memref<3200000xf32, #tpu.memory_space<hbm>> -> memref<512xf32, #tpu.memory_space<hbm>>
      %dma_wait3A_1005 = tpu.memref_slice %arg3[%mul3A_494] : memref<3200000xf32, #tpu.memory_space<hbm>> -> memref<512xf32, #tpu.memory_space<hbm>>
      tpu.wait_dma2 semaphore(%arg30 : memref<!tpu.dma_semaphore, #tpu.memory_space<semaphore_mem>>) src(%dma_wait3A_1005 : memref<512xf32, #tpu.memory_space<hbm>>) dst(%arg19 : memref<512xf32, #tpu.memory_space<vmem>>)
      %dma_wait3A_1006 = tpu.memref_slice %arg4[%mul3A_494] : memref<3200000xf32, #tpu.memory_space<hbm>> -> memref<512xf32, #tpu.memory_space<hbm>>
      %dma_wait3A_1007 = tpu.memref_slice %arg4[%mul3A_494] : memref<3200000xf32, #tpu.memory_space<hbm>> -> memref<512xf32, #tpu.memory_space<hbm>>
      tpu.wait_dma2 semaphore(%arg30 : memref<!tpu.dma_semaphore, #tpu.memory_space<semaphore_mem>>) src(%dma_wait3A_1007 : memref<512xf32, #tpu.memory_space<hbm>>) dst(%arg20 : memref<512xf32, #tpu.memory_space<vmem>>)
      %dma_wait3A_1008 = arith.constant 0 : i32
      %dma_wait3A_1009 = arith.constant 0 : i32
      %dma_wait3A_1010 = arith.constant 0 : i32
      %dma_wait3A_1011 = tpu.memref_slice %arg21[%dma_wait3A_1009, %dma_wait3A_1010] : memref<4x128xi32, #tpu.memory_space<vmem>> -> memref<1x128xi32, #tpu.memory_space<vmem>>
      %dma_wait3A_1012 = tpu.memref_squeeze %dma_wait3A_1011 : memref<1x128xi32, #tpu.memory_space<vmem>> -> memref<128xi32, #tpu.memory_space<vmem>>
      %dma_wait3A_1013 = arith.constant 0 : i32
      %dma_wait3A_1014 = arith.constant 0 : i32
      %dma_wait3A_1015 = tpu.memref_slice %arg5[%add3A_504, %dma_wait3A_1013, %dma_wait3A_1014] : memref<25000x2x128xi32, #tpu.memory_space<hbm>> -> memref<1x2x128xi32, #tpu.memory_space<hbm>>
      %dma_wait3A_1016 = tpu.memref_squeeze %dma_wait3A_1015 : memref<1x2x128xi32, #tpu.memory_space<hbm>> -> memref<2x128xi32, #tpu.memory_space<hbm>>
      %dma_wait3A_1017 = arith.constant 0 : i32
      %dma_wait3A_1018 = tpu.memref_slice %dma_wait3A_1016[%dma_wait3A_1008, %dma_wait3A_1017] : memref<2x128xi32, #tpu.memory_space<hbm>> -> memref<1x128xi32, #tpu.memory_space<hbm>>
      %dma_wait3A_1019 = tpu.memref_squeeze %dma_wait3A_1018 : memref<1x128xi32, #tpu.memory_space<hbm>> -> memref<128xi32, #tpu.memory_space<hbm>>
      %dma_wait3A_1020 = arith.constant 0 : i32
      %dma_wait3A_1021 = tpu.memref_slice %arg21[%dma_wait3A_1009, %dma_wait3A_1020] : memref<4x128xi32, #tpu.memory_space<vmem>> -> memref<1x128xi32, #tpu.memory_space<vmem>>
      %dma_wait3A_1022 = tpu.memref_squeeze %dma_wait3A_1021 : memref<1x128xi32, #tpu.memory_space<vmem>> -> memref<128xi32, #tpu.memory_space<vmem>>
      %dma_wait3A_1023 = arith.constant 0 : i32
      %dma_wait3A_1024 = arith.constant 0 : i32
      %dma_wait3A_1025 = tpu.memref_slice %arg5[%add3A_504, %dma_wait3A_1023, %dma_wait3A_1024] : memref<25000x2x128xi32, #tpu.memory_space<hbm>> -> memref<1x2x128xi32, #tpu.memory_space<hbm>>
      %dma_wait3A_1026 = tpu.memref_squeeze %dma_wait3A_1025 : memref<1x2x128xi32, #tpu.memory_space<hbm>> -> memref<2x128xi32, #tpu.memory_space<hbm>>
      %dma_wait3A_1027 = arith.constant 0 : i32
      %dma_wait3A_1028 = tpu.memref_slice %dma_wait3A_1026[%dma_wait3A_1008, %dma_wait3A_1027] : memref<2x128xi32, #tpu.memory_space<hbm>> -> memref<1x128xi32, #tpu.memory_space<hbm>>
      %dma_wait3A_1029 = tpu.memref_squeeze %dma_wait3A_1028 : memref<1x128xi32, #tpu.memory_space<hbm>> -> memref<128xi32, #tpu.memory_space<hbm>>
      tpu.wait_dma2 semaphore(%arg30 : memref<!tpu.dma_semaphore, #tpu.memory_space<semaphore_mem>>) src(%dma_wait3A_1029 : memref<128xi32, #tpu.memory_space<hbm>>) dst(%dma_wait3A_1022 : memref<128xi32, #tpu.memory_space<vmem>>)
      %dma_wait3A_1030 = arith.constant 1 : i32
      %dma_wait3A_1031 = arith.constant 0 : i32
      %dma_wait3A_1032 = arith.constant 0 : i32
      %dma_wait3A_1033 = tpu.memref_slice %arg22[%dma_wait3A_1031, %dma_wait3A_1032] : memref<4x128xi32, #tpu.memory_space<vmem>> -> memref<1x128xi32, #tpu.memory_space<vmem>>
      %dma_wait3A_1034 = tpu.memref_squeeze %dma_wait3A_1033 : memref<1x128xi32, #tpu.memory_space<vmem>> -> memref<128xi32, #tpu.memory_space<vmem>>
      %dma_wait3A_1035 = arith.constant 0 : i32
      %dma_wait3A_1036 = arith.constant 0 : i32
      %dma_wait3A_1037 = tpu.memref_slice %arg5[%add3A_528, %dma_wait3A_1035, %dma_wait3A_1036] : memref<25000x2x128xi32, #tpu.memory_space<hbm>> -> memref<1x2x128xi32, #tpu.memory_space<hbm>>
      %dma_wait3A_1038 = tpu.memref_squeeze %dma_wait3A_1037 : memref<1x2x128xi32, #tpu.memory_space<hbm>> -> memref<2x128xi32, #tpu.memory_space<hbm>>
      %dma_wait3A_1039 = arith.constant 0 : i32
      %dma_wait3A_1040 = tpu.memref_slice %dma_wait3A_1038[%dma_wait3A_1030, %dma_wait3A_1039] : memref<2x128xi32, #tpu.memory_space<hbm>> -> memref<1x128xi32, #tpu.memory_space<hbm>>
      %dma_wait3A_1041 = tpu.memref_squeeze %dma_wait3A_1040 : memref<1x128xi32, #tpu.memory_space<hbm>> -> memref<128xi32, #tpu.memory_space<hbm>>
      %dma_wait3A_1042 = arith.constant 0 : i32
      %dma_wait3A_1043 = tpu.memref_slice %arg22[%dma_wait3A_1031, %dma_wait3A_1042] : memref<4x128xi32, #tpu.memory_space<vmem>> -> memref<1x128xi32, #tpu.memory_space<vmem>>
      %dma_wait3A_1044 = tpu.memref_squeeze %dma_wait3A_1043 : memref<1x128xi32, #tpu.memory_space<vmem>> -> memref<128xi32, #tpu.memory_space<vmem>>
      %dma_wait3A_1045 = arith.constant 0 : i32
      %dma_wait3A_1046 = arith.constant 0 : i32
      %dma_wait3A_1047 = tpu.memref_slice %arg5[%add3A_528, %dma_wait3A_1045, %dma_wait3A_1046] : memref<25000x2x128xi32, #tpu.memory_space<hbm>> -> memref<1x2x128xi32, #tpu.memory_space<hbm>>
      %dma_wait3A_1048 = tpu.memref_squeeze %dma_wait3A_1047 : memref<1x2x128xi32, #tpu.memory_space<hbm>> -> memref<2x128xi32, #tpu.memory_space<hbm>>
      %dma_wait3A_1049 = arith.constant 0 : i32
      %dma_wait3A_1050 = tpu.memref_slice %dma_wait3A_1048[%dma_wait3A_1030, %dma_wait3A_1049] : memref<2x128xi32, #tpu.memory_space<hbm>> -> memref<1x128xi32, #tpu.memory_space<hbm>>
      %dma_wait3A_1051 = tpu.memref_squeeze %dma_wait3A_1050 : memref<1x128xi32, #tpu.memory_space<hbm>> -> memref<128xi32, #tpu.memory_space<hbm>>
      tpu.wait_dma2 semaphore(%arg30 : memref<!tpu.dma_semaphore, #tpu.memory_space<semaphore_mem>>) src(%dma_wait3A_1051 : memref<128xi32, #tpu.memory_space<hbm>>) dst(%dma_wait3A_1044 : memref<128xi32, #tpu.memory_space<vmem>>)
      %dma_wait3A_1052 = arith.constant 0 : i32
      %dma_wait3A_1053 = arith.constant 1 : i32
      %dma_wait3A_1054 = arith.constant 0 : i32
      %dma_wait3A_1055 = tpu.memref_slice %arg21[%dma_wait3A_1053, %dma_wait3A_1054] : memref<4x128xi32, #tpu.memory_space<vmem>> -> memref<1x128xi32, #tpu.memory_space<vmem>>
      %dma_wait3A_1056 = tpu.memref_squeeze %dma_wait3A_1055 : memref<1x128xi32, #tpu.memory_space<vmem>> -> memref<128xi32, #tpu.memory_space<vmem>>
      %dma_wait3A_1057 = arith.constant 0 : i32
      %dma_wait3A_1058 = arith.constant 0 : i32
      %dma_wait3A_1059 = tpu.memref_slice %arg5[%add3A_552, %dma_wait3A_1057, %dma_wait3A_1058] : memref<25000x2x128xi32, #tpu.memory_space<hbm>> -> memref<1x2x128xi32, #tpu.memory_space<hbm>>
      %dma_wait3A_1060 = tpu.memref_squeeze %dma_wait3A_1059 : memref<1x2x128xi32, #tpu.memory_space<hbm>> -> memref<2x128xi32, #tpu.memory_space<hbm>>
      %dma_wait3A_1061 = arith.constant 0 : i32
      %dma_wait3A_1062 = tpu.memref_slice %dma_wait3A_1060[%dma_wait3A_1052, %dma_wait3A_1061] : memref<2x128xi32, #tpu.memory_space<hbm>> -> memref<1x128xi32, #tpu.memory_space<hbm>>
      %dma_wait3A_1063 = tpu.memref_squeeze %dma_wait3A_1062 : memref<1x128xi32, #tpu.memory_space<hbm>> -> memref<128xi32, #tpu.memory_space<hbm>>
      %dma_wait3A_1064 = arith.constant 0 : i32
      %dma_wait3A_1065 = tpu.memref_slice %arg21[%dma_wait3A_1053, %dma_wait3A_1064] : memref<4x128xi32, #tpu.memory_space<vmem>> -> memref<1x128xi32, #tpu.memory_space<vmem>>
      %dma_wait3A_1066 = tpu.memref_squeeze %dma_wait3A_1065 : memref<1x128xi32, #tpu.memory_space<vmem>> -> memref<128xi32, #tpu.memory_space<vmem>>
      %dma_wait3A_1067 = arith.constant 0 : i32
      %dma_wait3A_1068 = arith.constant 0 : i32
      %dma_wait3A_1069 = tpu.memref_slice %arg5[%add3A_552, %dma_wait3A_1067, %dma_wait3A_1068] : memref<25000x2x128xi32, #tpu.memory_space<hbm>> -> memref<1x2x128xi32, #tpu.memory_space<hbm>>
      %dma_wait3A_1070 = tpu.memref_squeeze %dma_wait3A_1069 : memref<1x2x128xi32, #tpu.memory_space<hbm>> -> memref<2x128xi32, #tpu.memory_space<hbm>>
      %dma_wait3A_1071 = arith.constant 0 : i32
      %dma_wait3A_1072 = tpu.memref_slice %dma_wait3A_1070[%dma_wait3A_1052, %dma_wait3A_1071] : memref<2x128xi32, #tpu.memory_space<hbm>> -> memref<1x128xi32, #tpu.memory_space<hbm>>
      %dma_wait3A_1073 = tpu.memref_squeeze %dma_wait3A_1072 : memref<1x128xi32, #tpu.memory_space<hbm>> -> memref<128xi32, #tpu.memory_space<hbm>>
      tpu.wait_dma2 semaphore(%arg30 : memref<!tpu.dma_semaphore, #tpu.memory_space<semaphore_mem>>) src(%dma_wait3A_1073 : memref<128xi32, #tpu.memory_space<hbm>>) dst(%dma_wait3A_1066 : memref<128xi32, #tpu.memory_space<vmem>>)
      %dma_wait3A_1074 = arith.constant 1 : i32
      %dma_wait3A_1075 = arith.constant 1 : i32
      %dma_wait3A_1076 = arith.constant 0 : i32
      %dma_wait3A_1077 = tpu.memref_slice %arg22[%dma_wait3A_1075, %dma_wait3A_1076] : memref<4x128xi32, #tpu.memory_space<vmem>> -> memref<1x128xi32, #tpu.memory_space<vmem>>
      %dma_wait3A_1078 = tpu.memref_squeeze %dma_wait3A_1077 : memref<1x128xi32, #tpu.memory_space<vmem>> -> memref<128xi32, #tpu.memory_space<vmem>>
      %dma_wait3A_1079 = arith.constant 0 : i32
      %dma_wait3A_1080 = arith.constant 0 : i32
      %dma_wait3A_1081 = tpu.memref_slice %arg5[%add3A_576, %dma_wait3A_1079, %dma_wait3A_1080] : memref<25000x2x128xi32, #tpu.memory_space<hbm>> -> memref<1x2x128xi32, #tpu.memory_space<hbm>>
      %dma_wait3A_1082 = tpu.memref_squeeze %dma_wait3A_1081 : memref<1x2x128xi32, #tpu.memory_space<hbm>> -> memref<2x128xi32, #tpu.memory_space<hbm>>
      %dma_wait3A_1083 = arith.constant 0 : i32
      %dma_wait3A_1084 = tpu.memref_slice %dma_wait3A_1082[%dma_wait3A_1074, %dma_wait3A_1083] : memref<2x128xi32, #tpu.memory_space<hbm>> -> memref<1x128xi32, #tpu.memory_space<hbm>>
      %dma_wait3A_1085 = tpu.memref_squeeze %dma_wait3A_1084 : memref<1x128xi32, #tpu.memory_space<hbm>> -> memref<128xi32, #tpu.memory_space<hbm>>
      %dma_wait3A_1086 = arith.constant 0 : i32
      %dma_wait3A_1087 = tpu.memref_slice %arg22[%dma_wait3A_1075, %dma_wait3A_1086] : memref<4x128xi32, #tpu.memory_space<vmem>> -> memref<1x128xi32, #tpu.memory_space<vmem>>
      %dma_wait3A_1088 = tpu.memref_squeeze %dma_wait3A_1087 : memref<1x128xi32, #tpu.memory_space<vmem>> -> memref<128xi32, #tpu.memory_space<vmem>>
      %dma_wait3A_1089 = arith.constant 0 : i32
      %dma_wait3A_1090 = arith.constant 0 : i32
      %dma_wait3A_1091 = tpu.memref_slice %arg5[%add3A_576, %dma_wait3A_1089, %dma_wait3A_1090] : memref<25000x2x128xi32, #tpu.memory_space<hbm>> -> memref<1x2x128xi32, #tpu.memory_space<hbm>>
      %dma_wait3A_1092 = tpu.memref_squeeze %dma_wait3A_1091 : memref<1x2x128xi32, #tpu.memory_space<hbm>> -> memref<2x128xi32, #tpu.memory_space<hbm>>
      %dma_wait3A_1093 = arith.constant 0 : i32
      %dma_wait3A_1094 = tpu.memref_slice %dma_wait3A_1092[%dma_wait3A_1074, %dma_wait3A_1093] : memref<2x128xi32, #tpu.memory_space<hbm>> -> memref<1x128xi32, #tpu.memory_space<hbm>>
      %dma_wait3A_1095 = tpu.memref_squeeze %dma_wait3A_1094 : memref<1x128xi32, #tpu.memory_space<hbm>> -> memref<128xi32, #tpu.memory_space<hbm>>
      tpu.wait_dma2 semaphore(%arg30 : memref<!tpu.dma_semaphore, #tpu.memory_space<semaphore_mem>>) src(%dma_wait3A_1095 : memref<128xi32, #tpu.memory_space<hbm>>) dst(%dma_wait3A_1088 : memref<128xi32, #tpu.memory_space<vmem>>)
      %dma_wait3A_1096 = arith.constant 0 : i32
      %dma_wait3A_1097 = arith.constant 2 : i32
      %dma_wait3A_1098 = arith.constant 0 : i32
      %dma_wait3A_1099 = tpu.memref_slice %arg21[%dma_wait3A_1097, %dma_wait3A_1098] : memref<4x128xi32, #tpu.memory_space<vmem>> -> memref<1x128xi32, #tpu.memory_space<vmem>>
      %dma_wait3A_1100 = tpu.memref_squeeze %dma_wait3A_1099 : memref<1x128xi32, #tpu.memory_space<vmem>> -> memref<128xi32, #tpu.memory_space<vmem>>
      %dma_wait3A_1101 = arith.constant 0 : i32
      %dma_wait3A_1102 = arith.constant 0 : i32
      %dma_wait3A_1103 = tpu.memref_slice %arg5[%add3A_600, %dma_wait3A_1101, %dma_wait3A_1102] : memref<25000x2x128xi32, #tpu.memory_space<hbm>> -> memref<1x2x128xi32, #tpu.memory_space<hbm>>
      %dma_wait3A_1104 = tpu.memref_squeeze %dma_wait3A_1103 : memref<1x2x128xi32, #tpu.memory_space<hbm>> -> memref<2x128xi32, #tpu.memory_space<hbm>>
      %dma_wait3A_1105 = arith.constant 0 : i32
      %dma_wait3A_1106 = tpu.memref_slice %dma_wait3A_1104[%dma_wait3A_1096, %dma_wait3A_1105] : memref<2x128xi32, #tpu.memory_space<hbm>> -> memref<1x128xi32, #tpu.memory_space<hbm>>
      %dma_wait3A_1107 = tpu.memref_squeeze %dma_wait3A_1106 : memref<1x128xi32, #tpu.memory_space<hbm>> -> memref<128xi32, #tpu.memory_space<hbm>>
      %dma_wait3A_1108 = arith.constant 0 : i32
      %dma_wait3A_1109 = tpu.memref_slice %arg21[%dma_wait3A_1097, %dma_wait3A_1108] : memref<4x128xi32, #tpu.memory_space<vmem>> -> memref<1x128xi32, #tpu.memory_space<vmem>>
      %dma_wait3A_1110 = tpu.memref_squeeze %dma_wait3A_1109 : memref<1x128xi32, #tpu.memory_space<vmem>> -> memref<128xi32, #tpu.memory_space<vmem>>
      %dma_wait3A_1111 = arith.constant 0 : i32
      %dma_wait3A_1112 = arith.constant 0 : i32
      %dma_wait3A_1113 = tpu.memref_slice %arg5[%add3A_600, %dma_wait3A_1111, %dma_wait3A_1112] : memref<25000x2x128xi32, #tpu.memory_space<hbm>> -> memref<1x2x128xi32, #tpu.memory_space<hbm>>
      %dma_wait3A_1114 = tpu.memref_squeeze %dma_wait3A_1113 : memref<1x2x128xi32, #tpu.memory_space<hbm>> -> memref<2x128xi32, #tpu.memory_space<hbm>>
      %dma_wait3A_1115 = arith.constant 0 : i32
      %dma_wait3A_1116 = tpu.memref_slice %dma_wait3A_1114[%dma_wait3A_1096, %dma_wait3A_1115] : memref<2x128xi32, #tpu.memory_space<hbm>> -> memref<1x128xi32, #tpu.memory_space<hbm>>
      %dma_wait3A_1117 = tpu.memref_squeeze %dma_wait3A_1116 : memref<1x128xi32, #tpu.memory_space<hbm>> -> memref<128xi32, #tpu.memory_space<hbm>>
      tpu.wait_dma2 semaphore(%arg30 : memref<!tpu.dma_semaphore, #tpu.memory_space<semaphore_mem>>) src(%dma_wait3A_1117 : memref<128xi32, #tpu.memory_space<hbm>>) dst(%dma_wait3A_1110 : memref<128xi32, #tpu.memory_space<vmem>>)
      %dma_wait3A_1118 = arith.constant 1 : i32
      %dma_wait3A_1119 = arith.constant 2 : i32
      %dma_wait3A_1120 = arith.constant 0 : i32
      %dma_wait3A_1121 = tpu.memref_slice %arg22[%dma_wait3A_1119, %dma_wait3A_1120] : memref<4x128xi32, #tpu.memory_space<vmem>> -> memref<1x128xi32, #tpu.memory_space<vmem>>
      %dma_wait3A_1122 = tpu.memref_squeeze %dma_wait3A_1121 : memref<1x128xi32, #tpu.memory_space<vmem>> -> memref<128xi32, #tpu.memory_space<vmem>>
      %dma_wait3A_1123 = arith.constant 0 : i32
      %dma_wait3A_1124 = arith.constant 0 : i32
      %dma_wait3A_1125 = tpu.memref_slice %arg5[%add3A_624, %dma_wait3A_1123, %dma_wait3A_1124] : memref<25000x2x128xi32, #tpu.memory_space<hbm>> -> memref<1x2x128xi32, #tpu.memory_space<hbm>>
      %dma_wait3A_1126 = tpu.memref_squeeze %dma_wait3A_1125 : memref<1x2x128xi32, #tpu.memory_space<hbm>> -> memref<2x128xi32, #tpu.memory_space<hbm>>
      %dma_wait3A_1127 = arith.constant 0 : i32
      %dma_wait3A_1128 = tpu.memref_slice %dma_wait3A_1126[%dma_wait3A_1118, %dma_wait3A_1127] : memref<2x128xi32, #tpu.memory_space<hbm>> -> memref<1x128xi32, #tpu.memory_space<hbm>>
      %dma_wait3A_1129 = tpu.memref_squeeze %dma_wait3A_1128 : memref<1x128xi32, #tpu.memory_space<hbm>> -> memref<128xi32, #tpu.memory_space<hbm>>
      %dma_wait3A_1130 = arith.constant 0 : i32
      %dma_wait3A_1131 = tpu.memref_slice %arg22[%dma_wait3A_1119, %dma_wait3A_1130] : memref<4x128xi32, #tpu.memory_space<vmem>> -> memref<1x128xi32, #tpu.memory_space<vmem>>
      %dma_wait3A_1132 = tpu.memref_squeeze %dma_wait3A_1131 : memref<1x128xi32, #tpu.memory_space<vmem>> -> memref<128xi32, #tpu.memory_space<vmem>>
      %dma_wait3A_1133 = arith.constant 0 : i32
      %dma_wait3A_1134 = arith.constant 0 : i32
      %dma_wait3A_1135 = tpu.memref_slice %arg5[%add3A_624, %dma_wait3A_1133, %dma_wait3A_1134] : memref<25000x2x128xi32, #tpu.memory_space<hbm>> -> memref<1x2x128xi32, #tpu.memory_space<hbm>>
      %dma_wait3A_1136 = tpu.memref_squeeze %dma_wait3A_1135 : memref<1x2x128xi32, #tpu.memory_space<hbm>> -> memref<2x128xi32, #tpu.memory_space<hbm>>
      %dma_wait3A_1137 = arith.constant 0 : i32
      %dma_wait3A_1138 = tpu.memref_slice %dma_wait3A_1136[%dma_wait3A_1118, %dma_wait3A_1137] : memref<2x128xi32, #tpu.memory_space<hbm>> -> memref<1x128xi32, #tpu.memory_space<hbm>>
      %dma_wait3A_1139 = tpu.memref_squeeze %dma_wait3A_1138 : memref<1x128xi32, #tpu.memory_space<hbm>> -> memref<128xi32, #tpu.memory_space<hbm>>
      tpu.wait_dma2 semaphore(%arg30 : memref<!tpu.dma_semaphore, #tpu.memory_space<semaphore_mem>>) src(%dma_wait3A_1139 : memref<128xi32, #tpu.memory_space<hbm>>) dst(%dma_wait3A_1132 : memref<128xi32, #tpu.memory_space<vmem>>)
      %dma_wait3A_1140 = arith.constant 0 : i32
      %dma_wait3A_1141 = arith.constant 3 : i32
      %dma_wait3A_1142 = arith.constant 0 : i32
      %dma_wait3A_1143 = tpu.memref_slice %arg21[%dma_wait3A_1141, %dma_wait3A_1142] : memref<4x128xi32, #tpu.memory_space<vmem>> -> memref<1x128xi32, #tpu.memory_space<vmem>>
      %dma_wait3A_1144 = tpu.memref_squeeze %dma_wait3A_1143 : memref<1x128xi32, #tpu.memory_space<vmem>> -> memref<128xi32, #tpu.memory_space<vmem>>
      %dma_wait3A_1145 = arith.constant 0 : i32
      %dma_wait3A_1146 = arith.constant 0 : i32
      %dma_wait3A_1147 = tpu.memref_slice %arg5[%add3A_648, %dma_wait3A_1145, %dma_wait3A_1146] : memref<25000x2x128xi32, #tpu.memory_space<hbm>> -> memref<1x2x128xi32, #tpu.memory_space<hbm>>
      %dma_wait3A_1148 = tpu.memref_squeeze %dma_wait3A_1147 : memref<1x2x128xi32, #tpu.memory_space<hbm>> -> memref<2x128xi32, #tpu.memory_space<hbm>>
      %dma_wait3A_1149 = arith.constant 0 : i32
      %dma_wait3A_1150 = tpu.memref_slice %dma_wait3A_1148[%dma_wait3A_1140, %dma_wait3A_1149] : memref<2x128xi32, #tpu.memory_space<hbm>> -> memref<1x128xi32, #tpu.memory_space<hbm>>
      %dma_wait3A_1151 = tpu.memref_squeeze %dma_wait3A_1150 : memref<1x128xi32, #tpu.memory_space<hbm>> -> memref<128xi32, #tpu.memory_space<hbm>>
      %dma_wait3A_1152 = arith.constant 0 : i32
      %dma_wait3A_1153 = tpu.memref_slice %arg21[%dma_wait3A_1141, %dma_wait3A_1152] : memref<4x128xi32, #tpu.memory_space<vmem>> -> memref<1x128xi32, #tpu.memory_space<vmem>>
      %dma_wait3A_1154 = tpu.memref_squeeze %dma_wait3A_1153 : memref<1x128xi32, #tpu.memory_space<vmem>> -> memref<128xi32, #tpu.memory_space<vmem>>
      %dma_wait3A_1155 = arith.constant 0 : i32
      %dma_wait3A_1156 = arith.constant 0 : i32
      %dma_wait3A_1157 = tpu.memref_slice %arg5[%add3A_648, %dma_wait3A_1155, %dma_wait3A_1156] : memref<25000x2x128xi32, #tpu.memory_space<hbm>> -> memref<1x2x128xi32, #tpu.memory_space<hbm>>
      %dma_wait3A_1158 = tpu.memref_squeeze %dma_wait3A_1157 : memref<1x2x128xi32, #tpu.memory_space<hbm>> -> memref<2x128xi32, #tpu.memory_space<hbm>>
      %dma_wait3A_1159 = arith.constant 0 : i32
      %dma_wait3A_1160 = tpu.memref_slice %dma_wait3A_1158[%dma_wait3A_1140, %dma_wait3A_1159] : memref<2x128xi32, #tpu.memory_space<hbm>> -> memref<1x128xi32, #tpu.memory_space<hbm>>
      %dma_wait3A_1161 = tpu.memref_squeeze %dma_wait3A_1160 : memref<1x128xi32, #tpu.memory_space<hbm>> -> memref<128xi32, #tpu.memory_space<hbm>>
      tpu.wait_dma2 semaphore(%arg30 : memref<!tpu.dma_semaphore, #tpu.memory_space<semaphore_mem>>) src(%dma_wait3A_1161 : memref<128xi32, #tpu.memory_space<hbm>>) dst(%dma_wait3A_1154 : memref<128xi32, #tpu.memory_space<vmem>>)
      %dma_wait3A_1162 = arith.constant 1 : i32
      %dma_wait3A_1163 = arith.constant 3 : i32
      %dma_wait3A_1164 = arith.constant 0 : i32
      %dma_wait3A_1165 = tpu.memref_slice %arg22[%dma_wait3A_1163, %dma_wait3A_1164] : memref<4x128xi32, #tpu.memory_space<vmem>> -> memref<1x128xi32, #tpu.memory_space<vmem>>
      %dma_wait3A_1166 = tpu.memref_squeeze %dma_wait3A_1165 : memref<1x128xi32, #tpu.memory_space<vmem>> -> memref<128xi32, #tpu.memory_space<vmem>>
      %dma_wait3A_1167 = arith.constant 0 : i32
      %dma_wait3A_1168 = arith.constant 0 : i32
      %dma_wait3A_1169 = tpu.memref_slice %arg5[%add3A_672, %dma_wait3A_1167, %dma_wait3A_1168] : memref<25000x2x128xi32, #tpu.memory_space<hbm>> -> memref<1x2x128xi32, #tpu.memory_space<hbm>>
      %dma_wait3A_1170 = tpu.memref_squeeze %dma_wait3A_1169 : memref<1x2x128xi32, #tpu.memory_space<hbm>> -> memref<2x128xi32, #tpu.memory_space<hbm>>
      %dma_wait3A_1171 = arith.constant 0 : i32
      %dma_wait3A_1172 = tpu.memref_slice %dma_wait3A_1170[%dma_wait3A_1162, %dma_wait3A_1171] : memref<2x128xi32, #tpu.memory_space<hbm>> -> memref<1x128xi32, #tpu.memory_space<hbm>>
      %dma_wait3A_1173 = tpu.memref_squeeze %dma_wait3A_1172 : memref<1x128xi32, #tpu.memory_space<hbm>> -> memref<128xi32, #tpu.memory_space<hbm>>
      %dma_wait3A_1174 = arith.constant 0 : i32
      %dma_wait3A_1175 = tpu.memref_slice %arg22[%dma_wait3A_1163, %dma_wait3A_1174] : memref<4x128xi32, #tpu.memory_space<vmem>> -> memref<1x128xi32, #tpu.memory_space<vmem>>
      %dma_wait3A_1176 = tpu.memref_squeeze %dma_wait3A_1175 : memref<1x128xi32, #tpu.memory_space<vmem>> -> memref<128xi32, #tpu.memory_space<vmem>>
      %dma_wait3A_1177 = arith.constant 0 : i32
      %dma_wait3A_1178 = arith.constant 0 : i32
      %dma_wait3A_1179 = tpu.memref_slice %arg5[%add3A_672, %dma_wait3A_1177, %dma_wait3A_1178] : memref<25000x2x128xi32, #tpu.memory_space<hbm>> -> memref<1x2x128xi32, #tpu.memory_space<hbm>>
      %dma_wait3A_1180 = tpu.memref_squeeze %dma_wait3A_1179 : memref<1x2x128xi32, #tpu.memory_space<hbm>> -> memref<2x128xi32, #tpu.memory_space<hbm>>
      %dma_wait3A_1181 = arith.constant 0 : i32
      %dma_wait3A_1182 = tpu.memref_slice %dma_wait3A_1180[%dma_wait3A_1162, %dma_wait3A_1181] : memref<2x128xi32, #tpu.memory_space<hbm>> -> memref<1x128xi32, #tpu.memory_space<hbm>>
      %dma_wait3A_1183 = tpu.memref_squeeze %dma_wait3A_1182 : memref<1x128xi32, #tpu.memory_space<hbm>> -> memref<128xi32, #tpu.memory_space<hbm>>
      tpu.wait_dma2 semaphore(%arg30 : memref<!tpu.dma_semaphore, #tpu.memory_space<semaphore_mem>>) src(%dma_wait3A_1183 : memref<128xi32, #tpu.memory_space<hbm>>) dst(%dma_wait3A_1176 : memref<128xi32, #tpu.memory_space<vmem>>)
      %scan3A_1184 = arith.constant 0 : i32
      %scan3A_1185 = arith.constant 0 : i32
      %scan3A_1186 = arith.constant 16 : i32
      %scan3A_1187 = arith.addi %scan3A_1185, %scan3A_1186 : i32
      %scan3A_1188 = arith.constant 1 : i32
      scf.for %scan3A_1310 = %scan3A_1185 to %scan3A_1187 step %scan3A_1188  : i32 {
        %mul3A_1311 = arith.constant 32 : i32
        %mul3A_1312 = arith.muli %scan3A_1310, %mul3A_1311 : i32
        %add3A_1313 = arith.constant 0 : i32
        %add3A_1314 = arith.addi %mul3A_1312, %add3A_1313 : i32
        %add3A_1315 = vector.broadcast %add3A_1314 : i32 to vector<16xi32>
        %add3A_1316 = arith.addi %iota3A, %add3A_1315 : vector<16xi32>
        %mul3A_1317 = arith.constant 32 : i32
        %mul3A_1318 = arith.muli %scan3A_1310, %mul3A_1317 : i32
        %add3A_1319 = arith.constant 0 : i32
        %add3A_1320 = arith.addi %mul3A_1318, %add3A_1319 : i32
        %get3A_1321 = arith.index_cast %add3A_1320 : i32 to index
        %get3A_1322 = tpu.vector_load %arg18[%get3A_1321] {strides = array<i32>} : memref<512xf32, #tpu.memory_space<vmem>>, vector<16xf32>,
        %mul3A_1323 = arith.constant 32 : i32
        %mul3A_1324 = arith.muli %scan3A_1310, %mul3A_1323 : i32
        %add3A_1325 = arith.constant 0 : i32
        %add3A_1326 = arith.addi %mul3A_1324, %add3A_1325 : i32
        %get3A_1327 = arith.index_cast %add3A_1326 : i32 to index
        %get3A_1328 = tpu.vector_load %arg19[%get3A_1327] {strides = array<i32>} : memref<512xf32, #tpu.memory_space<vmem>>, vector<16xf32>,
        %mul3A_1329 = arith.constant 32 : i32
        %mul3A_1330 = arith.muli %scan3A_1310, %mul3A_1329 : i32
        %add3A_1331 = arith.constant 0 : i32
        %add3A_1332 = arith.addi %mul3A_1330, %add3A_1331 : i32
        %get3A_1333 = arith.index_cast %add3A_1332 : i32 to index
        %get3A_1334 = tpu.vector_load %arg20[%get3A_1333] {strides = array<i32>} : memref<512xf32, #tpu.memory_space<vmem>>, vector<16xf32>,
        %mul3A_1335 = arith.mulf %get3A_1322, %get3A_1322 : vector<16xf32>
        %mul3A_1336 = arith.mulf %mul3A_1335, %mul3A_8 : vector<16xf32>
        %mul3A_1337 = arith.mulf %get3A_1328, %get3A_1328 : vector<16xf32>
        %mul3A_1338 = arith.mulf %mul3A_1337, %mul3A_9 : vector<16xf32>
        %add3A_1339 = arith.addf %mul3A_1336, %mul3A_1338 : vector<16xf32>
        %mul3A_1340 = arith.mulf %get3A_1334, %get3A_1334 : vector<16xf32>
        %mul3A_1341 = arith.mulf %mul3A_1340, %mul3A_10 : vector<16xf32>
        %add3A_1342 = arith.addf %add3A_1339, %mul3A_1341 : vector<16xf32>
        %neg3A = arith.constant 0.000000e+00 : f32
        %neg3A_1343 = vector.broadcast %neg3A : f32 to vector<16xf32>
        %neg3A_1344 = arith.subf %neg3A_1343, %add3A_1342 : vector<16xf32>
        %exp3A = math.exp %neg3A_1344 : vector<16xf32>
        %mul3A_1345 = arith.constant -2.000000e+00 : f32
        %mul3A_1346 = vector.broadcast %mul3A_1345 : f32 to vector<16xf32>
        %mul3A_1347 = arith.mulf %exp3A, %mul3A_1346 : vector<16xf32>
        %mul3A_1348 = arith.mulf %mul3A_1347, %mul3A_8 : vector<16xf32>
        %mul3A_1349 = arith.mulf %mul3A_1348, %get3A_1322 : vector<16xf32>
        %mul3A_1350 = arith.mulf %mul3A_1347, %mul3A_9 : vector<16xf32>
        %mul3A_1351 = arith.mulf %mul3A_1350, %get3A_1328 : vector<16xf32>
        %mul3A_1352 = arith.mulf %mul3A_1347, %mul3A_10 : vector<16xf32>
        %mul3A_1353 = arith.mulf %mul3A_1352, %get3A_1334 : vector<16xf32>
        tpu.vector_store_idx %arg23[%add3A_1316, %broadcast_in_dim3A_11], %mul3A_1349 : memref<512x8xf32, #tpu.memory_space<vmem>>[vector<16xi32>, vector<16xi32>], vector<16xf32>,
        tpu.vector_store_idx %arg23[%add3A_1316, %broadcast_in_dim3A_13], %mul3A_1351 : memref<512x8xf32, #tpu.memory_space<vmem>>[vector<16xi32>, vector<16xi32>], vector<16xf32>,
        tpu.vector_store_idx %arg23[%add3A_1316, %broadcast_in_dim3A_15], %mul3A_1353 : memref<512x8xf32, #tpu.memory_space<vmem>>[vector<16xi32>, vector<16xi32>], vector<16xf32>,
        %neg3A_1354 = arith.constant 0.000000e+00 : f32
        %neg3A_1355 = vector.broadcast %neg3A_1354 : f32 to vector<16xf32>
        %neg3A_1356 = arith.subf %neg3A_1355, %mul3A_1349 : vector<16xf32>
        tpu.vector_store_idx %arg24[%add3A_1316, %broadcast_in_dim3A_11], %neg3A_1356 : memref<512x8xf32, #tpu.memory_space<vmem>>[vector<16xi32>, vector<16xi32>], vector<16xf32>,
        %neg3A_1357 = arith.constant 0.000000e+00 : f32
        %neg3A_1358 = vector.broadcast %neg3A_1357 : f32 to vector<16xf32>
        %neg3A_1359 = arith.subf %neg3A_1358, %mul3A_1351 : vector<16xf32>
        tpu.vector_store_idx %arg24[%add3A_1316, %broadcast_in_dim3A_13], %neg3A_1359 : memref<512x8xf32, #tpu.memory_space<vmem>>[vector<16xi32>, vector<16xi32>], vector<16xf32>,
        %neg3A_1360 = arith.constant 0.000000e+00 : f32
        %neg3A_1361 = vector.broadcast %neg3A_1360 : f32 to vector<16xf32>
        %neg3A_1362 = arith.subf %neg3A_1361, %mul3A_1353 : vector<16xf32>
        tpu.vector_store_idx %arg24[%add3A_1316, %broadcast_in_dim3A_15], %neg3A_1362 : memref<512x8xf32, #tpu.memory_space<vmem>>[vector<16xi32>, vector<16xi32>], vector<16xf32>,
        %mul3A_1363 = arith.mulf %get3A_1322, %mul3A_1349 : vector<16xf32>
        tpu.vector_store_idx %arg25[%add3A_1316, %broadcast_in_dim3A_11], %mul3A_1363 : memref<512x8xf32, #tpu.memory_space<vmem>>[vector<16xi32>, vector<16xi32>], vector<16xf32>,
        %mul3A_1364 = arith.mulf %get3A_1328, %mul3A_1351 : vector<16xf32>
        tpu.vector_store_idx %arg25[%add3A_1316, %broadcast_in_dim3A_13], %mul3A_1364 : memref<512x8xf32, #tpu.memory_space<vmem>>[vector<16xi32>, vector<16xi32>], vector<16xf32>,
        %mul3A_1365 = arith.mulf %get3A_1334, %mul3A_1353 : vector<16xf32>
        tpu.vector_store_idx %arg25[%add3A_1316, %broadcast_in_dim3A_15], %mul3A_1365 : memref<512x8xf32, #tpu.memory_space<vmem>>[vector<16xi32>, vector<16xi32>], vector<16xf32>,
        %mul3A_1366 = arith.mulf %get3A_1322, %mul3A_1351 : vector<16xf32>
        tpu.vector_store_idx %arg25[%add3A_1316, %broadcast_in_dim3A_17], %mul3A_1366 : memref<512x8xf32, #tpu.memory_space<vmem>>[vector<16xi32>, vector<16xi32>], vector<16xf32>,
        %mul3A_1367 = arith.mulf %get3A_1328, %mul3A_1353 : vector<16xf32>
        tpu.vector_store_idx %arg25[%add3A_1316, %broadcast_in_dim3A_19], %mul3A_1367 : memref<512x8xf32, #tpu.memory_space<vmem>>[vector<16xi32>, vector<16xi32>], vector<16xf32>,
        %mul3A_1368 = arith.mulf %get3A_1334, %mul3A_1349 : vector<16xf32>
        tpu.vector_store_idx %arg25[%add3A_1316, %broadcast_in_dim3A_21], %mul3A_1368 : memref<512x8xf32, #tpu.memory_space<vmem>>[vector<16xi32>, vector<16xi32>], vector<16xf32>,
        %mul3A_1369 = arith.constant 32 : i32
        %mul3A_1370 = arith.muli %scan3A_1310, %mul3A_1369 : i32
        %add3A_1371 = arith.constant 16 : i32
        %add3A_1372 = arith.addi %mul3A_1370, %add3A_1371 : i32
        %add3A_1373 = vector.broadcast %add3A_1372 : i32 to vector<16xi32>
        %add3A_1374 = arith.addi %iota3A, %add3A_1373 : vector<16xi32>
        %mul3A_1375 = arith.constant 32 : i32
        %mul3A_1376 = arith.muli %scan3A_1310, %mul3A_1375 : i32
        %add3A_1377 = arith.constant 16 : i32
        %add3A_1378 = arith.addi %mul3A_1376, %add3A_1377 : i32
        %get3A_1379 = arith.index_cast %add3A_1378 : i32 to index
        %get3A_1380 = tpu.vector_load %arg18[%get3A_1379] {strides = array<i32>} : memref<512xf32, #tpu.memory_space<vmem>>, vector<16xf32>,
        %mul3A_1381 = arith.constant 32 : i32
        %mul3A_1382 = arith.muli %scan3A_1310, %mul3A_1381 : i32
        %add3A_1383 = arith.constant 16 : i32
        %add3A_1384 = arith.addi %mul3A_1382, %add3A_1383 : i32
        %get3A_1385 = arith.index_cast %add3A_1384 : i32 to index
        %get3A_1386 = tpu.vector_load %arg19[%get3A_1385] {strides = array<i32>} : memref<512xf32, #tpu.memory_space<vmem>>, vector<16xf32>,
        %mul3A_1387 = arith.constant 32 : i32
        %mul3A_1388 = arith.muli %scan3A_1310, %mul3A_1387 : i32
        %add3A_1389 = arith.constant 16 : i32
        %add3A_1390 = arith.addi %mul3A_1388, %add3A_1389 : i32
        %get3A_1391 = arith.index_cast %add3A_1390 : i32 to index
        %get3A_1392 = tpu.vector_load %arg20[%get3A_1391] {strides = array<i32>} : memref<512xf32, #tpu.memory_space<vmem>>, vector<16xf32>,
        %mul3A_1393 = arith.mulf %get3A_1380, %get3A_1380 : vector<16xf32>
        %mul3A_1394 = arith.mulf %mul3A_1393, %mul3A_8 : vector<16xf32>
        %mul3A_1395 = arith.mulf %get3A_1386, %get3A_1386 : vector<16xf32>
        %mul3A_1396 = arith.mulf %mul3A_1395, %mul3A_9 : vector<16xf32>
        %add3A_1397 = arith.addf %mul3A_1394, %mul3A_1396 : vector<16xf32>
        %mul3A_1398 = arith.mulf %get3A_1392, %get3A_1392 : vector<16xf32>
        %mul3A_1399 = arith.mulf %mul3A_1398, %mul3A_10 : vector<16xf32>
        %add3A_1400 = arith.addf %add3A_1397, %mul3A_1399 : vector<16xf32>
        %neg3A_1401 = arith.constant 0.000000e+00 : f32
        %neg3A_1402 = vector.broadcast %neg3A_1401 : f32 to vector<16xf32>
        %neg3A_1403 = arith.subf %neg3A_1402, %add3A_1400 : vector<16xf32>
        %exp3A_1404 = math.exp %neg3A_1403 : vector<16xf32>
        %mul3A_1405 = arith.constant -2.000000e+00 : f32
        %mul3A_1406 = vector.broadcast %mul3A_1405 : f32 to vector<16xf32>
        %mul3A_1407 = arith.mulf %exp3A_1404, %mul3A_1406 : vector<16xf32>
        %mul3A_1408 = arith.mulf %mul3A_1407, %mul3A_8 : vector<16xf32>
        %mul3A_1409 = arith.mulf %mul3A_1408, %get3A_1380 : vector<16xf32>
        %mul3A_1410 = arith.mulf %mul3A_1407, %mul3A_9 : vector<16xf32>
        %mul3A_1411 = arith.mulf %mul3A_1410, %get3A_1386 : vector<16xf32>
        %mul3A_1412 = arith.mulf %mul3A_1407, %mul3A_10 : vector<16xf32>
        %mul3A_1413 = arith.mulf %mul3A_1412, %get3A_1392 : vector<16xf32>
        tpu.vector_store_idx %arg23[%add3A_1374, %broadcast_in_dim3A_11], %mul3A_1409 : memref<512x8xf32, #tpu.memory_space<vmem>>[vector<16xi32>, vector<16xi32>], vector<16xf32>,
        tpu.vector_store_idx %arg23[%add3A_1374, %broadcast_in_dim3A_13], %mul3A_1411 : memref<512x8xf32, #tpu.memory_space<vmem>>[vector<16xi32>, vector<16xi32>], vector<16xf32>,
        tpu.vector_store_idx %arg23[%add3A_1374, %broadcast_in_dim3A_15], %mul3A_1413 : memref<512x8xf32, #tpu.memory_space<vmem>>[vector<16xi32>, vector<16xi32>], vector<16xf32>,
        %neg3A_1414 = arith.constant 0.000000e+00 : f32
        %neg3A_1415 = vector.broadcast %neg3A_1414 : f32 to vector<16xf32>
        %neg3A_1416 = arith.subf %neg3A_1415, %mul3A_1409 : vector<16xf32>
        tpu.vector_store_idx %arg24[%add3A_1374, %broadcast_in_dim3A_11], %neg3A_1416 : memref<512x8xf32, #tpu.memory_space<vmem>>[vector<16xi32>, vector<16xi32>], vector<16xf32>,
        %neg3A_1417 = arith.constant 0.000000e+00 : f32
        %neg3A_1418 = vector.broadcast %neg3A_1417 : f32 to vector<16xf32>
        %neg3A_1419 = arith.subf %neg3A_1418, %mul3A_1411 : vector<16xf32>
        tpu.vector_store_idx %arg24[%add3A_1374, %broadcast_in_dim3A_13], %neg3A_1419 : memref<512x8xf32, #tpu.memory_space<vmem>>[vector<16xi32>, vector<16xi32>], vector<16xf32>,
        %neg3A_1420 = arith.constant 0.000000e+00 : f32
        %neg3A_1421 = vector.broadcast %neg3A_1420 : f32 to vector<16xf32>
        %neg3A_1422 = arith.subf %neg3A_1421, %mul3A_1413 : vector<16xf32>
        tpu.vector_store_idx %arg24[%add3A_1374, %broadcast_in_dim3A_15], %neg3A_1422 : memref<512x8xf32, #tpu.memory_space<vmem>>[vector<16xi32>, vector<16xi32>], vector<16xf32>,
        %mul3A_1423 = arith.mulf %get3A_1380, %mul3A_1409 : vector<16xf32>
        tpu.vector_store_idx %arg25[%add3A_1374, %broadcast_in_dim3A_11], %mul3A_1423 : memref<512x8xf32, #tpu.memory_space<vmem>>[vector<16xi32>, vector<16xi32>], vector<16xf32>,
        %mul3A_1424 = arith.mulf %get3A_1386, %mul3A_1411 : vector<16xf32>
        tpu.vector_store_idx %arg25[%add3A_1374, %broadcast_in_dim3A_13], %mul3A_1424 : memref<512x8xf32, #tpu.memory_space<vmem>>[vector<16xi32>, vector<16xi32>], vector<16xf32>,
        %mul3A_1425 = arith.mulf %get3A_1392, %mul3A_1413 : vector<16xf32>
        tpu.vector_store_idx %arg25[%add3A_1374, %broadcast_in_dim3A_15], %mul3A_1425 : memref<512x8xf32, #tpu.memory_space<vmem>>[vector<16xi32>, vector<16xi32>], vector<16xf32>,
        %mul3A_1426 = arith.mulf %get3A_1380, %mul3A_1411 : vector<16xf32>
        tpu.vector_store_idx %arg25[%add3A_1374, %broadcast_in_dim3A_17], %mul3A_1426 : memref<512x8xf32, #tpu.memory_space<vmem>>[vector<16xi32>, vector<16xi32>], vector<16xf32>,
        %mul3A_1427 = arith.mulf %get3A_1386, %mul3A_1413 : vector<16xf32>
        tpu.vector_store_idx %arg25[%add3A_1374, %broadcast_in_dim3A_19], %mul3A_1427 : memref<512x8xf32, #tpu.memory_space<vmem>>[vector<16xi32>, vector<16xi32>], vector<16xf32>,
        %mul3A_1428 = arith.mulf %get3A_1392, %mul3A_1409 : vector<16xf32>
        tpu.vector_store_idx %arg25[%add3A_1374, %broadcast_in_dim3A_21], %mul3A_1428 : memref<512x8xf32, #tpu.memory_space<vmem>>[vector<16xi32>, vector<16xi32>], vector<16xf32>,
      }
      %scan3A_1189 = arith.constant 16 : i32
      %dma_start3A_1190 = arith.constant 0 : i32
      %dma_start3A_1191 = arith.constant 0 : i32
      %dma_start3A_1192 = arith.constant 0 : i32
      %dma_start3A_1193 = tpu.memref_slice %arg23[%dma_start3A_1191, %dma_start3A_1192] : memref<512x8xf32, #tpu.memory_space<vmem>> -> memref<128x8xf32, #tpu.memory_space<vmem>>
      %dma_start3A_1194 = arith.constant 0 : i32
      %dma_start3A_1195 = tpu.memref_slice %arg21[%dma_start3A_1190, %dma_start3A_1194] : memref<4x128xi32, #tpu.memory_space<vmem>> -> memref<1x128xi32, #tpu.memory_space<vmem>>
      %dma_start3A_1196 = tpu.memref_squeeze %dma_start3A_1195 : memref<1x128xi32, #tpu.memory_space<vmem>> -> memref<128xi32, #tpu.memory_space<vmem>>
      %dma_start3A_1197 = arith.constant 0 : i32
      %dma_start3A_1198 = arith.constant 0 : i32
      %dma_start3A_1199 = tpu.memref_slice %arg27[%dma_start3A_1197, %dma_start3A_1198] : memref<100096x8xf32, #tpu.memory_space<vmem_shared>> -> memref<100096x8xf32, #tpu.memory_space<vmem_shared>>
      tpu.enqueue_indirect_dma source(%dma_start3A_1193 : memref<128x8xf32, #tpu.memory_space<vmem>>) target(%dma_start3A_1199 : memref<100096x8xf32, #tpu.memory_space<vmem_shared>>) offsets(%dma_start3A_1196 : memref<128xi32, #tpu.memory_space<vmem>>) semaphore(%arg32 : memref<!tpu.dma_semaphore, #tpu.memory_space<semaphore_mem>>) {add = true}
      %dma_start3A_1200 = arith.constant 0 : i32
      %dma_start3A_1201 = arith.constant 0 : i32
      %dma_start3A_1202 = arith.constant 0 : i32
      %dma_start3A_1203 = tpu.memref_slice %arg24[%dma_start3A_1201, %dma_start3A_1202] : memref<512x8xf32, #tpu.memory_space<vmem>> -> memref<128x8xf32, #tpu.memory_space<vmem>>
      %dma_start3A_1204 = arith.constant 0 : i32
      %dma_start3A_1205 = tpu.memref_slice %arg22[%dma_start3A_1200, %dma_start3A_1204] : memref<4x128xi32, #tpu.memory_space<vmem>> -> memref<1x128xi32, #tpu.memory_space<vmem>>
      %dma_start3A_1206 = tpu.memref_squeeze %dma_start3A_1205 : memref<1x128xi32, #tpu.memory_space<vmem>> -> memref<128xi32, #tpu.memory_space<vmem>>
      %dma_start3A_1207 = arith.constant 0 : i32
      %dma_start3A_1208 = arith.constant 0 : i32
      %dma_start3A_1209 = tpu.memref_slice %arg27[%dma_start3A_1207, %dma_start3A_1208] : memref<100096x8xf32, #tpu.memory_space<vmem_shared>> -> memref<100096x8xf32, #tpu.memory_space<vmem_shared>>
      tpu.enqueue_indirect_dma source(%dma_start3A_1203 : memref<128x8xf32, #tpu.memory_space<vmem>>) target(%dma_start3A_1209 : memref<100096x8xf32, #tpu.memory_space<vmem_shared>>) offsets(%dma_start3A_1206 : memref<128xi32, #tpu.memory_space<vmem>>) semaphore(%arg32 : memref<!tpu.dma_semaphore, #tpu.memory_space<semaphore_mem>>) {add = true}
      %dma_start3A_1210 = arith.constant 0 : i32
      %dma_start3A_1211 = arith.constant 0 : i32
      %dma_start3A_1212 = arith.constant 0 : i32
      %dma_start3A_1213 = tpu.memref_slice %arg25[%dma_start3A_1211, %dma_start3A_1212] : memref<512x8xf32, #tpu.memory_space<vmem>> -> memref<128x8xf32, #tpu.memory_space<vmem>>
      %dma_start3A_1214 = arith.constant 0 : i32
      %dma_start3A_1215 = tpu.memref_slice %arg22[%dma_start3A_1210, %dma_start3A_1214] : memref<4x128xi32, #tpu.memory_space<vmem>> -> memref<1x128xi32, #tpu.memory_space<vmem>>
      %dma_start3A_1216 = tpu.memref_squeeze %dma_start3A_1215 : memref<1x128xi32, #tpu.memory_space<vmem>> -> memref<128xi32, #tpu.memory_space<vmem>>
      %dma_start3A_1217 = arith.constant 0 : i32
      %dma_start3A_1218 = arith.constant 0 : i32
      %dma_start3A_1219 = tpu.memref_slice %arg28[%dma_start3A_1217, %dma_start3A_1218] : memref<100096x8xf32, #tpu.memory_space<vmem_shared>> -> memref<100096x8xf32, #tpu.memory_space<vmem_shared>>
      tpu.enqueue_indirect_dma source(%dma_start3A_1213 : memref<128x8xf32, #tpu.memory_space<vmem>>) target(%dma_start3A_1219 : memref<100096x8xf32, #tpu.memory_space<vmem_shared>>) offsets(%dma_start3A_1216 : memref<128xi32, #tpu.memory_space<vmem>>) semaphore(%arg32 : memref<!tpu.dma_semaphore, #tpu.memory_space<semaphore_mem>>) {add = true}
      %dma_start3A_1220 = arith.constant 1 : i32
      %dma_start3A_1221 = arith.constant 128 : i32
      %dma_start3A_1222 = arith.constant 0 : i32
      %dma_start3A_1223 = tpu.memref_slice %arg23[%dma_start3A_1221, %dma_start3A_1222] : memref<512x8xf32, #tpu.memory_space<vmem>> -> memref<128x8xf32, #tpu.memory_space<vmem>>
      %dma_start3A_1224 = arith.constant 0 : i32
      %dma_start3A_1225 = tpu.memref_slice %arg21[%dma_start3A_1220, %dma_start3A_1224] : memref<4x128xi32, #tpu.memory_space<vmem>> -> memref<1x128xi32, #tpu.memory_space<vmem>>
      %dma_start3A_1226 = tpu.memref_squeeze %dma_start3A_1225 : memref<1x128xi32, #tpu.memory_space<vmem>> -> memref<128xi32, #tpu.memory_space<vmem>>
      %dma_start3A_1227 = arith.constant 0 : i32
      %dma_start3A_1228 = arith.constant 0 : i32
      %dma_start3A_1229 = tpu.memref_slice %arg27[%dma_start3A_1227, %dma_start3A_1228] : memref<100096x8xf32, #tpu.memory_space<vmem_shared>> -> memref<100096x8xf32, #tpu.memory_space<vmem_shared>>
      tpu.enqueue_indirect_dma source(%dma_start3A_1223 : memref<128x8xf32, #tpu.memory_space<vmem>>) target(%dma_start3A_1229 : memref<100096x8xf32, #tpu.memory_space<vmem_shared>>) offsets(%dma_start3A_1226 : memref<128xi32, #tpu.memory_space<vmem>>) semaphore(%arg32 : memref<!tpu.dma_semaphore, #tpu.memory_space<semaphore_mem>>) {add = true}
      %dma_start3A_1230 = arith.constant 1 : i32
      %dma_start3A_1231 = arith.constant 128 : i32
      %dma_start3A_1232 = arith.constant 0 : i32
      %dma_start3A_1233 = tpu.memref_slice %arg24[%dma_start3A_1231, %dma_start3A_1232] : memref<512x8xf32, #tpu.memory_space<vmem>> -> memref<128x8xf32, #tpu.memory_space<vmem>>
      %dma_start3A_1234 = arith.constant 0 : i32
      %dma_start3A_1235 = tpu.memref_slice %arg22[%dma_start3A_1230, %dma_start3A_1234] : memref<4x128xi32, #tpu.memory_space<vmem>> -> memref<1x128xi32, #tpu.memory_space<vmem>>
      %dma_start3A_1236 = tpu.memref_squeeze %dma_start3A_1235 : memref<1x128xi32, #tpu.memory_space<vmem>> -> memref<128xi32, #tpu.memory_space<vmem>>
      %dma_start3A_1237 = arith.constant 0 : i32
      %dma_start3A_1238 = arith.constant 0 : i32
      %dma_start3A_1239 = tpu.memref_slice %arg27[%dma_start3A_1237, %dma_start3A_1238] : memref<100096x8xf32, #tpu.memory_space<vmem_shared>> -> memref<100096x8xf32, #tpu.memory_space<vmem_shared>>
      tpu.enqueue_indirect_dma source(%dma_start3A_1233 : memref<128x8xf32, #tpu.memory_space<vmem>>) target(%dma_start3A_1239 : memref<100096x8xf32, #tpu.memory_space<vmem_shared>>) offsets(%dma_start3A_1236 : memref<128xi32, #tpu.memory_space<vmem>>) semaphore(%arg32 : memref<!tpu.dma_semaphore, #tpu.memory_space<semaphore_mem>>) {add = true}
      %dma_start3A_1240 = arith.constant 1 : i32
      %dma_start3A_1241 = arith.constant 128 : i32
      %dma_start3A_1242 = arith.constant 0 : i32
      %dma_start3A_1243 = tpu.memref_slice %arg25[%dma_start3A_1241, %dma_start3A_1242] : memref<512x8xf32, #tpu.memory_space<vmem>> -> memref<128x8xf32, #tpu.memory_space<vmem>>
      %dma_start3A_1244 = arith.constant 0 : i32
      %dma_start3A_1245 = tpu.memref_slice %arg22[%dma_start3A_1240, %dma_start3A_1244] : memref<4x128xi32, #tpu.memory_space<vmem>> -> memref<1x128xi32, #tpu.memory_space<vmem>>
      %dma_start3A_1246 = tpu.memref_squeeze %dma_start3A_1245 : memref<1x128xi32, #tpu.memory_space<vmem>> -> memref<128xi32, #tpu.memory_space<vmem>>
      %dma_start3A_1247 = arith.constant 0 : i32
      %dma_start3A_1248 = arith.constant 0 : i32
      %dma_start3A_1249 = tpu.memref_slice %arg28[%dma_start3A_1247, %dma_start3A_1248] : memref<100096x8xf32, #tpu.memory_space<vmem_shared>> -> memref<100096x8xf32, #tpu.memory_space<vmem_shared>>
      tpu.enqueue_indirect_dma source(%dma_start3A_1243 : memref<128x8xf32, #tpu.memory_space<vmem>>) target(%dma_start3A_1249 : memref<100096x8xf32, #tpu.memory_space<vmem_shared>>) offsets(%dma_start3A_1246 : memref<128xi32, #tpu.memory_space<vmem>>) semaphore(%arg32 : memref<!tpu.dma_semaphore, #tpu.memory_space<semaphore_mem>>) {add = true}
      %dma_start3A_1250 = arith.constant 2 : i32
      %dma_start3A_1251 = arith.constant 256 : i32
      %dma_start3A_1252 = arith.constant 0 : i32
      %dma_start3A_1253 = tpu.memref_slice %arg23[%dma_start3A_1251, %dma_start3A_1252] : memref<512x8xf32, #tpu.memory_space<vmem>> -> memref<128x8xf32, #tpu.memory_space<vmem>>
      %dma_start3A_1254 = arith.constant 0 : i32
      %dma_start3A_1255 = tpu.memref_slice %arg21[%dma_start3A_1250, %dma_start3A_1254] : memref<4x128xi32, #tpu.memory_space<vmem>> -> memref<1x128xi32, #tpu.memory_space<vmem>>
      %dma_start3A_1256 = tpu.memref_squeeze %dma_start3A_1255 : memref<1x128xi32, #tpu.memory_space<vmem>> -> memref<128xi32, #tpu.memory_space<vmem>>
      %dma_start3A_1257 = arith.constant 0 : i32
      %dma_start3A_1258 = arith.constant 0 : i32
      %dma_start3A_1259 = tpu.memref_slice %arg27[%dma_start3A_1257, %dma_start3A_1258] : memref<100096x8xf32, #tpu.memory_space<vmem_shared>> -> memref<100096x8xf32, #tpu.memory_space<vmem_shared>>
      tpu.enqueue_indirect_dma source(%dma_start3A_1253 : memref<128x8xf32, #tpu.memory_space<vmem>>) target(%dma_start3A_1259 : memref<100096x8xf32, #tpu.memory_space<vmem_shared>>) offsets(%dma_start3A_1256 : memref<128xi32, #tpu.memory_space<vmem>>) semaphore(%arg32 : memref<!tpu.dma_semaphore, #tpu.memory_space<semaphore_mem>>) {add = true}
      %dma_start3A_1260 = arith.constant 2 : i32
      %dma_start3A_1261 = arith.constant 256 : i32
      %dma_start3A_1262 = arith.constant 0 : i32
      %dma_start3A_1263 = tpu.memref_slice %arg24[%dma_start3A_1261, %dma_start3A_1262] : memref<512x8xf32, #tpu.memory_space<vmem>> -> memref<128x8xf32, #tpu.memory_space<vmem>>
      %dma_start3A_1264 = arith.constant 0 : i32
      %dma_start3A_1265 = tpu.memref_slice %arg22[%dma_start3A_1260, %dma_start3A_1264] : memref<4x128xi32, #tpu.memory_space<vmem>> -> memref<1x128xi32, #tpu.memory_space<vmem>>
      %dma_start3A_1266 = tpu.memref_squeeze %dma_start3A_1265 : memref<1x128xi32, #tpu.memory_space<vmem>> -> memref<128xi32, #tpu.memory_space<vmem>>
      %dma_start3A_1267 = arith.constant 0 : i32
      %dma_start3A_1268 = arith.constant 0 : i32
      %dma_start3A_1269 = tpu.memref_slice %arg27[%dma_start3A_1267, %dma_start3A_1268] : memref<100096x8xf32, #tpu.memory_space<vmem_shared>> -> memref<100096x8xf32, #tpu.memory_space<vmem_shared>>
      tpu.enqueue_indirect_dma source(%dma_start3A_1263 : memref<128x8xf32, #tpu.memory_space<vmem>>) target(%dma_start3A_1269 : memref<100096x8xf32, #tpu.memory_space<vmem_shared>>) offsets(%dma_start3A_1266 : memref<128xi32, #tpu.memory_space<vmem>>) semaphore(%arg32 : memref<!tpu.dma_semaphore, #tpu.memory_space<semaphore_mem>>) {add = true}
      %dma_start3A_1270 = arith.constant 2 : i32
      %dma_start3A_1271 = arith.constant 256 : i32
      %dma_start3A_1272 = arith.constant 0 : i32
      %dma_start3A_1273 = tpu.memref_slice %arg25[%dma_start3A_1271, %dma_start3A_1272] : memref<512x8xf32, #tpu.memory_space<vmem>> -> memref<128x8xf32, #tpu.memory_space<vmem>>
      %dma_start3A_1274 = arith.constant 0 : i32
      %dma_start3A_1275 = tpu.memref_slice %arg22[%dma_start3A_1270, %dma_start3A_1274] : memref<4x128xi32, #tpu.memory_space<vmem>> -> memref<1x128xi32, #tpu.memory_space<vmem>>
      %dma_start3A_1276 = tpu.memref_squeeze %dma_start3A_1275 : memref<1x128xi32, #tpu.memory_space<vmem>> -> memref<128xi32, #tpu.memory_space<vmem>>
      %dma_start3A_1277 = arith.constant 0 : i32
      %dma_start3A_1278 = arith.constant 0 : i32
      %dma_start3A_1279 = tpu.memref_slice %arg28[%dma_start3A_1277, %dma_start3A_1278] : memref<100096x8xf32, #tpu.memory_space<vmem_shared>> -> memref<100096x8xf32, #tpu.memory_space<vmem_shared>>
      tpu.enqueue_indirect_dma source(%dma_start3A_1273 : memref<128x8xf32, #tpu.memory_space<vmem>>) target(%dma_start3A_1279 : memref<100096x8xf32, #tpu.memory_space<vmem_shared>>) offsets(%dma_start3A_1276 : memref<128xi32, #tpu.memory_space<vmem>>) semaphore(%arg32 : memref<!tpu.dma_semaphore, #tpu.memory_space<semaphore_mem>>) {add = true}
      %dma_start3A_1280 = arith.constant 3 : i32
      %dma_start3A_1281 = arith.constant 384 : i32
      %dma_start3A_1282 = arith.constant 0 : i32
      %dma_start3A_1283 = tpu.memref_slice %arg23[%dma_start3A_1281, %dma_start3A_1282] : memref<512x8xf32, #tpu.memory_space<vmem>> -> memref<128x8xf32, #tpu.memory_space<vmem>>
      %dma_start3A_1284 = arith.constant 0 : i32
      %dma_start3A_1285 = tpu.memref_slice %arg21[%dma_start3A_1280, %dma_start3A_1284] : memref<4x128xi32, #tpu.memory_space<vmem>> -> memref<1x128xi32, #tpu.memory_space<vmem>>
      %dma_start3A_1286 = tpu.memref_squeeze %dma_start3A_1285 : memref<1x128xi32, #tpu.memory_space<vmem>> -> memref<128xi32, #tpu.memory_space<vmem>>
      %dma_start3A_1287 = arith.constant 0 : i32
      %dma_start3A_1288 = arith.constant 0 : i32
      %dma_start3A_1289 = tpu.memref_slice %arg27[%dma_start3A_1287, %dma_start3A_1288] : memref<100096x8xf32, #tpu.memory_space<vmem_shared>> -> memref<100096x8xf32, #tpu.memory_space<vmem_shared>>
      tpu.enqueue_indirect_dma source(%dma_start3A_1283 : memref<128x8xf32, #tpu.memory_space<vmem>>) target(%dma_start3A_1289 : memref<100096x8xf32, #tpu.memory_space<vmem_shared>>) offsets(%dma_start3A_1286 : memref<128xi32, #tpu.memory_space<vmem>>) semaphore(%arg32 : memref<!tpu.dma_semaphore, #tpu.memory_space<semaphore_mem>>) {add = true}
      %dma_start3A_1290 = arith.constant 3 : i32
      %dma_start3A_1291 = arith.constant 384 : i32
      %dma_start3A_1292 = arith.constant 0 : i32
      %dma_start3A_1293 = tpu.memref_slice %arg24[%dma_start3A_1291, %dma_start3A_1292] : memref<512x8xf32, #tpu.memory_space<vmem>> -> memref<128x8xf32, #tpu.memory_space<vmem>>
      %dma_start3A_1294 = arith.constant 0 : i32
      %dma_start3A_1295 = tpu.memref_slice %arg22[%dma_start3A_1290, %dma_start3A_1294] : memref<4x128xi32, #tpu.memory_space<vmem>> -> memref<1x128xi32, #tpu.memory_space<vmem>>
      %dma_start3A_1296 = tpu.memref_squeeze %dma_start3A_1295 : memref<1x128xi32, #tpu.memory_space<vmem>> -> memref<128xi32, #tpu.memory_space<vmem>>
      %dma_start3A_1297 = arith.constant 0 : i32
      %dma_start3A_1298 = arith.constant 0 : i32
      %dma_start3A_1299 = tpu.memref_slice %arg27[%dma_start3A_1297, %dma_start3A_1298] : memref<100096x8xf32, #tpu.memory_space<vmem_shared>> -> memref<100096x8xf32, #tpu.memory_space<vmem_shared>>
      tpu.enqueue_indirect_dma source(%dma_start3A_1293 : memref<128x8xf32, #tpu.memory_space<vmem>>) target(%dma_start3A_1299 : memref<100096x8xf32, #tpu.memory_space<vmem_shared>>) offsets(%dma_start3A_1296 : memref<128xi32, #tpu.memory_space<vmem>>) semaphore(%arg32 : memref<!tpu.dma_semaphore, #tpu.memory_space<semaphore_mem>>) {add = true}
      %dma_start3A_1300 = arith.constant 3 : i32
      %dma_start3A_1301 = arith.constant 384 : i32
      %dma_start3A_1302 = arith.constant 0 : i32
      %dma_start3A_1303 = tpu.memref_slice %arg25[%dma_start3A_1301, %dma_start3A_1302] : memref<512x8xf32, #tpu.memory_space<vmem>> -> memref<128x8xf32, #tpu.memory_space<vmem>>
      %dma_start3A_1304 = arith.constant 0 : i32
      %dma_start3A_1305 = tpu.memref_slice %arg22[%dma_start3A_1300, %dma_start3A_1304] : memref<4x128xi32, #tpu.memory_space<vmem>> -> memref<1x128xi32, #tpu.memory_space<vmem>>
      %dma_start3A_1306 = tpu.memref_squeeze %dma_start3A_1305 : memref<1x128xi32, #tpu.memory_space<vmem>> -> memref<128xi32, #tpu.memory_space<vmem>>
      %dma_start3A_1307 = arith.constant 0 : i32
      %dma_start3A_1308 = arith.constant 0 : i32
      %dma_start3A_1309 = tpu.memref_slice %arg28[%dma_start3A_1307, %dma_start3A_1308] : memref<100096x8xf32, #tpu.memory_space<vmem_shared>> -> memref<100096x8xf32, #tpu.memory_space<vmem_shared>>
      tpu.enqueue_indirect_dma source(%dma_start3A_1303 : memref<128x8xf32, #tpu.memory_space<vmem>>) target(%dma_start3A_1309 : memref<100096x8xf32, #tpu.memory_space<vmem_shared>>) offsets(%dma_start3A_1306 : memref<128xi32, #tpu.memory_space<vmem>>) semaphore(%arg32 : memref<!tpu.dma_semaphore, #tpu.memory_space<semaphore_mem>>) {add = true}
    }
    %dma_wait3A = arith.constant 0 : i32
    %dma_wait3A_38 = arith.constant 0 : i32
    %dma_wait3A_39 = arith.constant 0 : i32
    %dma_wait3A_40 = tpu.memref_slice %arg15[%dma_wait3A_38, %dma_wait3A_39] : memref<512x8xf32, #tpu.memory_space<vmem>> -> memref<128x8xf32, #tpu.memory_space<vmem>>
    %dma_wait3A_41 = arith.constant 0 : i32
    %dma_wait3A_42 = tpu.memref_slice %arg13[%dma_wait3A, %dma_wait3A_41] : memref<4x128xi32, #tpu.memory_space<vmem>> -> memref<1x128xi32, #tpu.memory_space<vmem>>
    %dma_wait3A_43 = tpu.memref_squeeze %dma_wait3A_42 : memref<1x128xi32, #tpu.memory_space<vmem>> -> memref<128xi32, #tpu.memory_space<vmem>>
    %dma_wait3A_44 = arith.constant 0 : i32
    %dma_wait3A_45 = arith.constant 0 : i32
    %dma_wait3A_46 = tpu.memref_slice %arg27[%dma_wait3A_44, %dma_wait3A_45] : memref<100096x8xf32, #tpu.memory_space<vmem_shared>> -> memref<100096x8xf32, #tpu.memory_space<vmem_shared>>
    tpu.wait_indirect_dma semaphore(%arg31 : memref<!tpu.dma_semaphore, #tpu.memory_space<semaphore_mem>>) src(%dma_wait3A_40 : memref<128x8xf32, #tpu.memory_space<vmem>>) dst(%dma_wait3A_46 : memref<100096x8xf32, #tpu.memory_space<vmem_shared>>)
    %dma_wait3A_47 = arith.constant 0 : i32
    %dma_wait3A_48 = arith.constant 0 : i32
    %dma_wait3A_49 = arith.constant 0 : i32
    %dma_wait3A_50 = tpu.memref_slice %arg16[%dma_wait3A_48, %dma_wait3A_49] : memref<512x8xf32, #tpu.memory_space<vmem>> -> memref<128x8xf32, #tpu.memory_space<vmem>>
    %dma_wait3A_51 = arith.constant 0 : i32
    %dma_wait3A_52 = tpu.memref_slice %arg14[%dma_wait3A_47, %dma_wait3A_51] : memref<4x128xi32, #tpu.memory_space<vmem>> -> memref<1x128xi32, #tpu.memory_space<vmem>>
    %dma_wait3A_53 = tpu.memref_squeeze %dma_wait3A_52 : memref<1x128xi32, #tpu.memory_space<vmem>> -> memref<128xi32, #tpu.memory_space<vmem>>
    %dma_wait3A_54 = arith.constant 0 : i32
    %dma_wait3A_55 = arith.constant 0 : i32
    %dma_wait3A_56 = tpu.memref_slice %arg27[%dma_wait3A_54, %dma_wait3A_55] : memref<100096x8xf32, #tpu.memory_space<vmem_shared>> -> memref<100096x8xf32, #tpu.memory_space<vmem_shared>>
    tpu.wait_indirect_dma semaphore(%arg31 : memref<!tpu.dma_semaphore, #tpu.memory_space<semaphore_mem>>) src(%dma_wait3A_50 : memref<128x8xf32, #tpu.memory_space<vmem>>) dst(%dma_wait3A_56 : memref<100096x8xf32, #tpu.memory_space<vmem_shared>>)
    %dma_wait3A_57 = arith.constant 0 : i32
    %dma_wait3A_58 = arith.constant 0 : i32
    %dma_wait3A_59 = arith.constant 0 : i32
    %dma_wait3A_60 = tpu.memref_slice %arg17[%dma_wait3A_58, %dma_wait3A_59] : memref<512x8xf32, #tpu.memory_space<vmem>> -> memref<128x8xf32, #tpu.memory_space<vmem>>
    %dma_wait3A_61 = arith.constant 0 : i32
    %dma_wait3A_62 = tpu.memref_slice %arg14[%dma_wait3A_57, %dma_wait3A_61] : memref<4x128xi32, #tpu.memory_space<vmem>> -> memref<1x128xi32, #tpu.memory_space<vmem>>
    %dma_wait3A_63 = tpu.memref_squeeze %dma_wait3A_62 : memref<1x128xi32, #tpu.memory_space<vmem>> -> memref<128xi32, #tpu.memory_space<vmem>>
    %dma_wait3A_64 = arith.constant 0 : i32
    %dma_wait3A_65 = arith.constant 0 : i32
    %dma_wait3A_66 = tpu.memref_slice %arg28[%dma_wait3A_64, %dma_wait3A_65] : memref<100096x8xf32, #tpu.memory_space<vmem_shared>> -> memref<100096x8xf32, #tpu.memory_space<vmem_shared>>
    tpu.wait_indirect_dma semaphore(%arg31 : memref<!tpu.dma_semaphore, #tpu.memory_space<semaphore_mem>>) src(%dma_wait3A_60 : memref<128x8xf32, #tpu.memory_space<vmem>>) dst(%dma_wait3A_66 : memref<100096x8xf32, #tpu.memory_space<vmem_shared>>)
    %dma_wait3A_67 = arith.constant 1 : i32
    %dma_wait3A_68 = arith.constant 128 : i32
    %dma_wait3A_69 = arith.constant 0 : i32
    %dma_wait3A_70 = tpu.memref_slice %arg15[%dma_wait3A_68, %dma_wait3A_69] : memref<512x8xf32, #tpu.memory_space<vmem>> -> memref<128x8xf32, #tpu.memory_space<vmem>>
    %dma_wait3A_71 = arith.constant 0 : i32
    %dma_wait3A_72 = tpu.memref_slice %arg13[%dma_wait3A_67, %dma_wait3A_71] : memref<4x128xi32, #tpu.memory_space<vmem>> -> memref<1x128xi32, #tpu.memory_space<vmem>>
    %dma_wait3A_73 = tpu.memref_squeeze %dma_wait3A_72 : memref<1x128xi32, #tpu.memory_space<vmem>> -> memref<128xi32, #tpu.memory_space<vmem>>
    %dma_wait3A_74 = arith.constant 0 : i32
    %dma_wait3A_75 = arith.constant 0 : i32
    %dma_wait3A_76 = tpu.memref_slice %arg27[%dma_wait3A_74, %dma_wait3A_75] : memref<100096x8xf32, #tpu.memory_space<vmem_shared>> -> memref<100096x8xf32, #tpu.memory_space<vmem_shared>>
    tpu.wait_indirect_dma semaphore(%arg31 : memref<!tpu.dma_semaphore, #tpu.memory_space<semaphore_mem>>) src(%dma_wait3A_70 : memref<128x8xf32, #tpu.memory_space<vmem>>) dst(%dma_wait3A_76 : memref<100096x8xf32, #tpu.memory_space<vmem_shared>>)
    %dma_wait3A_77 = arith.constant 1 : i32
    %dma_wait3A_78 = arith.constant 128 : i32
    %dma_wait3A_79 = arith.constant 0 : i32
    %dma_wait3A_80 = tpu.memref_slice %arg16[%dma_wait3A_78, %dma_wait3A_79] : memref<512x8xf32, #tpu.memory_space<vmem>> -> memref<128x8xf32, #tpu.memory_space<vmem>>
    %dma_wait3A_81 = arith.constant 0 : i32
    %dma_wait3A_82 = tpu.memref_slice %arg14[%dma_wait3A_77, %dma_wait3A_81] : memref<4x128xi32, #tpu.memory_space<vmem>> -> memref<1x128xi32, #tpu.memory_space<vmem>>
    %dma_wait3A_83 = tpu.memref_squeeze %dma_wait3A_82 : memref<1x128xi32, #tpu.memory_space<vmem>> -> memref<128xi32, #tpu.memory_space<vmem>>
    %dma_wait3A_84 = arith.constant 0 : i32
    %dma_wait3A_85 = arith.constant 0 : i32
    %dma_wait3A_86 = tpu.memref_slice %arg27[%dma_wait3A_84, %dma_wait3A_85] : memref<100096x8xf32, #tpu.memory_space<vmem_shared>> -> memref<100096x8xf32, #tpu.memory_space<vmem_shared>>
    tpu.wait_indirect_dma semaphore(%arg31 : memref<!tpu.dma_semaphore, #tpu.memory_space<semaphore_mem>>) src(%dma_wait3A_80 : memref<128x8xf32, #tpu.memory_space<vmem>>) dst(%dma_wait3A_86 : memref<100096x8xf32, #tpu.memory_space<vmem_shared>>)
    %dma_wait3A_87 = arith.constant 1 : i32
    %dma_wait3A_88 = arith.constant 128 : i32
    %dma_wait3A_89 = arith.constant 0 : i32
    %dma_wait3A_90 = tpu.memref_slice %arg17[%dma_wait3A_88, %dma_wait3A_89] : memref<512x8xf32, #tpu.memory_space<vmem>> -> memref<128x8xf32, #tpu.memory_space<vmem>>
    %dma_wait3A_91 = arith.constant 0 : i32
    %dma_wait3A_92 = tpu.memref_slice %arg14[%dma_wait3A_87, %dma_wait3A_91] : memref<4x128xi32, #tpu.memory_space<vmem>> -> memref<1x128xi32, #tpu.memory_space<vmem>>
    %dma_wait3A_93 = tpu.memref_squeeze %dma_wait3A_92 : memref<1x128xi32, #tpu.memory_space<vmem>> -> memref<128xi32, #tpu.memory_space<vmem>>
    %dma_wait3A_94 = arith.constant 0 : i32
    %dma_wait3A_95 = arith.constant 0 : i32
    %dma_wait3A_96 = tpu.memref_slice %arg28[%dma_wait3A_94, %dma_wait3A_95] : memref<100096x8xf32, #tpu.memory_space<vmem_shared>> -> memref<100096x8xf32, #tpu.memory_space<vmem_shared>>
    tpu.wait_indirect_dma semaphore(%arg31 : memref<!tpu.dma_semaphore, #tpu.memory_space<semaphore_mem>>) src(%dma_wait3A_90 : memref<128x8xf32, #tpu.memory_space<vmem>>) dst(%dma_wait3A_96 : memref<100096x8xf32, #tpu.memory_space<vmem_shared>>)
    %dma_wait3A_97 = arith.constant 2 : i32
    %dma_wait3A_98 = arith.constant 256 : i32
    %dma_wait3A_99 = arith.constant 0 : i32
    %dma_wait3A_100 = tpu.memref_slice %arg15[%dma_wait3A_98, %dma_wait3A_99] : memref<512x8xf32, #tpu.memory_space<vmem>> -> memref<128x8xf32, #tpu.memory_space<vmem>>
    %dma_wait3A_101 = arith.constant 0 : i32
    %dma_wait3A_102 = tpu.memref_slice %arg13[%dma_wait3A_97, %dma_wait3A_101] : memref<4x128xi32, #tpu.memory_space<vmem>> -> memref<1x128xi32, #tpu.memory_space<vmem>>
    %dma_wait3A_103 = tpu.memref_squeeze %dma_wait3A_102 : memref<1x128xi32, #tpu.memory_space<vmem>> -> memref<128xi32, #tpu.memory_space<vmem>>
    %dma_wait3A_104 = arith.constant 0 : i32
    %dma_wait3A_105 = arith.constant 0 : i32
    %dma_wait3A_106 = tpu.memref_slice %arg27[%dma_wait3A_104, %dma_wait3A_105] : memref<100096x8xf32, #tpu.memory_space<vmem_shared>> -> memref<100096x8xf32, #tpu.memory_space<vmem_shared>>
    tpu.wait_indirect_dma semaphore(%arg31 : memref<!tpu.dma_semaphore, #tpu.memory_space<semaphore_mem>>) src(%dma_wait3A_100 : memref<128x8xf32, #tpu.memory_space<vmem>>) dst(%dma_wait3A_106 : memref<100096x8xf32, #tpu.memory_space<vmem_shared>>)
    %dma_wait3A_107 = arith.constant 2 : i32
    %dma_wait3A_108 = arith.constant 256 : i32
    %dma_wait3A_109 = arith.constant 0 : i32
    %dma_wait3A_110 = tpu.memref_slice %arg16[%dma_wait3A_108, %dma_wait3A_109] : memref<512x8xf32, #tpu.memory_space<vmem>> -> memref<128x8xf32, #tpu.memory_space<vmem>>
    %dma_wait3A_111 = arith.constant 0 : i32
    %dma_wait3A_112 = tpu.memref_slice %arg14[%dma_wait3A_107, %dma_wait3A_111] : memref<4x128xi32, #tpu.memory_space<vmem>> -> memref<1x128xi32, #tpu.memory_space<vmem>>
    %dma_wait3A_113 = tpu.memref_squeeze %dma_wait3A_112 : memref<1x128xi32, #tpu.memory_space<vmem>> -> memref<128xi32, #tpu.memory_space<vmem>>
    %dma_wait3A_114 = arith.constant 0 : i32
    %dma_wait3A_115 = arith.constant 0 : i32
    %dma_wait3A_116 = tpu.memref_slice %arg27[%dma_wait3A_114, %dma_wait3A_115] : memref<100096x8xf32, #tpu.memory_space<vmem_shared>> -> memref<100096x8xf32, #tpu.memory_space<vmem_shared>>
    tpu.wait_indirect_dma semaphore(%arg31 : memref<!tpu.dma_semaphore, #tpu.memory_space<semaphore_mem>>) src(%dma_wait3A_110 : memref<128x8xf32, #tpu.memory_space<vmem>>) dst(%dma_wait3A_116 : memref<100096x8xf32, #tpu.memory_space<vmem_shared>>)
    %dma_wait3A_117 = arith.constant 2 : i32
    %dma_wait3A_118 = arith.constant 256 : i32
    %dma_wait3A_119 = arith.constant 0 : i32
    %dma_wait3A_120 = tpu.memref_slice %arg17[%dma_wait3A_118, %dma_wait3A_119] : memref<512x8xf32, #tpu.memory_space<vmem>> -> memref<128x8xf32, #tpu.memory_space<vmem>>
    %dma_wait3A_121 = arith.constant 0 : i32
    %dma_wait3A_122 = tpu.memref_slice %arg14[%dma_wait3A_117, %dma_wait3A_121] : memref<4x128xi32, #tpu.memory_space<vmem>> -> memref<1x128xi32, #tpu.memory_space<vmem>>
    %dma_wait3A_123 = tpu.memref_squeeze %dma_wait3A_122 : memref<1x128xi32, #tpu.memory_space<vmem>> -> memref<128xi32, #tpu.memory_space<vmem>>
    %dma_wait3A_124 = arith.constant 0 : i32
    %dma_wait3A_125 = arith.constant 0 : i32
    %dma_wait3A_126 = tpu.memref_slice %arg28[%dma_wait3A_124, %dma_wait3A_125] : memref<100096x8xf32, #tpu.memory_space<vmem_shared>> -> memref<100096x8xf32, #tpu.memory_space<vmem_shared>>
    tpu.wait_indirect_dma semaphore(%arg31 : memref<!tpu.dma_semaphore, #tpu.memory_space<semaphore_mem>>) src(%dma_wait3A_120 : memref<128x8xf32, #tpu.memory_space<vmem>>) dst(%dma_wait3A_126 : memref<100096x8xf32, #tpu.memory_space<vmem_shared>>)
    %dma_wait3A_127 = arith.constant 3 : i32
    %dma_wait3A_128 = arith.constant 384 : i32
    %dma_wait3A_129 = arith.constant 0 : i32
    %dma_wait3A_130 = tpu.memref_slice %arg15[%dma_wait3A_128, %dma_wait3A_129] : memref<512x8xf32, #tpu.memory_space<vmem>> -> memref<128x8xf32, #tpu.memory_space<vmem>>
    %dma_wait3A_131 = arith.constant 0 : i32
    %dma_wait3A_132 = tpu.memref_slice %arg13[%dma_wait3A_127, %dma_wait3A_131] : memref<4x128xi32, #tpu.memory_space<vmem>> -> memref<1x128xi32, #tpu.memory_space<vmem>>
    %dma_wait3A_133 = tpu.memref_squeeze %dma_wait3A_132 : memref<1x128xi32, #tpu.memory_space<vmem>> -> memref<128xi32, #tpu.memory_space<vmem>>
    %dma_wait3A_134 = arith.constant 0 : i32
    %dma_wait3A_135 = arith.constant 0 : i32
    %dma_wait3A_136 = tpu.memref_slice %arg27[%dma_wait3A_134, %dma_wait3A_135] : memref<100096x8xf32, #tpu.memory_space<vmem_shared>> -> memref<100096x8xf32, #tpu.memory_space<vmem_shared>>
    tpu.wait_indirect_dma semaphore(%arg31 : memref<!tpu.dma_semaphore, #tpu.memory_space<semaphore_mem>>) src(%dma_wait3A_130 : memref<128x8xf32, #tpu.memory_space<vmem>>) dst(%dma_wait3A_136 : memref<100096x8xf32, #tpu.memory_space<vmem_shared>>)
    %dma_wait3A_137 = arith.constant 3 : i32
    %dma_wait3A_138 = arith.constant 384 : i32
    %dma_wait3A_139 = arith.constant 0 : i32
    %dma_wait3A_140 = tpu.memref_slice %arg16[%dma_wait3A_138, %dma_wait3A_139] : memref<512x8xf32, #tpu.memory_space<vmem>> -> memref<128x8xf32, #tpu.memory_space<vmem>>
    %dma_wait3A_141 = arith.constant 0 : i32
    %dma_wait3A_142 = tpu.memref_slice %arg14[%dma_wait3A_137, %dma_wait3A_141] : memref<4x128xi32, #tpu.memory_space<vmem>> -> memref<1x128xi32, #tpu.memory_space<vmem>>
    %dma_wait3A_143 = tpu.memref_squeeze %dma_wait3A_142 : memref<1x128xi32, #tpu.memory_space<vmem>> -> memref<128xi32, #tpu.memory_space<vmem>>
    %dma_wait3A_144 = arith.constant 0 : i32
    %dma_wait3A_145 = arith.constant 0 : i32
    %dma_wait3A_146 = tpu.memref_slice %arg27[%dma_wait3A_144, %dma_wait3A_145] : memref<100096x8xf32, #tpu.memory_space<vmem_shared>> -> memref<100096x8xf32, #tpu.memory_space<vmem_shared>>
    tpu.wait_indirect_dma semaphore(%arg31 : memref<!tpu.dma_semaphore, #tpu.memory_space<semaphore_mem>>) src(%dma_wait3A_140 : memref<128x8xf32, #tpu.memory_space<vmem>>) dst(%dma_wait3A_146 : memref<100096x8xf32, #tpu.memory_space<vmem_shared>>)
    %dma_wait3A_147 = arith.constant 3 : i32
    %dma_wait3A_148 = arith.constant 384 : i32
    %dma_wait3A_149 = arith.constant 0 : i32
    %dma_wait3A_150 = tpu.memref_slice %arg17[%dma_wait3A_148, %dma_wait3A_149] : memref<512x8xf32, #tpu.memory_space<vmem>> -> memref<128x8xf32, #tpu.memory_space<vmem>>
    %dma_wait3A_151 = arith.constant 0 : i32
    %dma_wait3A_152 = tpu.memref_slice %arg14[%dma_wait3A_147, %dma_wait3A_151] : memref<4x128xi32, #tpu.memory_space<vmem>> -> memref<1x128xi32, #tpu.memory_space<vmem>>
    %dma_wait3A_153 = tpu.memref_squeeze %dma_wait3A_152 : memref<1x128xi32, #tpu.memory_space<vmem>> -> memref<128xi32, #tpu.memory_space<vmem>>
    %dma_wait3A_154 = arith.constant 0 : i32
    %dma_wait3A_155 = arith.constant 0 : i32
    %dma_wait3A_156 = tpu.memref_slice %arg28[%dma_wait3A_154, %dma_wait3A_155] : memref<100096x8xf32, #tpu.memory_space<vmem_shared>> -> memref<100096x8xf32, #tpu.memory_space<vmem_shared>>
    tpu.wait_indirect_dma semaphore(%arg31 : memref<!tpu.dma_semaphore, #tpu.memory_space<semaphore_mem>>) src(%dma_wait3A_150 : memref<128x8xf32, #tpu.memory_space<vmem>>) dst(%dma_wait3A_156 : memref<100096x8xf32, #tpu.memory_space<vmem_shared>>)
    %dma_wait3A_157 = arith.constant 0 : i32
    %dma_wait3A_158 = arith.constant 0 : i32
    %dma_wait3A_159 = arith.constant 0 : i32
    %dma_wait3A_160 = tpu.memref_slice %arg23[%dma_wait3A_158, %dma_wait3A_159] : memref<512x8xf32, #tpu.memory_space<vmem>> -> memref<128x8xf32, #tpu.memory_space<vmem>>
    %dma_wait3A_161 = arith.constant 0 : i32
    %dma_wait3A_162 = tpu.memref_slice %arg21[%dma_wait3A_157, %dma_wait3A_161] : memref<4x128xi32, #tpu.memory_space<vmem>> -> memref<1x128xi32, #tpu.memory_space<vmem>>
    %dma_wait3A_163 = tpu.memref_squeeze %dma_wait3A_162 : memref<1x128xi32, #tpu.memory_space<vmem>> -> memref<128xi32, #tpu.memory_space<vmem>>
    %dma_wait3A_164 = arith.constant 0 : i32
    %dma_wait3A_165 = arith.constant 0 : i32
    %dma_wait3A_166 = tpu.memref_slice %arg27[%dma_wait3A_164, %dma_wait3A_165] : memref<100096x8xf32, #tpu.memory_space<vmem_shared>> -> memref<100096x8xf32, #tpu.memory_space<vmem_shared>>
    tpu.wait_indirect_dma semaphore(%arg32 : memref<!tpu.dma_semaphore, #tpu.memory_space<semaphore_mem>>) src(%dma_wait3A_160 : memref<128x8xf32, #tpu.memory_space<vmem>>) dst(%dma_wait3A_166 : memref<100096x8xf32, #tpu.memory_space<vmem_shared>>)
    %dma_wait3A_167 = arith.constant 0 : i32
    %dma_wait3A_168 = arith.constant 0 : i32
    %dma_wait3A_169 = arith.constant 0 : i32
    %dma_wait3A_170 = tpu.memref_slice %arg24[%dma_wait3A_168, %dma_wait3A_169] : memref<512x8xf32, #tpu.memory_space<vmem>> -> memref<128x8xf32, #tpu.memory_space<vmem>>
    %dma_wait3A_171 = arith.constant 0 : i32
    %dma_wait3A_172 = tpu.memref_slice %arg22[%dma_wait3A_167, %dma_wait3A_171] : memref<4x128xi32, #tpu.memory_space<vmem>> -> memref<1x128xi32, #tpu.memory_space<vmem>>
    %dma_wait3A_173 = tpu.memref_squeeze %dma_wait3A_172 : memref<1x128xi32, #tpu.memory_space<vmem>> -> memref<128xi32, #tpu.memory_space<vmem>>
    %dma_wait3A_174 = arith.constant 0 : i32
    %dma_wait3A_175 = arith.constant 0 : i32
    %dma_wait3A_176 = tpu.memref_slice %arg27[%dma_wait3A_174, %dma_wait3A_175] : memref<100096x8xf32, #tpu.memory_space<vmem_shared>> -> memref<100096x8xf32, #tpu.memory_space<vmem_shared>>
    tpu.wait_indirect_dma semaphore(%arg32 : memref<!tpu.dma_semaphore, #tpu.memory_space<semaphore_mem>>) src(%dma_wait3A_170 : memref<128x8xf32, #tpu.memory_space<vmem>>) dst(%dma_wait3A_176 : memref<100096x8xf32, #tpu.memory_space<vmem_shared>>)
    %dma_wait3A_177 = arith.constant 0 : i32
    %dma_wait3A_178 = arith.constant 0 : i32
    %dma_wait3A_179 = arith.constant 0 : i32
    %dma_wait3A_180 = tpu.memref_slice %arg25[%dma_wait3A_178, %dma_wait3A_179] : memref<512x8xf32, #tpu.memory_space<vmem>> -> memref<128x8xf32, #tpu.memory_space<vmem>>
    %dma_wait3A_181 = arith.constant 0 : i32
    %dma_wait3A_182 = tpu.memref_slice %arg22[%dma_wait3A_177, %dma_wait3A_181] : memref<4x128xi32, #tpu.memory_space<vmem>> -> memref<1x128xi32, #tpu.memory_space<vmem>>
    %dma_wait3A_183 = tpu.memref_squeeze %dma_wait3A_182 : memref<1x128xi32, #tpu.memory_space<vmem>> -> memref<128xi32, #tpu.memory_space<vmem>>
    %dma_wait3A_184 = arith.constant 0 : i32
    %dma_wait3A_185 = arith.constant 0 : i32
    %dma_wait3A_186 = tpu.memref_slice %arg28[%dma_wait3A_184, %dma_wait3A_185] : memref<100096x8xf32, #tpu.memory_space<vmem_shared>> -> memref<100096x8xf32, #tpu.memory_space<vmem_shared>>
    tpu.wait_indirect_dma semaphore(%arg32 : memref<!tpu.dma_semaphore, #tpu.memory_space<semaphore_mem>>) src(%dma_wait3A_180 : memref<128x8xf32, #tpu.memory_space<vmem>>) dst(%dma_wait3A_186 : memref<100096x8xf32, #tpu.memory_space<vmem_shared>>)
    %dma_wait3A_187 = arith.constant 1 : i32
    %dma_wait3A_188 = arith.constant 128 : i32
    %dma_wait3A_189 = arith.constant 0 : i32
    %dma_wait3A_190 = tpu.memref_slice %arg23[%dma_wait3A_188, %dma_wait3A_189] : memref<512x8xf32, #tpu.memory_space<vmem>> -> memref<128x8xf32, #tpu.memory_space<vmem>>
    %dma_wait3A_191 = arith.constant 0 : i32
    %dma_wait3A_192 = tpu.memref_slice %arg21[%dma_wait3A_187, %dma_wait3A_191] : memref<4x128xi32, #tpu.memory_space<vmem>> -> memref<1x128xi32, #tpu.memory_space<vmem>>
    %dma_wait3A_193 = tpu.memref_squeeze %dma_wait3A_192 : memref<1x128xi32, #tpu.memory_space<vmem>> -> memref<128xi32, #tpu.memory_space<vmem>>
    %dma_wait3A_194 = arith.constant 0 : i32
    %dma_wait3A_195 = arith.constant 0 : i32
    %dma_wait3A_196 = tpu.memref_slice %arg27[%dma_wait3A_194, %dma_wait3A_195] : memref<100096x8xf32, #tpu.memory_space<vmem_shared>> -> memref<100096x8xf32, #tpu.memory_space<vmem_shared>>
    tpu.wait_indirect_dma semaphore(%arg32 : memref<!tpu.dma_semaphore, #tpu.memory_space<semaphore_mem>>) src(%dma_wait3A_190 : memref<128x8xf32, #tpu.memory_space<vmem>>) dst(%dma_wait3A_196 : memref<100096x8xf32, #tpu.memory_space<vmem_shared>>)
    %dma_wait3A_197 = arith.constant 1 : i32
    %dma_wait3A_198 = arith.constant 128 : i32
    %dma_wait3A_199 = arith.constant 0 : i32
    %dma_wait3A_200 = tpu.memref_slice %arg24[%dma_wait3A_198, %dma_wait3A_199] : memref<512x8xf32, #tpu.memory_space<vmem>> -> memref<128x8xf32, #tpu.memory_space<vmem>>
    %dma_wait3A_201 = arith.constant 0 : i32
    %dma_wait3A_202 = tpu.memref_slice %arg22[%dma_wait3A_197, %dma_wait3A_201] : memref<4x128xi32, #tpu.memory_space<vmem>> -> memref<1x128xi32, #tpu.memory_space<vmem>>
    %dma_wait3A_203 = tpu.memref_squeeze %dma_wait3A_202 : memref<1x128xi32, #tpu.memory_space<vmem>> -> memref<128xi32, #tpu.memory_space<vmem>>
    %dma_wait3A_204 = arith.constant 0 : i32
    %dma_wait3A_205 = arith.constant 0 : i32
    %dma_wait3A_206 = tpu.memref_slice %arg27[%dma_wait3A_204, %dma_wait3A_205] : memref<100096x8xf32, #tpu.memory_space<vmem_shared>> -> memref<100096x8xf32, #tpu.memory_space<vmem_shared>>
    tpu.wait_indirect_dma semaphore(%arg32 : memref<!tpu.dma_semaphore, #tpu.memory_space<semaphore_mem>>) src(%dma_wait3A_200 : memref<128x8xf32, #tpu.memory_space<vmem>>) dst(%dma_wait3A_206 : memref<100096x8xf32, #tpu.memory_space<vmem_shared>>)
    %dma_wait3A_207 = arith.constant 1 : i32
    %dma_wait3A_208 = arith.constant 128 : i32
    %dma_wait3A_209 = arith.constant 0 : i32
    %dma_wait3A_210 = tpu.memref_slice %arg25[%dma_wait3A_208, %dma_wait3A_209] : memref<512x8xf32, #tpu.memory_space<vmem>> -> memref<128x8xf32, #tpu.memory_space<vmem>>
    %dma_wait3A_211 = arith.constant 0 : i32
    %dma_wait3A_212 = tpu.memref_slice %arg22[%dma_wait3A_207, %dma_wait3A_211] : memref<4x128xi32, #tpu.memory_space<vmem>> -> memref<1x128xi32, #tpu.memory_space<vmem>>
    %dma_wait3A_213 = tpu.memref_squeeze %dma_wait3A_212 : memref<1x128xi32, #tpu.memory_space<vmem>> -> memref<128xi32, #tpu.memory_space<vmem>>
    %dma_wait3A_214 = arith.constant 0 : i32
    %dma_wait3A_215 = arith.constant 0 : i32
    %dma_wait3A_216 = tpu.memref_slice %arg28[%dma_wait3A_214, %dma_wait3A_215] : memref<100096x8xf32, #tpu.memory_space<vmem_shared>> -> memref<100096x8xf32, #tpu.memory_space<vmem_shared>>
    tpu.wait_indirect_dma semaphore(%arg32 : memref<!tpu.dma_semaphore, #tpu.memory_space<semaphore_mem>>) src(%dma_wait3A_210 : memref<128x8xf32, #tpu.memory_space<vmem>>) dst(%dma_wait3A_216 : memref<100096x8xf32, #tpu.memory_space<vmem_shared>>)
    %dma_wait3A_217 = arith.constant 2 : i32
    %dma_wait3A_218 = arith.constant 256 : i32
    %dma_wait3A_219 = arith.constant 0 : i32
    %dma_wait3A_220 = tpu.memref_slice %arg23[%dma_wait3A_218, %dma_wait3A_219] : memref<512x8xf32, #tpu.memory_space<vmem>> -> memref<128x8xf32, #tpu.memory_space<vmem>>
    %dma_wait3A_221 = arith.constant 0 : i32
    %dma_wait3A_222 = tpu.memref_slice %arg21[%dma_wait3A_217, %dma_wait3A_221] : memref<4x128xi32, #tpu.memory_space<vmem>> -> memref<1x128xi32, #tpu.memory_space<vmem>>
    %dma_wait3A_223 = tpu.memref_squeeze %dma_wait3A_222 : memref<1x128xi32, #tpu.memory_space<vmem>> -> memref<128xi32, #tpu.memory_space<vmem>>
    %dma_wait3A_224 = arith.constant 0 : i32
    %dma_wait3A_225 = arith.constant 0 : i32
    %dma_wait3A_226 = tpu.memref_slice %arg27[%dma_wait3A_224, %dma_wait3A_225] : memref<100096x8xf32, #tpu.memory_space<vmem_shared>> -> memref<100096x8xf32, #tpu.memory_space<vmem_shared>>
    tpu.wait_indirect_dma semaphore(%arg32 : memref<!tpu.dma_semaphore, #tpu.memory_space<semaphore_mem>>) src(%dma_wait3A_220 : memref<128x8xf32, #tpu.memory_space<vmem>>) dst(%dma_wait3A_226 : memref<100096x8xf32, #tpu.memory_space<vmem_shared>>)
    %dma_wait3A_227 = arith.constant 2 : i32
    %dma_wait3A_228 = arith.constant 256 : i32
    %dma_wait3A_229 = arith.constant 0 : i32
    %dma_wait3A_230 = tpu.memref_slice %arg24[%dma_wait3A_228, %dma_wait3A_229] : memref<512x8xf32, #tpu.memory_space<vmem>> -> memref<128x8xf32, #tpu.memory_space<vmem>>
    %dma_wait3A_231 = arith.constant 0 : i32
    %dma_wait3A_232 = tpu.memref_slice %arg22[%dma_wait3A_227, %dma_wait3A_231] : memref<4x128xi32, #tpu.memory_space<vmem>> -> memref<1x128xi32, #tpu.memory_space<vmem>>
    %dma_wait3A_233 = tpu.memref_squeeze %dma_wait3A_232 : memref<1x128xi32, #tpu.memory_space<vmem>> -> memref<128xi32, #tpu.memory_space<vmem>>
    %dma_wait3A_234 = arith.constant 0 : i32
    %dma_wait3A_235 = arith.constant 0 : i32
    %dma_wait3A_236 = tpu.memref_slice %arg27[%dma_wait3A_234, %dma_wait3A_235] : memref<100096x8xf32, #tpu.memory_space<vmem_shared>> -> memref<100096x8xf32, #tpu.memory_space<vmem_shared>>
    tpu.wait_indirect_dma semaphore(%arg32 : memref<!tpu.dma_semaphore, #tpu.memory_space<semaphore_mem>>) src(%dma_wait3A_230 : memref<128x8xf32, #tpu.memory_space<vmem>>) dst(%dma_wait3A_236 : memref<100096x8xf32, #tpu.memory_space<vmem_shared>>)
    %dma_wait3A_237 = arith.constant 2 : i32
    %dma_wait3A_238 = arith.constant 256 : i32
    %dma_wait3A_239 = arith.constant 0 : i32
    %dma_wait3A_240 = tpu.memref_slice %arg25[%dma_wait3A_238, %dma_wait3A_239] : memref<512x8xf32, #tpu.memory_space<vmem>> -> memref<128x8xf32, #tpu.memory_space<vmem>>
    %dma_wait3A_241 = arith.constant 0 : i32
    %dma_wait3A_242 = tpu.memref_slice %arg22[%dma_wait3A_237, %dma_wait3A_241] : memref<4x128xi32, #tpu.memory_space<vmem>> -> memref<1x128xi32, #tpu.memory_space<vmem>>
    %dma_wait3A_243 = tpu.memref_squeeze %dma_wait3A_242 : memref<1x128xi32, #tpu.memory_space<vmem>> -> memref<128xi32, #tpu.memory_space<vmem>>
    %dma_wait3A_244 = arith.constant 0 : i32
    %dma_wait3A_245 = arith.constant 0 : i32
    %dma_wait3A_246 = tpu.memref_slice %arg28[%dma_wait3A_244, %dma_wait3A_245] : memref<100096x8xf32, #tpu.memory_space<vmem_shared>> -> memref<100096x8xf32, #tpu.memory_space<vmem_shared>>
    tpu.wait_indirect_dma semaphore(%arg32 : memref<!tpu.dma_semaphore, #tpu.memory_space<semaphore_mem>>) src(%dma_wait3A_240 : memref<128x8xf32, #tpu.memory_space<vmem>>) dst(%dma_wait3A_246 : memref<100096x8xf32, #tpu.memory_space<vmem_shared>>)
    %dma_wait3A_247 = arith.constant 3 : i32
    %dma_wait3A_248 = arith.constant 384 : i32
    %dma_wait3A_249 = arith.constant 0 : i32
    %dma_wait3A_250 = tpu.memref_slice %arg23[%dma_wait3A_248, %dma_wait3A_249] : memref<512x8xf32, #tpu.memory_space<vmem>> -> memref<128x8xf32, #tpu.memory_space<vmem>>
    %dma_wait3A_251 = arith.constant 0 : i32
    %dma_wait3A_252 = tpu.memref_slice %arg21[%dma_wait3A_247, %dma_wait3A_251] : memref<4x128xi32, #tpu.memory_space<vmem>> -> memref<1x128xi32, #tpu.memory_space<vmem>>
    %dma_wait3A_253 = tpu.memref_squeeze %dma_wait3A_252 : memref<1x128xi32, #tpu.memory_space<vmem>> -> memref<128xi32, #tpu.memory_space<vmem>>
    %dma_wait3A_254 = arith.constant 0 : i32
    %dma_wait3A_255 = arith.constant 0 : i32
    %dma_wait3A_256 = tpu.memref_slice %arg27[%dma_wait3A_254, %dma_wait3A_255] : memref<100096x8xf32, #tpu.memory_space<vmem_shared>> -> memref<100096x8xf32, #tpu.memory_space<vmem_shared>>
    tpu.wait_indirect_dma semaphore(%arg32 : memref<!tpu.dma_semaphore, #tpu.memory_space<semaphore_mem>>) src(%dma_wait3A_250 : memref<128x8xf32, #tpu.memory_space<vmem>>) dst(%dma_wait3A_256 : memref<100096x8xf32, #tpu.memory_space<vmem_shared>>)
    %dma_wait3A_257 = arith.constant 3 : i32
    %dma_wait3A_258 = arith.constant 384 : i32
    %dma_wait3A_259 = arith.constant 0 : i32
    %dma_wait3A_260 = tpu.memref_slice %arg24[%dma_wait3A_258, %dma_wait3A_259] : memref<512x8xf32, #tpu.memory_space<vmem>> -> memref<128x8xf32, #tpu.memory_space<vmem>>
    %dma_wait3A_261 = arith.constant 0 : i32
    %dma_wait3A_262 = tpu.memref_slice %arg22[%dma_wait3A_257, %dma_wait3A_261] : memref<4x128xi32, #tpu.memory_space<vmem>> -> memref<1x128xi32, #tpu.memory_space<vmem>>
    %dma_wait3A_263 = tpu.memref_squeeze %dma_wait3A_262 : memref<1x128xi32, #tpu.memory_space<vmem>> -> memref<128xi32, #tpu.memory_space<vmem>>
    %dma_wait3A_264 = arith.constant 0 : i32
    %dma_wait3A_265 = arith.constant 0 : i32
    %dma_wait3A_266 = tpu.memref_slice %arg27[%dma_wait3A_264, %dma_wait3A_265] : memref<100096x8xf32, #tpu.memory_space<vmem_shared>> -> memref<100096x8xf32, #tpu.memory_space<vmem_shared>>
    tpu.wait_indirect_dma semaphore(%arg32 : memref<!tpu.dma_semaphore, #tpu.memory_space<semaphore_mem>>) src(%dma_wait3A_260 : memref<128x8xf32, #tpu.memory_space<vmem>>) dst(%dma_wait3A_266 : memref<100096x8xf32, #tpu.memory_space<vmem_shared>>)
    %dma_wait3A_267 = arith.constant 3 : i32
    %dma_wait3A_268 = arith.constant 384 : i32
    %dma_wait3A_269 = arith.constant 0 : i32
    %dma_wait3A_270 = tpu.memref_slice %arg25[%dma_wait3A_268, %dma_wait3A_269] : memref<512x8xf32, #tpu.memory_space<vmem>> -> memref<128x8xf32, #tpu.memory_space<vmem>>
    %dma_wait3A_271 = arith.constant 0 : i32
    %dma_wait3A_272 = tpu.memref_slice %arg22[%dma_wait3A_267, %dma_wait3A_271] : memref<4x128xi32, #tpu.memory_space<vmem>> -> memref<1x128xi32, #tpu.memory_space<vmem>>
    %dma_wait3A_273 = tpu.memref_squeeze %dma_wait3A_272 : memref<1x128xi32, #tpu.memory_space<vmem>> -> memref<128xi32, #tpu.memory_space<vmem>>
    %dma_wait3A_274 = arith.constant 0 : i32
    %dma_wait3A_275 = arith.constant 0 : i32
    %dma_wait3A_276 = tpu.memref_slice %arg28[%dma_wait3A_274, %dma_wait3A_275] : memref<100096x8xf32, #tpu.memory_space<vmem_shared>> -> memref<100096x8xf32, #tpu.memory_space<vmem_shared>>
    tpu.wait_indirect_dma semaphore(%arg32 : memref<!tpu.dma_semaphore, #tpu.memory_space<semaphore_mem>>) src(%dma_wait3A_270 : memref<128x8xf32, #tpu.memory_space<vmem>>) dst(%dma_wait3A_276 : memref<100096x8xf32, #tpu.memory_space<vmem_shared>>)
    %barrier3A_277 = arith.constant 0 : index
    tpu.barrier barrier_id(%barrier3A_277)
    "tpu.region"() ({
      %run_scoped3A = tpu.sem_alloc : memref<!tpu.dma_semaphore, #tpu.memory_space<semaphore_mem>>
      %dma_start3A = arith.constant 0 : i32
      %dma_start3A_278 = arith.constant 0 : i32
      %dma_start3A_279 = tpu.memref_slice %arg8[%arg0, %dma_start3A, %dma_start3A_278] : memref<2x100096x8xf32, #tpu.memory_space<hbm>> -> memref<1x100096x8xf32, #tpu.memory_space<hbm>>
      %dma_start3A_280 = tpu.memref_squeeze %dma_start3A_279 : memref<1x100096x8xf32, #tpu.memory_space<hbm>> -> memref<100096x8xf32, #tpu.memory_space<hbm>>
      %dma_start3A_281 = arith.constant 0 : i32
      %dma_start3A_282 = tpu.memref_slice %dma_start3A_280[%mul3A_2, %dma_start3A_281] : memref<100096x8xf32, #tpu.memory_space<hbm>> -> memref<6256x8xf32, #tpu.memory_space<hbm>>
      %dma_start3A_283 = arith.constant 0 : i32
      %dma_start3A_284 = tpu.memref_slice %arg27[%mul3A_2, %dma_start3A_283] : memref<100096x8xf32, #tpu.memory_space<vmem_shared>> -> memref<6256x8xf32, #tpu.memory_space<vmem_shared>>
      tpu.enqueue_dma source(%dma_start3A_284 : memref<6256x8xf32, #tpu.memory_space<vmem_shared>>) target(%dma_start3A_282 : memref<6256x8xf32, #tpu.memory_space<hbm>>) target_semaphore(%run_scoped3A : memref<!tpu.dma_semaphore, #tpu.memory_space<semaphore_mem>>)
      %dma_wait3A_285 = arith.constant 0 : i32
      %dma_wait3A_286 = arith.constant 0 : i32
      %dma_wait3A_287 = tpu.memref_slice %arg8[%arg0, %dma_wait3A_285, %dma_wait3A_286] : memref<2x100096x8xf32, #tpu.memory_space<hbm>> -> memref<1x100096x8xf32, #tpu.memory_space<hbm>>
      %dma_wait3A_288 = tpu.memref_squeeze %dma_wait3A_287 : memref<1x100096x8xf32, #tpu.memory_space<hbm>> -> memref<100096x8xf32, #tpu.memory_space<hbm>>
      %dma_wait3A_289 = arith.constant 0 : i32
      %dma_wait3A_290 = tpu.memref_slice %dma_wait3A_288[%mul3A_2, %dma_wait3A_289] : memref<100096x8xf32, #tpu.memory_space<hbm>> -> memref<6256x8xf32, #tpu.memory_space<hbm>>
      %dma_wait3A_291 = arith.constant 0 : i32
      %dma_wait3A_292 = tpu.memref_slice %arg27[%mul3A_2, %dma_wait3A_291] : memref<100096x8xf32, #tpu.memory_space<vmem_shared>> -> memref<6256x8xf32, #tpu.memory_space<vmem_shared>>
      tpu.wait_dma2 semaphore(%run_scoped3A : memref<!tpu.dma_semaphore, #tpu.memory_space<semaphore_mem>>) src(%dma_wait3A_292 : memref<6256x8xf32, #tpu.memory_space<vmem_shared>>) dst(%dma_wait3A_290 : memref<6256x8xf32, #tpu.memory_space<hbm>>)
      tpu.yield
    }) : () -> ()
    "tpu.region"() ({
      %run_scoped3A = tpu.sem_alloc : memref<!tpu.dma_semaphore, #tpu.memory_space<semaphore_mem>>
      %dma_start3A = arith.constant 0 : i32
      %dma_start3A_278 = arith.constant 0 : i32
      %dma_start3A_279 = tpu.memref_slice %arg9[%arg0, %dma_start3A, %dma_start3A_278] : memref<2x100096x8xf32, #tpu.memory_space<hbm>> -> memref<1x100096x8xf32, #tpu.memory_space<hbm>>
      %dma_start3A_280 = tpu.memref_squeeze %dma_start3A_279 : memref<1x100096x8xf32, #tpu.memory_space<hbm>> -> memref<100096x8xf32, #tpu.memory_space<hbm>>
      %dma_start3A_281 = arith.constant 0 : i32
      %dma_start3A_282 = tpu.memref_slice %dma_start3A_280[%mul3A_2, %dma_start3A_281] : memref<100096x8xf32, #tpu.memory_space<hbm>> -> memref<6256x8xf32, #tpu.memory_space<hbm>>
      %dma_start3A_283 = arith.constant 0 : i32
      %dma_start3A_284 = tpu.memref_slice %arg28[%mul3A_2, %dma_start3A_283] : memref<100096x8xf32, #tpu.memory_space<vmem_shared>> -> memref<6256x8xf32, #tpu.memory_space<vmem_shared>>
      tpu.enqueue_dma source(%dma_start3A_284 : memref<6256x8xf32, #tpu.memory_space<vmem_shared>>) target(%dma_start3A_282 : memref<6256x8xf32, #tpu.memory_space<hbm>>) target_semaphore(%run_scoped3A : memref<!tpu.dma_semaphore, #tpu.memory_space<semaphore_mem>>)
      %dma_wait3A_285 = arith.constant 0 : i32
      %dma_wait3A_286 = arith.constant 0 : i32
      %dma_wait3A_287 = tpu.memref_slice %arg9[%arg0, %dma_wait3A_285, %dma_wait3A_286] : memref<2x100096x8xf32, #tpu.memory_space<hbm>> -> memref<1x100096x8xf32, #tpu.memory_space<hbm>>
      %dma_wait3A_288 = tpu.memref_squeeze %dma_wait3A_287 : memref<1x100096x8xf32, #tpu.memory_space<hbm>> -> memref<100096x8xf32, #tpu.memory_space<hbm>>
      %dma_wait3A_289 = arith.constant 0 : i32
      %dma_wait3A_290 = tpu.memref_slice %dma_wait3A_288[%mul3A_2, %dma_wait3A_289] : memref<100096x8xf32, #tpu.memory_space<hbm>> -> memref<6256x8xf32, #tpu.memory_space<hbm>>
      %dma_wait3A_291 = arith.constant 0 : i32
      %dma_wait3A_292 = tpu.memref_slice %arg28[%mul3A_2, %dma_wait3A_291] : memref<100096x8xf32, #tpu.memory_space<vmem_shared>> -> memref<6256x8xf32, #tpu.memory_space<vmem_shared>>
      tpu.wait_dma2 semaphore(%run_scoped3A : memref<!tpu.dma_semaphore, #tpu.memory_space<semaphore_mem>>) src(%dma_wait3A_292 : memref<6256x8xf32, #tpu.memory_space<vmem_shared>>) dst(%dma_wait3A_290 : memref<6256x8xf32, #tpu.memory_space<hbm>>)
      tpu.yield
    }) : () -> ()
    return
  }
}

</mosaic_0001>

<sc_bundles>
// kernel: _sc_scatter.3.cloned.1.call-start
scs
__scs_entry_jumppad:
0x0: {  	(pc) =	sbr.rel $0x88, $3  }
0x1: {  	(tag) =	ssettag $0x0;
	lr =	simm.s32 $0x1  }
0x2: {  	[smem:$0x3F9B] =	sst lr;
	_ =	strace $0xD0000000  }
0x3: {  	_ = 	snop  }
0x4: {  	_ = 	snop  }
0x5: {  	_ = 	snop  }
0x6: {  	_ = 	snop  }
0x7: {  	_ = 	snop  }
__scs_overlays_trampoline_lowered:
0x8: {  	[smem:$0x3FAA] =	sst s0  }
0x9: {  	[smem:$0x3FAB] =	sst s1  }
0xa: {  	[smem:$0x3FAC] =	sst s2  }
0xb: {  	[smem:$0x3FAD] =	sst s3  }
0xc: {  	[smem:$0x3FAE] =	sst s4  }
0xd: {  	[smem:$0x3FAF] =	sst s5  }
0xe: {  	[smem:$0x3FB0] =	sst s6  }
0xf: {  	[smem:$0x3FB1] =	sst s7  }
0x10: {  	[smem:$0x3FB2] =	sst s8  }
0x11: {  	[smem:$0x3FB3] =	sst s9;
	s0 =	simm.s32 @!p0 $0x0  }
0x12: {  	s1 =	sld [smem:$0x3F99];
	s0 =	simm.s32 @p0 $0x1  }
0x13: {  	[smem:$0x3FB4] =	sst s0;
	s0 =	simm.s32 @!p1 $0x0  }
0x14: {  	s2 =	sld [smem:$0x3F98];
	s0 =	simm.s32 @p1 $0x1  }
0x15: {  	[smem:$0x3FB5] =	sst s0;
	s0 =	simm.s32 @!p2 $0x0  }
0x16: {  	s3 =	sld [smem:$0x3FDB];
	s0 =	simm.s32 @p2 $0x1  }
0x17: {  	s4 =	simm.s32 $0x1BF5;
	[smem:$0x3FB7] =	sst s0  }
0x18: {  	s0 =	sld [smem:$0x3F9A];
	_ =	swait.ge [sflag:s4], $0x0  }
0x19: {  	s7 =	sld [smem:$0x3F9B]  }
0x1a: {  	s8 =	sadd.s32 $0xFFFFE003, lr  }
0x1b: {  	s9 =	sadd.s32 $0xFFFFFEF7, lr;
	s5 =	simm.s32 $0xFFFFFFFF;
	p2 =	slt.u32 s8, $0xFFFFF086  }
0x1c: {  	p1 =	slt.u32 s9, $0xF7A;
	s5 =	simm.s32 @!p2 $0x0  }
0x1d: {  	s5 =	simm.s32 @p1 $0x1;
	p0 =	seq.s32 s7, s2  }
0x1e: {  	s7 =	smul.u32 @!p0 $0xF7A, s2;
	p2 =	seq.s32 @!p0 s5, $0x0  }
0x1f: {  	s9 =	smul.u32 $0xF7A, s1;
	s8 =	simm.s32 @!p0 $0x1BF5;
	p2 =	por !p2, p0  }
0x20: {  	[sflag:s8] =	ssyncset.s32 @!p0 $0xFFFFF086;
	s6 =	sadd.s32 @!p0 s3, s7;
	s7 =	simm.s32 @!p0 $0x108  }
0x21: {  	s3 =	sadd.s32 s3, s9;
	s6 =	sadd.s32 @!p0 $0x88, s6;
	s7 =	simm.s32 @p2 $0x1082  }
0x22: {  	[simem:s7], [sflag:s8] =	dma.local @!p0 [hbm:s6], $0xF7A  }
0x23: {  	s9 =	sor.u32 $0xD0000000, s2;
	s6 =	simm.s32 $0x108;
	_ =	swait.ge @!p0 [sflag:s8], $0x0  }
0x24: {  	s3 =	sadd.s32 $0x88, s3;
	s6 =	simm.s32 @!p1 $0x1082;
	[sflag:s4] =	ssyncset.s32 $0xFFFFF086  }
0x25: {  	[simem:s6], [sflag:s4] =	dma.local [hbm:s3], $0xF7A  }
0x26: {  	[smem:$0x3F9B] =	sst s1;
	(tag) =	ssettag s2;
	_ =	strace s9  }
0x27: {  	s1 =	sld [smem:$0x3FAB]  }
0x28: {  	s2 =	sld [smem:$0x3FAC]  }
0x29: {  	s4 =	sld [smem:$0x3FAE]  }
0x2a: {  	p0 =	seq.s32 s5, $0x0;
	s5 =	sld [smem:$0x3FAF]  }
0x2b: {  	s6 =	sld [smem:$0x3FB0]  }
0x2c: {  	s7 =	sld [smem:$0x3FB1]  }
0x2d: {  	s3 =	simm.s32 $0x108;
	s8 =	sld [smem:$0x3FB2]  }
0x2e: {  	s3 =	simm.s32 @!p0 $0x1082;
	s9 =	sld [smem:$0x3FB3]  }
0x2f: {  	lr =	sadd.s32 s0, s3;
	s0 =	sld [smem:$0x3FAA]  }
0x30: {  	s3 =	sld [smem:$0x3FAD]  }
0x31: {  	[smem:$0x3FB6] =	sst s10  }
0x32: {  	s10 =	sld [smem:$0x3FB4];
	_ =	sdelay $0x3  }
0x33: {  	p0 =	seq.s32 s10, $0x1;
	s10 =	sld [smem:$0x3FB6];
	_ =	sdelay $0x3  }
0x34: {  	[smem:$0x3FB6] =	sst s10  }
0x35: {  	s10 =	sld [smem:$0x3FB5];
	_ =	sdelay $0x3  }
0x36: {  	p1 =	seq.s32 s10, $0x1;
	s10 =	sld [smem:$0x3FB6];
	_ =	sdelay $0x3  }
0x37: {  	[smem:$0x3FB6] =	sst s10  }
0x38: {  	s10 =	sld [smem:$0x3FB7]  }
0x39: {  	_ = 	snop;
	(pc) =	sbr.ind lr, $3  }
0x3a: {  	_ = 	snop  }
0x3b: {  	_ = 	snop  }
0x3c: {  	p2 =	seq.s32 s10, $0x1;
	s10 =	sld [smem:$0x3FB6]  }
0x3d: {  	_ =	shalt  }
0x3e: {  	_ =	shalt  }
0x3f: {  	_ =	shalt  }
0x40: {  	_ =	shalt  }
0x41: {  	_ =	shalt  }
0x42: {  	_ =	shalt  }
0x43: {  	_ =	shalt  }
0x44: {  	_ =	shalt  }
0x45: {  	_ =	shalt  }
0x46: {  	_ =	shalt  }
0x47: {  	_ =	shalt  }
0x48: {  	_ =	shalt  }
0x49: {  	_ =	shalt  }
0x4a: {  	_ =	shalt  }
0x4b: {  	_ =	shalt  }
0x4c: {  	_ =	shalt  }
0x4d: {  	_ =	shalt  }
0x4e: {  	_ =	shalt  }
0x4f: {  	_ =	shalt  }
0x50: {  	_ =	shalt  }
0x51: {  	_ =	shalt  }
0x52: {  	_ =	shalt  }
0x53: {  	_ =	shalt  }
0x54: {  	_ =	shalt  }
0x55: {  	_ =	shalt  }
0x56: {  	_ =	shalt  }
0x57: {  	_ =	shalt  }
0x58: {  	_ =	shalt  }
0x59: {  	_ =	shalt  }
0x5a: {  	_ =	shalt  }
0x5b: {  	_ =	shalt  }
0x5c: {  	_ =	shalt  }
0x5d: {  	_ =	shalt  }
0x5e: {  	_ =	shalt  }
0x5f: {  	_ =	shalt  }
0x60: {  	_ =	shalt  }
0x61: {  	_ =	shalt  }
0x62: {  	_ =	shalt  }
0x63: {  	_ =	shalt  }
0x64: {  	_ =	shalt  }
0x65: {  	_ =	shalt  }
0x66: {  	_ =	shalt  }
0x67: {  	_ =	shalt  }
0x68: {  	_ =	shalt  }
0x69: {  	_ =	shalt  }
0x6a: {  	_ =	shalt  }
0x6b: {  	_ =	shalt  }
0x6c: {  	_ =	shalt  }
0x6d: {  	_ =	shalt  }
0x6e: {  	_ =	shalt  }
0x6f: {  	_ =	shalt  }
0x70: {  	_ =	shalt  }
0x71: {  	_ =	shalt  }
0x72: {  	_ =	shalt  }
0x73: {  	_ =	shalt  }
0x74: {  	_ =	shalt  }
0x75: {  	_ =	shalt  }
0x76: {  	_ =	shalt  }
0x77: {  	_ =	shalt  }
0x78: {  	_ =	shalt  }
0x79: {  	_ =	shalt  }
0x7a: {  	_ =	shalt  }
0x7b: {  	_ =	shalt  }
0x7c: {  	_ =	shalt  }
0x7d: {  	_ =	shalt  }
0x7e: {  	_ =	shalt  }
0x7f: {  	_ =	shalt  }
0x80: {  	_ =	shalt  }
0x81: {  	_ =	shalt  }
0x82: {  	_ =	shalt  }
0x83: {  	_ =	shalt  }
0x84: {  	_ =	shalt  }
0x85: {  	_ =	shalt  }
0x86: {  	_ =	shalt  }
0x87: {  	_ =	shalt  }
.Lfunc_end0:
.L_simem_size_0:
called_computation_lowered:
.L_overlay_start_0:
0x88: {  	s2 =	sld [smem:$0x3FD9]  }
0x89: {  	s3 =	sld [smem:$0x3FFE];
	_ =	sdelay $0x1  }
0x8a: {  	s1 =	srdreg.scid  }
0x8b: {  	s0 =	sand.u32 $0x1, s1  }
0x8c: {  	s14 =	sshll.u32 s0, $0xA;
	s2 =	sadd.s32 s3, s2  }
0x8d: {  	s2 =	sadd.s32 s2, s14  }
0x8e: {  	[smem:$0x3FC2] =	sst s2  }
0x8f: {  	_ = 	snop  }
0x90: {  	s2 =	sld [smem:$0x3FC9]  }
0x91: {  	s15 =	sld [smem:$0x3FC8]  }
0x92: {  	s4 =	sld [smem:$0x3FD0]  }
0x93: {  	s5 =	sld [smem:$0x3FC7]  }
0x94: {  	s6 =	sld [smem:$0x3FC6]  }
0x95: {  	s8 =	simm.s32 $0xA;
	s9 =	simm.s32 $0x10;
	s7 =	sld [smem:$0x3FC5]  }
0x96: {  	[smem:s9], [sflag:s8] =	dma.local [hbm:s4], $0x1  }
0x97: {  	_ =	swait.eq [sflag:s8], $0x1  }
0x98: {  	[sflag:s8] =	ssyncset.done $0x0  }
0x99: {  	s16 =	sld [smem:$0x10];
	[sflag:s8] =	ssyncadd.s32 $0xFFFFFFFF  }
0x9a: {  	s17 =	sld [smem:$0x11];
	(tm) =	ssettm $0x1  }
0x9b: {  	s18 =	sld [smem:$0x3FFB];
	_ =	sdelay $0x3  }
0x9c: {  	_ =	strace s18  }
0x9d: {  	s9 =	sld [smem:$0x3FFC];
	_ =	sdelay $0x3  }
0x9e: {  	_ =	strace s9  }
0x9f: {  	s9 =	sld [smem:$0x3FFD];
	_ =	sdelay $0x3  }
0xa0: {  	_ =	strace s9  }
0xa1: {  	_ =	strace $0x8FFFFFFF  }
0xa2: {  	s19 =	sld [smem:$0x3FDB];
	_ =	sdelay $0x1  }
0xa3: {  	s10 =	simm.s32 $_scs_section_size  }
0xa4: {  	s11 =	simm.s32 $_size__tile_overlayer_lowered;
	s12 =	simm.s32 $_tile_overlayer_lowered  }
0xa5: {  	s22 =	simm.s32 $0x1BFF;
	s21 =	sshll.u32 s12, $0x1;
	s9 =	sadd.s32 s10, s19  }
0xa6: {  	s13 =	simm.s32 $0x0;
	s20 =	sshll.u32 s11, $0x1;
	s11 =	sadd.s32 s21, s9  }
0xa7: {  	[timem:s13], [sflag:s22] =	dma.local [hbm:s11], s20  }
0xa8: {  	_ =	swait.ge [sflag:s22], s20  }
0xa9: {  	s10 =	ssub.s32 $0x0, s20;
	[sflag:s22] =	ssyncset.done $0x0  }
0xaa: {  	[sflag:s22] =	ssyncadd.s32 s10;
	_ =	sdelay $0x1  }
0xab: {  	s23 =	simm.s32 $0x1B8B  }
0xac: {  	_ =	swait.ge [sflag:s23], $0x1  }
0xad: {  	[sflag:s23] =	ssyncset.done $0x0  }
0xae: {  	s25 =	simm.s32 $0x1B8E;
	s24 =	sld [smem:$0x3FFE];
	[sflag:s23] =	ssyncadd.s32 $0xFFFFFFFF  }
0xaf: {  	s26 =	simm.s32 $execute0_lowered;
	[smem:$0x3FD2] =	sst s25  }
0xb0: {  	s11 =	sshll.u32 s26, $0x1;
	_ =	strace $0x80000046;
	[dreg:$0x1] =	wrdreg $0xFFFFFFFF  }
0xb1: {  	s28 =	simm.s32 $_size_execute0_lowered;
	s9 =	sadd.s32 s9, s11;
	[dreg:$0x0] =	wrdreg $0x0  }
0xb2: {  	s11 =	sshll.u32 s28, $0x1;
	[dreg:$0x2] =	wrdreg s9  }
0xb3: {  	[dreg:$0x3] =	wrdreg s11  }
0xb4: {  	[dreg:$0x4] =	wrdreg $0xC0  }
0xb5: {  	_ =	task [dreg:s13], $0x5FFFF  }
0xb6: {  	[dreg:$0x1] =	wrdreg $0xFFFFFFFF  }
0xb7: {  	[dreg:$0x0] =	wrdreg $0x60  }
0xb8: {  	[dreg:$0x2] =	wrdreg s2  }
0xb9: {  	[dreg:$0x3] =	wrdreg s15  }
0xba: {  	[dreg:$0x4] =	wrdreg s5  }
0xbb: {  	[dreg:$0x5] =	wrdreg s6  }
0xbc: {  	[dreg:$0x6] =	wrdreg s7  }
0xbd: {  	[dreg:$0x7] =	wrdreg s24  }
0xbe: {  	[dreg:$0x8] =	wrdreg s16  }
0xbf: {  	[dreg:$0x9] =	wrdreg s17  }
0xc0: {  	[dreg:$0xa] =	wrdreg $0x74300  }
0xc1: {  	[dreg:$0xb] =	wrdreg $0x137B00  }
0xc2: {  	[dreg:$0xc] =	wrdreg $0x9  }
0xc3: {  	_ =	task.clear_ibuf [dreg:s13], $0xDFFFF;
	_ =	strace $0x90000046  }
0xc4: {  	s29 =	simm.s32 $0x9;
	_ =	strace $0x80000048  }
0xc5: {  	_ =	swait.ge [sflag:s29], $0x1  }
0xc6: {  	[sflag:s29] =	ssyncadd.s32 $0xFFFFFFFF  }
0xc7: {  	_ =	strace $0x90000048  }
0xc8: {  	_ =	sfence  }
0xc9: {  	s30 =	sld [smem:$0x0];
	_ =	sdelay $0x2  }
0xca: {  	s31 =	sshll.u32 s1, $0xD;
	s1 =	sshrl.u32 s1, $0x2  }
0xcb: {  	s3 =	sand.u32 $0x4000, s31;
	s1 =	sadd.s32 s1, s30  }
0xcc: {  	s0 =	sor.u32 s3, s0;
	s1 =	sshll.u32 s1, $0x11  }
0xcd: {  	s0 =	sor.u32 s1, s0  }
0xce: {  	s0 =	sadd.s32 $0x8F2B, s0  }
0xcf: {  	[sflag:s0] =	ssyncadd.remote.s32 $0x1  }
0xd0: {  	_ =	sfence.sel $0xFFFF  }
0xd1: {  	[dreg:$0x0] =	wrdreg $0xFFFFFFFF;
	(pc) =	sbr.abs _section_cstart, $3  }
0xd2: {  	[dreg:$0x1] =	wrdreg $0xFFFFFFFF  }
0xd3: {  	_ =	task.clear_ibuf [dreg:s13], $0x2FFFF;
	_ =	strace $0x9FFFFFFF  }
0xd4: {  	(tm) =	ssettm $0x7FFFFFFF  }
0xd5: {  	_ =	shalt  }
tec
execute0_lowered:
.L_overlay_start_1:
0x0: {  	(tag) =	ssettag $0x1  }
0x1: {  	s13 =	rddreg [dreg:$0x3]  }
0x2: {  	s0 =	rddreg [dreg:$0x5]  }
0x3: {  	s1 =	rddreg [dreg:$0x6]  }
0x4: {  	s2 =	rddreg [dreg:$0x7]  }
0x5: {  	s6 =	rddreg [dreg:$0x8]  }
0x6: {  	s7 =	rddreg [dreg:$0x9]  }
0x7: {  	s8 =	simm.s32 $0x0;
	s3 =	srdreg.scid;
	s9 =	stileid.u32  }
0x8: {  	s30 =	simm.s32 $0x800;
	s17 =	simm.s32 $0xA00;
	s14 =	simm.s32 $0x0  }
0x9: {  	s16 =	simm.s32 $0x4000;
	[smem:$0x7FF] =	sst s8;
	s3 =	sand.u32 $0x1, s3  }
0xa: {  	s0 =	sadd.s32 $0xA00, s0;
	s5 =	smul.u32 $0xC380, s9;
	s22 =	sshll.u32 s9, $0x1  }
0xb: {  	s24 =	sadd.s32 $0x20, s13;
	_ =	strace $0x80000047;
	[dreg:$0xb] =	wrdreg s0  }
0xc: {  	s9 =	sshll.u32 s9, $0x6;
	s25 =	sadd.s32 $0x40, s13;
	[dreg:$0x14] =	wrdreg s24  }
0xd: {  	s26 =	sadd.s32 $0x60, s13;
	s13 =	simm.s32 $0x5400;
	[dreg:$0x15] =	wrdreg s25  }
0xe: {  	s4 =	ssub.s32 $0x2, s3;
	s18 =	sor.u32 $0x1C05, s9;
	[dreg:$0x17] =	wrdreg s26  }
0xf: {  	s21 =	sshrl.u32 s4, $0x1;
	s10 =	sadd.s32 s5, s6;
	s23 =	sadd.s32 s5, s7  }
0x10: {  	s28 =	sshrl.u32 s5, $0x3;
	s5 =	simm.s32 $0x900;
	[dreg:$0xc] =	wrdreg s18  }
0x11: {  	s0 =	ssub.s32 s4, s21;
	s4 =	sor.u32 s3, s22;
	s3 =	smul.u32 $0x18700, s3  }
0x12: {  	s22 =	simm.s32 $0x5;
	s24 =	sshrl.u32 s23, $0x3;
	s21 =	simm.s32 $0x1  }
0x13: {  	s23 =	simm.s32 $0x1A00;
	s11 =	smul.u32 $0x61, s4;
	s12 =	smin.u32 s4, $0x15  }
0x14: {  	p0 =	slt.u32 s4, $0x15;
	s4 =	simm.s32 $0x62;
	s0 =	smax.u32 s0, $0x1  }
0x15: {  	[dreg:$0x11] =	wrdreg s24;
	s4 =	simm.s32 @!p0 $0x61;
	s1 =	sadd.s32 s1, s3  }
0x16: {  	s2 =	sadd.s32 s2, s3;
	[dreg:$0xf] =	wrdreg s0;
	s0 =	simm.s32 $0x2A00  }
0x17: {  	s3 =	simm.s32 $0x4400;
	s11 =	sadd.s32 s12, s11;
	[dreg:$0xd] =	wrdreg s4  }
0x18: {  	s29 =	sadd.s32 s28, s1;
	s31 =	sadd.s32 s28, s2;
	[dreg:$0xe] =	wrdreg s11  }
0x19: {  	s4 =	simm.s32 $0x880;
	s1 =	simm.s32 $0x80;
	[dreg:$0x12] =	wrdreg s29  }
0x1a: {  	v0 =	vlaneseq.u32;
	s2 =	simm.s32 $0x2;
	s11 =	sshrl.u32 s10, $0x3;
	[dreg:$0x13] =	wrdreg s31  }
0x1b: {  	v0 =	vmul.u32 $0x8, v0;
	s12 =	simm.s32 $0x6400;
	s10 =	simm.s32 $0x980;
	[dreg:$0x10] =	wrdreg s11  }
.LBB2_1:
0x1c: {  	[dreg:$0x16] =	wrdreg s14  }
0x1d: {  	s9 =	rddreg [dreg:$0xb]  }
0x1e: {  	[spmem:s11], [sflag:s18] =	dma.local [hbm:s9], $0x1870  }
0x1f: {  	_ =	swait.ge [sflag:s22], $0x1870  }
0x20: {  	[sflag:s22] =	ssyncset.done $0x0  }
0x21: {  	[sflag:s22] =	ssyncadd.s32 $0xFFFFE790  }
0x22: {  	[spmem:s24], [sflag:s18] =	dma.local [hbm:s9], $0x1870  }
0x23: {  	_ =	swait.ge [sflag:s22], $0x1870  }
0x24: {  	[sflag:s22] =	ssyncset.done $0x0  }
0x25: {  	[sflag:s22] =	ssyncadd.s32 $0xFFFFE790  }
0x26: {  	s31 =	simm.s32 $0x7400;
	s29 =	rddreg [dreg:$0x4]  }
0x27: {  	[tilespmem:s31], [sflag:$0x5] =	stream.linear.gather [hbm4b:s29+s8], $0x30, $0x38;
	[tilespmem:$0x1FB30] =	vst v63  }
0x28: {  	_ =	swait.ge [sflag:s22], $0x30  }
0x29: {  	[sflag:s22] =	ssyncset.done $0x0  }
0x2a: {  	[sflag:s22] =	ssyncadd.s32 $0xFFFFFFD0  }
0x2b: {  	[bflag:$0x0] =	sbarrier.arrive $0xFFFF  }
0x2c: {  	v1 =	vld [tilespmem:$0x7400]  }
0x2d: {  	v2 =	vld [tilespmem:$0x7410]  }
0x2e: {  	v3 =	vld [tilespmem:$0x7420];
	_ =	sdelay $0x3  }
0x2f: {  	s26 =	simm.s32 $0x0;
	s20 =	simm.s32 $0x4200;
	s19 =	simm.s32 $0x4080;
	v1 =	vmul.f32 v1, v1  }
0x30: {  	s25 =	simm.s32 $0x4280;
	s14 =	simm.s32 $0x4100;
	s15 =	simm.s32 $0x4300;
	v2 =	vmul.f32 v2, v2;
	v3 =	vmul.f32 v3, v3  }
.LBB2_2:
0x31: {  	p0 =	seq.s32 s26, $0x0  }
0x32: {  	s18 =	simm.s32 @!p0 $0x3  }
0x33: {  	_ =	swait.ge @!p0 [sflag:s18], $0x400  }
0x34: {  	[sflag:s18] =	ssyncset.done @!p0 $0x0  }
0x35: {  	[sflag:s18] =	ssyncadd.s32 @!p0 $0xFFFFFC00  }
0x36: {  	_ =	swait.ge @!p0 [sflag:s18], $0x400  }
0x37: {  	[sflag:s18] =	ssyncset.done @!p0 $0x0  }
0x38: {  	[sflag:s18] =	ssyncadd.s32 @!p0 $0xFFFFFC00  }
0x39: {  	_ =	swait.ge @!p0 [sflag:s18], $0x400  }
0x3a: {  	[sflag:s18] =	ssyncset.done @!p0 $0x0  }
0x3b: {  	[sflag:s18] =	ssyncadd.s32 @!p0 $0xFFFFFC00  }
0x3c: {  	_ =	swait.ge @!p0 [sflag:s18], $0x400  }
0x3d: {  	[sflag:s18] =	ssyncset.done @!p0 $0x0  }
0x3e: {  	[sflag:s18] =	ssyncadd.s32 @!p0 $0xFFFFFC00  }
0x3f: {  	_ =	swait.ge @!p0 [sflag:s18], $0x400  }
0x40: {  	[sflag:s18] =	ssyncset.done @!p0 $0x0  }
0x41: {  	[sflag:s18] =	ssyncadd.s32 @!p0 $0xFFFFFC00  }
0x42: {  	_ =	swait.ge @!p0 [sflag:s18], $0x400  }
0x43: {  	[sflag:s18] =	ssyncset.done @!p0 $0x0  }
0x44: {  	[sflag:s18] =	ssyncadd.s32 @!p0 $0xFFFFFC00  }
0x45: {  	_ =	swait.ge @!p0 [sflag:s18], $0x400  }
0x46: {  	[sflag:s18] =	ssyncset.done @!p0 $0x0  }
0x47: {  	[sflag:s18] =	ssyncadd.s32 @!p0 $0xFFFFFC00  }
0x48: {  	_ =	swait.ge @!p0 [sflag:s18], $0x400  }
0x49: {  	[sflag:s18] =	ssyncset.done @!p0 $0x0  }
0x4a: {  	[sflag:s18] =	ssyncadd.s32 @!p0 $0xFFFFFC00  }
0x4b: {  	_ =	swait.ge @!p0 [sflag:s18], $0x400  }
0x4c: {  	[sflag:s18] =	ssyncset.done @!p0 $0x0  }
0x4d: {  	[sflag:s18] =	ssyncadd.s32 @!p0 $0xFFFFFC00  }
0x4e: {  	_ =	swait.ge @!p0 [sflag:s18], $0x400  }
0x4f: {  	[sflag:s18] =	ssyncset.done @!p0 $0x0  }
0x50: {  	[sflag:s18] =	ssyncadd.s32 @!p0 $0xFFFFFC00  }
0x51: {  	_ =	swait.ge @!p0 [sflag:s18], $0x400  }
0x52: {  	[sflag:s18] =	ssyncset.done @!p0 $0x0  }
0x53: {  	[sflag:s18] =	ssyncadd.s32 @!p0 $0xFFFFFC00  }
0x54: {  	s9 =	rddreg [dreg:$0xe];
	_ =	swait.ge @!p0 [sflag:s18], $0x400  }
0x55: {  	s9 =	sadd.s32 s26, s9;
	[sflag:s18] =	ssyncset.done @!p0 $0x0  }
0x56: {  	s24 =	sshll.u32 s9, $0x7;
	[sflag:s18] =	ssyncadd.s32 @!p0 $0xFFFFFC00  }
0x57: {  	s24 =	sand.u32 $0x1FFFFF80, s24;
	s29 =	rddreg [dreg:$0x0]  }
0x58: {  	s31 =	rddreg [dreg:$0x1];
	s11 =	sadd.s32 s29, s24  }
0x59: {  	[tilespmem:s8], [sflag:$0x1] =	stream.linear.gather [hbm4b:s11+s8], $0x200, $0x38;
	[tilespmem:$0x1FB30] =	vst v63  }
0x5a: {  	s22 =	sadd.s32 s31, s24;
	s11 =	simm.s32 $0x200  }
0x5b: {  	[tilespmem:s11], [sflag:$0x1] =	stream.linear.gather [hbm4b:s22+s8], $0x200, $0x38;
	[tilespmem:$0x1FB30] =	vst v63  }
0x5c: {  	s11 =	rddreg [dreg:$0x2]  }
0x5d: {  	s22 =	simm.s32 $0x400;
	s24 =	sadd.s32 s11, s24  }
0x5e: {  	[tilespmem:s22], [sflag:$0x1] =	stream.linear.gather [hbm4b:s24+s8], $0x200, $0x38;
	[tilespmem:$0x1FB30] =	vst v63  }
0x5f: {  	s22 =	sshll.u32 s9, $0x8  }
0x60: {  	s18 =	sand.u32 $0x1FFFFF00, s22;
	s22 =	rddreg [dreg:$0x3]  }
0x61: {  	s28 =	simm.s32 $0x600;
	s24 =	sadd.s32 s22, s18  }
0x62: {  	[tilespmem:s28], [sflag:$0x1] =	stream.linear.gather [hbm4b:s24+s8], $0x80, $0x38;
	[tilespmem:$0x1FB30] =	vst v63  }
0x63: {  	s24 =	sadd.s32 $0x10, s24  }
0x64: {  	[tilespmem:s30], [sflag:$0x1] =	stream.linear.gather [hbm4b:s24+s8], $0x80, $0x38;
	[tilespmem:$0x1FB30] =	vst v63  }
0x65: {  	s30 =	rddreg [dreg:$0x14]  }
0x66: {  	s28 =	simm.s32 $0x680;
	s24 =	sadd.s32 s18, s30  }
0x67: {  	[tilespmem:s28], [sflag:$0x1] =	stream.linear.gather [hbm4b:s24+s8], $0x80, $0x38;
	[tilespmem:$0x1FB30] =	vst v63  }
0x68: {  	s24 =	sadd.s32 $0x10, s24;
	s28 =	rddreg [dreg:$0x15]  }
0x69: {  	[tilespmem:s4], [sflag:$0x1] =	stream.linear.gather [hbm4b:s24+s8], $0x80, $0x38;
	[tilespmem:$0x1FB30] =	vst v63  }
0x6a: {  	s24 =	sadd.s32 s18, s28;
	s4 =	simm.s32 $0x700  }
0x6b: {  	[tilespmem:s4], [sflag:$0x1] =	stream.linear.gather [hbm4b:s24+s8], $0x80, $0x38;
	[tilespmem:$0x1FB30] =	vst v63  }
0x6c: {  	s24 =	sadd.s32 $0x10, s24  }
0x6d: {  	[tilespmem:s5], [sflag:$0x1] =	stream.linear.gather [hbm4b:s24+s8], $0x80, $0x38;
	[tilespmem:$0x1FB30] =	vst v63  }
0x6e: {  	s5 =	rddreg [dreg:$0x17]  }
0x6f: {  	s24 =	simm.s32 $0x780;
	s18 =	sadd.s32 s18, s5  }
0x70: {  	[tilespmem:s24], [sflag:$0x1] =	stream.linear.gather [hbm4b:s18+s8], $0x80, $0x38;
	[tilespmem:$0x1FB30] =	vst v63  }
0x71: {  	s18 =	sadd.s32 $0x10, s18  }
0x72: {  	[tilespmem:s10], [sflag:$0x1] =	stream.linear.gather [hbm4b:s18+s8], $0x80, $0x38;
	[tilespmem:$0x1FB30] =	vst v63  }
0x73: {  	s18 =	simm.s32 @!p0 $0x4  }
0x74: {  	_ =	swait.ge @!p0 [sflag:s18], $0x400  }
0x75: {  	[sflag:s18] =	ssyncset.done @!p0 $0x0  }
0x76: {  	[sflag:s18] =	ssyncadd.s32 @!p0 $0xFFFFFC00  }
0x77: {  	_ =	swait.ge @!p0 [sflag:s18], $0x400  }
0x78: {  	[sflag:s18] =	ssyncset.done @!p0 $0x0  }
0x79: {  	[sflag:s18] =	ssyncadd.s32 @!p0 $0xFFFFFC00  }
0x7a: {  	_ =	swait.ge @!p0 [sflag:s18], $0x400  }
0x7b: {  	[sflag:s18] =	ssyncset.done @!p0 $0x0  }
0x7c: {  	[sflag:s18] =	ssyncadd.s32 @!p0 $0xFFFFFC00  }
0x7d: {  	_ =	swait.ge @!p0 [sflag:s18], $0x400  }
0x7e: {  	[sflag:s18] =	ssyncset.done @!p0 $0x0  }
0x7f: {  	[sflag:s18] =	ssyncadd.s32 @!p0 $0xFFFFFC00  }
0x80: {  	_ =	swait.ge @!p0 [sflag:s18], $0x400  }
0x81: {  	[sflag:s18] =	ssyncset.done @!p0 $0x0  }
0x82: {  	[sflag:s18] =	ssyncadd.s32 @!p0 $0xFFFFFC00  }
0x83: {  	_ =	swait.ge @!p0 [sflag:s18], $0x400  }
0x84: {  	[sflag:s18] =	ssyncset.done @!p0 $0x0  }
0x85: {  	[sflag:s18] =	ssyncadd.s32 @!p0 $0xFFFFFC00  }
0x86: {  	_ =	swait.ge @!p0 [sflag:s18], $0x400  }
0x87: {  	[sflag:s18] =	ssyncset.done @!p0 $0x0  }
0x88: {  	[sflag:s18] =	ssyncadd.s32 @!p0 $0xFFFFFC00  }
0x89: {  	_ =	swait.ge @!p0 [sflag:s18], $0x400  }
0x8a: {  	[sflag:s18] =	ssyncset.done @!p0 $0x0  }
0x8b: {  	[sflag:s18] =	ssyncadd.s32 @!p0 $0xFFFFFC00  }
0x8c: {  	_ =	swait.ge @!p0 [sflag:s18], $0x400  }
0x8d: {  	[sflag:s18] =	ssyncset.done @!p0 $0x0  }
0x8e: {  	[sflag:s18] =	ssyncadd.s32 @!p0 $0xFFFFFC00  }
0x8f: {  	_ =	swait.ge @!p0 [sflag:s18], $0x400  }
0x90: {  	[sflag:s18] =	ssyncset.done @!p0 $0x0  }
0x91: {  	[sflag:s18] =	ssyncadd.s32 @!p0 $0xFFFFFC00  }
0x92: {  	s9 =	sshll.u32 s9, $0x1;
	_ =	swait.ge @!p0 [sflag:s18], $0x400  }
0x93: {  	s9 =	sor.u32 $0x1, s9;
	[sflag:s18] =	ssyncset.done @!p0 $0x0  }
0x94: {  	s4 =	sshll.u32 s9, $0x6;
	[sflag:s18] =	ssyncadd.s32 @!p0 $0xFFFFFC00  }
0x95: {  	s24 =	sand.u32 $0x1FFFFFC0, s4;
	_ =	swait.ge @!p0 [sflag:s18], $0x400  }
0x96: {  	s29 =	sadd.s32 s29, s24;
	[sflag:s18] =	ssyncset.done @!p0 $0x0  }
0x97: {  	s10 =	simm.s32 $0x3A00;
	[sflag:s18] =	ssyncadd.s32 @!p0 $0xFFFFFC00;
	s18 =	simm.s32 $0x0  }
0x98: {  	[tilespmem:s10], [sflag:$0x2] =	stream.linear.gather [hbm4b:s29+s18], $0x200, $0x38;
	[tilespmem:$0x1FB30] =	vst v63  }
0x99: {  	s9 =	sshll.u32 s9, $0x7;
	s29 =	sadd.s32 s31, s24;
	s10 =	simm.s32 $0x3C00  }
0x9a: {  	[tilespmem:s10], [sflag:$0x2] =	stream.linear.gather [hbm4b:s29+s18], $0x200, $0x38;
	[tilespmem:$0x1FB30] =	vst v63  }
0x9b: {  	s9 =	sand.u32 $0x1FFFFF80, s9;
	s24 =	sadd.s32 s11, s24;
	s10 =	simm.s32 $0x3E00  }
0x9c: {  	[tilespmem:s10], [sflag:$0x2] =	stream.linear.gather [hbm4b:s24+s18], $0x200, $0x38;
	[tilespmem:$0x1FB30] =	vst v63  }
0x9d: {  	s11 =	sadd.s32 s22, s9  }
0x9e: {  	[tilespmem:s16], [sflag:$0x2] =	stream.linear.gather [hbm4b:s11+s18], $0x80, $0x38;
	[tilespmem:$0x1FB30] =	vst v63  }
0x9f: {  	s24 =	sadd.s32 $0x10, s11  }
0xa0: {  	[tilespmem:s20], [sflag:$0x2] =	stream.linear.gather [hbm4b:s24+s18], $0x80, $0x38;
	[tilespmem:$0x1FB30] =	vst v63  }
0xa1: {  	s20 =	sadd.s32 s9, s30  }
0xa2: {  	[tilespmem:s19], [sflag:$0x2] =	stream.linear.gather [hbm4b:s20+s18], $0x80, $0x38;
	[tilespmem:$0x1FB30] =	vst v63  }
0xa3: {  	s24 =	sadd.s32 $0x10, s20  }
0xa4: {  	[tilespmem:s25], [sflag:$0x2] =	stream.linear.gather [hbm4b:s24+s18], $0x80, $0x38;
	[tilespmem:$0x1FB30] =	vst v63  }
0xa5: {  	s22 =	sadd.s32 s9, s28  }
0xa6: {  	[tilespmem:s14], [sflag:$0x2] =	stream.linear.gather [hbm4b:s22+s18], $0x80, $0x38;
	[tilespmem:$0x1FB30] =	vst v63  }
0xa7: {  	s24 =	sadd.s32 $0x10, s22  }
0xa8: {  	[tilespmem:s15], [sflag:$0x2] =	stream.linear.gather [hbm4b:s24+s18], $0x80, $0x38;
	[tilespmem:$0x1FB30] =	vst v63  }
0xa9: {  	s9 =	sadd.s32 s9, s5;
	s25 =	simm.s32 $0x4180  }
0xaa: {  	[tilespmem:s25], [sflag:$0x2] =	stream.linear.gather [hbm4b:s9+s18], $0x80, $0x38;
	[tilespmem:$0x1FB30] =	vst v63  }
0xab: {  	s28 =	simm.s32 $0x4380;
	s9 =	sadd.s32 $0x10, s9  }
0xac: {  	[tilespmem:s28], [sflag:$0x2] =	stream.linear.gather [hbm4b:s9+s18], $0x80, $0x38;
	[tilespmem:$0x1FB30] =	vst v63  }
0xad: {  	_ =	swait.ge [sflag:s21], $0x200  }
0xae: {  	[sflag:s21] =	ssyncset.done $0x0  }
0xaf: {  	[sflag:s21] =	ssyncadd.s32 $0xFFFFFE00  }
0xb0: {  	_ =	swait.ge [sflag:s21], $0x200  }
0xb1: {  	[sflag:s21] =	ssyncset.done $0x0  }
0xb2: {  	[sflag:s21] =	ssyncadd.s32 $0xFFFFFE00  }
0xb3: {  	_ =	swait.ge [sflag:s21], $0x200  }
0xb4: {  	[sflag:s21] =	ssyncset.done $0x0  }
0xb5: {  	[sflag:s21] =	ssyncadd.s32 $0xFFFFFE00  }
0xb6: {  	_ =	swait.ge [sflag:s21], $0x80  }
0xb7: {  	[sflag:s21] =	ssyncset.done $0x0  }
0xb8: {  	[sflag:s21] =	ssyncadd.s32 $0xFFFFFF80  }
0xb9: {  	_ =	swait.ge [sflag:s21], $0x80  }
0xba: {  	[sflag:s21] =	ssyncset.done $0x0  }
0xbb: {  	[sflag:s21] =	ssyncadd.s32 $0xFFFFFF80  }
0xbc: {  	_ =	swait.ge [sflag:s21], $0x80  }
0xbd: {  	[sflag:s21] =	ssyncset.done $0x0  }
0xbe: {  	[sflag:s21] =	ssyncadd.s32 $0xFFFFFF80  }
0xbf: {  	_ =	swait.ge [sflag:s21], $0x80  }
0xc0: {  	[sflag:s21] =	ssyncset.done $0x0  }
0xc1: {  	[sflag:s21] =	ssyncadd.s32 $0xFFFFFF80  }
0xc2: {  	_ =	swait.ge [sflag:s21], $0x80  }
0xc3: {  	[sflag:s21] =	ssyncset.done $0x0  }
0xc4: {  	[sflag:s21] =	ssyncadd.s32 $0xFFFFFF80  }
0xc5: {  	_ =	swait.ge [sflag:s21], $0x80  }
0xc6: {  	[sflag:s21] =	ssyncset.done $0x0  }
0xc7: {  	[sflag:s21] =	ssyncadd.s32 $0xFFFFFF80  }
0xc8: {  	_ =	swait.ge [sflag:s21], $0x80  }
0xc9: {  	[sflag:s21] =	ssyncset.done $0x0  }
0xca: {  	[sflag:s21] =	ssyncadd.s32 $0xFFFFFF80  }
0xcb: {  	_ =	swait.ge [sflag:s21], $0x80  }
0xcc: {  	[sflag:s21] =	ssyncset.done $0x0  }
0xcd: {  	s29 =	simm.s32 $0x210;
	[sflag:s21] =	ssyncadd.s32 $0xFFFFFF80  }
0xce: {  	s31 =	simm.s32 $0x10;
	v4 =	vld [tilespmem:s29+$0xFFFFFFF0]  }
0xcf: {  	s9 =	simm.s32 $0x410;
	v5 =	vld [tilespmem:s31+$0xFFFFFFF0]  }
0xd0: {  	v6 =	vld [tilespmem:s9+$0xFFFFFFF0];
	_ =	sdelay $0x3  }
0xd1: {  	v7 =	vmul.f32 v4, v4;
	v8 =	vmul.f32 v5, v5  }
0xd2: {  	v9 =	vmul.f32 v6, v6  }
0xd3: {  	v7 =	vmul.f32 v7, v2;
	v8 =	vmul.f32 v8, v1;
	_ =	sdelay $0x1  }
0xd4: {  	v7 =	vadd.f32 v7, v8;
	v8 =	vmul.f32 v9, v3;
	_ =	sdelay $0x1  }
0xd5: {  	v7 =	vadd.f32 v8, v7;
	_ =	sdelay $0x1  }
0xd6: {  	v7 =	vsub.f32 $0.0e+00, v7;
	_ =	sdelay $0x1  }
0xd7: {  	v7 =	vmul.f32 $1.442695020e+00, v7;
	_ =	sdelay $0x1  }
0xd8: {  	(erf) = vpow2.f32 v7;
	_ =	sdelay $0x8  }
0xd9: {  	v7 =	vmov s18;
	v8 =	vpop (erf)  }
0xda: {  	v7 =	vshll.u32 v7, $0x3;
	v8 =	vmul.f32 $-2.000000000e+00, v8  }
0xdb: {  	v7 =	vor.u32 v0, v7  }
0xdc: {  	v10 =	vor.u32 $0x1, v7;
	v48 =	vmul.f32 v8, v1  }
0xdd: {  	v12 =	vor.u32 $0x2, v7;
	v11 =	vmul.f32 v8, v2  }
0xde: {  	v8 =	vmul.f32 v8, v3;
	v9 =	vmul.f32 v48, v5  }
0xdf: {  	v11 =	vmul.f32 v11, v4  }
0xe0: {  	v8 =	vmul.f32 v8, v6;
	[tilespmem:v7+s17+$0x0] =	vst.idx.msk $0xffff, v9  }
0xe1: {  	v13 =	vsub.f32 $0.0e+00, v9;
	[tilespmem:v10+s17+$0x0] =	vst.idx.msk $0xffff, v11  }
0xe2: {  	v14 =	vsub.f32 $0.0e+00, v11;
	[tilespmem:v12+s17+$0x0] =	vst.idx.msk $0xffff, v8  }
0xe3: {  	v49 =	vsub.f32 $0.0e+00, v8;
	[tilespmem:v7+s23+$0x0] =	vst.idx.msk $0xffff, v13  }
0xe4: {  	v50 =	vor.u32 $0x3, v7;
	v15 =	vmul.f32 v9, v5;
	[tilespmem:v10+s23+$0x0] =	vst.idx.msk $0xffff, v14  }
0xe5: {  	v51 =	vor.u32 $0x4, v7;
	v16 =	vmul.f32 v11, v4;
	[tilespmem:v12+s23+$0x0] =	vst.idx.msk $0xffff, v49  }
0xe6: {  	v17 =	vmul.f32 v8, v6;
	[tilespmem:v7+s0+$0x0] =	vst.idx.msk $0xffff, v15;
	v7 =	vor.u32 $0x5, v7  }
0xe7: {  	v5 =	vmul.f32 v11, v5;
	[tilespmem:v10+s0+$0x0] =	vst.idx.msk $0xffff, v16  }
0xe8: {  	v4 =	vmul.f32 v8, v4;
	[tilespmem:v12+s0+$0x0] =	vst.idx.msk $0xffff, v17  }
0xe9: {  	v6 =	vmul.f32 v9, v6;
	[tilespmem:v50+s0+$0x0] =	vst.idx.msk $0xffff, v5  }
0xea: {  	[tilespmem:v51+s0+$0x0] =	vst.idx.msk $0xffff, v4  }
0xeb: {  	[tilespmem:v7+s0+$0x0] =	vst.idx.msk $0xffff, v6  }
0xec: {  	v4 =	vld [tilespmem:s31+$0x0]  }
0xed: {  	v5 =	vld [tilespmem:s29+$0x0]  }
0xee: {  	v6 =	vld [tilespmem:s9+$0x0];
	_ =	sdelay $0x3  }
0xef: {  	v7 =	vmul.f32 v4, v4;
	v8 =	vmul.f32 v5, v5  }
0xf0: {  	v52 =	vmul.f32 v6, v6  }
0xf1: {  	v7 =	vmul.f32 v7, v1;
	v8 =	vmul.f32 v8, v2;
	_ =	sdelay $0x1  }
0xf2: {  	v9 =	vmul.f32 v52, v3;
	v7 =	vadd.f32 v8, v7;
	_ =	sdelay $0x1  }
0xf3: {  	v7 =	vadd.f32 v9, v7;
	_ =	sdelay $0x1  }
0xf4: {  	v7 =	vsub.f32 $0.0e+00, v7;
	_ =	sdelay $0x1  }
0xf5: {  	v7 =	vmul.f32 $1.442695020e+00, v7;
	_ =	sdelay $0x1  }
0xf6: {  	(erf) = vpow2.f32 v7;
	_ =	sdelay $0x7  }
0xf7: {  	s30 =	simm.s32 $0x10  }
0xf8: {  	v7 =	vmov s30;
	v8 =	vpop (erf)  }
0xf9: {  	v7 =	vshll.u32 v7, $0x3;
	v8 =	vmul.f32 $-2.000000000e+00, v8  }
0xfa: {  	v53 =	vor.u32 v0, v7  }
0xfb: {  	v7 =	vor.u32 $0x1, v53;
	v54 =	vmul.f32 v8, v1  }
0xfc: {  	v56 =	vor.u32 $0x2, v53;
	v55 =	vmul.f32 v8, v2  }
0xfd: {  	v8 =	vmul.f32 v8, v3;
	v10 =	vmul.f32 v54, v4  }
0xfe: {  	v11 =	vmul.f32 v55, v5  }
0xff: {  	v8 =	vmul.f32 v8, v6;
	[tilespmem:v53+s17+$0x0] =	vst.idx.msk $0xffff, v10  }
0x100: {  	v57 =	vsub.f32 $0.0e+00, v10;
	[tilespmem:v7+s17+$0x0] =	vst.idx.msk $0xffff, v11  }
0x101: {  	v58 =	vsub.f32 $0.0e+00, v11;
	[tilespmem:v56+s17+$0x0] =	vst.idx.msk $0xffff, v8  }
0x102: {  	v59 =	vsub.f32 $0.0e+00, v8;
	[tilespmem:v53+s23+$0x0] =	vst.idx.msk $0xffff, v57  }
0x103: {  	v60 =	vmul.f32 v10, v4;
	[tilespmem:v7+s23+$0x0] =	vst.idx.msk $0xffff, v58  }
0x104: {  	v62 =	vmul.f32 v11, v5;
	[tilespmem:v56+s23+$0x0] =	vst.idx.msk $0xffff, v59  }
0x105: {  	v61 =	vor.u32 $0x3, v53;
	[tilespmem:v53+s0+$0x0] =	vst.idx.msk $0xffff, v60  }
0x106: {  	v63 =	vmul.f32 v8, v6;
	[tilespmem:v7+s0+$0x0] =	vst.idx.msk $0xffff, v62;
	v7 =	vor.u32 $0x4, v53  }
0x107: {  	v11 =	vmul.f32 v11, v4;
	v4 =	vmul.f32 v10, v6;
	v6 =	vor.u32 $0x5, v53;
	_ =	sdelay $0x1  }
0x108: {  	s11 =	simm.s32 $0x4200;
	s20 =	simm.s32 $0x4080;
	s19 =	simm.s32 $0x4280;
	v5 =	vmul.f32 v8, v5;
	[tilespmem:v56+s0+$0x0] =	vst.idx.msk $0xffff, v63  }
0x109: {  	s22 =	simm.s32 $0x4100;
	s14 =	simm.s32 $0x4300;
	s24 =	simm.s32 $0x20;
	[tilespmem:v61+s0+$0x0] =	vst.idx.msk $0xffff, v11  }
.LBB2_3:
0x10a: {  	[tilespmem:v7+s0+$0x0] =	vst.idx.msk $0xffff, v5;
	s29 =	sadd.s32 $0x20, s29;
	s9 =	sadd.s32 $0x20, s9;
	s31 =	sadd.s32 $0x20, s31  }
0x10b: {  	p0 =	sne.s32 s24, $0x1E0;
	s18 =	smov.u32 s24;
	s24 =	sadd.s32 $0x20, s24;
	[tilespmem:v6+s0+$0x0] =	vst.idx.msk $0xffff, v4  }
0x10c: {  	v4 =	vld [tilespmem:s29+$0xFFFFFFF0]  }
0x10d: {  	v5 =	vld [tilespmem:s31+$0xFFFFFFF0];
	_ =	sdelay $0x1  }
0x10e: {  	v6 =	vld [tilespmem:s9+$0xFFFFFFF0];
	_ =	sdelay $0x1  }
0x10f: {  	v7 =	vmul.f32 v4, v4  }
0x110: {  	v8 =	vmul.f32 v5, v5  }
0x111: {  	v7 =	vmul.f32 v7, v2  }
0x112: {  	v8 =	vmul.f32 v8, v1;
	v9 =	vmul.f32 v6, v6;
	_ =	sdelay $0x1  }
0x113: {  	v7 =	vadd.f32 v7, v8;
	v8 =	vmul.f32 v9, v3;
	_ =	sdelay $0x1  }
0x114: {  	v7 =	vadd.f32 v8, v7;
	_ =	sdelay $0x1  }
0x115: {  	v7 =	vsub.f32 $0.0e+00, v7;
	_ =	sdelay $0x1  }
0x116: {  	v7 =	vmul.f32 $1.442695020e+00, v7;
	_ =	sdelay $0x1  }
0x117: {  	(erf) = vpow2.f32 v7;
	_ =	sdelay $0x8  }
0x118: {  	v7 =	vmov s18;
	v8 =	vpop (erf)  }
0x119: {  	v7 =	vshll.u32 v7, $0x3;
	v8 =	vmul.f32 $-2.000000000e+00, v8  }
0x11a: {  	v7 =	vor.u32 v0, v7  }
0x11b: {  	v11 =	vor.u32 $0x1, v7;
	v9 =	vmul.f32 v8, v1;
	v10 =	vmul.f32 v8, v2  }
0x11c: {  	v12 =	vor.u32 $0x2, v7;
	v8 =	vmul.f32 v8, v3  }
0x11d: {  	v9 =	vmul.f32 v9, v5;
	v10 =	vmul.f32 v10, v4;
	_ =	sdelay $0x1  }
0x11e: {  	v8 =	vmul.f32 v8, v6;
	[tilespmem:v7+s17+$0x0] =	vst.idx.msk $0xffff, v9;
	v13 =	vmul.f32 v9, v5  }
0x11f: {  	v14 =	vsub.f32 $0.0e+00, v9;
	v15 =	vmul.f32 v10, v4;
	v5 =	vmul.f32 v10, v5;
	[tilespmem:v11+s17+$0x0] =	vst.idx.msk $0xffff, v10  }
0x120: {  	v16 =	vmul.f32 v8, v6;
	v4 =	vmul.f32 v8, v4;
	v10 =	vsub.f32 $0.0e+00, v10;
	[tilespmem:v12+s17+$0x0] =	vst.idx.msk $0xffff, v8  }
0x121: {  	v6 =	vmul.f32 v9, v6;
	v8 =	vsub.f32 $0.0e+00, v8;
	[tilespmem:v7+s23+$0x0] =	vst.idx.msk $0xffff, v14  }
0x122: {  	v9 =	vor.u32 $0x3, v7;
	[tilespmem:v11+s23+$0x0] =	vst.idx.msk $0xffff, v10  }
0x123: {  	[tilespmem:v12+s23+$0x0] =	vst.idx.msk $0xffff, v8;
	v8 =	vor.u32 $0x4, v7  }
0x124: {  	[tilespmem:v7+s0+$0x0] =	vst.idx.msk $0xffff, v13;
	v7 =	vor.u32 $0x5, v7  }
0x125: {  	[tilespmem:v11+s0+$0x0] =	vst.idx.msk $0xffff, v15  }
0x126: {  	[tilespmem:v12+s0+$0x0] =	vst.idx.msk $0xffff, v16  }
0x127: {  	[tilespmem:v9+s0+$0x0] =	vst.idx.msk $0xffff, v5  }
0x128: {  	[tilespmem:v8+s0+$0x0] =	vst.idx.msk $0xffff, v4  }
0x129: {  	[tilespmem:v7+s0+$0x0] =	vst.idx.msk $0xffff, v6  }
0x12a: {  	v4 =	vld [tilespmem:s31+$0x0]  }
0x12b: {  	v5 =	vld [tilespmem:s29+$0x0]  }
0x12c: {  	v6 =	vld [tilespmem:s9+$0x0];
	_ =	sdelay $0x2  }
0x12d: {  	v7 =	vmul.f32 v4, v4  }
0x12e: {  	v8 =	vmul.f32 v5, v5  }
0x12f: {  	v7 =	vmul.f32 v7, v1;
	v9 =	vmul.f32 v6, v6  }
0x130: {  	v8 =	vmul.f32 v8, v2  }
0x131: {  	v9 =	vmul.f32 v9, v3  }
0x132: {  	v7 =	vadd.f32 v8, v7;
	_ =	sdelay $0x1  }
0x133: {  	v7 =	vadd.f32 v9, v7;
	_ =	sdelay $0x1  }
0x134: {  	v7 =	vsub.f32 $0.0e+00, v7;
	_ =	sdelay $0x1  }
0x135: {  	v7 =	vmul.f32 $1.442695020e+00, v7;
	_ =	sdelay $0x1  }
0x136: {  	(erf) = vpow2.f32 v7;
	_ =	sdelay $0x6  }
0x137: {  	s18 =	sadd.s32 $0x10, s18  }
0x138: {  	v7 =	vmov s18  }
0x139: {  	v7 =	vshll.u32 v7, $0x3;
	v8 =	vpop (erf)  }
0x13a: {  	v9 =	vor.u32 v0, v7;
	v8 =	vmul.f32 $-2.000000000e+00, v8  }
0x13b: {  	v10 =	vor.u32 $0x1, v9  }
0x13c: {  	v12 =	vor.u32 $0x2, v9;
	v7 =	vmul.f32 v8, v1;
	v11 =	vmul.f32 v8, v2  }
0x13d: {  	v8 =	vmul.f32 v8, v3  }
0x13e: {  	v7 =	vmul.f32 v7, v4;
	v11 =	vmul.f32 v11, v5  }
0x13f: {  	v8 =	vmul.f32 v8, v6  }
0x140: {  	[tilespmem:v9+s17+$0x0] =	vst.idx.msk $0xffff, v7;
	v13 =	vsub.f32 $0.0e+00, v7;
	v14 =	vmul.f32 v7, v4;
	v15 =	vmul.f32 v11, v5  }
0x141: {  	v16 =	vsub.f32 $0.0e+00, v11;
	v17 =	vmul.f32 v8, v6;
	[tilespmem:v10+s17+$0x0] =	vst.idx.msk $0xffff, v11;
	v11 =	vmul.f32 v11, v4  }
0x142: {  	v18 =	vsub.f32 $0.0e+00, v8;
	v5 =	vmul.f32 v8, v5;
	v4 =	vmul.f32 v7, v6;
	[tilespmem:v12+s17+$0x0] =	vst.idx.msk $0xffff, v8  }
0x143: {  	v8 =	vor.u32 $0x3, v9;
	[tilespmem:v9+s23+$0x0] =	vst.idx.msk $0xffff, v13  }
0x144: {  	v7 =	vor.u32 $0x4, v9;
	[tilespmem:v10+s23+$0x0] =	vst.idx.msk $0xffff, v16  }
.Ltmp0:
0x145: {  	v6 =	vor.u32 $0x5, v9;
	[tilespmem:v12+s23+$0x0] =	vst.idx.msk $0xffff, v18;
	(pc) =	sbr.rel @p0 .LBB2_3-.Ltmp0, $4  }
0x146: {  	[tilespmem:v9+s0+$0x0] =	vst.idx.msk $0xffff, v14  }
0x147: {  	[tilespmem:v10+s0+$0x0] =	vst.idx.msk $0xffff, v15  }
0x148: {  	[tilespmem:v12+s0+$0x0] =	vst.idx.msk $0xffff, v17  }
0x149: {  	[tilespmem:v8+s0+$0x0] =	vst.idx.msk $0xffff, v11  }
0x14a: {  	_ =	sdelay $0x3  }
0x14b: {  	[tilespmem:v7+s0+$0x0] =	vst.idx.msk $0xffff, v5  }
0x14c: {  	s9 =	simm.s32 $0x600;
	[tilespmem:v6+s0+$0x0] =	vst.idx.msk $0xffff, v4  }
0x14d: {  	[spmem:s6] =	stream.indirect.scatter.add.f32 [tilespmem:s17], [sflag:$0x3], $0x8, s9, s1, $0xb8;
	[tilespmem:$0x1FB30] =	vst v63  }
0x14e: {  	s15 =	simm.s32 $0x800  }
0x14f: {  	[spmem:s6] =	stream.indirect.scatter.add.f32 [tilespmem:s23], [sflag:$0x3], $0x8, s15, s1, $0xb8;
	[tilespmem:$0x1FB30] =	vst v63  }
0x150: {  	_ = 	snop  }
0x151: {  	[spmem:s7] =	stream.indirect.scatter.add.f32 [tilespmem:s0], [sflag:$0x3], $0x8, s15, s1, $0xb8;
	[tilespmem:$0x1FB30] =	vst v63  }
0x152: {  	s18 =	simm.s32 $0x680;
	s4 =	simm.s32 $0xE00  }
0x153: {  	[spmem:s6] =	stream.indirect.scatter.add.f32 [tilespmem:s4], [sflag:$0x3], $0x8, s18, s1, $0xb8;
	[tilespmem:$0x1FB30] =	vst v63  }
0x154: {  	s24 =	simm.s32 $0x880;
	s10 =	simm.s32 $0x1E00  }
0x155: {  	[spmem:s6] =	stream.indirect.scatter.add.f32 [tilespmem:s10], [sflag:$0x3], $0x8, s24, s1, $0xb8;
	[tilespmem:$0x1FB30] =	vst v63  }
0x156: {  	s5 =	simm.s32 $0x2E00  }
0x157: {  	[spmem:s7] =	stream.indirect.scatter.add.f32 [tilespmem:s5], [sflag:$0x3], $0x8, s24, s1, $0xb8;
	[tilespmem:$0x1FB30] =	vst v63  }
0x158: {  	s15 =	simm.s32 $0x700;
	s18 =	simm.s32 $0x1200  }
0x159: {  	[spmem:s6] =	stream.indirect.scatter.add.f32 [tilespmem:s18], [sflag:$0x3], $0x8, s15, s1, $0xb8;
	[tilespmem:$0x1FB30] =	vst v63  }
0x15a: {  	s10 =	simm.s32 $0x2200;
	s24 =	simm.s32 $0x900  }
0x15b: {  	[spmem:s6] =	stream.indirect.scatter.add.f32 [tilespmem:s10], [sflag:$0x3], $0x8, s24, s1, $0xb8;
	[tilespmem:$0x1FB30] =	vst v63  }
0x15c: {  	s10 =	simm.s32 $0x3200  }
0x15d: {  	[spmem:s7] =	stream.indirect.scatter.add.f32 [tilespmem:s10], [sflag:$0x3], $0x8, s24, s1, $0xb8;
	[tilespmem:$0x1FB30] =	vst v63  }
0x15e: {  	s15 =	simm.s32 $0x780;
	s18 =	simm.s32 $0x1600  }
0x15f: {  	[spmem:s6] =	stream.indirect.scatter.add.f32 [tilespmem:s18], [sflag:$0x3], $0x8, s15, s1, $0xb8;
	[tilespmem:$0x1FB30] =	vst v63  }
0x160: {  	s24 =	simm.s32 $0x980;
	s18 =	simm.s32 $0x2600  }
0x161: {  	[spmem:s6] =	stream.indirect.scatter.add.f32 [tilespmem:s18], [sflag:$0x3], $0x8, s24, s1, $0xb8;
	[tilespmem:$0x1FB30] =	vst v63  }
0x162: {  	s15 =	simm.s32 $0x3600  }
0x163: {  	[spmem:s7] =	stream.indirect.scatter.add.f32 [tilespmem:s15], [sflag:$0x3], $0x8, s24, s1, $0xb8;
	[tilespmem:$0x1FB30] =	vst v63  }
0x164: {  	_ =	swait.ge [sflag:s2], $0x200  }
0x165: {  	[sflag:s2] =	ssyncset.done $0x0  }
0x166: {  	[sflag:s2] =	ssyncadd.s32 $0xFFFFFE00  }
0x167: {  	_ =	swait.ge [sflag:s2], $0x200  }
0x168: {  	[sflag:s2] =	ssyncset.done $0x0  }
0x169: {  	[sflag:s2] =	ssyncadd.s32 $0xFFFFFE00  }
0x16a: {  	_ =	swait.ge [sflag:s2], $0x200  }
0x16b: {  	[sflag:s2] =	ssyncset.done $0x0  }
0x16c: {  	[sflag:s2] =	ssyncadd.s32 $0xFFFFFE00  }
0x16d: {  	_ =	swait.ge [sflag:s2], $0x80  }
0x16e: {  	[sflag:s2] =	ssyncset.done $0x0  }
0x16f: {  	[sflag:s2] =	ssyncadd.s32 $0xFFFFFF80  }
0x170: {  	_ =	swait.ge [sflag:s2], $0x80  }
0x171: {  	[sflag:s2] =	ssyncset.done $0x0  }
0x172: {  	[sflag:s2] =	ssyncadd.s32 $0xFFFFFF80  }
0x173: {  	_ =	swait.ge [sflag:s2], $0x80  }
0x174: {  	[sflag:s2] =	ssyncset.done $0x0  }
0x175: {  	[sflag:s2] =	ssyncadd.s32 $0xFFFFFF80  }
0x176: {  	_ =	swait.ge [sflag:s2], $0x80  }
0x177: {  	[sflag:s2] =	ssyncset.done $0x0  }
0x178: {  	[sflag:s2] =	ssyncadd.s32 $0xFFFFFF80  }
0x179: {  	_ =	swait.ge [sflag:s2], $0x80  }
0x17a: {  	[sflag:s2] =	ssyncset.done $0x0  }
0x17b: {  	[sflag:s2] =	ssyncadd.s32 $0xFFFFFF80  }
0x17c: {  	_ =	swait.ge [sflag:s2], $0x80  }
0x17d: {  	[sflag:s2] =	ssyncset.done $0x0  }
0x17e: {  	[sflag:s2] =	ssyncadd.s32 $0xFFFFFF80  }
0x17f: {  	_ =	swait.ge [sflag:s2], $0x80  }
0x180: {  	[sflag:s2] =	ssyncset.done $0x0  }
0x181: {  	[sflag:s2] =	ssyncadd.s32 $0xFFFFFF80  }
0x182: {  	_ =	swait.ge [sflag:s2], $0x80  }
0x183: {  	[sflag:s2] =	ssyncset.done $0x0  }
0x184: {  	s29 =	simm.s32 $0x3C10;
	[sflag:s2] =	ssyncadd.s32 $0xFFFFFF80  }
0x185: {  	s31 =	simm.s32 $0x3A10;
	v4 =	vld [tilespmem:s29+$0xFFFFFFF0]  }
0x186: {  	s9 =	simm.s32 $0x3E10;
	v5 =	vld [tilespmem:s31+$0xFFFFFFF0]  }
0x187: {  	v6 =	vld [tilespmem:s9+$0xFFFFFFF0];
	_ =	sdelay $0x3  }
0x188: {  	v7 =	vmul.f32 v4, v4;
	v8 =	vmul.f32 v5, v5  }
0x189: {  	v9 =	vmul.f32 v6, v6  }
0x18a: {  	v7 =	vmul.f32 v7, v2;
	v8 =	vmul.f32 v8, v1;
	_ =	sdelay $0x1  }
0x18b: {  	v7 =	vadd.f32 v7, v8;
	v8 =	vmul.f32 v9, v3;
	_ =	sdelay $0x1  }
0x18c: {  	v7 =	vadd.f32 v8, v7;
	_ =	sdelay $0x1  }
0x18d: {  	v7 =	vsub.f32 $0.0e+00, v7;
	_ =	sdelay $0x1  }
0x18e: {  	v7 =	vmul.f32 $1.442695020e+00, v7;
	_ =	sdelay $0x1  }
0x18f: {  	(erf) = vpow2.f32 v7;
	_ =	sdelay $0x7  }
0x190: {  	s18 =	simm.s32 $0x0  }
0x191: {  	v7 =	vmov s18;
	v8 =	vpop (erf)  }
0x192: {  	v7 =	vshll.u32 v7, $0x3;
	v8 =	vmul.f32 $-2.000000000e+00, v8  }
0x193: {  	v7 =	vor.u32 v0, v7  }
0x194: {  	v10 =	vor.u32 $0x1, v7;
	v48 =	vmul.f32 v8, v1  }
0x195: {  	v12 =	vor.u32 $0x2, v7;
	v11 =	vmul.f32 v8, v2  }
0x196: {  	v8 =	vmul.f32 v8, v3;
	v9 =	vmul.f32 v48, v5  }
0x197: {  	v11 =	vmul.f32 v11, v4  }
0x198: {  	v8 =	vmul.f32 v8, v6;
	[tilespmem:v7+s3+$0x0] =	vst.idx.msk $0xffff, v9  }
0x199: {  	v13 =	vsub.f32 $0.0e+00, v9;
	[tilespmem:v10+s3+$0x0] =	vst.idx.msk $0xffff, v11  }
0x19a: {  	v14 =	vsub.f32 $0.0e+00, v11;
	[tilespmem:v12+s3+$0x0] =	vst.idx.msk $0xffff, v8  }
0x19b: {  	v49 =	vsub.f32 $0.0e+00, v8;
	[tilespmem:v7+s13+$0x0] =	vst.idx.msk $0xffff, v13  }
0x19c: {  	v50 =	vor.u32 $0x3, v7;
	v15 =	vmul.f32 v9, v5;
	[tilespmem:v10+s13+$0x0] =	vst.idx.msk $0xffff, v14  }
0x19d: {  	v51 =	vor.u32 $0x4, v7;
	v16 =	vmul.f32 v11, v4;
	[tilespmem:v12+s13+$0x0] =	vst.idx.msk $0xffff, v49  }
0x19e: {  	v17 =	vmul.f32 v8, v6;
	[tilespmem:v7+s12+$0x0] =	vst.idx.msk $0xffff, v15;
	v7 =	vor.u32 $0x5, v7  }
0x19f: {  	v5 =	vmul.f32 v11, v5;
	[tilespmem:v10+s12+$0x0] =	vst.idx.msk $0xffff, v16  }
0x1a0: {  	v4 =	vmul.f32 v8, v4;
	[tilespmem:v12+s12+$0x0] =	vst.idx.msk $0xffff, v17  }
0x1a1: {  	v6 =	vmul.f32 v9, v6;
	[tilespmem:v50+s12+$0x0] =	vst.idx.msk $0xffff, v5  }
0x1a2: {  	[tilespmem:v51+s12+$0x0] =	vst.idx.msk $0xffff, v4  }
0x1a3: {  	[tilespmem:v7+s12+$0x0] =	vst.idx.msk $0xffff, v6  }
0x1a4: {  	v4 =	vld [tilespmem:s31+$0x0]  }
0x1a5: {  	v5 =	vld [tilespmem:s29+$0x0]  }
0x1a6: {  	v6 =	vld [tilespmem:s9+$0x0];
	_ =	sdelay $0x3  }
0x1a7: {  	v7 =	vmul.f32 v4, v4;
	v8 =	vmul.f32 v5, v5  }
0x1a8: {  	v52 =	vmul.f32 v6, v6  }
0x1a9: {  	v7 =	vmul.f32 v7, v1;
	v8 =	vmul.f32 v8, v2;
	_ =	sdelay $0x1  }
0x1aa: {  	v9 =	vmul.f32 v52, v3;
	v7 =	vadd.f32 v8, v7;
	_ =	sdelay $0x1  }
0x1ab: {  	v7 =	vadd.f32 v9, v7;
	_ =	sdelay $0x1  }
0x1ac: {  	v7 =	vsub.f32 $0.0e+00, v7;
	_ =	sdelay $0x1  }
0x1ad: {  	v7 =	vmul.f32 $1.442695020e+00, v7;
	_ =	sdelay $0x1  }
0x1ae: {  	(erf) = vpow2.f32 v7;
	_ =	sdelay $0x7  }
0x1af: {  	s24 =	simm.s32 $0x10  }
0x1b0: {  	v7 =	vmov s24;
	v8 =	vpop (erf)  }
0x1b1: {  	v7 =	vshll.u32 v7, $0x3;
	v8 =	vmul.f32 $-2.000000000e+00, v8  }
0x1b2: {  	v53 =	vor.u32 v0, v7  }
0x1b3: {  	v7 =	vor.u32 $0x1, v53;
	v54 =	vmul.f32 v8, v1  }
0x1b4: {  	v56 =	vor.u32 $0x2, v53;
	v55 =	vmul.f32 v8, v2  }
0x1b5: {  	v8 =	vmul.f32 v8, v3;
	v10 =	vmul.f32 v54, v4  }
0x1b6: {  	v11 =	vmul.f32 v55, v5  }
0x1b7: {  	v8 =	vmul.f32 v8, v6;
	[tilespmem:v53+s3+$0x0] =	vst.idx.msk $0xffff, v10  }
0x1b8: {  	v57 =	vsub.f32 $0.0e+00, v10;
	[tilespmem:v7+s3+$0x0] =	vst.idx.msk $0xffff, v11  }
0x1b9: {  	v58 =	vsub.f32 $0.0e+00, v11;
	[tilespmem:v56+s3+$0x0] =	vst.idx.msk $0xffff, v8  }
0x1ba: {  	v59 =	vsub.f32 $0.0e+00, v8;
	[tilespmem:v53+s13+$0x0] =	vst.idx.msk $0xffff, v57  }
0x1bb: {  	v60 =	vmul.f32 v10, v4;
	[tilespmem:v7+s13+$0x0] =	vst.idx.msk $0xffff, v58  }
0x1bc: {  	v62 =	vmul.f32 v11, v5;
	[tilespmem:v56+s13+$0x0] =	vst.idx.msk $0xffff, v59  }
0x1bd: {  	v61 =	vor.u32 $0x3, v53;
	[tilespmem:v53+s12+$0x0] =	vst.idx.msk $0xffff, v60  }
0x1be: {  	v63 =	vmul.f32 v8, v6;
	[tilespmem:v7+s12+$0x0] =	vst.idx.msk $0xffff, v62;
	v7 =	vor.u32 $0x4, v53  }
0x1bf: {  	v11 =	vmul.f32 v11, v4;
	v4 =	vmul.f32 v10, v6;
	v6 =	vor.u32 $0x5, v53;
	_ =	sdelay $0x1  }
0x1c0: {  	s30 =	simm.s32 $0x800;
	s4 =	simm.s32 $0x880;
	v5 =	vmul.f32 v8, v5;
	[tilespmem:v56+s12+$0x0] =	vst.idx.msk $0xffff, v63  }
0x1c1: {  	s5 =	simm.s32 $0x900;
	s10 =	simm.s32 $0x980;
	s24 =	simm.s32 $0x20;
	[tilespmem:v61+s12+$0x0] =	vst.idx.msk $0xffff, v11  }
.LBB2_5:
0x1c2: {  	[tilespmem:v7+s12+$0x0] =	vst.idx.msk $0xffff, v5;
	s29 =	sadd.s32 $0x20, s29;
	s9 =	sadd.s32 $0x20, s9;
	s31 =	sadd.s32 $0x20, s31  }
0x1c3: {  	p0 =	sne.s32 s24, $0x1E0;
	s18 =	smov.u32 s24;
	s24 =	sadd.s32 $0x20, s24;
	[tilespmem:v6+s12+$0x0] =	vst.idx.msk $0xffff, v4  }
0x1c4: {  	v4 =	vld [tilespmem:s29+$0xFFFFFFF0]  }
0x1c5: {  	v5 =	vld [tilespmem:s31+$0xFFFFFFF0];
	_ =	sdelay $0x1  }
0x1c6: {  	v6 =	vld [tilespmem:s9+$0xFFFFFFF0];
	_ =	sdelay $0x1  }
0x1c7: {  	v7 =	vmul.f32 v4, v4  }
0x1c8: {  	v8 =	vmul.f32 v5, v5  }
0x1c9: {  	v7 =	vmul.f32 v7, v2  }
0x1ca: {  	v8 =	vmul.f32 v8, v1;
	v9 =	vmul.f32 v6, v6;
	_ =	sdelay $0x1  }
0x1cb: {  	v7 =	vadd.f32 v7, v8;
	v8 =	vmul.f32 v9, v3;
	_ =	sdelay $0x1  }
0x1cc: {  	v7 =	vadd.f32 v8, v7;
	_ =	sdelay $0x1  }
0x1cd: {  	v7 =	vsub.f32 $0.0e+00, v7;
	_ =	sdelay $0x1  }
0x1ce: {  	v7 =	vmul.f32 $1.442695020e+00, v7;
	_ =	sdelay $0x1  }
0x1cf: {  	(erf) = vpow2.f32 v7;
	_ =	sdelay $0x8  }
0x1d0: {  	v7 =	vmov s18;
	v8 =	vpop (erf)  }
0x1d1: {  	v7 =	vshll.u32 v7, $0x3;
	v8 =	vmul.f32 $-2.000000000e+00, v8  }
0x1d2: {  	v7 =	vor.u32 v0, v7  }
0x1d3: {  	v11 =	vor.u32 $0x1, v7;
	v9 =	vmul.f32 v8, v1;
	v10 =	vmul.f32 v8, v2  }
0x1d4: {  	v12 =	vor.u32 $0x2, v7;
	v8 =	vmul.f32 v8, v3  }
0x1d5: {  	v9 =	vmul.f32 v9, v5;
	v10 =	vmul.f32 v10, v4;
	_ =	sdelay $0x1  }
0x1d6: {  	v8 =	vmul.f32 v8, v6;
	[tilespmem:v7+s3+$0x0] =	vst.idx.msk $0xffff, v9;
	v13 =	vmul.f32 v9, v5  }
0x1d7: {  	v14 =	vsub.f32 $0.0e+00, v9;
	v15 =	vmul.f32 v10, v4;
	v5 =	vmul.f32 v10, v5;
	[tilespmem:v11+s3+$0x0] =	vst.idx.msk $0xffff, v10  }
0x1d8: {  	v16 =	vmul.f32 v8, v6;
	v4 =	vmul.f32 v8, v4;
	v10 =	vsub.f32 $0.0e+00, v10;
	[tilespmem:v12+s3+$0x0] =	vst.idx.msk $0xffff, v8  }
0x1d9: {  	v6 =	vmul.f32 v9, v6;
	v8 =	vsub.f32 $0.0e+00, v8;
	[tilespmem:v7+s13+$0x0] =	vst.idx.msk $0xffff, v14  }
0x1da: {  	v9 =	vor.u32 $0x3, v7;
	[tilespmem:v11+s13+$0x0] =	vst.idx.msk $0xffff, v10  }
0x1db: {  	[tilespmem:v12+s13+$0x0] =	vst.idx.msk $0xffff, v8;
	v8 =	vor.u32 $0x4, v7  }
0x1dc: {  	[tilespmem:v7+s12+$0x0] =	vst.idx.msk $0xffff, v13;
	v7 =	vor.u32 $0x5, v7  }
0x1dd: {  	[tilespmem:v11+s12+$0x0] =	vst.idx.msk $0xffff, v15  }
0x1de: {  	[tilespmem:v12+s12+$0x0] =	vst.idx.msk $0xffff, v16  }
0x1df: {  	[tilespmem:v9+s12+$0x0] =	vst.idx.msk $0xffff, v5  }
0x1e0: {  	[tilespmem:v8+s12+$0x0] =	vst.idx.msk $0xffff, v4  }
0x1e1: {  	[tilespmem:v7+s12+$0x0] =	vst.idx.msk $0xffff, v6  }
0x1e2: {  	v4 =	vld [tilespmem:s31+$0x0]  }
0x1e3: {  	v5 =	vld [tilespmem:s29+$0x0]  }
0x1e4: {  	v6 =	vld [tilespmem:s9+$0x0];
	_ =	sdelay $0x2  }
0x1e5: {  	v7 =	vmul.f32 v4, v4  }
0x1e6: {  	v8 =	vmul.f32 v5, v5  }
0x1e7: {  	v7 =	vmul.f32 v7, v1;
	v9 =	vmul.f32 v6, v6  }
0x1e8: {  	v8 =	vmul.f32 v8, v2  }
0x1e9: {  	v9 =	vmul.f32 v9, v3  }
0x1ea: {  	v7 =	vadd.f32 v8, v7;
	_ =	sdelay $0x1  }
0x1eb: {  	v7 =	vadd.f32 v9, v7;
	_ =	sdelay $0x1  }
0x1ec: {  	v7 =	vsub.f32 $0.0e+00, v7;
	_ =	sdelay $0x1  }
0x1ed: {  	v7 =	vmul.f32 $1.442695020e+00, v7;
	_ =	sdelay $0x1  }
0x1ee: {  	(erf) = vpow2.f32 v7;
	_ =	sdelay $0x6  }
0x1ef: {  	s18 =	sadd.s32 $0x10, s18  }
0x1f0: {  	v7 =	vmov s18  }
0x1f1: {  	v7 =	vshll.u32 v7, $0x3;
	v8 =	vpop (erf)  }
0x1f2: {  	v9 =	vor.u32 v0, v7;
	v8 =	vmul.f32 $-2.000000000e+00, v8  }
0x1f3: {  	v10 =	vor.u32 $0x1, v9  }
0x1f4: {  	v12 =	vor.u32 $0x2, v9;
	v7 =	vmul.f32 v8, v1;
	v11 =	vmul.f32 v8, v2  }
0x1f5: {  	v8 =	vmul.f32 v8, v3  }
0x1f6: {  	v7 =	vmul.f32 v7, v4;
	v11 =	vmul.f32 v11, v5  }
0x1f7: {  	v8 =	vmul.f32 v8, v6  }
0x1f8: {  	[tilespmem:v9+s3+$0x0] =	vst.idx.msk $0xffff, v7;
	v13 =	vsub.f32 $0.0e+00, v7;
	v14 =	vmul.f32 v7, v4;
	v15 =	vmul.f32 v11, v5  }
0x1f9: {  	v16 =	vsub.f32 $0.0e+00, v11;
	v17 =	vmul.f32 v8, v6;
	[tilespmem:v10+s3+$0x0] =	vst.idx.msk $0xffff, v11;
	v11 =	vmul.f32 v11, v4  }
0x1fa: {  	v18 =	vsub.f32 $0.0e+00, v8;
	v5 =	vmul.f32 v8, v5;
	v4 =	vmul.f32 v7, v6;
	[tilespmem:v12+s3+$0x0] =	vst.idx.msk $0xffff, v8  }
0x1fb: {  	v8 =	vor.u32 $0x3, v9;
	[tilespmem:v9+s13+$0x0] =	vst.idx.msk $0xffff, v13  }
0x1fc: {  	v7 =	vor.u32 $0x4, v9;
	[tilespmem:v10+s13+$0x0] =	vst.idx.msk $0xffff, v16  }
.Ltmp1:
0x1fd: {  	v6 =	vor.u32 $0x5, v9;
	[tilespmem:v12+s13+$0x0] =	vst.idx.msk $0xffff, v18;
	(pc) =	sbr.rel @p0 .LBB2_5-.Ltmp1, $4  }
0x1fe: {  	[tilespmem:v9+s12+$0x0] =	vst.idx.msk $0xffff, v14  }
0x1ff: {  	[tilespmem:v10+s12+$0x0] =	vst.idx.msk $0xffff, v15  }
0x200: {  	[tilespmem:v12+s12+$0x0] =	vst.idx.msk $0xffff, v17  }
0x201: {  	[tilespmem:v8+s12+$0x0] =	vst.idx.msk $0xffff, v11  }
0x202: {  	_ =	sdelay $0x3  }
0x203: {  	[tilespmem:v7+s12+$0x0] =	vst.idx.msk $0xffff, v5  }
0x204: {  	s9 =	simm.s32 $0x4000;
	[tilespmem:v6+s12+$0x0] =	vst.idx.msk $0xffff, v4  }
0x205: {  	[spmem:s6] =	stream.indirect.scatter.add.f32 [tilespmem:s3], [sflag:$0x4], $0x8, s9, s1, $0xb8;
	[tilespmem:$0x1FB30] =	vst v63  }
0x206: {  	_ = 	snop  }
0x207: {  	[spmem:s6] =	stream.indirect.scatter.add.f32 [tilespmem:s13], [sflag:$0x4], $0x8, s11, s1, $0xb8;
	[tilespmem:$0x1FB30] =	vst v63  }
0x208: {  	_ = 	snop  }
0x209: {  	[spmem:s7] =	stream.indirect.scatter.add.f32 [tilespmem:s12], [sflag:$0x4], $0x8, s11, s1, $0xb8;
	[tilespmem:$0x1FB30] =	vst v63  }
0x20a: {  	s11 =	simm.s32 $0x4800  }
0x20b: {  	[spmem:s6] =	stream.indirect.scatter.add.f32 [tilespmem:s11], [sflag:$0x4], $0x8, s20, s1, $0xb8;
	[tilespmem:$0x1FB30] =	vst v63  }
0x20c: {  	s15 =	simm.s32 $0x5800  }
0x20d: {  	[spmem:s6] =	stream.indirect.scatter.add.f32 [tilespmem:s15], [sflag:$0x4], $0x8, s19, s1, $0xb8;
	[tilespmem:$0x1FB30] =	vst v63  }
0x20e: {  	s18 =	simm.s32 $0x6800  }
0x20f: {  	[spmem:s7] =	stream.indirect.scatter.add.f32 [tilespmem:s18], [sflag:$0x4], $0x8, s19, s1, $0xb8;
	[tilespmem:$0x1FB30] =	vst v63  }
0x210: {  	s19 =	simm.s32 $0x4C00  }
0x211: {  	[spmem:s6] =	stream.indirect.scatter.add.f32 [tilespmem:s19], [sflag:$0x4], $0x8, s22, s1, $0xb8;
	[tilespmem:$0x1FB30] =	vst v63  }
0x212: {  	s20 =	simm.s32 $0x5C00  }
0x213: {  	[spmem:s6] =	stream.indirect.scatter.add.f32 [tilespmem:s20], [sflag:$0x4], $0x8, s14, s1, $0xb8;
	[tilespmem:$0x1FB30] =	vst v63  }
0x214: {  	s26 =	sadd.s32 $0x1, s26;
	s31 =	rddreg [dreg:$0xd];
	s22 =	simm.s32 $0x6C00  }
0x215: {  	[spmem:s7] =	stream.indirect.scatter.add.f32 [tilespmem:s22], [sflag:$0x4], $0x8, s14, s1, $0xb8;
	[tilespmem:$0x1FB30] =	vst v63  }
0x216: {  	s24 =	simm.s32 $0x5000;
	p0 =	sne.s32 s26, s31  }
0x217: {  	[spmem:s6] =	stream.indirect.scatter.add.f32 [tilespmem:s24], [sflag:$0x4], $0x8, s25, s1, $0xb8;
	[tilespmem:$0x1FB30] =	vst v63  }
.Ltmp2:
0x218: {  	s29 =	simm.s32 $0x7000;
	(pc) =	sbr.rel @p0 .LBB2_2-.Ltmp2, $4  }
0x219: {  	s15 =	simm.s32 $0x4300;
	s19 =	simm.s32 $0x4080;
	s25 =	simm.s32 $0x6000  }
0x21a: {  	[spmem:s6] =	stream.indirect.scatter.add.f32 [tilespmem:s25], [sflag:$0x4], $0x8, s28, s1, $0xb8;
	[tilespmem:$0x1FB30] =	vst v63  }
0x21b: {  	s20 =	simm.s32 $0x4200;
	s14 =	simm.s32 $0x4100;
	s25 =	simm.s32 $0x4280  }
0x21c: {  	[spmem:s7] =	stream.indirect.scatter.add.f32 [tilespmem:s29], [sflag:$0x4], $0x8, s28, s1, $0xb8;
	[tilespmem:$0x1FB30] =	vst v63  }
0x21d: {  	s9 =	simm.s32 $0x3  }
0x21e: {  	_ =	swait.ge [sflag:s9], $0x400  }
0x21f: {  	[sflag:s9] =	ssyncset.done $0x0  }
0x220: {  	[sflag:s9] =	ssyncadd.s32 $0xFFFFFC00  }
0x221: {  	_ =	swait.ge [sflag:s9], $0x400  }
0x222: {  	[sflag:s9] =	ssyncset.done $0x0  }
0x223: {  	[sflag:s9] =	ssyncadd.s32 $0xFFFFFC00  }
0x224: {  	_ =	swait.ge [sflag:s9], $0x400  }
0x225: {  	[sflag:s9] =	ssyncset.done $0x0  }
0x226: {  	[sflag:s9] =	ssyncadd.s32 $0xFFFFFC00  }
0x227: {  	_ =	swait.ge [sflag:s9], $0x400  }
0x228: {  	[sflag:s9] =	ssyncset.done $0x0  }
0x229: {  	[sflag:s9] =	ssyncadd.s32 $0xFFFFFC00  }
0x22a: {  	_ =	swait.ge [sflag:s9], $0x400  }
0x22b: {  	[sflag:s9] =	ssyncset.done $0x0  }
0x22c: {  	[sflag:s9] =	ssyncadd.s32 $0xFFFFFC00  }
0x22d: {  	_ =	swait.ge [sflag:s9], $0x400  }
0x22e: {  	[sflag:s9] =	ssyncset.done $0x0  }
0x22f: {  	[sflag:s9] =	ssyncadd.s32 $0xFFFFFC00  }
0x230: {  	_ =	swait.ge [sflag:s9], $0x400  }
0x231: {  	[sflag:s9] =	ssyncset.done $0x0  }
0x232: {  	[sflag:s9] =	ssyncadd.s32 $0xFFFFFC00  }
0x233: {  	_ =	swait.ge [sflag:s9], $0x400  }
0x234: {  	[sflag:s9] =	ssyncset.done $0x0  }
0x235: {  	[sflag:s9] =	ssyncadd.s32 $0xFFFFFC00  }
0x236: {  	_ =	swait.ge [sflag:s9], $0x400  }
0x237: {  	[sflag:s9] =	ssyncset.done $0x0  }
0x238: {  	[sflag:s9] =	ssyncadd.s32 $0xFFFFFC00  }
0x239: {  	_ =	swait.ge [sflag:s9], $0x400  }
0x23a: {  	[sflag:s9] =	ssyncset.done $0x0  }
0x23b: {  	[sflag:s9] =	ssyncadd.s32 $0xFFFFFC00  }
0x23c: {  	_ =	swait.ge [sflag:s9], $0x400  }
0x23d: {  	[sflag:s9] =	ssyncset.done $0x0  }
0x23e: {  	[sflag:s9] =	ssyncadd.s32 $0xFFFFFC00  }
0x23f: {  	_ =	swait.ge [sflag:s9], $0x400  }
0x240: {  	[sflag:s9] =	ssyncset.done $0x0  }
0x241: {  	s26 =	simm.s32 $0x4;
	[sflag:s9] =	ssyncadd.s32 $0xFFFFFC00  }
0x242: {  	_ =	swait.ge [sflag:s26], $0x400  }
0x243: {  	[sflag:s26] =	ssyncset.done $0x0  }
0x244: {  	[sflag:s26] =	ssyncadd.s32 $0xFFFFFC00  }
0x245: {  	_ =	swait.ge [sflag:s26], $0x400  }
0x246: {  	[sflag:s26] =	ssyncset.done $0x0  }
0x247: {  	[sflag:s26] =	ssyncadd.s32 $0xFFFFFC00  }
0x248: {  	_ =	swait.ge [sflag:s26], $0x400  }
0x249: {  	[sflag:s26] =	ssyncset.done $0x0  }
0x24a: {  	[sflag:s26] =	ssyncadd.s32 $0xFFFFFC00  }
0x24b: {  	_ =	swait.ge [sflag:s26], $0x400  }
0x24c: {  	[sflag:s26] =	ssyncset.done $0x0  }
0x24d: {  	[sflag:s26] =	ssyncadd.s32 $0xFFFFFC00  }
0x24e: {  	_ =	swait.ge [sflag:s26], $0x400  }
0x24f: {  	[sflag:s26] =	ssyncset.done $0x0  }
0x250: {  	[sflag:s26] =	ssyncadd.s32 $0xFFFFFC00  }
0x251: {  	_ =	swait.ge [sflag:s26], $0x400  }
0x252: {  	[sflag:s26] =	ssyncset.done $0x0  }
0x253: {  	[sflag:s26] =	ssyncadd.s32 $0xFFFFFC00  }
0x254: {  	_ =	swait.ge [sflag:s26], $0x400  }
0x255: {  	[sflag:s26] =	ssyncset.done $0x0  }
0x256: {  	[sflag:s26] =	ssyncadd.s32 $0xFFFFFC00  }
0x257: {  	_ =	swait.ge [sflag:s26], $0x400  }
0x258: {  	[sflag:s26] =	ssyncset.done $0x0  }
0x259: {  	[sflag:s26] =	ssyncadd.s32 $0xFFFFFC00  }
0x25a: {  	_ =	swait.ge [sflag:s26], $0x400  }
0x25b: {  	[sflag:s26] =	ssyncset.done $0x0  }
0x25c: {  	[sflag:s26] =	ssyncadd.s32 $0xFFFFFC00  }
0x25d: {  	_ =	swait.ge [sflag:s26], $0x400  }
0x25e: {  	[sflag:s26] =	ssyncset.done $0x0  }
0x25f: {  	[sflag:s26] =	ssyncadd.s32 $0xFFFFFC00  }
0x260: {  	_ =	swait.ge [sflag:s26], $0x400  }
0x261: {  	[sflag:s26] =	ssyncset.done $0x0  }
0x262: {  	[sflag:s26] =	ssyncadd.s32 $0xFFFFFC00  }
0x263: {  	_ =	swait.ge [sflag:s26], $0x400  }
0x264: {  	[sflag:s26] =	ssyncset.done $0x0  }
0x265: {  	[sflag:s26] =	ssyncadd.s32 $0xFFFFFC00  }
0x266: {  	[bflag:$0x0] =	sbarrier.arrive $0xFFFF  }
0x267: {  	s18 =	rddreg [dreg:$0xc]  }
0x268: {  	s11 =	rddreg [dreg:$0x10]  }
0x269: {  	s22 =	simm.s32 $0x5;
	s28 =	rddreg [dreg:$0x12]  }
0x26a: {  	[hbm:s28], [sflag:s18] =	dma.local [spmem:s11], $0x1870  }
0x26b: {  	_ =	swait.ge [sflag:s22], $0x1870  }
0x26c: {  	[sflag:s22] =	ssyncset.done $0x0;
	s24 =	rddreg [dreg:$0x11]  }
0x26d: {  	s29 =	rddreg [dreg:$0x13];
	[sflag:s22] =	ssyncadd.s32 $0xFFFFE790  }
0x26e: {  	[hbm:s29], [sflag:s18] =	dma.local [spmem:s24], $0x1870  }
0x26f: {  	_ =	swait.ge [sflag:s22], $0x1870  }
0x270: {  	s14 =	rddreg [dreg:$0x16]  }
0x271: {  	s31 =	rddreg [dreg:$0xf];
	s14 =	sadd.s32 $0x1, s14  }
0x272: {  	p0 =	sne.s32 s14, s31  }
.Ltmp3:
0x273: {  	_ = 	snop;
	(pc) =	sbr.rel @p0 .LBB2_1-.Ltmp3, $3  }
0x274: {  	_ =	sdelay $0x1  }
0x275: {  	[sflag:s22] =	ssyncset.done $0x0  }
0x276: {  	[sflag:s22] =	ssyncadd.s32 $0xFFFFE790  }
0x277: {  	_ =	sfence.sel $0x180000  }
0x278: {  	[bflag:$0x0] =	sbarrier.arrive $0xFFFF  }
0x279: {  	_ =	strace $0x90000047  }
0x27a: {  	s0 =	stileid.u32;
	[bflag:$0x2] =	sbarrier.arrive $0xFFFF  }
0x27b: {  	p0 =	sne.s32 s0, $0x0;
	s0 =	rddreg [dreg:$0xa]  }
0x27c: {  	s0 =	sadd.s32 @!p0 $0x100000, s0  }
0x27d: {  	[sflag:s0] =	ssyncadd.tile.s32 @!p0 $0x1;
	_ =	shalt  }
.Lfunc_end2:
_tile_overlayer_lowered:
.L_overlay_start_2:
0x27e: {  	(tag) =	ssettag $0x2  }
0x27f: {  	s0 =	rddreg [dreg:$0x0];
	s2 =	stileid.u32  }
0x280: {  	s1 =	rddreg [dreg:$0x1];
	p0 =	sne.s32 s2, $0x0  }
0x281: {  	s3 =	rddreg [dreg:$0x2];
	[bflag:$0x3] =	sbarrier.arrive $0xFFFF;
	s2 =	simm.s32 @!p0 $0x1C05  }
0x282: {  	[timem:s3], [sflag:s2] =	dma.local @!p0 [hbm:s0], s1  }
0x283: {  	s0 =	simm.s32 @!p0 $0x5  }
0x284: {  	_ =	swait.ge @!p0 [sflag:s0], s1  }
0x285: {  	s1 =	ssub.s32 @!p0 $0x0, s1;
	[sflag:s0] =	ssyncset.done @!p0 $0x0  }
0x286: {  	[sflag:s0] =	ssyncadd.s32 @!p0 s1  }
0x287: {  	[bflag:$0x3] =	sbarrier.arrive $0xFFFF  }
0x288: {  	_ =	shalt  }

</sc_bundles>
